<compile_context>
chip_gen: v7x
topology: tpu7x:2x2x1
jax: 0.10.2.dev20260603
libtpu: 0.0.44.dev20260713+nightly
codegen_flags: <defaults>
</compile_context>

<pallas_src>
import functools

import jax
import jax.numpy as jnp
from jax import lax
from jax.experimental import pallas as pl
from jax.experimental.pallas import tpu as pltpu
from jax.experimental.pallas import tpu_sc as plsc

_CHUNK = 128


@functools.lru_cache(maxsize=None)
def _make_kernel(B, D, VU, VJ, VS, VC):
    info = plsc.get_sparse_core_info()
    NC, NS, L = info.num_cores, info.num_subcores, info.num_lanes
    NW = NC * NS
    G = 128 // D
    assert D * G == 128 and VU % G == 0 and VJ % G == 0
    assert B % (NW * _CHUNK) == 0
    bpw = B // NW
    nch = bpw // _CHUNK
    mesh = plsc.VectorSubcoreMesh(core_axis_name="c", subcore_axis_name="s")

    res_t = pltpu.VMEM((_CHUNK, G * D), jnp.float32)

    @functools.partial(
        pl.kernel,
        mesh=mesh,
        out_type=jax.ShapeDtypeStruct((B, 4 * D), jnp.float32),
        scratch_types=[
            pltpu.VMEM((bpw,), jnp.int32),
            pltpu.VMEM((bpw,), jnp.int32),
            pltpu.VMEM((bpw,), jnp.int32),
            pltpu.VMEM((bpw,), jnp.int32),
            pltpu.VMEM((nch, _CHUNK), jnp.int32),
            pltpu.VMEM((nch, _CHUNK), jnp.int32),
            res_t, res_t,
            res_t, res_t,
            pltpu.VMEM((VS, D), jnp.float32),
            pltpu.VMEM((VC, D), jnp.float32),
            pltpu.VMEM((_CHUNK, 4 * D), jnp.float32),
            pltpu.SemaphoreType.DMA,
            pltpu.SemaphoreType.DMA,
        ],
        compiler_params=pltpu.CompilerParams(needs_layout_passes=False),
    )
    def k(email_hbm, job_hbm, size_hbm, country_hbm,
          user_t, job_t, size_t, country_t, out_hbm,
          iu, ij, isz, ic, gu, gj, ru0, ru1, rj0, rj1, ts, tc, stage,
          su, sj):
        wid = lax.axis_index("s") * NC + lax.axis_index("c")
        base = wid * bpw
        pltpu.sync_copy(email_hbm.at[pl.ds(base, bpw)], iu)
        pltpu.sync_copy(job_hbm.at[pl.ds(base, bpw)], ij)
        pltpu.sync_copy(size_hbm.at[pl.ds(base, bpw)], isz)
        pltpu.sync_copy(country_hbm.at[pl.ds(base, bpw)], ic)
        pltpu.sync_copy(size_t, ts)
        pltpu.sync_copy(country_t, tc)

        for j in range(nch):
            def gran(g2, carry, j=j):
                isl = pl.ds(j * _CHUNK + g2 * L, L)
                osl = pl.ds(g2 * L, L)
                gu[j, osl] = iu[isl] >> 2
                gj[j, osl] = ij[isl] >> 2
                return carry

            lax.fori_loop(0, _CHUNK // L, gran, 0)

        rus = [ru0, ru1]
        rjs = [rj0, rj1]
        iota = lax.iota(jnp.int32, L)

        def fire(j):
            return (pltpu.async_copy(user_t.at[gu.at[j]], rus[j % 2], su),
                    pltpu.async_copy(job_t.at[gj.at[j]], rjs[j % 2], sj))

        inflight = fire(0)
        for j in range(nch):
            cu, cj = inflight
            if j + 1 < nch:
                nxt = fire(j + 1)
            cu.wait()
            cj.wait()
            if j + 1 < nch:
                inflight = nxt
            ru = rus[j % 2]
            rj = rjs[j % 2]

            def body(g, carry, j=j, ru=ru, rj=rj):
                isl = pl.ds(j * _CHUNK + g * L, L)
                rvec = g * L + iota
                ucol = (iu[isl] & (G - 1)) * D
                jcol = (ij[isl] & (G - 1)) * D
                svec = isz[isl]
                cvec = ic[isl]
                for c in range(D):
                    cv = jnp.full((L,), c, jnp.int32)
                    plsc.store_scatter(
                        stage, [rvec, cv],
                        plsc.load_gather(ru, [rvec, ucol + c]))
                    plsc.store_scatter(
                        stage, [rvec, cv + D],
                        plsc.load_gather(rj, [rvec, jcol + c]))
                    plsc.store_scatter(
                        stage, [rvec, cv + 2 * D],
                        plsc.load_gather(ts, [svec, cv]))
                    plsc.store_scatter(
                        stage, [rvec, cv + 3 * D],
                        plsc.load_gather(tc, [cvec, cv]))
                return carry

            lax.fori_loop(0, _CHUNK // L, body, 0)
            pltpu.sync_copy(
                stage, out_hbm.at[pl.ds(base + j * _CHUNK, _CHUNK)])

    return k


def kernel(email_address, job_title, company_size, country,
           user_table, job_table, size_table, country_table):
    B = email_address.shape[0]
    VU, D = user_table.shape
    VJ = job_table.shape[0]
    VS = size_table.shape[0]
    VC = country_table.shape[0]
    k = _make_kernel(B, D, VU, VJ, VS, VC)
    return k(email_address, job_title, company_size, country,
             user_table.reshape(VU // 4, 4 * D),
             job_table.reshape(VJ // 4, 4 * D),
             size_table, country_table)

# --- scband reference (transcript-rebuilt; emitter-appended) ---
"""Pipeline reference for scband-user-model-26603027431817 (READ-ONLY COPY).

The authoritative reference and input builder live on the scoring server;
editing this copy changes nothing except your own understanding.
"""

import jax, jax.numpy as jnp
import numpy as np

USER_VOCAB = 1000000
JOB_VOCAB = 100000
SIZE_VOCAB = 10
COUNTRY_VOCAB = 250
EMBED_DIM = 32
BATCH = 16384


def setup_inputs(seed: int = 0) -> dict:
    key = jax.random.key(seed)
    k1, k2, k3, k4, k5, k6, k7, k8 = jax.random.split(key, 8)
    email_address = jax.random.randint(k1, (BATCH,), 0, USER_VOCAB, dtype=jnp.int64 if jax.config.jax_enable_x64 else jnp.int32).astype(jnp.int32)
    job_title = jax.random.randint(k2, (BATCH,), 0, JOB_VOCAB).astype(jnp.int32)
    company_size = jax.random.randint(k3, (BATCH,), 0, SIZE_VOCAB).astype(jnp.int32)
    country = jax.random.randint(k4, (BATCH,), 0, COUNTRY_VOCAB).astype(jnp.int32)
    user_table = jax.random.normal(k5, (USER_VOCAB, EMBED_DIM), dtype=jnp.float32) * 0.05
    job_table = jax.random.normal(k6, (JOB_VOCAB, EMBED_DIM), dtype=jnp.float32) * 0.05
    size_table = jax.random.normal(k7, (SIZE_VOCAB, EMBED_DIM), dtype=jnp.float32) * 0.05
    country_table = jax.random.normal(k8, (COUNTRY_VOCAB, EMBED_DIM), dtype=jnp.float32) * 0.05
    return {
        "email_address": email_address,
        "job_title": job_title,
        "company_size": company_size,
        "country": country,
        "user_table": user_table,
        "job_table": job_table,
        "size_table": size_table,
        "country_table": country_table,
    }


def reference(email_address, job_title, company_size, country, user_table, job_table, size_table, country_table):
    # StringLookup is modeled as pre-resolved integer ids; Embedding -> jnp.take
    user_emb = jnp.take(user_table, email_address, axis=0)
    job_emb = jnp.take(job_table, job_title, axis=0)
    size_emb = jnp.take(size_table, company_size, axis=0)
    country_emb = jnp.take(country_table, country, axis=0)
    return jnp.concatenate([user_emb, job_emb, size_emb, country_emb], axis=1)

if __name__ == "__main__":
    import jax
    _d = setup_inputs()
    print(jax.jit(kernel)(*tuple(_d.values())))

</pallas_src>

<mosaic_0001>
#map = affine_map<(d0, d1) -> (0)>
#map1 = affine_map<(d0, d1) -> (0, 0)>
module attributes {stable_mosaic.version = 14 : i64} {
  func.func @k(%arg0: i32, %arg1: i32, %arg2: memref<16384xi32, #tpu.memory_space<hbm>>, %arg3: memref<16384xi32, #tpu.memory_space<hbm>>, %arg4: memref<16384xi32, #tpu.memory_space<hbm>>, %arg5: memref<16384xi32, #tpu.memory_space<hbm>>, %arg6: memref<250000x128xf32, #tpu.memory_space<hbm>>, %arg7: memref<25000x128xf32, #tpu.memory_space<hbm>>, %arg8: memref<10x32xf32, #tpu.memory_space<hbm>>, %arg9: memref<250x32xf32, #tpu.memory_space<hbm>>, %arg10: memref<16384x128xf32, #tpu.memory_space<hbm>>, %arg11: memref<512xi32, #tpu.memory_space<vmem>>, %arg12: memref<512xi32, #tpu.memory_space<vmem>>, %arg13: memref<512xi32, #tpu.memory_space<vmem>>, %arg14: memref<512xi32, #tpu.memory_space<vmem>>, %arg15: memref<4x128xi32, #tpu.memory_space<vmem>>, %arg16: memref<4x128xi32, #tpu.memory_space<vmem>>, %arg17: memref<128x128xf32, #tpu.memory_space<vmem>>, %arg18: memref<128x128xf32, #tpu.memory_space<vmem>>, %arg19: memref<128x128xf32, #tpu.memory_space<vmem>>, %arg20: memref<128x128xf32, #tpu.memory_space<vmem>>, %arg21: memref<10x32xf32, #tpu.memory_space<vmem>>, %arg22: memref<250x32xf32, #tpu.memory_space<vmem>>, %arg23: memref<128x128xf32, #tpu.memory_space<vmem>>, %arg24: memref<!tpu.dma_semaphore, #tpu.memory_space<semaphore_mem>>, %arg25: memref<!tpu.dma_semaphore, #tpu.memory_space<semaphore_mem>>) attributes {dimension_semantics = [#tpu.dimension_semantics<core_parallel>, #tpu.dimension_semantics<subcore_parallel>], iteration_bounds = array<i64: 2, 16>, scalar_prefetch = 0 : i64, scratch_operands = 15 : i64, tpu.core_type = #tpu.core_type<sc_vector_subcore>, window_params = [{transform_indices = #map}, {transform_indices = #map}, {transform_indices = #map}, {transform_indices = #map}, {transform_indices = #map1}, {transform_indices = #map1}, {transform_indices = #map1}, {transform_indices = #map1}, {transform_indices = #map1}]} {
    %mul3A = arith.constant 2 : i32
    %mul3A_0 = arith.muli %arg1, %mul3A : i32
    %add3A = arith.addi %mul3A_0, %arg0 : i32
    %mul3A_1 = arith.constant 512 : i32
    %mul3A_2 = arith.muli %add3A, %mul3A_1 : i32
    "tpu.region"() ({
      %run_scoped3A = tpu.sem_alloc : memref<!tpu.dma_semaphore, #tpu.memory_space<semaphore_mem>>
      %dma_start3A_168 = tpu.memref_slice %arg2[%mul3A_2] : memref<16384xi32, #tpu.memory_space<hbm>> -> memref<512xi32, #tpu.memory_space<hbm>>
      %dma_start3A_169 = tpu.memref_slice %arg2[%mul3A_2] : memref<16384xi32, #tpu.memory_space<hbm>> -> memref<512xi32, #tpu.memory_space<hbm>>
      tpu.enqueue_dma source(%dma_start3A_169 : memref<512xi32, #tpu.memory_space<hbm>>) target(%arg11 : memref<512xi32, #tpu.memory_space<vmem>>) target_semaphore(%run_scoped3A : memref<!tpu.dma_semaphore, #tpu.memory_space<semaphore_mem>>)
      %dma_wait3A_170 = tpu.memref_slice %arg2[%mul3A_2] : memref<16384xi32, #tpu.memory_space<hbm>> -> memref<512xi32, #tpu.memory_space<hbm>>
      %dma_wait3A_171 = tpu.memref_slice %arg2[%mul3A_2] : memref<16384xi32, #tpu.memory_space<hbm>> -> memref<512xi32, #tpu.memory_space<hbm>>
      tpu.wait_dma2 semaphore(%run_scoped3A : memref<!tpu.dma_semaphore, #tpu.memory_space<semaphore_mem>>) src(%dma_wait3A_171 : memref<512xi32, #tpu.memory_space<hbm>>) dst(%arg11 : memref<512xi32, #tpu.memory_space<vmem>>)
      tpu.yield
    }) : () -> ()
    "tpu.region"() ({
      %run_scoped3A = tpu.sem_alloc : memref<!tpu.dma_semaphore, #tpu.memory_space<semaphore_mem>>
      %dma_start3A_168 = tpu.memref_slice %arg3[%mul3A_2] : memref<16384xi32, #tpu.memory_space<hbm>> -> memref<512xi32, #tpu.memory_space<hbm>>
      %dma_start3A_169 = tpu.memref_slice %arg3[%mul3A_2] : memref<16384xi32, #tpu.memory_space<hbm>> -> memref<512xi32, #tpu.memory_space<hbm>>
      tpu.enqueue_dma source(%dma_start3A_169 : memref<512xi32, #tpu.memory_space<hbm>>) target(%arg12 : memref<512xi32, #tpu.memory_space<vmem>>) target_semaphore(%run_scoped3A : memref<!tpu.dma_semaphore, #tpu.memory_space<semaphore_mem>>)
      %dma_wait3A_170 = tpu.memref_slice %arg3[%mul3A_2] : memref<16384xi32, #tpu.memory_space<hbm>> -> memref<512xi32, #tpu.memory_space<hbm>>
      %dma_wait3A_171 = tpu.memref_slice %arg3[%mul3A_2] : memref<16384xi32, #tpu.memory_space<hbm>> -> memref<512xi32, #tpu.memory_space<hbm>>
      tpu.wait_dma2 semaphore(%run_scoped3A : memref<!tpu.dma_semaphore, #tpu.memory_space<semaphore_mem>>) src(%dma_wait3A_171 : memref<512xi32, #tpu.memory_space<hbm>>) dst(%arg12 : memref<512xi32, #tpu.memory_space<vmem>>)
      tpu.yield
    }) : () -> ()
    "tpu.region"() ({
      %run_scoped3A = tpu.sem_alloc : memref<!tpu.dma_semaphore, #tpu.memory_space<semaphore_mem>>
      %dma_start3A_168 = tpu.memref_slice %arg4[%mul3A_2] : memref<16384xi32, #tpu.memory_space<hbm>> -> memref<512xi32, #tpu.memory_space<hbm>>
      %dma_start3A_169 = tpu.memref_slice %arg4[%mul3A_2] : memref<16384xi32, #tpu.memory_space<hbm>> -> memref<512xi32, #tpu.memory_space<hbm>>
      tpu.enqueue_dma source(%dma_start3A_169 : memref<512xi32, #tpu.memory_space<hbm>>) target(%arg13 : memref<512xi32, #tpu.memory_space<vmem>>) target_semaphore(%run_scoped3A : memref<!tpu.dma_semaphore, #tpu.memory_space<semaphore_mem>>)
      %dma_wait3A_170 = tpu.memref_slice %arg4[%mul3A_2] : memref<16384xi32, #tpu.memory_space<hbm>> -> memref<512xi32, #tpu.memory_space<hbm>>
      %dma_wait3A_171 = tpu.memref_slice %arg4[%mul3A_2] : memref<16384xi32, #tpu.memory_space<hbm>> -> memref<512xi32, #tpu.memory_space<hbm>>
      tpu.wait_dma2 semaphore(%run_scoped3A : memref<!tpu.dma_semaphore, #tpu.memory_space<semaphore_mem>>) src(%dma_wait3A_171 : memref<512xi32, #tpu.memory_space<hbm>>) dst(%arg13 : memref<512xi32, #tpu.memory_space<vmem>>)
      tpu.yield
    }) : () -> ()
    "tpu.region"() ({
      %run_scoped3A = tpu.sem_alloc : memref<!tpu.dma_semaphore, #tpu.memory_space<semaphore_mem>>
      %dma_start3A_168 = tpu.memref_slice %arg5[%mul3A_2] : memref<16384xi32, #tpu.memory_space<hbm>> -> memref<512xi32, #tpu.memory_space<hbm>>
      %dma_start3A_169 = tpu.memref_slice %arg5[%mul3A_2] : memref<16384xi32, #tpu.memory_space<hbm>> -> memref<512xi32, #tpu.memory_space<hbm>>
      tpu.enqueue_dma source(%dma_start3A_169 : memref<512xi32, #tpu.memory_space<hbm>>) target(%arg14 : memref<512xi32, #tpu.memory_space<vmem>>) target_semaphore(%run_scoped3A : memref<!tpu.dma_semaphore, #tpu.memory_space<semaphore_mem>>)
      %dma_wait3A_170 = tpu.memref_slice %arg5[%mul3A_2] : memref<16384xi32, #tpu.memory_space<hbm>> -> memref<512xi32, #tpu.memory_space<hbm>>
      %dma_wait3A_171 = tpu.memref_slice %arg5[%mul3A_2] : memref<16384xi32, #tpu.memory_space<hbm>> -> memref<512xi32, #tpu.memory_space<hbm>>
      tpu.wait_dma2 semaphore(%run_scoped3A : memref<!tpu.dma_semaphore, #tpu.memory_space<semaphore_mem>>) src(%dma_wait3A_171 : memref<512xi32, #tpu.memory_space<hbm>>) dst(%arg14 : memref<512xi32, #tpu.memory_space<vmem>>)
      tpu.yield
    }) : () -> ()
    "tpu.region"() ({
      %run_scoped3A = tpu.sem_alloc : memref<!tpu.dma_semaphore, #tpu.memory_space<semaphore_mem>>
      tpu.enqueue_dma source(%arg8 : memref<10x32xf32, #tpu.memory_space<hbm>>) target(%arg21 : memref<10x32xf32, #tpu.memory_space<vmem>>) target_semaphore(%run_scoped3A : memref<!tpu.dma_semaphore, #tpu.memory_space<semaphore_mem>>)
      tpu.wait_dma2 semaphore(%run_scoped3A : memref<!tpu.dma_semaphore, #tpu.memory_space<semaphore_mem>>) src(%arg8 : memref<10x32xf32, #tpu.memory_space<hbm>>) dst(%arg21 : memref<10x32xf32, #tpu.memory_space<vmem>>)
      tpu.yield
    }) : () -> ()
    "tpu.region"() ({
      %run_scoped3A = tpu.sem_alloc : memref<!tpu.dma_semaphore, #tpu.memory_space<semaphore_mem>>
      tpu.enqueue_dma source(%arg9 : memref<250x32xf32, #tpu.memory_space<hbm>>) target(%arg22 : memref<250x32xf32, #tpu.memory_space<vmem>>) target_semaphore(%run_scoped3A : memref<!tpu.dma_semaphore, #tpu.memory_space<semaphore_mem>>)
      tpu.wait_dma2 semaphore(%run_scoped3A : memref<!tpu.dma_semaphore, #tpu.memory_space<semaphore_mem>>) src(%arg9 : memref<250x32xf32, #tpu.memory_space<hbm>>) dst(%arg22 : memref<250x32xf32, #tpu.memory_space<vmem>>)
      tpu.yield
    }) : () -> ()
    %scan3A = arith.constant 0 : i32
    %scan3A_3 = arith.constant 0 : i32
    %scan3A_4 = arith.constant 8 : i32
    %scan3A_5 = arith.addi %scan3A_3, %scan3A_4 : i32
    %scan3A_6 = arith.constant 1 : i32
    scf.for %scan3A_168 = %scan3A_3 to %scan3A_5 step %scan3A_6  : i32 {
      %mul3A_169 = arith.constant 16 : i32
      %mul3A_170 = arith.muli %scan3A_168, %mul3A_169 : i32
      %add3A_171 = arith.constant 0 : i32
      %add3A_172 = arith.addi %add3A_171, %mul3A_170 : i32
      %mul3A_173 = arith.constant 16 : i32
      %mul3A_174 = arith.muli %scan3A_168, %mul3A_173 : i32
      %get3A = arith.index_cast %add3A_172 : i32 to index
      %get3A_175 = tpu.vector_load %arg11[%get3A] {strides = array<i32>} : memref<512xi32, #tpu.memory_space<vmem>>, vector<16xi32>,
      %shift_right_arithmetic3A = arith.constant 2 : i32
      %shift_right_arithmetic3A_176 = vector.broadcast %shift_right_arithmetic3A : i32 to vector<16xi32>
      %shift_right_arithmetic3A_177 = arith.shrsi %get3A_175, %shift_right_arithmetic3A_176 : vector<16xi32>
      %swap3A = arith.constant 0 : i32
      %swap3A_178 = arith.index_cast %swap3A : i32 to index
      %swap3A_179 = arith.index_cast %mul3A_174 : i32 to index
      %swap3A_180 = tpu.vector_load %arg15[%swap3A_178, %swap3A_179] {strides = array<i32>} : memref<4x128xi32, #tpu.memory_space<vmem>>, vector<16xi32>,
      tpu.vector_store %arg15[%swap3A_178, %swap3A_179], %shift_right_arithmetic3A_177 {strides = array<i32>} : memref<4x128xi32, #tpu.memory_space<vmem>>, vector<16xi32>,
      %get3A_181 = arith.index_cast %add3A_172 : i32 to index
      %get3A_182 = tpu.vector_load %arg12[%get3A_181] {strides = array<i32>} : memref<512xi32, #tpu.memory_space<vmem>>, vector<16xi32>,
      %shift_right_arithmetic3A_183 = arith.constant 2 : i32
      %shift_right_arithmetic3A_184 = vector.broadcast %shift_right_arithmetic3A_183 : i32 to vector<16xi32>
      %shift_right_arithmetic3A_185 = arith.shrsi %get3A_182, %shift_right_arithmetic3A_184 : vector<16xi32>
      %swap3A_186 = arith.constant 0 : i32
      %swap3A_187 = arith.index_cast %swap3A_186 : i32 to index
      %swap3A_188 = arith.index_cast %mul3A_174 : i32 to index
      %swap3A_189 = tpu.vector_load %arg16[%swap3A_187, %swap3A_188] {strides = array<i32>} : memref<4x128xi32, #tpu.memory_space<vmem>>, vector<16xi32>,
      tpu.vector_store %arg16[%swap3A_187, %swap3A_188], %shift_right_arithmetic3A_185 {strides = array<i32>} : memref<4x128xi32, #tpu.memory_space<vmem>>, vector<16xi32>,
    }
    %scan3A_7 = arith.constant 8 : i32
    %scan3A_8 = arith.constant 0 : i32
    %scan3A_9 = arith.constant 0 : i32
    %scan3A_10 = arith.constant 8 : i32
    %scan3A_11 = arith.addi %scan3A_9, %scan3A_10 : i32
    %scan3A_12 = arith.constant 1 : i32
    scf.for %scan3A_168 = %scan3A_9 to %scan3A_11 step %scan3A_12  : i32 {
      %mul3A_169 = arith.constant 16 : i32
      %mul3A_170 = arith.muli %scan3A_168, %mul3A_169 : i32
      %add3A_171 = arith.constant 128 : i32
      %add3A_172 = arith.addi %add3A_171, %mul3A_170 : i32
      %mul3A_173 = arith.constant 16 : i32
      %mul3A_174 = arith.muli %scan3A_168, %mul3A_173 : i32
      %get3A = arith.index_cast %add3A_172 : i32 to index
      %get3A_175 = tpu.vector_load %arg11[%get3A] {strides = array<i32>} : memref<512xi32, #tpu.memory_space<vmem>>, vector<16xi32>,
      %shift_right_arithmetic3A = arith.constant 2 : i32
      %shift_right_arithmetic3A_176 = vector.broadcast %shift_right_arithmetic3A : i32 to vector<16xi32>
      %shift_right_arithmetic3A_177 = arith.shrsi %get3A_175, %shift_right_arithmetic3A_176 : vector<16xi32>
      %swap3A = arith.constant 1 : i32
      %swap3A_178 = arith.index_cast %swap3A : i32 to index
      %swap3A_179 = arith.index_cast %mul3A_174 : i32 to index
      %swap3A_180 = tpu.vector_load %arg15[%swap3A_178, %swap3A_179] {strides = array<i32>} : memref<4x128xi32, #tpu.memory_space<vmem>>, vector<16xi32>,
      tpu.vector_store %arg15[%swap3A_178, %swap3A_179], %shift_right_arithmetic3A_177 {strides = array<i32>} : memref<4x128xi32, #tpu.memory_space<vmem>>, vector<16xi32>,
      %get3A_181 = arith.index_cast %add3A_172 : i32 to index
      %get3A_182 = tpu.vector_load %arg12[%get3A_181] {strides = array<i32>} : memref<512xi32, #tpu.memory_space<vmem>>, vector<16xi32>,
      %shift_right_arithmetic3A_183 = arith.constant 2 : i32
      %shift_right_arithmetic3A_184 = vector.broadcast %shift_right_arithmetic3A_183 : i32 to vector<16xi32>
      %shift_right_arithmetic3A_185 = arith.shrsi %get3A_182, %shift_right_arithmetic3A_184 : vector<16xi32>
      %swap3A_186 = arith.constant 1 : i32
      %swap3A_187 = arith.index_cast %swap3A_186 : i32 to index
      %swap3A_188 = arith.index_cast %mul3A_174 : i32 to index
      %swap3A_189 = tpu.vector_load %arg16[%swap3A_187, %swap3A_188] {strides = array<i32>} : memref<4x128xi32, #tpu.memory_space<vmem>>, vector<16xi32>,
      tpu.vector_store %arg16[%swap3A_187, %swap3A_188], %shift_right_arithmetic3A_185 {strides = array<i32>} : memref<4x128xi32, #tpu.memory_space<vmem>>, vector<16xi32>,
    }
    %scan3A_13 = arith.constant 8 : i32
    %scan3A_14 = arith.constant 0 : i32
    %scan3A_15 = arith.constant 0 : i32
    %scan3A_16 = arith.constant 8 : i32
    %scan3A_17 = arith.addi %scan3A_15, %scan3A_16 : i32
    %scan3A_18 = arith.constant 1 : i32
    scf.for %scan3A_168 = %scan3A_15 to %scan3A_17 step %scan3A_18  : i32 {
      %mul3A_169 = arith.constant 16 : i32
      %mul3A_170 = arith.muli %scan3A_168, %mul3A_169 : i32
      %add3A_171 = arith.constant 256 : i32
      %add3A_172 = arith.addi %add3A_171, %mul3A_170 : i32
      %mul3A_173 = arith.constant 16 : i32
      %mul3A_174 = arith.muli %scan3A_168, %mul3A_173 : i32
      %get3A = arith.index_cast %add3A_172 : i32 to index
      %get3A_175 = tpu.vector_load %arg11[%get3A] {strides = array<i32>} : memref<512xi32, #tpu.memory_space<vmem>>, vector<16xi32>,
      %shift_right_arithmetic3A = arith.constant 2 : i32
      %shift_right_arithmetic3A_176 = vector.broadcast %shift_right_arithmetic3A : i32 to vector<16xi32>
      %shift_right_arithmetic3A_177 = arith.shrsi %get3A_175, %shift_right_arithmetic3A_176 : vector<16xi32>
      %swap3A = arith.constant 2 : i32
      %swap3A_178 = arith.index_cast %swap3A : i32 to index
      %swap3A_179 = arith.index_cast %mul3A_174 : i32 to index
      %swap3A_180 = tpu.vector_load %arg15[%swap3A_178, %swap3A_179] {strides = array<i32>} : memref<4x128xi32, #tpu.memory_space<vmem>>, vector<16xi32>,
      tpu.vector_store %arg15[%swap3A_178, %swap3A_179], %shift_right_arithmetic3A_177 {strides = array<i32>} : memref<4x128xi32, #tpu.memory_space<vmem>>, vector<16xi32>,
      %get3A_181 = arith.index_cast %add3A_172 : i32 to index
      %get3A_182 = tpu.vector_load %arg12[%get3A_181] {strides = array<i32>} : memref<512xi32, #tpu.memory_space<vmem>>, vector<16xi32>,
      %shift_right_arithmetic3A_183 = arith.constant 2 : i32
      %shift_right_arithmetic3A_184 = vector.broadcast %shift_right_arithmetic3A_183 : i32 to vector<16xi32>
      %shift_right_arithmetic3A_185 = arith.shrsi %get3A_182, %shift_right_arithmetic3A_184 : vector<16xi32>
      %swap3A_186 = arith.constant 2 : i32
      %swap3A_187 = arith.index_cast %swap3A_186 : i32 to index
      %swap3A_188 = arith.index_cast %mul3A_174 : i32 to index
      %swap3A_189 = tpu.vector_load %arg16[%swap3A_187, %swap3A_188] {strides = array<i32>} : memref<4x128xi32, #tpu.memory_space<vmem>>, vector<16xi32>,
      tpu.vector_store %arg16[%swap3A_187, %swap3A_188], %shift_right_arithmetic3A_185 {strides = array<i32>} : memref<4x128xi32, #tpu.memory_space<vmem>>, vector<16xi32>,
    }
    %scan3A_19 = arith.constant 8 : i32
    %scan3A_20 = arith.constant 0 : i32
    %scan3A_21 = arith.constant 0 : i32
    %scan3A_22 = arith.constant 8 : i32
    %scan3A_23 = arith.addi %scan3A_21, %scan3A_22 : i32
    %scan3A_24 = arith.constant 1 : i32
    scf.for %scan3A_168 = %scan3A_21 to %scan3A_23 step %scan3A_24  : i32 {
      %mul3A_169 = arith.constant 16 : i32
      %mul3A_170 = arith.muli %scan3A_168, %mul3A_169 : i32
      %add3A_171 = arith.constant 384 : i32
      %add3A_172 = arith.addi %add3A_171, %mul3A_170 : i32
      %mul3A_173 = arith.constant 16 : i32
      %mul3A_174 = arith.muli %scan3A_168, %mul3A_173 : i32
      %get3A = arith.index_cast %add3A_172 : i32 to index
      %get3A_175 = tpu.vector_load %arg11[%get3A] {strides = array<i32>} : memref<512xi32, #tpu.memory_space<vmem>>, vector<16xi32>,
      %shift_right_arithmetic3A = arith.constant 2 : i32
      %shift_right_arithmetic3A_176 = vector.broadcast %shift_right_arithmetic3A : i32 to vector<16xi32>
      %shift_right_arithmetic3A_177 = arith.shrsi %get3A_175, %shift_right_arithmetic3A_176 : vector<16xi32>
      %swap3A = arith.constant 3 : i32
      %swap3A_178 = arith.index_cast %swap3A : i32 to index
      %swap3A_179 = arith.index_cast %mul3A_174 : i32 to index
      %swap3A_180 = tpu.vector_load %arg15[%swap3A_178, %swap3A_179] {strides = array<i32>} : memref<4x128xi32, #tpu.memory_space<vmem>>, vector<16xi32>,
      tpu.vector_store %arg15[%swap3A_178, %swap3A_179], %shift_right_arithmetic3A_177 {strides = array<i32>} : memref<4x128xi32, #tpu.memory_space<vmem>>, vector<16xi32>,
      %get3A_181 = arith.index_cast %add3A_172 : i32 to index
      %get3A_182 = tpu.vector_load %arg12[%get3A_181] {strides = array<i32>} : memref<512xi32, #tpu.memory_space<vmem>>, vector<16xi32>,
      %shift_right_arithmetic3A_183 = arith.constant 2 : i32
      %shift_right_arithmetic3A_184 = vector.broadcast %shift_right_arithmetic3A_183 : i32 to vector<16xi32>
      %shift_right_arithmetic3A_185 = arith.shrsi %get3A_182, %shift_right_arithmetic3A_184 : vector<16xi32>
      %swap3A_186 = arith.constant 3 : i32
      %swap3A_187 = arith.index_cast %swap3A_186 : i32 to index
      %swap3A_188 = arith.index_cast %mul3A_174 : i32 to index
      %swap3A_189 = tpu.vector_load %arg16[%swap3A_187, %swap3A_188] {strides = array<i32>} : memref<4x128xi32, #tpu.memory_space<vmem>>, vector<16xi32>,
      tpu.vector_store %arg16[%swap3A_187, %swap3A_188], %shift_right_arithmetic3A_185 {strides = array<i32>} : memref<4x128xi32, #tpu.memory_space<vmem>>, vector<16xi32>,
    }
    %scan3A_25 = arith.constant 8 : i32
    %iota3A = tpu.iota {dimensions = array<i32: 0>} : vector<16xi32>
    %dma_start3A = arith.constant 0 : i32
    %dma_start3A_26 = arith.constant 0 : i32
    %dma_start3A_27 = tpu.memref_slice %arg15[%dma_start3A, %dma_start3A_26] : memref<4x128xi32, #tpu.memory_space<vmem>> -> memref<1x128xi32, #tpu.memory_space<vmem>>
    %dma_start3A_28 = tpu.memref_squeeze %dma_start3A_27 : memref<1x128xi32, #tpu.memory_space<vmem>> -> memref<128xi32, #tpu.memory_space<vmem>>
    %dma_start3A_29 = arith.constant 0 : i32
    %dma_start3A_30 = arith.constant 0 : i32
    %dma_start3A_31 = tpu.memref_slice %arg6[%dma_start3A_29, %dma_start3A_30] : memref<250000x128xf32, #tpu.memory_space<hbm>> -> memref<250000x128xf32, #tpu.memory_space<hbm>>
    tpu.enqueue_indirect_dma source(%dma_start3A_31 : memref<250000x128xf32, #tpu.memory_space<hbm>>) target(%arg17 : memref<128x128xf32, #tpu.memory_space<vmem>>) offsets(%dma_start3A_28 : memref<128xi32, #tpu.memory_space<vmem>>) semaphore(%arg24 : memref<!tpu.dma_semaphore, #tpu.memory_space<semaphore_mem>>)
    %dma_start3A_32 = arith.constant 0 : i32
    %dma_start3A_33 = arith.constant 0 : i32
    %dma_start3A_34 = tpu.memref_slice %arg16[%dma_start3A_32, %dma_start3A_33] : memref<4x128xi32, #tpu.memory_space<vmem>> -> memref<1x128xi32, #tpu.memory_space<vmem>>
    %dma_start3A_35 = tpu.memref_squeeze %dma_start3A_34 : memref<1x128xi32, #tpu.memory_space<vmem>> -> memref<128xi32, #tpu.memory_space<vmem>>
    %dma_start3A_36 = arith.constant 0 : i32
    %dma_start3A_37 = arith.constant 0 : i32
    %dma_start3A_38 = tpu.memref_slice %arg7[%dma_start3A_36, %dma_start3A_37] : memref<25000x128xf32, #tpu.memory_space<hbm>> -> memref<25000x128xf32, #tpu.memory_space<hbm>>
    tpu.enqueue_indirect_dma source(%dma_start3A_38 : memref<25000x128xf32, #tpu.memory_space<hbm>>) target(%arg19 : memref<128x128xf32, #tpu.memory_space<vmem>>) offsets(%dma_start3A_35 : memref<128xi32, #tpu.memory_space<vmem>>) semaphore(%arg25 : memref<!tpu.dma_semaphore, #tpu.memory_space<semaphore_mem>>)
    %dma_start3A_39 = arith.constant 1 : i32
    %dma_start3A_40 = arith.constant 0 : i32
    %dma_start3A_41 = tpu.memref_slice %arg15[%dma_start3A_39, %dma_start3A_40] : memref<4x128xi32, #tpu.memory_space<vmem>> -> memref<1x128xi32, #tpu.memory_space<vmem>>
    %dma_start3A_42 = tpu.memref_squeeze %dma_start3A_41 : memref<1x128xi32, #tpu.memory_space<vmem>> -> memref<128xi32, #tpu.memory_space<vmem>>
    %dma_start3A_43 = arith.constant 0 : i32
    %dma_start3A_44 = arith.constant 0 : i32
    %dma_start3A_45 = tpu.memref_slice %arg6[%dma_start3A_43, %dma_start3A_44] : memref<250000x128xf32, #tpu.memory_space<hbm>> -> memref<250000x128xf32, #tpu.memory_space<hbm>>
    tpu.enqueue_indirect_dma source(%dma_start3A_45 : memref<250000x128xf32, #tpu.memory_space<hbm>>) target(%arg18 : memref<128x128xf32, #tpu.memory_space<vmem>>) offsets(%dma_start3A_42 : memref<128xi32, #tpu.memory_space<vmem>>) semaphore(%arg24 : memref<!tpu.dma_semaphore, #tpu.memory_space<semaphore_mem>>)
    %dma_start3A_46 = arith.constant 1 : i32
    %dma_start3A_47 = arith.constant 0 : i32
    %dma_start3A_48 = tpu.memref_slice %arg16[%dma_start3A_46, %dma_start3A_47] : memref<4x128xi32, #tpu.memory_space<vmem>> -> memref<1x128xi32, #tpu.memory_space<vmem>>
    %dma_start3A_49 = tpu.memref_squeeze %dma_start3A_48 : memref<1x128xi32, #tpu.memory_space<vmem>> -> memref<128xi32, #tpu.memory_space<vmem>>
    %dma_start3A_50 = arith.constant 0 : i32
    %dma_start3A_51 = arith.constant 0 : i32
    %dma_start3A_52 = tpu.memref_slice %arg7[%dma_start3A_50, %dma_start3A_51] : memref<25000x128xf32, #tpu.memory_space<hbm>> -> memref<25000x128xf32, #tpu.memory_space<hbm>>
    tpu.enqueue_indirect_dma source(%dma_start3A_52 : memref<25000x128xf32, #tpu.memory_space<hbm>>) target(%arg20 : memref<128x128xf32, #tpu.memory_space<vmem>>) offsets(%dma_start3A_49 : memref<128xi32, #tpu.memory_space<vmem>>) semaphore(%arg25 : memref<!tpu.dma_semaphore, #tpu.memory_space<semaphore_mem>>)
    %dma_wait3A = arith.constant 0 : i32
    %dma_wait3A_53 = arith.constant 0 : i32
    %dma_wait3A_54 = tpu.memref_slice %arg15[%dma_wait3A, %dma_wait3A_53] : memref<4x128xi32, #tpu.memory_space<vmem>> -> memref<1x128xi32, #tpu.memory_space<vmem>>
    %dma_wait3A_55 = tpu.memref_squeeze %dma_wait3A_54 : memref<1x128xi32, #tpu.memory_space<vmem>> -> memref<128xi32, #tpu.memory_space<vmem>>
    %dma_wait3A_56 = arith.constant 0 : i32
    %dma_wait3A_57 = arith.constant 0 : i32
    %dma_wait3A_58 = tpu.memref_slice %arg6[%dma_wait3A_56, %dma_wait3A_57] : memref<250000x128xf32, #tpu.memory_space<hbm>> -> memref<250000x128xf32, #tpu.memory_space<hbm>>
    tpu.wait_indirect_dma semaphore(%arg24 : memref<!tpu.dma_semaphore, #tpu.memory_space<semaphore_mem>>) src(%dma_wait3A_58 : memref<250000x128xf32, #tpu.memory_space<hbm>>) dst(%arg17 : memref<128x128xf32, #tpu.memory_space<vmem>>)
    %dma_wait3A_59 = arith.constant 0 : i32
    %dma_wait3A_60 = arith.constant 0 : i32
    %dma_wait3A_61 = tpu.memref_slice %arg16[%dma_wait3A_59, %dma_wait3A_60] : memref<4x128xi32, #tpu.memory_space<vmem>> -> memref<1x128xi32, #tpu.memory_space<vmem>>
    %dma_wait3A_62 = tpu.memref_squeeze %dma_wait3A_61 : memref<1x128xi32, #tpu.memory_space<vmem>> -> memref<128xi32, #tpu.memory_space<vmem>>
    %dma_wait3A_63 = arith.constant 0 : i32
    %dma_wait3A_64 = arith.constant 0 : i32
    %dma_wait3A_65 = tpu.memref_slice %arg7[%dma_wait3A_63, %dma_wait3A_64] : memref<25000x128xf32, #tpu.memory_space<hbm>> -> memref<25000x128xf32, #tpu.memory_space<hbm>>
    tpu.wait_indirect_dma semaphore(%arg25 : memref<!tpu.dma_semaphore, #tpu.memory_space<semaphore_mem>>) src(%dma_wait3A_65 : memref<25000x128xf32, #tpu.memory_space<hbm>>) dst(%arg19 : memref<128x128xf32, #tpu.memory_space<vmem>>)
    %scan3A_66 = arith.constant 0 : i32
    %scan3A_67 = arith.constant 0 : i32
    %scan3A_68 = arith.constant 8 : i32
    %scan3A_69 = arith.addi %scan3A_67, %scan3A_68 : i32
    %scan3A_70 = arith.constant 1 : i32
    scf.for %scan3A_168 = %scan3A_67 to %scan3A_69 step %scan3A_70  : i32 {
      %mul3A_169 = arith.constant 16 : i32
      %mul3A_170 = arith.muli %scan3A_168, %mul3A_169 : i32
      %add3A_171 = arith.constant 0 : i32
      %add3A_172 = arith.addi %add3A_171, %mul3A_170 : i32
      %mul3A_173 = arith.constant 16 : i32
      %mul3A_174 = arith.muli %scan3A_168, %mul3A_173 : i32
      %add3A_175 = vector.broadcast %mul3A_174 : i32 to vector<16xi32>
      %add3A_176 = arith.addi %add3A_175, %iota3A : vector<16xi32>
      %get3A = arith.index_cast %add3A_172 : i32 to index
      %get3A_177 = tpu.vector_load %arg11[%get3A] {strides = array<i32>} : memref<512xi32, #tpu.memory_space<vmem>>, vector<16xi32>,
      %and3A = arith.constant 3 : i32
      %and3A_178 = vector.broadcast %and3A : i32 to vector<16xi32>
      %and3A_179 = arith.andi %get3A_177, %and3A_178 : vector<16xi32>
      %mul3A_180 = arith.constant 32 : i32
      %mul3A_181 = vector.broadcast %mul3A_180 : i32 to vector<16xi32>
      %mul3A_182 = arith.muli %and3A_179, %mul3A_181 : vector<16xi32>
      %get3A_183 = arith.index_cast %add3A_172 : i32 to index
      %get3A_184 = tpu.vector_load %arg12[%get3A_183] {strides = array<i32>} : memref<512xi32, #tpu.memory_space<vmem>>, vector<16xi32>,
      %and3A_185 = arith.constant 3 : i32
      %and3A_186 = vector.broadcast %and3A_185 : i32 to vector<16xi32>
      %and3A_187 = arith.andi %get3A_184, %and3A_186 : vector<16xi32>
      %mul3A_188 = arith.constant 32 : i32
      %mul3A_189 = vector.broadcast %mul3A_188 : i32 to vector<16xi32>
      %mul3A_190 = arith.muli %and3A_187, %mul3A_189 : vector<16xi32>
      %get3A_191 = arith.index_cast %add3A_172 : i32 to index
      %get3A_192 = tpu.vector_load %arg13[%get3A_191] {strides = array<i32>} : memref<512xi32, #tpu.memory_space<vmem>>, vector<16xi32>,
      %get3A_193 = arith.index_cast %add3A_172 : i32 to index
      %get3A_194 = tpu.vector_load %arg14[%get3A_193] {strides = array<i32>} : memref<512xi32, #tpu.memory_space<vmem>>, vector<16xi32>,
      %broadcast_in_dim3A = arith.constant 0 : i32
      %broadcast_in_dim3A_195 = vector.broadcast %broadcast_in_dim3A : i32 to vector<16xi32>
      %add3A_196 = arith.constant 0 : i32
      %add3A_197 = vector.broadcast %add3A_196 : i32 to vector<16xi32>
      %add3A_198 = arith.addi %mul3A_182, %add3A_197 : vector<16xi32>
      %gather3A = tpu.vector_load_idx %arg17[%add3A_176, %add3A_198] : memref<128x128xf32, #tpu.memory_space<vmem>>[vector<16xi32>, vector<16xi32>], vector<16xf32>,
      tpu.vector_store_idx %arg23[%add3A_176, %broadcast_in_dim3A_195], %gather3A : memref<128x128xf32, #tpu.memory_space<vmem>>[vector<16xi32>, vector<16xi32>], vector<16xf32>,
      %add3A_199 = arith.constant 32 : i32
      %add3A_200 = vector.broadcast %add3A_199 : i32 to vector<16xi32>
      %add3A_201 = arith.addi %broadcast_in_dim3A_195, %add3A_200 : vector<16xi32>
      %add3A_202 = arith.constant 0 : i32
      %add3A_203 = vector.broadcast %add3A_202 : i32 to vector<16xi32>
      %add3A_204 = arith.addi %mul3A_190, %add3A_203 : vector<16xi32>
      %gather3A_205 = tpu.vector_load_idx %arg19[%add3A_176, %add3A_204] : memref<128x128xf32, #tpu.memory_space<vmem>>[vector<16xi32>, vector<16xi32>], vector<16xf32>,
      tpu.vector_store_idx %arg23[%add3A_176, %add3A_201], %gather3A_205 : memref<128x128xf32, #tpu.memory_space<vmem>>[vector<16xi32>, vector<16xi32>], vector<16xf32>,
      %add3A_206 = arith.constant 64 : i32
      %add3A_207 = vector.broadcast %add3A_206 : i32 to vector<16xi32>
      %add3A_208 = arith.addi %broadcast_in_dim3A_195, %add3A_207 : vector<16xi32>
      %gather3A_209 = tpu.vector_load_idx %arg21[%get3A_192, %broadcast_in_dim3A_195] : memref<10x32xf32, #tpu.memory_space<vmem>>[vector<16xi32>, vector<16xi32>], vector<16xf32>,
      tpu.vector_store_idx %arg23[%add3A_176, %add3A_208], %gather3A_209 : memref<128x128xf32, #tpu.memory_space<vmem>>[vector<16xi32>, vector<16xi32>], vector<16xf32>,
      %add3A_210 = arith.constant 96 : i32
      %add3A_211 = vector.broadcast %add3A_210 : i32 to vector<16xi32>
      %add3A_212 = arith.addi %broadcast_in_dim3A_195, %add3A_211 : vector<16xi32>
      %gather3A_213 = tpu.vector_load_idx %arg22[%get3A_194, %broadcast_in_dim3A_195] : memref<250x32xf32, #tpu.memory_space<vmem>>[vector<16xi32>, vector<16xi32>], vector<16xf32>,
      tpu.vector_store_idx %arg23[%add3A_176, %add3A_212], %gather3A_213 : memref<128x128xf32, #tpu.memory_space<vmem>>[vector<16xi32>, vector<16xi32>], vector<16xf32>,
      %broadcast_in_dim3A_214 = arith.constant 1 : i32
      %broadcast_in_dim3A_215 = vector.broadcast %broadcast_in_dim3A_214 : i32 to vector<16xi32>
      %add3A_216 = arith.constant 1 : i32
      %add3A_217 = vector.broadcast %add3A_216 : i32 to vector<16xi32>
      %add3A_218 = arith.addi %mul3A_182, %add3A_217 : vector<16xi32>
      %gather3A_219 = tpu.vector_load_idx %arg17[%add3A_176, %add3A_218] : memref<128x128xf32, #tpu.memory_space<vmem>>[vector<16xi32>, vector<16xi32>], vector<16xf32>,
      tpu.vector_store_idx %arg23[%add3A_176, %broadcast_in_dim3A_215], %gather3A_219 : memref<128x128xf32, #tpu.memory_space<vmem>>[vector<16xi32>, vector<16xi32>], vector<16xf32>,
      %add3A_220 = arith.constant 32 : i32
      %add3A_221 = vector.broadcast %add3A_220 : i32 to vector<16xi32>
      %add3A_222 = arith.addi %broadcast_in_dim3A_215, %add3A_221 : vector<16xi32>
      %add3A_223 = arith.constant 1 : i32
      %add3A_224 = vector.broadcast %add3A_223 : i32 to vector<16xi32>
      %add3A_225 = arith.addi %mul3A_190, %add3A_224 : vector<16xi32>
      %gather3A_226 = tpu.vector_load_idx %arg19[%add3A_176, %add3A_225] : memref<128x128xf32, #tpu.memory_space<vmem>>[vector<16xi32>, vector<16xi32>], vector<16xf32>,
      tpu.vector_store_idx %arg23[%add3A_176, %add3A_222], %gather3A_226 : memref<128x128xf32, #tpu.memory_space<vmem>>[vector<16xi32>, vector<16xi32>], vector<16xf32>,
      %add3A_227 = arith.constant 64 : i32
      %add3A_228 = vector.broadcast %add3A_227 : i32 to vector<16xi32>
      %add3A_229 = arith.addi %broadcast_in_dim3A_215, %add3A_228 : vector<16xi32>
      %gather3A_230 = tpu.vector_load_idx %arg21[%get3A_192, %broadcast_in_dim3A_215] : memref<10x32xf32, #tpu.memory_space<vmem>>[vector<16xi32>, vector<16xi32>], vector<16xf32>,
      tpu.vector_store_idx %arg23[%add3A_176, %add3A_229], %gather3A_230 : memref<128x128xf32, #tpu.memory_space<vmem>>[vector<16xi32>, vector<16xi32>], vector<16xf32>,
      %add3A_231 = arith.constant 96 : i32
      %add3A_232 = vector.broadcast %add3A_231 : i32 to vector<16xi32>
      %add3A_233 = arith.addi %broadcast_in_dim3A_215, %add3A_232 : vector<16xi32>
      %gather3A_234 = tpu.vector_load_idx %arg22[%get3A_194, %broadcast_in_dim3A_215] : memref<250x32xf32, #tpu.memory_space<vmem>>[vector<16xi32>, vector<16xi32>], vector<16xf32>,
      tpu.vector_store_idx %arg23[%add3A_176, %add3A_233], %gather3A_234 : memref<128x128xf32, #tpu.memory_space<vmem>>[vector<16xi32>, vector<16xi32>], vector<16xf32>,
      %broadcast_in_dim3A_235 = arith.constant 2 : i32
      %broadcast_in_dim3A_236 = vector.broadcast %broadcast_in_dim3A_235 : i32 to vector<16xi32>
      %add3A_237 = arith.constant 2 : i32
      %add3A_238 = vector.broadcast %add3A_237 : i32 to vector<16xi32>
      %add3A_239 = arith.addi %mul3A_182, %add3A_238 : vector<16xi32>
      %gather3A_240 = tpu.vector_load_idx %arg17[%add3A_176, %add3A_239] : memref<128x128xf32, #tpu.memory_space<vmem>>[vector<16xi32>, vector<16xi32>], vector<16xf32>,
      tpu.vector_store_idx %arg23[%add3A_176, %broadcast_in_dim3A_236], %gather3A_240 : memref<128x128xf32, #tpu.memory_space<vmem>>[vector<16xi32>, vector<16xi32>], vector<16xf32>,
      %add3A_241 = arith.constant 32 : i32
      %add3A_242 = vector.broadcast %add3A_241 : i32 to vector<16xi32>
      %add3A_243 = arith.addi %broadcast_in_dim3A_236, %add3A_242 : vector<16xi32>
      %add3A_244 = arith.constant 2 : i32
      %add3A_245 = vector.broadcast %add3A_244 : i32 to vector<16xi32>
      %add3A_246 = arith.addi %mul3A_190, %add3A_245 : vector<16xi32>
      %gather3A_247 = tpu.vector_load_idx %arg19[%add3A_176, %add3A_246] : memref<128x128xf32, #tpu.memory_space<vmem>>[vector<16xi32>, vector<16xi32>], vector<16xf32>,
      tpu.vector_store_idx %arg23[%add3A_176, %add3A_243], %gather3A_247 : memref<128x128xf32, #tpu.memory_space<vmem>>[vector<16xi32>, vector<16xi32>], vector<16xf32>,
      %add3A_248 = arith.constant 64 : i32
      %add3A_249 = vector.broadcast %add3A_248 : i32 to vector<16xi32>
      %add3A_250 = arith.addi %broadcast_in_dim3A_236, %add3A_249 : vector<16xi32>
      %gather3A_251 = tpu.vector_load_idx %arg21[%get3A_192, %broadcast_in_dim3A_236] : memref<10x32xf32, #tpu.memory_space<vmem>>[vector<16xi32>, vector<16xi32>], vector<16xf32>,
      tpu.vector_store_idx %arg23[%add3A_176, %add3A_250], %gather3A_251 : memref<128x128xf32, #tpu.memory_space<vmem>>[vector<16xi32>, vector<16xi32>], vector<16xf32>,
      %add3A_252 = arith.constant 96 : i32
      %add3A_253 = vector.broadcast %add3A_252 : i32 to vector<16xi32>
      %add3A_254 = arith.addi %broadcast_in_dim3A_236, %add3A_253 : vector<16xi32>
      %gather3A_255 = tpu.vector_load_idx %arg22[%get3A_194, %broadcast_in_dim3A_236] : memref<250x32xf32, #tpu.memory_space<vmem>>[vector<16xi32>, vector<16xi32>], vector<16xf32>,
      tpu.vector_store_idx %arg23[%add3A_176, %add3A_254], %gather3A_255 : memref<128x128xf32, #tpu.memory_space<vmem>>[vector<16xi32>, vector<16xi32>], vector<16xf32>,
      %broadcast_in_dim3A_256 = arith.constant 3 : i32
      %broadcast_in_dim3A_257 = vector.broadcast %broadcast_in_dim3A_256 : i32 to vector<16xi32>
      %add3A_258 = arith.constant 3 : i32
      %add3A_259 = vector.broadcast %add3A_258 : i32 to vector<16xi32>
      %add3A_260 = arith.addi %mul3A_182, %add3A_259 : vector<16xi32>
      %gather3A_261 = tpu.vector_load_idx %arg17[%add3A_176, %add3A_260] : memref<128x128xf32, #tpu.memory_space<vmem>>[vector<16xi32>, vector<16xi32>], vector<16xf32>,
      tpu.vector_store_idx %arg23[%add3A_176, %broadcast_in_dim3A_257], %gather3A_261 : memref<128x128xf32, #tpu.memory_space<vmem>>[vector<16xi32>, vector<16xi32>], vector<16xf32>,
      %add3A_262 = arith.constant 32 : i32
      %add3A_263 = vector.broadcast %add3A_262 : i32 to vector<16xi32>
      %add3A_264 = arith.addi %broadcast_in_dim3A_257, %add3A_263 : vector<16xi32>
      %add3A_265 = arith.constant 3 : i32
      %add3A_266 = vector.broadcast %add3A_265 : i32 to vector<16xi32>
      %add3A_267 = arith.addi %mul3A_190, %add3A_266 : vector<16xi32>
      %gather3A_268 = tpu.vector_load_idx %arg19[%add3A_176, %add3A_267] : memref<128x128xf32, #tpu.memory_space<vmem>>[vector<16xi32>, vector<16xi32>], vector<16xf32>,
      tpu.vector_store_idx %arg23[%add3A_176, %add3A_264], %gather3A_268 : memref<128x128xf32, #tpu.memory_space<vmem>>[vector<16xi32>, vector<16xi32>], vector<16xf32>,
      %add3A_269 = arith.constant 64 : i32
      %add3A_270 = vector.broadcast %add3A_269 : i32 to vector<16xi32>
      %add3A_271 = arith.addi %broadcast_in_dim3A_257, %add3A_270 : vector<16xi32>
      %gather3A_272 = tpu.vector_load_idx %arg21[%get3A_192, %broadcast_in_dim3A_257] : memref<10x32xf32, #tpu.memory_space<vmem>>[vector<16xi32>, vector<16xi32>], vector<16xf32>,
      tpu.vector_store_idx %arg23[%add3A_176, %add3A_271], %gather3A_272 : memref<128x128xf32, #tpu.memory_space<vmem>>[vector<16xi32>, vector<16xi32>], vector<16xf32>,
      %add3A_273 = arith.constant 96 : i32
      %add3A_274 = vector.broadcast %add3A_273 : i32 to vector<16xi32>
      %add3A_275 = arith.addi %broadcast_in_dim3A_257, %add3A_274 : vector<16xi32>
      %gather3A_276 = tpu.vector_load_idx %arg22[%get3A_194, %broadcast_in_dim3A_257] : memref<250x32xf32, #tpu.memory_space<vmem>>[vector<16xi32>, vector<16xi32>], vector<16xf32>,
      tpu.vector_store_idx %arg23[%add3A_176, %add3A_275], %gather3A_276 : memref<128x128xf32, #tpu.memory_space<vmem>>[vector<16xi32>, vector<16xi32>], vector<16xf32>,
      %broadcast_in_dim3A_277 = arith.constant 4 : i32
      %broadcast_in_dim3A_278 = vector.broadcast %broadcast_in_dim3A_277 : i32 to vector<16xi32>
      %add3A_279 = arith.constant 4 : i32
      %add3A_280 = vector.broadcast %add3A_279 : i32 to vector<16xi32>
      %add3A_281 = arith.addi %mul3A_182, %add3A_280 : vector<16xi32>
      %gather3A_282 = tpu.vector_load_idx %arg17[%add3A_176, %add3A_281] : memref<128x128xf32, #tpu.memory_space<vmem>>[vector<16xi32>, vector<16xi32>], vector<16xf32>,
      tpu.vector_store_idx %arg23[%add3A_176, %broadcast_in_dim3A_278], %gather3A_282 : memref<128x128xf32, #tpu.memory_space<vmem>>[vector<16xi32>, vector<16xi32>], vector<16xf32>,
      %add3A_283 = arith.constant 32 : i32
      %add3A_284 = vector.broadcast %add3A_283 : i32 to vector<16xi32>
      %add3A_285 = arith.addi %broadcast_in_dim3A_278, %add3A_284 : vector<16xi32>
      %add3A_286 = arith.constant 4 : i32
      %add3A_287 = vector.broadcast %add3A_286 : i32 to vector<16xi32>
      %add3A_288 = arith.addi %mul3A_190, %add3A_287 : vector<16xi32>
      %gather3A_289 = tpu.vector_load_idx %arg19[%add3A_176, %add3A_288] : memref<128x128xf32, #tpu.memory_space<vmem>>[vector<16xi32>, vector<16xi32>], vector<16xf32>,
      tpu.vector_store_idx %arg23[%add3A_176, %add3A_285], %gather3A_289 : memref<128x128xf32, #tpu.memory_space<vmem>>[vector<16xi32>, vector<16xi32>], vector<16xf32>,
      %add3A_290 = arith.constant 64 : i32
      %add3A_291 = vector.broadcast %add3A_290 : i32 to vector<16xi32>
      %add3A_292 = arith.addi %broadcast_in_dim3A_278, %add3A_291 : vector<16xi32>
      %gather3A_293 = tpu.vector_load_idx %arg21[%get3A_192, %broadcast_in_dim3A_278] : memref<10x32xf32, #tpu.memory_space<vmem>>[vector<16xi32>, vector<16xi32>], vector<16xf32>,
      tpu.vector_store_idx %arg23[%add3A_176, %add3A_292], %gather3A_293 : memref<128x128xf32, #tpu.memory_space<vmem>>[vector<16xi32>, vector<16xi32>], vector<16xf32>,
      %add3A_294 = arith.constant 96 : i32
      %add3A_295 = vector.broadcast %add3A_294 : i32 to vector<16xi32>
      %add3A_296 = arith.addi %broadcast_in_dim3A_278, %add3A_295 : vector<16xi32>
      %gather3A_297 = tpu.vector_load_idx %arg22[%get3A_194, %broadcast_in_dim3A_278] : memref<250x32xf32, #tpu.memory_space<vmem>>[vector<16xi32>, vector<16xi32>], vector<16xf32>,
      tpu.vector_store_idx %arg23[%add3A_176, %add3A_296], %gather3A_297 : memref<128x128xf32, #tpu.memory_space<vmem>>[vector<16xi32>, vector<16xi32>], vector<16xf32>,
      %broadcast_in_dim3A_298 = arith.constant 5 : i32
      %broadcast_in_dim3A_299 = vector.broadcast %broadcast_in_dim3A_298 : i32 to vector<16xi32>
      %add3A_300 = arith.constant 5 : i32
      %add3A_301 = vector.broadcast %add3A_300 : i32 to vector<16xi32>
      %add3A_302 = arith.addi %mul3A_182, %add3A_301 : vector<16xi32>
      %gather3A_303 = tpu.vector_load_idx %arg17[%add3A_176, %add3A_302] : memref<128x128xf32, #tpu.memory_space<vmem>>[vector<16xi32>, vector<16xi32>], vector<16xf32>,
      tpu.vector_store_idx %arg23[%add3A_176, %broadcast_in_dim3A_299], %gather3A_303 : memref<128x128xf32, #tpu.memory_space<vmem>>[vector<16xi32>, vector<16xi32>], vector<16xf32>,
      %add3A_304 = arith.constant 32 : i32
      %add3A_305 = vector.broadcast %add3A_304 : i32 to vector<16xi32>
      %add3A_306 = arith.addi %broadcast_in_dim3A_299, %add3A_305 : vector<16xi32>
      %add3A_307 = arith.constant 5 : i32
      %add3A_308 = vector.broadcast %add3A_307 : i32 to vector<16xi32>
      %add3A_309 = arith.addi %mul3A_190, %add3A_308 : vector<16xi32>
      %gather3A_310 = tpu.vector_load_idx %arg19[%add3A_176, %add3A_309] : memref<128x128xf32, #tpu.memory_space<vmem>>[vector<16xi32>, vector<16xi32>], vector<16xf32>,
      tpu.vector_store_idx %arg23[%add3A_176, %add3A_306], %gather3A_310 : memref<128x128xf32, #tpu.memory_space<vmem>>[vector<16xi32>, vector<16xi32>], vector<16xf32>,
      %add3A_311 = arith.constant 64 : i32
      %add3A_312 = vector.broadcast %add3A_311 : i32 to vector<16xi32>
      %add3A_313 = arith.addi %broadcast_in_dim3A_299, %add3A_312 : vector<16xi32>
      %gather3A_314 = tpu.vector_load_idx %arg21[%get3A_192, %broadcast_in_dim3A_299] : memref<10x32xf32, #tpu.memory_space<vmem>>[vector<16xi32>, vector<16xi32>], vector<16xf32>,
      tpu.vector_store_idx %arg23[%add3A_176, %add3A_313], %gather3A_314 : memref<128x128xf32, #tpu.memory_space<vmem>>[vector<16xi32>, vector<16xi32>], vector<16xf32>,
      %add3A_315 = arith.constant 96 : i32
      %add3A_316 = vector.broadcast %add3A_315 : i32 to vector<16xi32>
      %add3A_317 = arith.addi %broadcast_in_dim3A_299, %add3A_316 : vector<16xi32>
      %gather3A_318 = tpu.vector_load_idx %arg22[%get3A_194, %broadcast_in_dim3A_299] : memref<250x32xf32, #tpu.memory_space<vmem>>[vector<16xi32>, vector<16xi32>], vector<16xf32>,
      tpu.vector_store_idx %arg23[%add3A_176, %add3A_317], %gather3A_318 : memref<128x128xf32, #tpu.memory_space<vmem>>[vector<16xi32>, vector<16xi32>], vector<16xf32>,
      %broadcast_in_dim3A_319 = arith.constant 6 : i32
      %broadcast_in_dim3A_320 = vector.broadcast %broadcast_in_dim3A_319 : i32 to vector<16xi32>
      %add3A_321 = arith.constant 6 : i32
      %add3A_322 = vector.broadcast %add3A_321 : i32 to vector<16xi32>
      %add3A_323 = arith.addi %mul3A_182, %add3A_322 : vector<16xi32>
      %gather3A_324 = tpu.vector_load_idx %arg17[%add3A_176, %add3A_323] : memref<128x128xf32, #tpu.memory_space<vmem>>[vector<16xi32>, vector<16xi32>], vector<16xf32>,
      tpu.vector_store_idx %arg23[%add3A_176, %broadcast_in_dim3A_320], %gather3A_324 : memref<128x128xf32, #tpu.memory_space<vmem>>[vector<16xi32>, vector<16xi32>], vector<16xf32>,
      %add3A_325 = arith.constant 32 : i32
      %add3A_326 = vector.broadcast %add3A_325 : i32 to vector<16xi32>
      %add3A_327 = arith.addi %broadcast_in_dim3A_320, %add3A_326 : vector<16xi32>
      %add3A_328 = arith.constant 6 : i32
      %add3A_329 = vector.broadcast %add3A_328 : i32 to vector<16xi32>
      %add3A_330 = arith.addi %mul3A_190, %add3A_329 : vector<16xi32>
      %gather3A_331 = tpu.vector_load_idx %arg19[%add3A_176, %add3A_330] : memref<128x128xf32, #tpu.memory_space<vmem>>[vector<16xi32>, vector<16xi32>], vector<16xf32>,
      tpu.vector_store_idx %arg23[%add3A_176, %add3A_327], %gather3A_331 : memref<128x128xf32, #tpu.memory_space<vmem>>[vector<16xi32>, vector<16xi32>], vector<16xf32>,
      %add3A_332 = arith.constant 64 : i32
      %add3A_333 = vector.broadcast %add3A_332 : i32 to vector<16xi32>
      %add3A_334 = arith.addi %broadcast_in_dim3A_320, %add3A_333 : vector<16xi32>
      %gather3A_335 = tpu.vector_load_idx %arg21[%get3A_192, %broadcast_in_dim3A_320] : memref<10x32xf32, #tpu.memory_space<vmem>>[vector<16xi32>, vector<16xi32>], vector<16xf32>,
      tpu.vector_store_idx %arg23[%add3A_176, %add3A_334], %gather3A_335 : memref<128x128xf32, #tpu.memory_space<vmem>>[vector<16xi32>, vector<16xi32>], vector<16xf32>,
      %add3A_336 = arith.constant 96 : i32
      %add3A_337 = vector.broadcast %add3A_336 : i32 to vector<16xi32>
      %add3A_338 = arith.addi %broadcast_in_dim3A_320, %add3A_337 : vector<16xi32>
      %gather3A_339 = tpu.vector_load_idx %arg22[%get3A_194, %broadcast_in_dim3A_320] : memref<250x32xf32, #tpu.memory_space<vmem>>[vector<16xi32>, vector<16xi32>], vector<16xf32>,
      tpu.vector_store_idx %arg23[%add3A_176, %add3A_338], %gather3A_339 : memref<128x128xf32, #tpu.memory_space<vmem>>[vector<16xi32>, vector<16xi32>], vector<16xf32>,
      %broadcast_in_dim3A_340 = arith.constant 7 : i32
      %broadcast_in_dim3A_341 = vector.broadcast %broadcast_in_dim3A_340 : i32 to vector<16xi32>
      %add3A_342 = arith.constant 7 : i32
      %add3A_343 = vector.broadcast %add3A_342 : i32 to vector<16xi32>
      %add3A_344 = arith.addi %mul3A_182, %add3A_343 : vector<16xi32>
      %gather3A_345 = tpu.vector_load_idx %arg17[%add3A_176, %add3A_344] : memref<128x128xf32, #tpu.memory_space<vmem>>[vector<16xi32>, vector<16xi32>], vector<16xf32>,
      tpu.vector_store_idx %arg23[%add3A_176, %broadcast_in_dim3A_341], %gather3A_345 : memref<128x128xf32, #tpu.memory_space<vmem>>[vector<16xi32>, vector<16xi32>], vector<16xf32>,
      %add3A_346 = arith.constant 32 : i32
      %add3A_347 = vector.broadcast %add3A_346 : i32 to vector<16xi32>
      %add3A_348 = arith.addi %broadcast_in_dim3A_341, %add3A_347 : vector<16xi32>
      %add3A_349 = arith.constant 7 : i32
      %add3A_350 = vector.broadcast %add3A_349 : i32 to vector<16xi32>
      %add3A_351 = arith.addi %mul3A_190, %add3A_350 : vector<16xi32>
      %gather3A_352 = tpu.vector_load_idx %arg19[%add3A_176, %add3A_351] : memref<128x128xf32, #tpu.memory_space<vmem>>[vector<16xi32>, vector<16xi32>], vector<16xf32>,
      tpu.vector_store_idx %arg23[%add3A_176, %add3A_348], %gather3A_352 : memref<128x128xf32, #tpu.memory_space<vmem>>[vector<16xi32>, vector<16xi32>], vector<16xf32>,
      %add3A_353 = arith.constant 64 : i32
      %add3A_354 = vector.broadcast %add3A_353 : i32 to vector<16xi32>
      %add3A_355 = arith.addi %broadcast_in_dim3A_341, %add3A_354 : vector<16xi32>
      %gather3A_356 = tpu.vector_load_idx %arg21[%get3A_192, %broadcast_in_dim3A_341] : memref<10x32xf32, #tpu.memory_space<vmem>>[vector<16xi32>, vector<16xi32>], vector<16xf32>,
      tpu.vector_store_idx %arg23[%add3A_176, %add3A_355], %gather3A_356 : memref<128x128xf32, #tpu.memory_space<vmem>>[vector<16xi32>, vector<16xi32>], vector<16xf32>,
      %add3A_357 = arith.constant 96 : i32
      %add3A_358 = vector.broadcast %add3A_357 : i32 to vector<16xi32>
      %add3A_359 = arith.addi %broadcast_in_dim3A_341, %add3A_358 : vector<16xi32>
      %gather3A_360 = tpu.vector_load_idx %arg22[%get3A_194, %broadcast_in_dim3A_341] : memref<250x32xf32, #tpu.memory_space<vmem>>[vector<16xi32>, vector<16xi32>], vector<16xf32>,
      tpu.vector_store_idx %arg23[%add3A_176, %add3A_359], %gather3A_360 : memref<128x128xf32, #tpu.memory_space<vmem>>[vector<16xi32>, vector<16xi32>], vector<16xf32>,
      %broadcast_in_dim3A_361 = arith.constant 8 : i32
      %broadcast_in_dim3A_362 = vector.broadcast %broadcast_in_dim3A_361 : i32 to vector<16xi32>
      %add3A_363 = arith.constant 8 : i32
      %add3A_364 = vector.broadcast %add3A_363 : i32 to vector<16xi32>
      %add3A_365 = arith.addi %mul3A_182, %add3A_364 : vector<16xi32>
      %gather3A_366 = tpu.vector_load_idx %arg17[%add3A_176, %add3A_365] : memref<128x128xf32, #tpu.memory_space<vmem>>[vector<16xi32>, vector<16xi32>], vector<16xf32>,
      tpu.vector_store_idx %arg23[%add3A_176, %broadcast_in_dim3A_362], %gather3A_366 : memref<128x128xf32, #tpu.memory_space<vmem>>[vector<16xi32>, vector<16xi32>], vector<16xf32>,
      %add3A_367 = arith.constant 32 : i32
      %add3A_368 = vector.broadcast %add3A_367 : i32 to vector<16xi32>
      %add3A_369 = arith.addi %broadcast_in_dim3A_362, %add3A_368 : vector<16xi32>
      %add3A_370 = arith.constant 8 : i32
      %add3A_371 = vector.broadcast %add3A_370 : i32 to vector<16xi32>
      %add3A_372 = arith.addi %mul3A_190, %add3A_371 : vector<16xi32>
      %gather3A_373 = tpu.vector_load_idx %arg19[%add3A_176, %add3A_372] : memref<128x128xf32, #tpu.memory_space<vmem>>[vector<16xi32>, vector<16xi32>], vector<16xf32>,
      tpu.vector_store_idx %arg23[%add3A_176, %add3A_369], %gather3A_373 : memref<128x128xf32, #tpu.memory_space<vmem>>[vector<16xi32>, vector<16xi32>], vector<16xf32>,
      %add3A_374 = arith.constant 64 : i32
      %add3A_375 = vector.broadcast %add3A_374 : i32 to vector<16xi32>
      %add3A_376 = arith.addi %broadcast_in_dim3A_362, %add3A_375 : vector<16xi32>
      %gather3A_377 = tpu.vector_load_idx %arg21[%get3A_192, %broadcast_in_dim3A_362] : memref<10x32xf32, #tpu.memory_space<vmem>>[vector<16xi32>, vector<16xi32>], vector<16xf32>,
      tpu.vector_store_idx %arg23[%add3A_176, %add3A_376], %gather3A_377 : memref<128x128xf32, #tpu.memory_space<vmem>>[vector<16xi32>, vector<16xi32>], vector<16xf32>,
      %add3A_378 = arith.constant 96 : i32
      %add3A_379 = vector.broadcast %add3A_378 : i32 to vector<16xi32>
      %add3A_380 = arith.addi %broadcast_in_dim3A_362, %add3A_379 : vector<16xi32>
      %gather3A_381 = tpu.vector_load_idx %arg22[%get3A_194, %broadcast_in_dim3A_362] : memref<250x32xf32, #tpu.memory_space<vmem>>[vector<16xi32>, vector<16xi32>], vector<16xf32>,
      tpu.vector_store_idx %arg23[%add3A_176, %add3A_380], %gather3A_381 : memref<128x128xf32, #tpu.memory_space<vmem>>[vector<16xi32>, vector<16xi32>], vector<16xf32>,
      %broadcast_in_dim3A_382 = arith.constant 9 : i32
      %broadcast_in_dim3A_383 = vector.broadcast %broadcast_in_dim3A_382 : i32 to vector<16xi32>
      %add3A_384 = arith.constant 9 : i32
      %add3A_385 = vector.broadcast %add3A_384 : i32 to vector<16xi32>
      %add3A_386 = arith.addi %mul3A_182, %add3A_385 : vector<16xi32>
      %gather3A_387 = tpu.vector_load_idx %arg17[%add3A_176, %add3A_386] : memref<128x128xf32, #tpu.memory_space<vmem>>[vector<16xi32>, vector<16xi32>], vector<16xf32>,
      tpu.vector_store_idx %arg23[%add3A_176, %broadcast_in_dim3A_383], %gather3A_387 : memref<128x128xf32, #tpu.memory_space<vmem>>[vector<16xi32>, vector<16xi32>], vector<16xf32>,
      %add3A_388 = arith.constant 32 : i32
      %add3A_389 = vector.broadcast %add3A_388 : i32 to vector<16xi32>
      %add3A_390 = arith.addi %broadcast_in_dim3A_383, %add3A_389 : vector<16xi32>
      %add3A_391 = arith.constant 9 : i32
      %add3A_392 = vector.broadcast %add3A_391 : i32 to vector<16xi32>
      %add3A_393 = arith.addi %mul3A_190, %add3A_392 : vector<16xi32>
      %gather3A_394 = tpu.vector_load_idx %arg19[%add3A_176, %add3A_393] : memref<128x128xf32, #tpu.memory_space<vmem>>[vector<16xi32>, vector<16xi32>], vector<16xf32>,
      tpu.vector_store_idx %arg23[%add3A_176, %add3A_390], %gather3A_394 : memref<128x128xf32, #tpu.memory_space<vmem>>[vector<16xi32>, vector<16xi32>], vector<16xf32>,
      %add3A_395 = arith.constant 64 : i32
      %add3A_396 = vector.broadcast %add3A_395 : i32 to vector<16xi32>
      %add3A_397 = arith.addi %broadcast_in_dim3A_383, %add3A_396 : vector<16xi32>
      %gather3A_398 = tpu.vector_load_idx %arg21[%get3A_192, %broadcast_in_dim3A_383] : memref<10x32xf32, #tpu.memory_space<vmem>>[vector<16xi32>, vector<16xi32>], vector<16xf32>,
      tpu.vector_store_idx %arg23[%add3A_176, %add3A_397], %gather3A_398 : memref<128x128xf32, #tpu.memory_space<vmem>>[vector<16xi32>, vector<16xi32>], vector<16xf32>,
      %add3A_399 = arith.constant 96 : i32
      %add3A_400 = vector.broadcast %add3A_399 : i32 to vector<16xi32>
      %add3A_401 = arith.addi %broadcast_in_dim3A_383, %add3A_400 : vector<16xi32>
      %gather3A_402 = tpu.vector_load_idx %arg22[%get3A_194, %broadcast_in_dim3A_383] : memref<250x32xf32, #tpu.memory_space<vmem>>[vector<16xi32>, vector<16xi32>], vector<16xf32>,
      tpu.vector_store_idx %arg23[%add3A_176, %add3A_401], %gather3A_402 : memref<128x128xf32, #tpu.memory_space<vmem>>[vector<16xi32>, vector<16xi32>], vector<16xf32>,
      %broadcast_in_dim3A_403 = arith.constant 10 : i32
      %broadcast_in_dim3A_404 = vector.broadcast %broadcast_in_dim3A_403 : i32 to vector<16xi32>
      %add3A_405 = arith.constant 10 : i32
      %add3A_406 = vector.broadcast %add3A_405 : i32 to vector<16xi32>
      %add3A_407 = arith.addi %mul3A_182, %add3A_406 : vector<16xi32>
      %gather3A_408 = tpu.vector_load_idx %arg17[%add3A_176, %add3A_407] : memref<128x128xf32, #tpu.memory_space<vmem>>[vector<16xi32>, vector<16xi32>], vector<16xf32>,
      tpu.vector_store_idx %arg23[%add3A_176, %broadcast_in_dim3A_404], %gather3A_408 : memref<128x128xf32, #tpu.memory_space<vmem>>[vector<16xi32>, vector<16xi32>], vector<16xf32>,
      %add3A_409 = arith.constant 32 : i32
      %add3A_410 = vector.broadcast %add3A_409 : i32 to vector<16xi32>
      %add3A_411 = arith.addi %broadcast_in_dim3A_404, %add3A_410 : vector<16xi32>
      %add3A_412 = arith.constant 10 : i32
      %add3A_413 = vector.broadcast %add3A_412 : i32 to vector<16xi32>
      %add3A_414 = arith.addi %mul3A_190, %add3A_413 : vector<16xi32>
      %gather3A_415 = tpu.vector_load_idx %arg19[%add3A_176, %add3A_414] : memref<128x128xf32, #tpu.memory_space<vmem>>[vector<16xi32>, vector<16xi32>], vector<16xf32>,
      tpu.vector_store_idx %arg23[%add3A_176, %add3A_411], %gather3A_415 : memref<128x128xf32, #tpu.memory_space<vmem>>[vector<16xi32>, vector<16xi32>], vector<16xf32>,
      %add3A_416 = arith.constant 64 : i32
      %add3A_417 = vector.broadcast %add3A_416 : i32 to vector<16xi32>
      %add3A_418 = arith.addi %broadcast_in_dim3A_404, %add3A_417 : vector<16xi32>
      %gather3A_419 = tpu.vector_load_idx %arg21[%get3A_192, %broadcast_in_dim3A_404] : memref<10x32xf32, #tpu.memory_space<vmem>>[vector<16xi32>, vector<16xi32>], vector<16xf32>,
      tpu.vector_store_idx %arg23[%add3A_176, %add3A_418], %gather3A_419 : memref<128x128xf32, #tpu.memory_space<vmem>>[vector<16xi32>, vector<16xi32>], vector<16xf32>,
      %add3A_420 = arith.constant 96 : i32
      %add3A_421 = vector.broadcast %add3A_420 : i32 to vector<16xi32>
      %add3A_422 = arith.addi %broadcast_in_dim3A_404, %add3A_421 : vector<16xi32>
      %gather3A_423 = tpu.vector_load_idx %arg22[%get3A_194, %broadcast_in_dim3A_404] : memref<250x32xf32, #tpu.memory_space<vmem>>[vector<16xi32>, vector<16xi32>], vector<16xf32>,
      tpu.vector_store_idx %arg23[%add3A_176, %add3A_422], %gather3A_423 : memref<128x128xf32, #tpu.memory_space<vmem>>[vector<16xi32>, vector<16xi32>], vector<16xf32>,
      %broadcast_in_dim3A_424 = arith.constant 11 : i32
      %broadcast_in_dim3A_425 = vector.broadcast %broadcast_in_dim3A_424 : i32 to vector<16xi32>
      %add3A_426 = arith.constant 11 : i32
      %add3A_427 = vector.broadcast %add3A_426 : i32 to vector<16xi32>
      %add3A_428 = arith.addi %mul3A_182, %add3A_427 : vector<16xi32>
      %gather3A_429 = tpu.vector_load_idx %arg17[%add3A_176, %add3A_428] : memref<128x128xf32, #tpu.memory_space<vmem>>[vector<16xi32>, vector<16xi32>], vector<16xf32>,
      tpu.vector_store_idx %arg23[%add3A_176, %broadcast_in_dim3A_425], %gather3A_429 : memref<128x128xf32, #tpu.memory_space<vmem>>[vector<16xi32>, vector<16xi32>], vector<16xf32>,
      %add3A_430 = arith.constant 32 : i32
      %add3A_431 = vector.broadcast %add3A_430 : i32 to vector<16xi32>
      %add3A_432 = arith.addi %broadcast_in_dim3A_425, %add3A_431 : vector<16xi32>
      %add3A_433 = arith.constant 11 : i32
      %add3A_434 = vector.broadcast %add3A_433 : i32 to vector<16xi32>
      %add3A_435 = arith.addi %mul3A_190, %add3A_434 : vector<16xi32>
      %gather3A_436 = tpu.vector_load_idx %arg19[%add3A_176, %add3A_435] : memref<128x128xf32, #tpu.memory_space<vmem>>[vector<16xi32>, vector<16xi32>], vector<16xf32>,
      tpu.vector_store_idx %arg23[%add3A_176, %add3A_432], %gather3A_436 : memref<128x128xf32, #tpu.memory_space<vmem>>[vector<16xi32>, vector<16xi32>], vector<16xf32>,
      %add3A_437 = arith.constant 64 : i32
      %add3A_438 = vector.broadcast %add3A_437 : i32 to vector<16xi32>
      %add3A_439 = arith.addi %broadcast_in_dim3A_425, %add3A_438 : vector<16xi32>
      %gather3A_440 = tpu.vector_load_idx %arg21[%get3A_192, %broadcast_in_dim3A_425] : memref<10x32xf32, #tpu.memory_space<vmem>>[vector<16xi32>, vector<16xi32>], vector<16xf32>,
      tpu.vector_store_idx %arg23[%add3A_176, %add3A_439], %gather3A_440 : memref<128x128xf32, #tpu.memory_space<vmem>>[vector<16xi32>, vector<16xi32>], vector<16xf32>,
      %add3A_441 = arith.constant 96 : i32
      %add3A_442 = vector.broadcast %add3A_441 : i32 to vector<16xi32>
      %add3A_443 = arith.addi %broadcast_in_dim3A_425, %add3A_442 : vector<16xi32>
      %gather3A_444 = tpu.vector_load_idx %arg22[%get3A_194, %broadcast_in_dim3A_425] : memref<250x32xf32, #tpu.memory_space<vmem>>[vector<16xi32>, vector<16xi32>], vector<16xf32>,
      tpu.vector_store_idx %arg23[%add3A_176, %add3A_443], %gather3A_444 : memref<128x128xf32, #tpu.memory_space<vmem>>[vector<16xi32>, vector<16xi32>], vector<16xf32>,
      %broadcast_in_dim3A_445 = arith.constant 12 : i32
      %broadcast_in_dim3A_446 = vector.broadcast %broadcast_in_dim3A_445 : i32 to vector<16xi32>
      %add3A_447 = arith.constant 12 : i32
      %add3A_448 = vector.broadcast %add3A_447 : i32 to vector<16xi32>
      %add3A_449 = arith.addi %mul3A_182, %add3A_448 : vector<16xi32>
      %gather3A_450 = tpu.vector_load_idx %arg17[%add3A_176, %add3A_449] : memref<128x128xf32, #tpu.memory_space<vmem>>[vector<16xi32>, vector<16xi32>], vector<16xf32>,
      tpu.vector_store_idx %arg23[%add3A_176, %broadcast_in_dim3A_446], %gather3A_450 : memref<128x128xf32, #tpu.memory_space<vmem>>[vector<16xi32>, vector<16xi32>], vector<16xf32>,
      %add3A_451 = arith.constant 32 : i32
      %add3A_452 = vector.broadcast %add3A_451 : i32 to vector<16xi32>
      %add3A_453 = arith.addi %broadcast_in_dim3A_446, %add3A_452 : vector<16xi32>
      %add3A_454 = arith.constant 12 : i32
      %add3A_455 = vector.broadcast %add3A_454 : i32 to vector<16xi32>
      %add3A_456 = arith.addi %mul3A_190, %add3A_455 : vector<16xi32>
      %gather3A_457 = tpu.vector_load_idx %arg19[%add3A_176, %add3A_456] : memref<128x128xf32, #tpu.memory_space<vmem>>[vector<16xi32>, vector<16xi32>], vector<16xf32>,
      tpu.vector_store_idx %arg23[%add3A_176, %add3A_453], %gather3A_457 : memref<128x128xf32, #tpu.memory_space<vmem>>[vector<16xi32>, vector<16xi32>], vector<16xf32>,
      %add3A_458 = arith.constant 64 : i32
      %add3A_459 = vector.broadcast %add3A_458 : i32 to vector<16xi32>
      %add3A_460 = arith.addi %broadcast_in_dim3A_446, %add3A_459 : vector<16xi32>
      %gather3A_461 = tpu.vector_load_idx %arg21[%get3A_192, %broadcast_in_dim3A_446] : memref<10x32xf32, #tpu.memory_space<vmem>>[vector<16xi32>, vector<16xi32>], vector<16xf32>,
      tpu.vector_store_idx %arg23[%add3A_176, %add3A_460], %gather3A_461 : memref<128x128xf32, #tpu.memory_space<vmem>>[vector<16xi32>, vector<16xi32>], vector<16xf32>,
      %add3A_462 = arith.constant 96 : i32
      %add3A_463 = vector.broadcast %add3A_462 : i32 to vector<16xi32>
      %add3A_464 = arith.addi %broadcast_in_dim3A_446, %add3A_463 : vector<16xi32>
      %gather3A_465 = tpu.vector_load_idx %arg22[%get3A_194, %broadcast_in_dim3A_446] : memref<250x32xf32, #tpu.memory_space<vmem>>[vector<16xi32>, vector<16xi32>], vector<16xf32>,
      tpu.vector_store_idx %arg23[%add3A_176, %add3A_464], %gather3A_465 : memref<128x128xf32, #tpu.memory_space<vmem>>[vector<16xi32>, vector<16xi32>], vector<16xf32>,
      %broadcast_in_dim3A_466 = arith.constant 13 : i32
      %broadcast_in_dim3A_467 = vector.broadcast %broadcast_in_dim3A_466 : i32 to vector<16xi32>
      %add3A_468 = arith.constant 13 : i32
      %add3A_469 = vector.broadcast %add3A_468 : i32 to vector<16xi32>
      %add3A_470 = arith.addi %mul3A_182, %add3A_469 : vector<16xi32>
      %gather3A_471 = tpu.vector_load_idx %arg17[%add3A_176, %add3A_470] : memref<128x128xf32, #tpu.memory_space<vmem>>[vector<16xi32>, vector<16xi32>], vector<16xf32>,
      tpu.vector_store_idx %arg23[%add3A_176, %broadcast_in_dim3A_467], %gather3A_471 : memref<128x128xf32, #tpu.memory_space<vmem>>[vector<16xi32>, vector<16xi32>], vector<16xf32>,
      %add3A_472 = arith.constant 32 : i32
      %add3A_473 = vector.broadcast %add3A_472 : i32 to vector<16xi32>
      %add3A_474 = arith.addi %broadcast_in_dim3A_467, %add3A_473 : vector<16xi32>
      %add3A_475 = arith.constant 13 : i32
      %add3A_476 = vector.broadcast %add3A_475 : i32 to vector<16xi32>
      %add3A_477 = arith.addi %mul3A_190, %add3A_476 : vector<16xi32>
      %gather3A_478 = tpu.vector_load_idx %arg19[%add3A_176, %add3A_477] : memref<128x128xf32, #tpu.memory_space<vmem>>[vector<16xi32>, vector<16xi32>], vector<16xf32>,
      tpu.vector_store_idx %arg23[%add3A_176, %add3A_474], %gather3A_478 : memref<128x128xf32, #tpu.memory_space<vmem>>[vector<16xi32>, vector<16xi32>], vector<16xf32>,
      %add3A_479 = arith.constant 64 : i32
      %add3A_480 = vector.broadcast %add3A_479 : i32 to vector<16xi32>
      %add3A_481 = arith.addi %broadcast_in_dim3A_467, %add3A_480 : vector<16xi32>
      %gather3A_482 = tpu.vector_load_idx %arg21[%get3A_192, %broadcast_in_dim3A_467] : memref<10x32xf32, #tpu.memory_space<vmem>>[vector<16xi32>, vector<16xi32>], vector<16xf32>,
      tpu.vector_store_idx %arg23[%add3A_176, %add3A_481], %gather3A_482 : memref<128x128xf32, #tpu.memory_space<vmem>>[vector<16xi32>, vector<16xi32>], vector<16xf32>,
      %add3A_483 = arith.constant 96 : i32
      %add3A_484 = vector.broadcast %add3A_483 : i32 to vector<16xi32>
      %add3A_485 = arith.addi %broadcast_in_dim3A_467, %add3A_484 : vector<16xi32>
      %gather3A_486 = tpu.vector_load_idx %arg22[%get3A_194, %broadcast_in_dim3A_467] : memref<250x32xf32, #tpu.memory_space<vmem>>[vector<16xi32>, vector<16xi32>], vector<16xf32>,
      tpu.vector_store_idx %arg23[%add3A_176, %add3A_485], %gather3A_486 : memref<128x128xf32, #tpu.memory_space<vmem>>[vector<16xi32>, vector<16xi32>], vector<16xf32>,
      %broadcast_in_dim3A_487 = arith.constant 14 : i32
      %broadcast_in_dim3A_488 = vector.broadcast %broadcast_in_dim3A_487 : i32 to vector<16xi32>
      %add3A_489 = arith.constant 14 : i32
      %add3A_490 = vector.broadcast %add3A_489 : i32 to vector<16xi32>
      %add3A_491 = arith.addi %mul3A_182, %add3A_490 : vector<16xi32>
      %gather3A_492 = tpu.vector_load_idx %arg17[%add3A_176, %add3A_491] : memref<128x128xf32, #tpu.memory_space<vmem>>[vector<16xi32>, vector<16xi32>], vector<16xf32>,
      tpu.vector_store_idx %arg23[%add3A_176, %broadcast_in_dim3A_488], %gather3A_492 : memref<128x128xf32, #tpu.memory_space<vmem>>[vector<16xi32>, vector<16xi32>], vector<16xf32>,
      %add3A_493 = arith.constant 32 : i32
      %add3A_494 = vector.broadcast %add3A_493 : i32 to vector<16xi32>
      %add3A_495 = arith.addi %broadcast_in_dim3A_488, %add3A_494 : vector<16xi32>
      %add3A_496 = arith.constant 14 : i32
      %add3A_497 = vector.broadcast %add3A_496 : i32 to vector<16xi32>
      %add3A_498 = arith.addi %mul3A_190, %add3A_497 : vector<16xi32>
      %gather3A_499 = tpu.vector_load_idx %arg19[%add3A_176, %add3A_498] : memref<128x128xf32, #tpu.memory_space<vmem>>[vector<16xi32>, vector<16xi32>], vector<16xf32>,
      tpu.vector_store_idx %arg23[%add3A_176, %add3A_495], %gather3A_499 : memref<128x128xf32, #tpu.memory_space<vmem>>[vector<16xi32>, vector<16xi32>], vector<16xf32>,
      %add3A_500 = arith.constant 64 : i32
      %add3A_501 = vector.broadcast %add3A_500 : i32 to vector<16xi32>
      %add3A_502 = arith.addi %broadcast_in_dim3A_488, %add3A_501 : vector<16xi32>
      %gather3A_503 = tpu.vector_load_idx %arg21[%get3A_192, %broadcast_in_dim3A_488] : memref<10x32xf32, #tpu.memory_space<vmem>>[vector<16xi32>, vector<16xi32>], vector<16xf32>,
      tpu.vector_store_idx %arg23[%add3A_176, %add3A_502], %gather3A_503 : memref<128x128xf32, #tpu.memory_space<vmem>>[vector<16xi32>, vector<16xi32>], vector<16xf32>,
      %add3A_504 = arith.constant 96 : i32
      %add3A_505 = vector.broadcast %add3A_504 : i32 to vector<16xi32>
      %add3A_506 = arith.addi %broadcast_in_dim3A_488, %add3A_505 : vector<16xi32>
      %gather3A_507 = tpu.vector_load_idx %arg22[%get3A_194, %broadcast_in_dim3A_488] : memref<250x32xf32, #tpu.memory_space<vmem>>[vector<16xi32>, vector<16xi32>], vector<16xf32>,
      tpu.vector_store_idx %arg23[%add3A_176, %add3A_506], %gather3A_507 : memref<128x128xf32, #tpu.memory_space<vmem>>[vector<16xi32>, vector<16xi32>], vector<16xf32>,
      %broadcast_in_dim3A_508 = arith.constant 15 : i32
      %broadcast_in_dim3A_509 = vector.broadcast %broadcast_in_dim3A_508 : i32 to vector<16xi32>
      %add3A_510 = arith.constant 15 : i32
      %add3A_511 = vector.broadcast %add3A_510 : i32 to vector<16xi32>
      %add3A_512 = arith.addi %mul3A_182, %add3A_511 : vector<16xi32>
      %gather3A_513 = tpu.vector_load_idx %arg17[%add3A_176, %add3A_512] : memref<128x128xf32, #tpu.memory_space<vmem>>[vector<16xi32>, vector<16xi32>], vector<16xf32>,
      tpu.vector_store_idx %arg23[%add3A_176, %broadcast_in_dim3A_509], %gather3A_513 : memref<128x128xf32, #tpu.memory_space<vmem>>[vector<16xi32>, vector<16xi32>], vector<16xf32>,
      %add3A_514 = arith.constant 32 : i32
      %add3A_515 = vector.broadcast %add3A_514 : i32 to vector<16xi32>
      %add3A_516 = arith.addi %broadcast_in_dim3A_509, %add3A_515 : vector<16xi32>
      %add3A_517 = arith.constant 15 : i32
      %add3A_518 = vector.broadcast %add3A_517 : i32 to vector<16xi32>
      %add3A_519 = arith.addi %mul3A_190, %add3A_518 : vector<16xi32>
      %gather3A_520 = tpu.vector_load_idx %arg19[%add3A_176, %add3A_519] : memref<128x128xf32, #tpu.memory_space<vmem>>[vector<16xi32>, vector<16xi32>], vector<16xf32>,
      tpu.vector_store_idx %arg23[%add3A_176, %add3A_516], %gather3A_520 : memref<128x128xf32, #tpu.memory_space<vmem>>[vector<16xi32>, vector<16xi32>], vector<16xf32>,
      %add3A_521 = arith.constant 64 : i32
      %add3A_522 = vector.broadcast %add3A_521 : i32 to vector<16xi32>
      %add3A_523 = arith.addi %broadcast_in_dim3A_509, %add3A_522 : vector<16xi32>
      %gather3A_524 = tpu.vector_load_idx %arg21[%get3A_192, %broadcast_in_dim3A_509] : memref<10x32xf32, #tpu.memory_space<vmem>>[vector<16xi32>, vector<16xi32>], vector<16xf32>,
      tpu.vector_store_idx %arg23[%add3A_176, %add3A_523], %gather3A_524 : memref<128x128xf32, #tpu.memory_space<vmem>>[vector<16xi32>, vector<16xi32>], vector<16xf32>,
      %add3A_525 = arith.constant 96 : i32
      %add3A_526 = vector.broadcast %add3A_525 : i32 to vector<16xi32>
      %add3A_527 = arith.addi %broadcast_in_dim3A_509, %add3A_526 : vector<16xi32>
      %gather3A_528 = tpu.vector_load_idx %arg22[%get3A_194, %broadcast_in_dim3A_509] : memref<250x32xf32, #tpu.memory_space<vmem>>[vector<16xi32>, vector<16xi32>], vector<16xf32>,
      tpu.vector_store_idx %arg23[%add3A_176, %add3A_527], %gather3A_528 : memref<128x128xf32, #tpu.memory_space<vmem>>[vector<16xi32>, vector<16xi32>], vector<16xf32>,
      %broadcast_in_dim3A_529 = arith.constant 16 : i32
      %broadcast_in_dim3A_530 = vector.broadcast %broadcast_in_dim3A_529 : i32 to vector<16xi32>
      %add3A_531 = arith.constant 16 : i32
      %add3A_532 = vector.broadcast %add3A_531 : i32 to vector<16xi32>
      %add3A_533 = arith.addi %mul3A_182, %add3A_532 : vector<16xi32>
      %gather3A_534 = tpu.vector_load_idx %arg17[%add3A_176, %add3A_533] : memref<128x128xf32, #tpu.memory_space<vmem>>[vector<16xi32>, vector<16xi32>], vector<16xf32>,
      tpu.vector_store_idx %arg23[%add3A_176, %broadcast_in_dim3A_530], %gather3A_534 : memref<128x128xf32, #tpu.memory_space<vmem>>[vector<16xi32>, vector<16xi32>], vector<16xf32>,
      %add3A_535 = arith.constant 32 : i32
      %add3A_536 = vector.broadcast %add3A_535 : i32 to vector<16xi32>
      %add3A_537 = arith.addi %broadcast_in_dim3A_530, %add3A_536 : vector<16xi32>
      %add3A_538 = arith.constant 16 : i32
      %add3A_539 = vector.broadcast %add3A_538 : i32 to vector<16xi32>
      %add3A_540 = arith.addi %mul3A_190, %add3A_539 : vector<16xi32>
      %gather3A_541 = tpu.vector_load_idx %arg19[%add3A_176, %add3A_540] : memref<128x128xf32, #tpu.memory_space<vmem>>[vector<16xi32>, vector<16xi32>], vector<16xf32>,
      tpu.vector_store_idx %arg23[%add3A_176, %add3A_537], %gather3A_541 : memref<128x128xf32, #tpu.memory_space<vmem>>[vector<16xi32>, vector<16xi32>], vector<16xf32>,
      %add3A_542 = arith.constant 64 : i32
      %add3A_543 = vector.broadcast %add3A_542 : i32 to vector<16xi32>
      %add3A_544 = arith.addi %broadcast_in_dim3A_530, %add3A_543 : vector<16xi32>
      %gather3A_545 = tpu.vector_load_idx %arg21[%get3A_192, %broadcast_in_dim3A_530] : memref<10x32xf32, #tpu.memory_space<vmem>>[vector<16xi32>, vector<16xi32>], vector<16xf32>,
      tpu.vector_store_idx %arg23[%add3A_176, %add3A_544], %gather3A_545 : memref<128x128xf32, #tpu.memory_space<vmem>>[vector<16xi32>, vector<16xi32>], vector<16xf32>,
      %add3A_546 = arith.constant 96 : i32
      %add3A_547 = vector.broadcast %add3A_546 : i32 to vector<16xi32>
      %add3A_548 = arith.addi %broadcast_in_dim3A_530, %add3A_547 : vector<16xi32>
      %gather3A_549 = tpu.vector_load_idx %arg22[%get3A_194, %broadcast_in_dim3A_530] : memref<250x32xf32, #tpu.memory_space<vmem>>[vector<16xi32>, vector<16xi32>], vector<16xf32>,
      tpu.vector_store_idx %arg23[%add3A_176, %add3A_548], %gather3A_549 : memref<128x128xf32, #tpu.memory_space<vmem>>[vector<16xi32>, vector<16xi32>], vector<16xf32>,
      %broadcast_in_dim3A_550 = arith.constant 17 : i32
      %broadcast_in_dim3A_551 = vector.broadcast %broadcast_in_dim3A_550 : i32 to vector<16xi32>
      %add3A_552 = arith.constant 17 : i32
      %add3A_553 = vector.broadcast %add3A_552 : i32 to vector<16xi32>
      %add3A_554 = arith.addi %mul3A_182, %add3A_553 : vector<16xi32>
      %gather3A_555 = tpu.vector_load_idx %arg17[%add3A_176, %add3A_554] : memref<128x128xf32, #tpu.memory_space<vmem>>[vector<16xi32>, vector<16xi32>], vector<16xf32>,
      tpu.vector_store_idx %arg23[%add3A_176, %broadcast_in_dim3A_551], %gather3A_555 : memref<128x128xf32, #tpu.memory_space<vmem>>[vector<16xi32>, vector<16xi32>], vector<16xf32>,
      %add3A_556 = arith.constant 32 : i32
      %add3A_557 = vector.broadcast %add3A_556 : i32 to vector<16xi32>
      %add3A_558 = arith.addi %broadcast_in_dim3A_551, %add3A_557 : vector<16xi32>
      %add3A_559 = arith.constant 17 : i32
      %add3A_560 = vector.broadcast %add3A_559 : i32 to vector<16xi32>
      %add3A_561 = arith.addi %mul3A_190, %add3A_560 : vector<16xi32>
      %gather3A_562 = tpu.vector_load_idx %arg19[%add3A_176, %add3A_561] : memref<128x128xf32, #tpu.memory_space<vmem>>[vector<16xi32>, vector<16xi32>], vector<16xf32>,
      tpu.vector_store_idx %arg23[%add3A_176, %add3A_558], %gather3A_562 : memref<128x128xf32, #tpu.memory_space<vmem>>[vector<16xi32>, vector<16xi32>], vector<16xf32>,
      %add3A_563 = arith.constant 64 : i32
      %add3A_564 = vector.broadcast %add3A_563 : i32 to vector<16xi32>
      %add3A_565 = arith.addi %broadcast_in_dim3A_551, %add3A_564 : vector<16xi32>
      %gather3A_566 = tpu.vector_load_idx %arg21[%get3A_192, %broadcast_in_dim3A_551] : memref<10x32xf32, #tpu.memory_space<vmem>>[vector<16xi32>, vector<16xi32>], vector<16xf32>,
      tpu.vector_store_idx %arg23[%add3A_176, %add3A_565], %gather3A_566 : memref<128x128xf32, #tpu.memory_space<vmem>>[vector<16xi32>, vector<16xi32>], vector<16xf32>,
      %add3A_567 = arith.constant 96 : i32
      %add3A_568 = vector.broadcast %add3A_567 : i32 to vector<16xi32>
      %add3A_569 = arith.addi %broadcast_in_dim3A_551, %add3A_568 : vector<16xi32>
      %gather3A_570 = tpu.vector_load_idx %arg22[%get3A_194, %broadcast_in_dim3A_551] : memref<250x32xf32, #tpu.memory_space<vmem>>[vector<16xi32>, vector<16xi32>], vector<16xf32>,
      tpu.vector_store_idx %arg23[%add3A_176, %add3A_569], %gather3A_570 : memref<128x128xf32, #tpu.memory_space<vmem>>[vector<16xi32>, vector<16xi32>], vector<16xf32>,
      %broadcast_in_dim3A_571 = arith.constant 18 : i32
      %broadcast_in_dim3A_572 = vector.broadcast %broadcast_in_dim3A_571 : i32 to vector<16xi32>
      %add3A_573 = arith.constant 18 : i32
      %add3A_574 = vector.broadcast %add3A_573 : i32 to vector<16xi32>
      %add3A_575 = arith.addi %mul3A_182, %add3A_574 : vector<16xi32>
      %gather3A_576 = tpu.vector_load_idx %arg17[%add3A_176, %add3A_575] : memref<128x128xf32, #tpu.memory_space<vmem>>[vector<16xi32>, vector<16xi32>], vector<16xf32>,
      tpu.vector_store_idx %arg23[%add3A_176, %broadcast_in_dim3A_572], %gather3A_576 : memref<128x128xf32, #tpu.memory_space<vmem>>[vector<16xi32>, vector<16xi32>], vector<16xf32>,
      %add3A_577 = arith.constant 32 : i32
      %add3A_578 = vector.broadcast %add3A_577 : i32 to vector<16xi32>
      %add3A_579 = arith.addi %broadcast_in_dim3A_572, %add3A_578 : vector<16xi32>
      %add3A_580 = arith.constant 18 : i32
      %add3A_581 = vector.broadcast %add3A_580 : i32 to vector<16xi32>
      %add3A_582 = arith.addi %mul3A_190, %add3A_581 : vector<16xi32>
      %gather3A_583 = tpu.vector_load_idx %arg19[%add3A_176, %add3A_582] : memref<128x128xf32, #tpu.memory_space<vmem>>[vector<16xi32>, vector<16xi32>], vector<16xf32>,
      tpu.vector_store_idx %arg23[%add3A_176, %add3A_579], %gather3A_583 : memref<128x128xf32, #tpu.memory_space<vmem>>[vector<16xi32>, vector<16xi32>], vector<16xf32>,
      %add3A_584 = arith.constant 64 : i32
      %add3A_585 = vector.broadcast %add3A_584 : i32 to vector<16xi32>
      %add3A_586 = arith.addi %broadcast_in_dim3A_572, %add3A_585 : vector<16xi32>
      %gather3A_587 = tpu.vector_load_idx %arg21[%get3A_192, %broadcast_in_dim3A_572] : memref<10x32xf32, #tpu.memory_space<vmem>>[vector<16xi32>, vector<16xi32>], vector<16xf32>,
      tpu.vector_store_idx %arg23[%add3A_176, %add3A_586], %gather3A_587 : memref<128x128xf32, #tpu.memory_space<vmem>>[vector<16xi32>, vector<16xi32>], vector<16xf32>,
      %add3A_588 = arith.constant 96 : i32
      %add3A_589 = vector.broadcast %add3A_588 : i32 to vector<16xi32>
      %add3A_590 = arith.addi %broadcast_in_dim3A_572, %add3A_589 : vector<16xi32>
      %gather3A_591 = tpu.vector_load_idx %arg22[%get3A_194, %broadcast_in_dim3A_572] : memref<250x32xf32, #tpu.memory_space<vmem>>[vector<16xi32>, vector<16xi32>], vector<16xf32>,
      tpu.vector_store_idx %arg23[%add3A_176, %add3A_590], %gather3A_591 : memref<128x128xf32, #tpu.memory_space<vmem>>[vector<16xi32>, vector<16xi32>], vector<16xf32>,
      %broadcast_in_dim3A_592 = arith.constant 19 : i32
      %broadcast_in_dim3A_593 = vector.broadcast %broadcast_in_dim3A_592 : i32 to vector<16xi32>
      %add3A_594 = arith.constant 19 : i32
      %add3A_595 = vector.broadcast %add3A_594 : i32 to vector<16xi32>
      %add3A_596 = arith.addi %mul3A_182, %add3A_595 : vector<16xi32>
      %gather3A_597 = tpu.vector_load_idx %arg17[%add3A_176, %add3A_596] : memref<128x128xf32, #tpu.memory_space<vmem>>[vector<16xi32>, vector<16xi32>], vector<16xf32>,
      tpu.vector_store_idx %arg23[%add3A_176, %broadcast_in_dim3A_593], %gather3A_597 : memref<128x128xf32, #tpu.memory_space<vmem>>[vector<16xi32>, vector<16xi32>], vector<16xf32>,
      %add3A_598 = arith.constant 32 : i32
      %add3A_599 = vector.broadcast %add3A_598 : i32 to vector<16xi32>
      %add3A_600 = arith.addi %broadcast_in_dim3A_593, %add3A_599 : vector<16xi32>
      %add3A_601 = arith.constant 19 : i32
      %add3A_602 = vector.broadcast %add3A_601 : i32 to vector<16xi32>
      %add3A_603 = arith.addi %mul3A_190, %add3A_602 : vector<16xi32>
      %gather3A_604 = tpu.vector_load_idx %arg19[%add3A_176, %add3A_603] : memref<128x128xf32, #tpu.memory_space<vmem>>[vector<16xi32>, vector<16xi32>], vector<16xf32>,
      tpu.vector_store_idx %arg23[%add3A_176, %add3A_600], %gather3A_604 : memref<128x128xf32, #tpu.memory_space<vmem>>[vector<16xi32>, vector<16xi32>], vector<16xf32>,
      %add3A_605 = arith.constant 64 : i32
      %add3A_606 = vector.broadcast %add3A_605 : i32 to vector<16xi32>
      %add3A_607 = arith.addi %broadcast_in_dim3A_593, %add3A_606 : vector<16xi32>
      %gather3A_608 = tpu.vector_load_idx %arg21[%get3A_192, %broadcast_in_dim3A_593] : memref<10x32xf32, #tpu.memory_space<vmem>>[vector<16xi32>, vector<16xi32>], vector<16xf32>,
      tpu.vector_store_idx %arg23[%add3A_176, %add3A_607], %gather3A_608 : memref<128x128xf32, #tpu.memory_space<vmem>>[vector<16xi32>, vector<16xi32>], vector<16xf32>,
      %add3A_609 = arith.constant 96 : i32
      %add3A_610 = vector.broadcast %add3A_609 : i32 to vector<16xi32>
      %add3A_611 = arith.addi %broadcast_in_dim3A_593, %add3A_610 : vector<16xi32>
      %gather3A_612 = tpu.vector_load_idx %arg22[%get3A_194, %broadcast_in_dim3A_593] : memref<250x32xf32, #tpu.memory_space<vmem>>[vector<16xi32>, vector<16xi32>], vector<16xf32>,
      tpu.vector_store_idx %arg23[%add3A_176, %add3A_611], %gather3A_612 : memref<128x128xf32, #tpu.memory_space<vmem>>[vector<16xi32>, vector<16xi32>], vector<16xf32>,
      %broadcast_in_dim3A_613 = arith.constant 20 : i32
      %broadcast_in_dim3A_614 = vector.broadcast %broadcast_in_dim3A_613 : i32 to vector<16xi32>
      %add3A_615 = arith.constant 20 : i32
      %add3A_616 = vector.broadcast %add3A_615 : i32 to vector<16xi32>
      %add3A_617 = arith.addi %mul3A_182, %add3A_616 : vector<16xi32>
      %gather3A_618 = tpu.vector_load_idx %arg17[%add3A_176, %add3A_617] : memref<128x128xf32, #tpu.memory_space<vmem>>[vector<16xi32>, vector<16xi32>], vector<16xf32>,
      tpu.vector_store_idx %arg23[%add3A_176, %broadcast_in_dim3A_614], %gather3A_618 : memref<128x128xf32, #tpu.memory_space<vmem>>[vector<16xi32>, vector<16xi32>], vector<16xf32>,
      %add3A_619 = arith.constant 32 : i32
      %add3A_620 = vector.broadcast %add3A_619 : i32 to vector<16xi32>
      %add3A_621 = arith.addi %broadcast_in_dim3A_614, %add3A_620 : vector<16xi32>
      %add3A_622 = arith.constant 20 : i32
      %add3A_623 = vector.broadcast %add3A_622 : i32 to vector<16xi32>
      %add3A_624 = arith.addi %mul3A_190, %add3A_623 : vector<16xi32>
      %gather3A_625 = tpu.vector_load_idx %arg19[%add3A_176, %add3A_624] : memref<128x128xf32, #tpu.memory_space<vmem>>[vector<16xi32>, vector<16xi32>], vector<16xf32>,
      tpu.vector_store_idx %arg23[%add3A_176, %add3A_621], %gather3A_625 : memref<128x128xf32, #tpu.memory_space<vmem>>[vector<16xi32>, vector<16xi32>], vector<16xf32>,
      %add3A_626 = arith.constant 64 : i32
      %add3A_627 = vector.broadcast %add3A_626 : i32 to vector<16xi32>
      %add3A_628 = arith.addi %broadcast_in_dim3A_614, %add3A_627 : vector<16xi32>
      %gather3A_629 = tpu.vector_load_idx %arg21[%get3A_192, %broadcast_in_dim3A_614] : memref<10x32xf32, #tpu.memory_space<vmem>>[vector<16xi32>, vector<16xi32>], vector<16xf32>,
      tpu.vector_store_idx %arg23[%add3A_176, %add3A_628], %gather3A_629 : memref<128x128xf32, #tpu.memory_space<vmem>>[vector<16xi32>, vector<16xi32>], vector<16xf32>,
      %add3A_630 = arith.constant 96 : i32
      %add3A_631 = vector.broadcast %add3A_630 : i32 to vector<16xi32>
      %add3A_632 = arith.addi %broadcast_in_dim3A_614, %add3A_631 : vector<16xi32>
      %gather3A_633 = tpu.vector_load_idx %arg22[%get3A_194, %broadcast_in_dim3A_614] : memref<250x32xf32, #tpu.memory_space<vmem>>[vector<16xi32>, vector<16xi32>], vector<16xf32>,
      tpu.vector_store_idx %arg23[%add3A_176, %add3A_632], %gather3A_633 : memref<128x128xf32, #tpu.memory_space<vmem>>[vector<16xi32>, vector<16xi32>], vector<16xf32>,
      %broadcast_in_dim3A_634 = arith.constant 21 : i32
      %broadcast_in_dim3A_635 = vector.broadcast %broadcast_in_dim3A_634 : i32 to vector<16xi32>
      %add3A_636 = arith.constant 21 : i32
      %add3A_637 = vector.broadcast %add3A_636 : i32 to vector<16xi32>
      %add3A_638 = arith.addi %mul3A_182, %add3A_637 : vector<16xi32>
      %gather3A_639 = tpu.vector_load_idx %arg17[%add3A_176, %add3A_638] : memref<128x128xf32, #tpu.memory_space<vmem>>[vector<16xi32>, vector<16xi32>], vector<16xf32>,
      tpu.vector_store_idx %arg23[%add3A_176, %broadcast_in_dim3A_635], %gather3A_639 : memref<128x128xf32, #tpu.memory_space<vmem>>[vector<16xi32>, vector<16xi32>], vector<16xf32>,
      %add3A_640 = arith.constant 32 : i32
      %add3A_641 = vector.broadcast %add3A_640 : i32 to vector<16xi32>
      %add3A_642 = arith.addi %broadcast_in_dim3A_635, %add3A_641 : vector<16xi32>
      %add3A_643 = arith.constant 21 : i32
      %add3A_644 = vector.broadcast %add3A_643 : i32 to vector<16xi32>
      %add3A_645 = arith.addi %mul3A_190, %add3A_644 : vector<16xi32>
      %gather3A_646 = tpu.vector_load_idx %arg19[%add3A_176, %add3A_645] : memref<128x128xf32, #tpu.memory_space<vmem>>[vector<16xi32>, vector<16xi32>], vector<16xf32>,
      tpu.vector_store_idx %arg23[%add3A_176, %add3A_642], %gather3A_646 : memref<128x128xf32, #tpu.memory_space<vmem>>[vector<16xi32>, vector<16xi32>], vector<16xf32>,
      %add3A_647 = arith.constant 64 : i32
      %add3A_648 = vector.broadcast %add3A_647 : i32 to vector<16xi32>
      %add3A_649 = arith.addi %broadcast_in_dim3A_635, %add3A_648 : vector<16xi32>
      %gather3A_650 = tpu.vector_load_idx %arg21[%get3A_192, %broadcast_in_dim3A_635] : memref<10x32xf32, #tpu.memory_space<vmem>>[vector<16xi32>, vector<16xi32>], vector<16xf32>,
      tpu.vector_store_idx %arg23[%add3A_176, %add3A_649], %gather3A_650 : memref<128x128xf32, #tpu.memory_space<vmem>>[vector<16xi32>, vector<16xi32>], vector<16xf32>,
      %add3A_651 = arith.constant 96 : i32
      %add3A_652 = vector.broadcast %add3A_651 : i32 to vector<16xi32>
      %add3A_653 = arith.addi %broadcast_in_dim3A_635, %add3A_652 : vector<16xi32>
      %gather3A_654 = tpu.vector_load_idx %arg22[%get3A_194, %broadcast_in_dim3A_635] : memref<250x32xf32, #tpu.memory_space<vmem>>[vector<16xi32>, vector<16xi32>], vector<16xf32>,
      tpu.vector_store_idx %arg23[%add3A_176, %add3A_653], %gather3A_654 : memref<128x128xf32, #tpu.memory_space<vmem>>[vector<16xi32>, vector<16xi32>], vector<16xf32>,
      %broadcast_in_dim3A_655 = arith.constant 22 : i32
      %broadcast_in_dim3A_656 = vector.broadcast %broadcast_in_dim3A_655 : i32 to vector<16xi32>
      %add3A_657 = arith.constant 22 : i32
      %add3A_658 = vector.broadcast %add3A_657 : i32 to vector<16xi32>
      %add3A_659 = arith.addi %mul3A_182, %add3A_658 : vector<16xi32>
      %gather3A_660 = tpu.vector_load_idx %arg17[%add3A_176, %add3A_659] : memref<128x128xf32, #tpu.memory_space<vmem>>[vector<16xi32>, vector<16xi32>], vector<16xf32>,
      tpu.vector_store_idx %arg23[%add3A_176, %broadcast_in_dim3A_656], %gather3A_660 : memref<128x128xf32, #tpu.memory_space<vmem>>[vector<16xi32>, vector<16xi32>], vector<16xf32>,
      %add3A_661 = arith.constant 32 : i32
      %add3A_662 = vector.broadcast %add3A_661 : i32 to vector<16xi32>
      %add3A_663 = arith.addi %broadcast_in_dim3A_656, %add3A_662 : vector<16xi32>
      %add3A_664 = arith.constant 22 : i32
      %add3A_665 = vector.broadcast %add3A_664 : i32 to vector<16xi32>
      %add3A_666 = arith.addi %mul3A_190, %add3A_665 : vector<16xi32>
      %gather3A_667 = tpu.vector_load_idx %arg19[%add3A_176, %add3A_666] : memref<128x128xf32, #tpu.memory_space<vmem>>[vector<16xi32>, vector<16xi32>], vector<16xf32>,
      tpu.vector_store_idx %arg23[%add3A_176, %add3A_663], %gather3A_667 : memref<128x128xf32, #tpu.memory_space<vmem>>[vector<16xi32>, vector<16xi32>], vector<16xf32>,
      %add3A_668 = arith.constant 64 : i32
      %add3A_669 = vector.broadcast %add3A_668 : i32 to vector<16xi32>
      %add3A_670 = arith.addi %broadcast_in_dim3A_656, %add3A_669 : vector<16xi32>
      %gather3A_671 = tpu.vector_load_idx %arg21[%get3A_192, %broadcast_in_dim3A_656] : memref<10x32xf32, #tpu.memory_space<vmem>>[vector<16xi32>, vector<16xi32>], vector<16xf32>,
      tpu.vector_store_idx %arg23[%add3A_176, %add3A_670], %gather3A_671 : memref<128x128xf32, #tpu.memory_space<vmem>>[vector<16xi32>, vector<16xi32>], vector<16xf32>,
      %add3A_672 = arith.constant 96 : i32
      %add3A_673 = vector.broadcast %add3A_672 : i32 to vector<16xi32>
      %add3A_674 = arith.addi %broadcast_in_dim3A_656, %add3A_673 : vector<16xi32>
      %gather3A_675 = tpu.vector_load_idx %arg22[%get3A_194, %broadcast_in_dim3A_656] : memref<250x32xf32, #tpu.memory_space<vmem>>[vector<16xi32>, vector<16xi32>], vector<16xf32>,
      tpu.vector_store_idx %arg23[%add3A_176, %add3A_674], %gather3A_675 : memref<128x128xf32, #tpu.memory_space<vmem>>[vector<16xi32>, vector<16xi32>], vector<16xf32>,
      %broadcast_in_dim3A_676 = arith.constant 23 : i32
      %broadcast_in_dim3A_677 = vector.broadcast %broadcast_in_dim3A_676 : i32 to vector<16xi32>
      %add3A_678 = arith.constant 23 : i32
      %add3A_679 = vector.broadcast %add3A_678 : i32 to vector<16xi32>
      %add3A_680 = arith.addi %mul3A_182, %add3A_679 : vector<16xi32>
      %gather3A_681 = tpu.vector_load_idx %arg17[%add3A_176, %add3A_680] : memref<128x128xf32, #tpu.memory_space<vmem>>[vector<16xi32>, vector<16xi32>], vector<16xf32>,
      tpu.vector_store_idx %arg23[%add3A_176, %broadcast_in_dim3A_677], %gather3A_681 : memref<128x128xf32, #tpu.memory_space<vmem>>[vector<16xi32>, vector<16xi32>], vector<16xf32>,
      %add3A_682 = arith.constant 32 : i32
      %add3A_683 = vector.broadcast %add3A_682 : i32 to vector<16xi32>
      %add3A_684 = arith.addi %broadcast_in_dim3A_677, %add3A_683 : vector<16xi32>
      %add3A_685 = arith.constant 23 : i32
      %add3A_686 = vector.broadcast %add3A_685 : i32 to vector<16xi32>
      %add3A_687 = arith.addi %mul3A_190, %add3A_686 : vector<16xi32>
      %gather3A_688 = tpu.vector_load_idx %arg19[%add3A_176, %add3A_687] : memref<128x128xf32, #tpu.memory_space<vmem>>[vector<16xi32>, vector<16xi32>], vector<16xf32>,
      tpu.vector_store_idx %arg23[%add3A_176, %add3A_684], %gather3A_688 : memref<128x128xf32, #tpu.memory_space<vmem>>[vector<16xi32>, vector<16xi32>], vector<16xf32>,
      %add3A_689 = arith.constant 64 : i32
      %add3A_690 = vector.broadcast %add3A_689 : i32 to vector<16xi32>
      %add3A_691 = arith.addi %broadcast_in_dim3A_677, %add3A_690 : vector<16xi32>
      %gather3A_692 = tpu.vector_load_idx %arg21[%get3A_192, %broadcast_in_dim3A_677] : memref<10x32xf32, #tpu.memory_space<vmem>>[vector<16xi32>, vector<16xi32>], vector<16xf32>,
      tpu.vector_store_idx %arg23[%add3A_176, %add3A_691], %gather3A_692 : memref<128x128xf32, #tpu.memory_space<vmem>>[vector<16xi32>, vector<16xi32>], vector<16xf32>,
      %add3A_693 = arith.constant 96 : i32
      %add3A_694 = vector.broadcast %add3A_693 : i32 to vector<16xi32>
      %add3A_695 = arith.addi %broadcast_in_dim3A_677, %add3A_694 : vector<16xi32>
      %gather3A_696 = tpu.vector_load_idx %arg22[%get3A_194, %broadcast_in_dim3A_677] : memref<250x32xf32, #tpu.memory_space<vmem>>[vector<16xi32>, vector<16xi32>], vector<16xf32>,
      tpu.vector_store_idx %arg23[%add3A_176, %add3A_695], %gather3A_696 : memref<128x128xf32, #tpu.memory_space<vmem>>[vector<16xi32>, vector<16xi32>], vector<16xf32>,
      %broadcast_in_dim3A_697 = arith.constant 24 : i32
      %broadcast_in_dim3A_698 = vector.broadcast %broadcast_in_dim3A_697 : i32 to vector<16xi32>
      %add3A_699 = arith.constant 24 : i32
      %add3A_700 = vector.broadcast %add3A_699 : i32 to vector<16xi32>
      %add3A_701 = arith.addi %mul3A_182, %add3A_700 : vector<16xi32>
      %gather3A_702 = tpu.vector_load_idx %arg17[%add3A_176, %add3A_701] : memref<128x128xf32, #tpu.memory_space<vmem>>[vector<16xi32>, vector<16xi32>], vector<16xf32>,
      tpu.vector_store_idx %arg23[%add3A_176, %broadcast_in_dim3A_698], %gather3A_702 : memref<128x128xf32, #tpu.memory_space<vmem>>[vector<16xi32>, vector<16xi32>], vector<16xf32>,
      %add3A_703 = arith.constant 32 : i32
      %add3A_704 = vector.broadcast %add3A_703 : i32 to vector<16xi32>
      %add3A_705 = arith.addi %broadcast_in_dim3A_698, %add3A_704 : vector<16xi32>
      %add3A_706 = arith.constant 24 : i32
      %add3A_707 = vector.broadcast %add3A_706 : i32 to vector<16xi32>
      %add3A_708 = arith.addi %mul3A_190, %add3A_707 : vector<16xi32>
      %gather3A_709 = tpu.vector_load_idx %arg19[%add3A_176, %add3A_708] : memref<128x128xf32, #tpu.memory_space<vmem>>[vector<16xi32>, vector<16xi32>], vector<16xf32>,
      tpu.vector_store_idx %arg23[%add3A_176, %add3A_705], %gather3A_709 : memref<128x128xf32, #tpu.memory_space<vmem>>[vector<16xi32>, vector<16xi32>], vector<16xf32>,
      %add3A_710 = arith.constant 64 : i32
      %add3A_711 = vector.broadcast %add3A_710 : i32 to vector<16xi32>
      %add3A_712 = arith.addi %broadcast_in_dim3A_698, %add3A_711 : vector<16xi32>
      %gather3A_713 = tpu.vector_load_idx %arg21[%get3A_192, %broadcast_in_dim3A_698] : memref<10x32xf32, #tpu.memory_space<vmem>>[vector<16xi32>, vector<16xi32>], vector<16xf32>,
      tpu.vector_store_idx %arg23[%add3A_176, %add3A_712], %gather3A_713 : memref<128x128xf32, #tpu.memory_space<vmem>>[vector<16xi32>, vector<16xi32>], vector<16xf32>,
      %add3A_714 = arith.constant 96 : i32
      %add3A_715 = vector.broadcast %add3A_714 : i32 to vector<16xi32>
      %add3A_716 = arith.addi %broadcast_in_dim3A_698, %add3A_715 : vector<16xi32>
      %gather3A_717 = tpu.vector_load_idx %arg22[%get3A_194, %broadcast_in_dim3A_698] : memref<250x32xf32, #tpu.memory_space<vmem>>[vector<16xi32>, vector<16xi32>], vector<16xf32>,
      tpu.vector_store_idx %arg23[%add3A_176, %add3A_716], %gather3A_717 : memref<128x128xf32, #tpu.memory_space<vmem>>[vector<16xi32>, vector<16xi32>], vector<16xf32>,
      %broadcast_in_dim3A_718 = arith.constant 25 : i32
      %broadcast_in_dim3A_719 = vector.broadcast %broadcast_in_dim3A_718 : i32 to vector<16xi32>
      %add3A_720 = arith.constant 25 : i32
      %add3A_721 = vector.broadcast %add3A_720 : i32 to vector<16xi32>
      %add3A_722 = arith.addi %mul3A_182, %add3A_721 : vector<16xi32>
      %gather3A_723 = tpu.vector_load_idx %arg17[%add3A_176, %add3A_722] : memref<128x128xf32, #tpu.memory_space<vmem>>[vector<16xi32>, vector<16xi32>], vector<16xf32>,
      tpu.vector_store_idx %arg23[%add3A_176, %broadcast_in_dim3A_719], %gather3A_723 : memref<128x128xf32, #tpu.memory_space<vmem>>[vector<16xi32>, vector<16xi32>], vector<16xf32>,
      %add3A_724 = arith.constant 32 : i32
      %add3A_725 = vector.broadcast %add3A_724 : i32 to vector<16xi32>
      %add3A_726 = arith.addi %broadcast_in_dim3A_719, %add3A_725 : vector<16xi32>
      %add3A_727 = arith.constant 25 : i32
      %add3A_728 = vector.broadcast %add3A_727 : i32 to vector<16xi32>
      %add3A_729 = arith.addi %mul3A_190, %add3A_728 : vector<16xi32>
      %gather3A_730 = tpu.vector_load_idx %arg19[%add3A_176, %add3A_729] : memref<128x128xf32, #tpu.memory_space<vmem>>[vector<16xi32>, vector<16xi32>], vector<16xf32>,
      tpu.vector_store_idx %arg23[%add3A_176, %add3A_726], %gather3A_730 : memref<128x128xf32, #tpu.memory_space<vmem>>[vector<16xi32>, vector<16xi32>], vector<16xf32>,
      %add3A_731 = arith.constant 64 : i32
      %add3A_732 = vector.broadcast %add3A_731 : i32 to vector<16xi32>
      %add3A_733 = arith.addi %broadcast_in_dim3A_719, %add3A_732 : vector<16xi32>
      %gather3A_734 = tpu.vector_load_idx %arg21[%get3A_192, %broadcast_in_dim3A_719] : memref<10x32xf32, #tpu.memory_space<vmem>>[vector<16xi32>, vector<16xi32>], vector<16xf32>,
      tpu.vector_store_idx %arg23[%add3A_176, %add3A_733], %gather3A_734 : memref<128x128xf32, #tpu.memory_space<vmem>>[vector<16xi32>, vector<16xi32>], vector<16xf32>,
      %add3A_735 = arith.constant 96 : i32
      %add3A_736 = vector.broadcast %add3A_735 : i32 to vector<16xi32>
      %add3A_737 = arith.addi %broadcast_in_dim3A_719, %add3A_736 : vector<16xi32>
      %gather3A_738 = tpu.vector_load_idx %arg22[%get3A_194, %broadcast_in_dim3A_719] : memref<250x32xf32, #tpu.memory_space<vmem>>[vector<16xi32>, vector<16xi32>], vector<16xf32>,
      tpu.vector_store_idx %arg23[%add3A_176, %add3A_737], %gather3A_738 : memref<128x128xf32, #tpu.memory_space<vmem>>[vector<16xi32>, vector<16xi32>], vector<16xf32>,
      %broadcast_in_dim3A_739 = arith.constant 26 : i32
      %broadcast_in_dim3A_740 = vector.broadcast %broadcast_in_dim3A_739 : i32 to vector<16xi32>
      %add3A_741 = arith.constant 26 : i32
      %add3A_742 = vector.broadcast %add3A_741 : i32 to vector<16xi32>
      %add3A_743 = arith.addi %mul3A_182, %add3A_742 : vector<16xi32>
      %gather3A_744 = tpu.vector_load_idx %arg17[%add3A_176, %add3A_743] : memref<128x128xf32, #tpu.memory_space<vmem>>[vector<16xi32>, vector<16xi32>], vector<16xf32>,
      tpu.vector_store_idx %arg23[%add3A_176, %broadcast_in_dim3A_740], %gather3A_744 : memref<128x128xf32, #tpu.memory_space<vmem>>[vector<16xi32>, vector<16xi32>], vector<16xf32>,
      %add3A_745 = arith.constant 32 : i32
      %add3A_746 = vector.broadcast %add3A_745 : i32 to vector<16xi32>
      %add3A_747 = arith.addi %broadcast_in_dim3A_740, %add3A_746 : vector<16xi32>
      %add3A_748 = arith.constant 26 : i32
      %add3A_749 = vector.broadcast %add3A_748 : i32 to vector<16xi32>
      %add3A_750 = arith.addi %mul3A_190, %add3A_749 : vector<16xi32>
      %gather3A_751 = tpu.vector_load_idx %arg19[%add3A_176, %add3A_750] : memref<128x128xf32, #tpu.memory_space<vmem>>[vector<16xi32>, vector<16xi32>], vector<16xf32>,
      tpu.vector_store_idx %arg23[%add3A_176, %add3A_747], %gather3A_751 : memref<128x128xf32, #tpu.memory_space<vmem>>[vector<16xi32>, vector<16xi32>], vector<16xf32>,
      %add3A_752 = arith.constant 64 : i32
      %add3A_753 = vector.broadcast %add3A_752 : i32 to vector<16xi32>
      %add3A_754 = arith.addi %broadcast_in_dim3A_740, %add3A_753 : vector<16xi32>
      %gather3A_755 = tpu.vector_load_idx %arg21[%get3A_192, %broadcast_in_dim3A_740] : memref<10x32xf32, #tpu.memory_space<vmem>>[vector<16xi32>, vector<16xi32>], vector<16xf32>,
      tpu.vector_store_idx %arg23[%add3A_176, %add3A_754], %gather3A_755 : memref<128x128xf32, #tpu.memory_space<vmem>>[vector<16xi32>, vector<16xi32>], vector<16xf32>,
      %add3A_756 = arith.constant 96 : i32
      %add3A_757 = vector.broadcast %add3A_756 : i32 to vector<16xi32>
      %add3A_758 = arith.addi %broadcast_in_dim3A_740, %add3A_757 : vector<16xi32>
      %gather3A_759 = tpu.vector_load_idx %arg22[%get3A_194, %broadcast_in_dim3A_740] : memref<250x32xf32, #tpu.memory_space<vmem>>[vector<16xi32>, vector<16xi32>], vector<16xf32>,
      tpu.vector_store_idx %arg23[%add3A_176, %add3A_758], %gather3A_759 : memref<128x128xf32, #tpu.memory_space<vmem>>[vector<16xi32>, vector<16xi32>], vector<16xf32>,
      %broadcast_in_dim3A_760 = arith.constant 27 : i32
      %broadcast_in_dim3A_761 = vector.broadcast %broadcast_in_dim3A_760 : i32 to vector<16xi32>
      %add3A_762 = arith.constant 27 : i32
      %add3A_763 = vector.broadcast %add3A_762 : i32 to vector<16xi32>
      %add3A_764 = arith.addi %mul3A_182, %add3A_763 : vector<16xi32>
      %gather3A_765 = tpu.vector_load_idx %arg17[%add3A_176, %add3A_764] : memref<128x128xf32, #tpu.memory_space<vmem>>[vector<16xi32>, vector<16xi32>], vector<16xf32>,
      tpu.vector_store_idx %arg23[%add3A_176, %broadcast_in_dim3A_761], %gather3A_765 : memref<128x128xf32, #tpu.memory_space<vmem>>[vector<16xi32>, vector<16xi32>], vector<16xf32>,
      %add3A_766 = arith.constant 32 : i32
      %add3A_767 = vector.broadcast %add3A_766 : i32 to vector<16xi32>
      %add3A_768 = arith.addi %broadcast_in_dim3A_761, %add3A_767 : vector<16xi32>
      %add3A_769 = arith.constant 27 : i32
      %add3A_770 = vector.broadcast %add3A_769 : i32 to vector<16xi32>
      %add3A_771 = arith.addi %mul3A_190, %add3A_770 : vector<16xi32>
      %gather3A_772 = tpu.vector_load_idx %arg19[%add3A_176, %add3A_771] : memref<128x128xf32, #tpu.memory_space<vmem>>[vector<16xi32>, vector<16xi32>], vector<16xf32>,
      tpu.vector_store_idx %arg23[%add3A_176, %add3A_768], %gather3A_772 : memref<128x128xf32, #tpu.memory_space<vmem>>[vector<16xi32>, vector<16xi32>], vector<16xf32>,
      %add3A_773 = arith.constant 64 : i32
      %add3A_774 = vector.broadcast %add3A_773 : i32 to vector<16xi32>
      %add3A_775 = arith.addi %broadcast_in_dim3A_761, %add3A_774 : vector<16xi32>
      %gather3A_776 = tpu.vector_load_idx %arg21[%get3A_192, %broadcast_in_dim3A_761] : memref<10x32xf32, #tpu.memory_space<vmem>>[vector<16xi32>, vector<16xi32>], vector<16xf32>,
      tpu.vector_store_idx %arg23[%add3A_176, %add3A_775], %gather3A_776 : memref<128x128xf32, #tpu.memory_space<vmem>>[vector<16xi32>, vector<16xi32>], vector<16xf32>,
      %add3A_777 = arith.constant 96 : i32
      %add3A_778 = vector.broadcast %add3A_777 : i32 to vector<16xi32>
      %add3A_779 = arith.addi %broadcast_in_dim3A_761, %add3A_778 : vector<16xi32>
      %gather3A_780 = tpu.vector_load_idx %arg22[%get3A_194, %broadcast_in_dim3A_761] : memref<250x32xf32, #tpu.memory_space<vmem>>[vector<16xi32>, vector<16xi32>], vector<16xf32>,
      tpu.vector_store_idx %arg23[%add3A_176, %add3A_779], %gather3A_780 : memref<128x128xf32, #tpu.memory_space<vmem>>[vector<16xi32>, vector<16xi32>], vector<16xf32>,
      %broadcast_in_dim3A_781 = arith.constant 28 : i32
      %broadcast_in_dim3A_782 = vector.broadcast %broadcast_in_dim3A_781 : i32 to vector<16xi32>
      %add3A_783 = arith.constant 28 : i32
      %add3A_784 = vector.broadcast %add3A_783 : i32 to vector<16xi32>
      %add3A_785 = arith.addi %mul3A_182, %add3A_784 : vector<16xi32>
      %gather3A_786 = tpu.vector_load_idx %arg17[%add3A_176, %add3A_785] : memref<128x128xf32, #tpu.memory_space<vmem>>[vector<16xi32>, vector<16xi32>], vector<16xf32>,
      tpu.vector_store_idx %arg23[%add3A_176, %broadcast_in_dim3A_782], %gather3A_786 : memref<128x128xf32, #tpu.memory_space<vmem>>[vector<16xi32>, vector<16xi32>], vector<16xf32>,
      %add3A_787 = arith.constant 32 : i32
      %add3A_788 = vector.broadcast %add3A_787 : i32 to vector<16xi32>
      %add3A_789 = arith.addi %broadcast_in_dim3A_782, %add3A_788 : vector<16xi32>
      %add3A_790 = arith.constant 28 : i32
      %add3A_791 = vector.broadcast %add3A_790 : i32 to vector<16xi32>
      %add3A_792 = arith.addi %mul3A_190, %add3A_791 : vector<16xi32>
      %gather3A_793 = tpu.vector_load_idx %arg19[%add3A_176, %add3A_792] : memref<128x128xf32, #tpu.memory_space<vmem>>[vector<16xi32>, vector<16xi32>], vector<16xf32>,
      tpu.vector_store_idx %arg23[%add3A_176, %add3A_789], %gather3A_793 : memref<128x128xf32, #tpu.memory_space<vmem>>[vector<16xi32>, vector<16xi32>], vector<16xf32>,
      %add3A_794 = arith.constant 64 : i32
      %add3A_795 = vector.broadcast %add3A_794 : i32 to vector<16xi32>
      %add3A_796 = arith.addi %broadcast_in_dim3A_782, %add3A_795 : vector<16xi32>
      %gather3A_797 = tpu.vector_load_idx %arg21[%get3A_192, %broadcast_in_dim3A_782] : memref<10x32xf32, #tpu.memory_space<vmem>>[vector<16xi32>, vector<16xi32>], vector<16xf32>,
      tpu.vector_store_idx %arg23[%add3A_176, %add3A_796], %gather3A_797 : memref<128x128xf32, #tpu.memory_space<vmem>>[vector<16xi32>, vector<16xi32>], vector<16xf32>,
      %add3A_798 = arith.constant 96 : i32
      %add3A_799 = vector.broadcast %add3A_798 : i32 to vector<16xi32>
      %add3A_800 = arith.addi %broadcast_in_dim3A_782, %add3A_799 : vector<16xi32>
      %gather3A_801 = tpu.vector_load_idx %arg22[%get3A_194, %broadcast_in_dim3A_782] : memref<250x32xf32, #tpu.memory_space<vmem>>[vector<16xi32>, vector<16xi32>], vector<16xf32>,
      tpu.vector_store_idx %arg23[%add3A_176, %add3A_800], %gather3A_801 : memref<128x128xf32, #tpu.memory_space<vmem>>[vector<16xi32>, vector<16xi32>], vector<16xf32>,
      %broadcast_in_dim3A_802 = arith.constant 29 : i32
      %broadcast_in_dim3A_803 = vector.broadcast %broadcast_in_dim3A_802 : i32 to vector<16xi32>
      %add3A_804 = arith.constant 29 : i32
      %add3A_805 = vector.broadcast %add3A_804 : i32 to vector<16xi32>
      %add3A_806 = arith.addi %mul3A_182, %add3A_805 : vector<16xi32>
      %gather3A_807 = tpu.vector_load_idx %arg17[%add3A_176, %add3A_806] : memref<128x128xf32, #tpu.memory_space<vmem>>[vector<16xi32>, vector<16xi32>], vector<16xf32>,
      tpu.vector_store_idx %arg23[%add3A_176, %broadcast_in_dim3A_803], %gather3A_807 : memref<128x128xf32, #tpu.memory_space<vmem>>[vector<16xi32>, vector<16xi32>], vector<16xf32>,
      %add3A_808 = arith.constant 32 : i32
      %add3A_809 = vector.broadcast %add3A_808 : i32 to vector<16xi32>
      %add3A_810 = arith.addi %broadcast_in_dim3A_803, %add3A_809 : vector<16xi32>
      %add3A_811 = arith.constant 29 : i32
      %add3A_812 = vector.broadcast %add3A_811 : i32 to vector<16xi32>
      %add3A_813 = arith.addi %mul3A_190, %add3A_812 : vector<16xi32>
      %gather3A_814 = tpu.vector_load_idx %arg19[%add3A_176, %add3A_813] : memref<128x128xf32, #tpu.memory_space<vmem>>[vector<16xi32>, vector<16xi32>], vector<16xf32>,
      tpu.vector_store_idx %arg23[%add3A_176, %add3A_810], %gather3A_814 : memref<128x128xf32, #tpu.memory_space<vmem>>[vector<16xi32>, vector<16xi32>], vector<16xf32>,
      %add3A_815 = arith.constant 64 : i32
      %add3A_816 = vector.broadcast %add3A_815 : i32 to vector<16xi32>
      %add3A_817 = arith.addi %broadcast_in_dim3A_803, %add3A_816 : vector<16xi32>
      %gather3A_818 = tpu.vector_load_idx %arg21[%get3A_192, %broadcast_in_dim3A_803] : memref<10x32xf32, #tpu.memory_space<vmem>>[vector<16xi32>, vector<16xi32>], vector<16xf32>,
      tpu.vector_store_idx %arg23[%add3A_176, %add3A_817], %gather3A_818 : memref<128x128xf32, #tpu.memory_space<vmem>>[vector<16xi32>, vector<16xi32>], vector<16xf32>,
      %add3A_819 = arith.constant 96 : i32
      %add3A_820 = vector.broadcast %add3A_819 : i32 to vector<16xi32>
      %add3A_821 = arith.addi %broadcast_in_dim3A_803, %add3A_820 : vector<16xi32>
      %gather3A_822 = tpu.vector_load_idx %arg22[%get3A_194, %broadcast_in_dim3A_803] : memref<250x32xf32, #tpu.memory_space<vmem>>[vector<16xi32>, vector<16xi32>], vector<16xf32>,
      tpu.vector_store_idx %arg23[%add3A_176, %add3A_821], %gather3A_822 : memref<128x128xf32, #tpu.memory_space<vmem>>[vector<16xi32>, vector<16xi32>], vector<16xf32>,
      %broadcast_in_dim3A_823 = arith.constant 30 : i32
      %broadcast_in_dim3A_824 = vector.broadcast %broadcast_in_dim3A_823 : i32 to vector<16xi32>
      %add3A_825 = arith.constant 30 : i32
      %add3A_826 = vector.broadcast %add3A_825 : i32 to vector<16xi32>
      %add3A_827 = arith.addi %mul3A_182, %add3A_826 : vector<16xi32>
      %gather3A_828 = tpu.vector_load_idx %arg17[%add3A_176, %add3A_827] : memref<128x128xf32, #tpu.memory_space<vmem>>[vector<16xi32>, vector<16xi32>], vector<16xf32>,
      tpu.vector_store_idx %arg23[%add3A_176, %broadcast_in_dim3A_824], %gather3A_828 : memref<128x128xf32, #tpu.memory_space<vmem>>[vector<16xi32>, vector<16xi32>], vector<16xf32>,
      %add3A_829 = arith.constant 32 : i32
      %add3A_830 = vector.broadcast %add3A_829 : i32 to vector<16xi32>
      %add3A_831 = arith.addi %broadcast_in_dim3A_824, %add3A_830 : vector<16xi32>
      %add3A_832 = arith.constant 30 : i32
      %add3A_833 = vector.broadcast %add3A_832 : i32 to vector<16xi32>
      %add3A_834 = arith.addi %mul3A_190, %add3A_833 : vector<16xi32>
      %gather3A_835 = tpu.vector_load_idx %arg19[%add3A_176, %add3A_834] : memref<128x128xf32, #tpu.memory_space<vmem>>[vector<16xi32>, vector<16xi32>], vector<16xf32>,
      tpu.vector_store_idx %arg23[%add3A_176, %add3A_831], %gather3A_835 : memref<128x128xf32, #tpu.memory_space<vmem>>[vector<16xi32>, vector<16xi32>], vector<16xf32>,
      %add3A_836 = arith.constant 64 : i32
      %add3A_837 = vector.broadcast %add3A_836 : i32 to vector<16xi32>
      %add3A_838 = arith.addi %broadcast_in_dim3A_824, %add3A_837 : vector<16xi32>
      %gather3A_839 = tpu.vector_load_idx %arg21[%get3A_192, %broadcast_in_dim3A_824] : memref<10x32xf32, #tpu.memory_space<vmem>>[vector<16xi32>, vector<16xi32>], vector<16xf32>,
      tpu.vector_store_idx %arg23[%add3A_176, %add3A_838], %gather3A_839 : memref<128x128xf32, #tpu.memory_space<vmem>>[vector<16xi32>, vector<16xi32>], vector<16xf32>,
      %add3A_840 = arith.constant 96 : i32
      %add3A_841 = vector.broadcast %add3A_840 : i32 to vector<16xi32>
      %add3A_842 = arith.addi %broadcast_in_dim3A_824, %add3A_841 : vector<16xi32>
      %gather3A_843 = tpu.vector_load_idx %arg22[%get3A_194, %broadcast_in_dim3A_824] : memref<250x32xf32, #tpu.memory_space<vmem>>[vector<16xi32>, vector<16xi32>], vector<16xf32>,
      tpu.vector_store_idx %arg23[%add3A_176, %add3A_842], %gather3A_843 : memref<128x128xf32, #tpu.memory_space<vmem>>[vector<16xi32>, vector<16xi32>], vector<16xf32>,
      %broadcast_in_dim3A_844 = arith.constant 31 : i32
      %broadcast_in_dim3A_845 = vector.broadcast %broadcast_in_dim3A_844 : i32 to vector<16xi32>
      %add3A_846 = arith.constant 31 : i32
      %add3A_847 = vector.broadcast %add3A_846 : i32 to vector<16xi32>
      %add3A_848 = arith.addi %mul3A_182, %add3A_847 : vector<16xi32>
      %gather3A_849 = tpu.vector_load_idx %arg17[%add3A_176, %add3A_848] : memref<128x128xf32, #tpu.memory_space<vmem>>[vector<16xi32>, vector<16xi32>], vector<16xf32>,
      tpu.vector_store_idx %arg23[%add3A_176, %broadcast_in_dim3A_845], %gather3A_849 : memref<128x128xf32, #tpu.memory_space<vmem>>[vector<16xi32>, vector<16xi32>], vector<16xf32>,
      %add3A_850 = arith.constant 32 : i32
      %add3A_851 = vector.broadcast %add3A_850 : i32 to vector<16xi32>
      %add3A_852 = arith.addi %broadcast_in_dim3A_845, %add3A_851 : vector<16xi32>
      %add3A_853 = arith.constant 31 : i32
      %add3A_854 = vector.broadcast %add3A_853 : i32 to vector<16xi32>
      %add3A_855 = arith.addi %mul3A_190, %add3A_854 : vector<16xi32>
      %gather3A_856 = tpu.vector_load_idx %arg19[%add3A_176, %add3A_855] : memref<128x128xf32, #tpu.memory_space<vmem>>[vector<16xi32>, vector<16xi32>], vector<16xf32>,
      tpu.vector_store_idx %arg23[%add3A_176, %add3A_852], %gather3A_856 : memref<128x128xf32, #tpu.memory_space<vmem>>[vector<16xi32>, vector<16xi32>], vector<16xf32>,
      %add3A_857 = arith.constant 64 : i32
      %add3A_858 = vector.broadcast %add3A_857 : i32 to vector<16xi32>
      %add3A_859 = arith.addi %broadcast_in_dim3A_845, %add3A_858 : vector<16xi32>
      %gather3A_860 = tpu.vector_load_idx %arg21[%get3A_192, %broadcast_in_dim3A_845] : memref<10x32xf32, #tpu.memory_space<vmem>>[vector<16xi32>, vector<16xi32>], vector<16xf32>,
      tpu.vector_store_idx %arg23[%add3A_176, %add3A_859], %gather3A_860 : memref<128x128xf32, #tpu.memory_space<vmem>>[vector<16xi32>, vector<16xi32>], vector<16xf32>,
      %add3A_861 = arith.constant 96 : i32
      %add3A_862 = vector.broadcast %add3A_861 : i32 to vector<16xi32>
      %add3A_863 = arith.addi %broadcast_in_dim3A_845, %add3A_862 : vector<16xi32>
      %gather3A_864 = tpu.vector_load_idx %arg22[%get3A_194, %broadcast_in_dim3A_845] : memref<250x32xf32, #tpu.memory_space<vmem>>[vector<16xi32>, vector<16xi32>], vector<16xf32>,
      tpu.vector_store_idx %arg23[%add3A_176, %add3A_863], %gather3A_864 : memref<128x128xf32, #tpu.memory_space<vmem>>[vector<16xi32>, vector<16xi32>], vector<16xf32>,
    }
    %scan3A_71 = arith.constant 8 : i32
    %add3A_72 = arith.constant 0 : i32
    %add3A_73 = arith.addi %mul3A_2, %add3A_72 : i32
    "tpu.region"() ({
      %run_scoped3A = tpu.sem_alloc : memref<!tpu.dma_semaphore, #tpu.memory_space<semaphore_mem>>
      %dma_start3A_168 = arith.constant 0 : i32
      %dma_start3A_169 = tpu.memref_slice %arg10[%add3A_73, %dma_start3A_168] : memref<16384x128xf32, #tpu.memory_space<hbm>> -> memref<128x128xf32, #tpu.memory_space<hbm>>
      %dma_start3A_170 = arith.constant 0 : i32
      %dma_start3A_171 = tpu.memref_slice %arg10[%add3A_73, %dma_start3A_170] : memref<16384x128xf32, #tpu.memory_space<hbm>> -> memref<128x128xf32, #tpu.memory_space<hbm>>
      tpu.enqueue_dma source(%arg23 : memref<128x128xf32, #tpu.memory_space<vmem>>) target(%dma_start3A_171 : memref<128x128xf32, #tpu.memory_space<hbm>>) target_semaphore(%run_scoped3A : memref<!tpu.dma_semaphore, #tpu.memory_space<semaphore_mem>>)
      %dma_wait3A_172 = arith.constant 0 : i32
      %dma_wait3A_173 = tpu.memref_slice %arg10[%add3A_73, %dma_wait3A_172] : memref<16384x128xf32, #tpu.memory_space<hbm>> -> memref<128x128xf32, #tpu.memory_space<hbm>>
      %dma_wait3A_174 = arith.constant 0 : i32
      %dma_wait3A_175 = tpu.memref_slice %arg10[%add3A_73, %dma_wait3A_174] : memref<16384x128xf32, #tpu.memory_space<hbm>> -> memref<128x128xf32, #tpu.memory_space<hbm>>
      tpu.wait_dma2 semaphore(%run_scoped3A : memref<!tpu.dma_semaphore, #tpu.memory_space<semaphore_mem>>) src(%arg23 : memref<128x128xf32, #tpu.memory_space<vmem>>) dst(%dma_wait3A_175 : memref<128x128xf32, #tpu.memory_space<hbm>>)
      tpu.yield
    }) : () -> ()
    %dma_start3A_74 = arith.constant 2 : i32
    %dma_start3A_75 = arith.constant 0 : i32
    %dma_start3A_76 = tpu.memref_slice %arg15[%dma_start3A_74, %dma_start3A_75] : memref<4x128xi32, #tpu.memory_space<vmem>> -> memref<1x128xi32, #tpu.memory_space<vmem>>
    %dma_start3A_77 = tpu.memref_squeeze %dma_start3A_76 : memref<1x128xi32, #tpu.memory_space<vmem>> -> memref<128xi32, #tpu.memory_space<vmem>>
    %dma_start3A_78 = arith.constant 0 : i32
    %dma_start3A_79 = arith.constant 0 : i32
    %dma_start3A_80 = tpu.memref_slice %arg6[%dma_start3A_78, %dma_start3A_79] : memref<250000x128xf32, #tpu.memory_space<hbm>> -> memref<250000x128xf32, #tpu.memory_space<hbm>>
    tpu.enqueue_indirect_dma source(%dma_start3A_80 : memref<250000x128xf32, #tpu.memory_space<hbm>>) target(%arg17 : memref<128x128xf32, #tpu.memory_space<vmem>>) offsets(%dma_start3A_77 : memref<128xi32, #tpu.memory_space<vmem>>) semaphore(%arg24 : memref<!tpu.dma_semaphore, #tpu.memory_space<semaphore_mem>>)
    %dma_start3A_81 = arith.constant 2 : i32
    %dma_start3A_82 = arith.constant 0 : i32
    %dma_start3A_83 = tpu.memref_slice %arg16[%dma_start3A_81, %dma_start3A_82] : memref<4x128xi32, #tpu.memory_space<vmem>> -> memref<1x128xi32, #tpu.memory_space<vmem>>
    %dma_start3A_84 = tpu.memref_squeeze %dma_start3A_83 : memref<1x128xi32, #tpu.memory_space<vmem>> -> memref<128xi32, #tpu.memory_space<vmem>>
    %dma_start3A_85 = arith.constant 0 : i32
    %dma_start3A_86 = arith.constant 0 : i32
    %dma_start3A_87 = tpu.memref_slice %arg7[%dma_start3A_85, %dma_start3A_86] : memref<25000x128xf32, #tpu.memory_space<hbm>> -> memref<25000x128xf32, #tpu.memory_space<hbm>>
    tpu.enqueue_indirect_dma source(%dma_start3A_87 : memref<25000x128xf32, #tpu.memory_space<hbm>>) target(%arg19 : memref<128x128xf32, #tpu.memory_space<vmem>>) offsets(%dma_start3A_84 : memref<128xi32, #tpu.memory_space<vmem>>) semaphore(%arg25 : memref<!tpu.dma_semaphore, #tpu.memory_space<semaphore_mem>>)
    %dma_wait3A_88 = arith.constant 1 : i32
    %dma_wait3A_89 = arith.constant 0 : i32
    %dma_wait3A_90 = tpu.memref_slice %arg15[%dma_wait3A_88, %dma_wait3A_89] : memref<4x128xi32, #tpu.memory_space<vmem>> -> memref<1x128xi32, #tpu.memory_space<vmem>>
    %dma_wait3A_91 = tpu.memref_squeeze %dma_wait3A_90 : memref<1x128xi32, #tpu.memory_space<vmem>> -> memref<128xi32, #tpu.memory_space<vmem>>
    %dma_wait3A_92 = arith.constant 0 : i32
    %dma_wait3A_93 = arith.constant 0 : i32
    %dma_wait3A_94 = tpu.memref_slice %arg6[%dma_wait3A_92, %dma_wait3A_93] : memref<250000x128xf32, #tpu.memory_space<hbm>> -> memref<250000x128xf32, #tpu.memory_space<hbm>>
    tpu.wait_indirect_dma semaphore(%arg24 : memref<!tpu.dma_semaphore, #tpu.memory_space<semaphore_mem>>) src(%dma_wait3A_94 : memref<250000x128xf32, #tpu.memory_space<hbm>>) dst(%arg18 : memref<128x128xf32, #tpu.memory_space<vmem>>)
    %dma_wait3A_95 = arith.constant 1 : i32
    %dma_wait3A_96 = arith.constant 0 : i32
    %dma_wait3A_97 = tpu.memref_slice %arg16[%dma_wait3A_95, %dma_wait3A_96] : memref<4x128xi32, #tpu.memory_space<vmem>> -> memref<1x128xi32, #tpu.memory_space<vmem>>
    %dma_wait3A_98 = tpu.memref_squeeze %dma_wait3A_97 : memref<1x128xi32, #tpu.memory_space<vmem>> -> memref<128xi32, #tpu.memory_space<vmem>>
    %dma_wait3A_99 = arith.constant 0 : i32
    %dma_wait3A_100 = arith.constant 0 : i32
    %dma_wait3A_101 = tpu.memref_slice %arg7[%dma_wait3A_99, %dma_wait3A_100] : memref<25000x128xf32, #tpu.memory_space<hbm>> -> memref<25000x128xf32, #tpu.memory_space<hbm>>
    tpu.wait_indirect_dma semaphore(%arg25 : memref<!tpu.dma_semaphore, #tpu.memory_space<semaphore_mem>>) src(%dma_wait3A_101 : memref<25000x128xf32, #tpu.memory_space<hbm>>) dst(%arg20 : memref<128x128xf32, #tpu.memory_space<vmem>>)
    %scan3A_102 = arith.constant 0 : i32
    %scan3A_103 = arith.constant 0 : i32
    %scan3A_104 = arith.constant 8 : i32
    %scan3A_105 = arith.addi %scan3A_103, %scan3A_104 : i32
    %scan3A_106 = arith.constant 1 : i32
    scf.for %scan3A_168 = %scan3A_103 to %scan3A_105 step %scan3A_106  : i32 {
      %mul3A_169 = arith.constant 16 : i32
      %mul3A_170 = arith.muli %scan3A_168, %mul3A_169 : i32
      %add3A_171 = arith.constant 128 : i32
      %add3A_172 = arith.addi %add3A_171, %mul3A_170 : i32
      %mul3A_173 = arith.constant 16 : i32
      %mul3A_174 = arith.muli %scan3A_168, %mul3A_173 : i32
      %add3A_175 = vector.broadcast %mul3A_174 : i32 to vector<16xi32>
      %add3A_176 = arith.addi %add3A_175, %iota3A : vector<16xi32>
      %get3A = arith.index_cast %add3A_172 : i32 to index
      %get3A_177 = tpu.vector_load %arg11[%get3A] {strides = array<i32>} : memref<512xi32, #tpu.memory_space<vmem>>, vector<16xi32>,
      %and3A = arith.constant 3 : i32
      %and3A_178 = vector.broadcast %and3A : i32 to vector<16xi32>
      %and3A_179 = arith.andi %get3A_177, %and3A_178 : vector<16xi32>
      %mul3A_180 = arith.constant 32 : i32
      %mul3A_181 = vector.broadcast %mul3A_180 : i32 to vector<16xi32>
      %mul3A_182 = arith.muli %and3A_179, %mul3A_181 : vector<16xi32>
      %get3A_183 = arith.index_cast %add3A_172 : i32 to index
      %get3A_184 = tpu.vector_load %arg12[%get3A_183] {strides = array<i32>} : memref<512xi32, #tpu.memory_space<vmem>>, vector<16xi32>,
      %and3A_185 = arith.constant 3 : i32
      %and3A_186 = vector.broadcast %and3A_185 : i32 to vector<16xi32>
      %and3A_187 = arith.andi %get3A_184, %and3A_186 : vector<16xi32>
      %mul3A_188 = arith.constant 32 : i32
      %mul3A_189 = vector.broadcast %mul3A_188 : i32 to vector<16xi32>
      %mul3A_190 = arith.muli %and3A_187, %mul3A_189 : vector<16xi32>
      %get3A_191 = arith.index_cast %add3A_172 : i32 to index
      %get3A_192 = tpu.vector_load %arg13[%get3A_191] {strides = array<i32>} : memref<512xi32, #tpu.memory_space<vmem>>, vector<16xi32>,
      %get3A_193 = arith.index_cast %add3A_172 : i32 to index
      %get3A_194 = tpu.vector_load %arg14[%get3A_193] {strides = array<i32>} : memref<512xi32, #tpu.memory_space<vmem>>, vector<16xi32>,
      %broadcast_in_dim3A = arith.constant 0 : i32
      %broadcast_in_dim3A_195 = vector.broadcast %broadcast_in_dim3A : i32 to vector<16xi32>
      %add3A_196 = arith.constant 0 : i32
      %add3A_197 = vector.broadcast %add3A_196 : i32 to vector<16xi32>
      %add3A_198 = arith.addi %mul3A_182, %add3A_197 : vector<16xi32>
      %gather3A = tpu.vector_load_idx %arg18[%add3A_176, %add3A_198] : memref<128x128xf32, #tpu.memory_space<vmem>>[vector<16xi32>, vector<16xi32>], vector<16xf32>,
      tpu.vector_store_idx %arg23[%add3A_176, %broadcast_in_dim3A_195], %gather3A : memref<128x128xf32, #tpu.memory_space<vmem>>[vector<16xi32>, vector<16xi32>], vector<16xf32>,
      %add3A_199 = arith.constant 32 : i32
      %add3A_200 = vector.broadcast %add3A_199 : i32 to vector<16xi32>
      %add3A_201 = arith.addi %broadcast_in_dim3A_195, %add3A_200 : vector<16xi32>
      %add3A_202 = arith.constant 0 : i32
      %add3A_203 = vector.broadcast %add3A_202 : i32 to vector<16xi32>
      %add3A_204 = arith.addi %mul3A_190, %add3A_203 : vector<16xi32>
      %gather3A_205 = tpu.vector_load_idx %arg20[%add3A_176, %add3A_204] : memref<128x128xf32, #tpu.memory_space<vmem>>[vector<16xi32>, vector<16xi32>], vector<16xf32>,
      tpu.vector_store_idx %arg23[%add3A_176, %add3A_201], %gather3A_205 : memref<128x128xf32, #tpu.memory_space<vmem>>[vector<16xi32>, vector<16xi32>], vector<16xf32>,
      %add3A_206 = arith.constant 64 : i32
      %add3A_207 = vector.broadcast %add3A_206 : i32 to vector<16xi32>
      %add3A_208 = arith.addi %broadcast_in_dim3A_195, %add3A_207 : vector<16xi32>
      %gather3A_209 = tpu.vector_load_idx %arg21[%get3A_192, %broadcast_in_dim3A_195] : memref<10x32xf32, #tpu.memory_space<vmem>>[vector<16xi32>, vector<16xi32>], vector<16xf32>,
      tpu.vector_store_idx %arg23[%add3A_176, %add3A_208], %gather3A_209 : memref<128x128xf32, #tpu.memory_space<vmem>>[vector<16xi32>, vector<16xi32>], vector<16xf32>,
      %add3A_210 = arith.constant 96 : i32
      %add3A_211 = vector.broadcast %add3A_210 : i32 to vector<16xi32>
      %add3A_212 = arith.addi %broadcast_in_dim3A_195, %add3A_211 : vector<16xi32>
      %gather3A_213 = tpu.vector_load_idx %arg22[%get3A_194, %broadcast_in_dim3A_195] : memref<250x32xf32, #tpu.memory_space<vmem>>[vector<16xi32>, vector<16xi32>], vector<16xf32>,
      tpu.vector_store_idx %arg23[%add3A_176, %add3A_212], %gather3A_213 : memref<128x128xf32, #tpu.memory_space<vmem>>[vector<16xi32>, vector<16xi32>], vector<16xf32>,
      %broadcast_in_dim3A_214 = arith.constant 1 : i32
      %broadcast_in_dim3A_215 = vector.broadcast %broadcast_in_dim3A_214 : i32 to vector<16xi32>
      %add3A_216 = arith.constant 1 : i32
      %add3A_217 = vector.broadcast %add3A_216 : i32 to vector<16xi32>
      %add3A_218 = arith.addi %mul3A_182, %add3A_217 : vector<16xi32>
      %gather3A_219 = tpu.vector_load_idx %arg18[%add3A_176, %add3A_218] : memref<128x128xf32, #tpu.memory_space<vmem>>[vector<16xi32>, vector<16xi32>], vector<16xf32>,
      tpu.vector_store_idx %arg23[%add3A_176, %broadcast_in_dim3A_215], %gather3A_219 : memref<128x128xf32, #tpu.memory_space<vmem>>[vector<16xi32>, vector<16xi32>], vector<16xf32>,
      %add3A_220 = arith.constant 32 : i32
      %add3A_221 = vector.broadcast %add3A_220 : i32 to vector<16xi32>
      %add3A_222 = arith.addi %broadcast_in_dim3A_215, %add3A_221 : vector<16xi32>
      %add3A_223 = arith.constant 1 : i32
      %add3A_224 = vector.broadcast %add3A_223 : i32 to vector<16xi32>
      %add3A_225 = arith.addi %mul3A_190, %add3A_224 : vector<16xi32>
      %gather3A_226 = tpu.vector_load_idx %arg20[%add3A_176, %add3A_225] : memref<128x128xf32, #tpu.memory_space<vmem>>[vector<16xi32>, vector<16xi32>], vector<16xf32>,
      tpu.vector_store_idx %arg23[%add3A_176, %add3A_222], %gather3A_226 : memref<128x128xf32, #tpu.memory_space<vmem>>[vector<16xi32>, vector<16xi32>], vector<16xf32>,
      %add3A_227 = arith.constant 64 : i32
      %add3A_228 = vector.broadcast %add3A_227 : i32 to vector<16xi32>
      %add3A_229 = arith.addi %broadcast_in_dim3A_215, %add3A_228 : vector<16xi32>
      %gather3A_230 = tpu.vector_load_idx %arg21[%get3A_192, %broadcast_in_dim3A_215] : memref<10x32xf32, #tpu.memory_space<vmem>>[vector<16xi32>, vector<16xi32>], vector<16xf32>,
      tpu.vector_store_idx %arg23[%add3A_176, %add3A_229], %gather3A_230 : memref<128x128xf32, #tpu.memory_space<vmem>>[vector<16xi32>, vector<16xi32>], vector<16xf32>,
      %add3A_231 = arith.constant 96 : i32
      %add3A_232 = vector.broadcast %add3A_231 : i32 to vector<16xi32>
      %add3A_233 = arith.addi %broadcast_in_dim3A_215, %add3A_232 : vector<16xi32>
      %gather3A_234 = tpu.vector_load_idx %arg22[%get3A_194, %broadcast_in_dim3A_215] : memref<250x32xf32, #tpu.memory_space<vmem>>[vector<16xi32>, vector<16xi32>], vector<16xf32>,
      tpu.vector_store_idx %arg23[%add3A_176, %add3A_233], %gather3A_234 : memref<128x128xf32, #tpu.memory_space<vmem>>[vector<16xi32>, vector<16xi32>], vector<16xf32>,
      %broadcast_in_dim3A_235 = arith.constant 2 : i32
      %broadcast_in_dim3A_236 = vector.broadcast %broadcast_in_dim3A_235 : i32 to vector<16xi32>
      %add3A_237 = arith.constant 2 : i32
      %add3A_238 = vector.broadcast %add3A_237 : i32 to vector<16xi32>
      %add3A_239 = arith.addi %mul3A_182, %add3A_238 : vector<16xi32>
      %gather3A_240 = tpu.vector_load_idx %arg18[%add3A_176, %add3A_239] : memref<128x128xf32, #tpu.memory_space<vmem>>[vector<16xi32>, vector<16xi32>], vector<16xf32>,
      tpu.vector_store_idx %arg23[%add3A_176, %broadcast_in_dim3A_236], %gather3A_240 : memref<128x128xf32, #tpu.memory_space<vmem>>[vector<16xi32>, vector<16xi32>], vector<16xf32>,
      %add3A_241 = arith.constant 32 : i32
      %add3A_242 = vector.broadcast %add3A_241 : i32 to vector<16xi32>
      %add3A_243 = arith.addi %broadcast_in_dim3A_236, %add3A_242 : vector<16xi32>
      %add3A_244 = arith.constant 2 : i32
      %add3A_245 = vector.broadcast %add3A_244 : i32 to vector<16xi32>
      %add3A_246 = arith.addi %mul3A_190, %add3A_245 : vector<16xi32>
      %gather3A_247 = tpu.vector_load_idx %arg20[%add3A_176, %add3A_246] : memref<128x128xf32, #tpu.memory_space<vmem>>[vector<16xi32>, vector<16xi32>], vector<16xf32>,
      tpu.vector_store_idx %arg23[%add3A_176, %add3A_243], %gather3A_247 : memref<128x128xf32, #tpu.memory_space<vmem>>[vector<16xi32>, vector<16xi32>], vector<16xf32>,
      %add3A_248 = arith.constant 64 : i32
      %add3A_249 = vector.broadcast %add3A_248 : i32 to vector<16xi32>
      %add3A_250 = arith.addi %broadcast_in_dim3A_236, %add3A_249 : vector<16xi32>
      %gather3A_251 = tpu.vector_load_idx %arg21[%get3A_192, %broadcast_in_dim3A_236] : memref<10x32xf32, #tpu.memory_space<vmem>>[vector<16xi32>, vector<16xi32>], vector<16xf32>,
      tpu.vector_store_idx %arg23[%add3A_176, %add3A_250], %gather3A_251 : memref<128x128xf32, #tpu.memory_space<vmem>>[vector<16xi32>, vector<16xi32>], vector<16xf32>,
      %add3A_252 = arith.constant 96 : i32
      %add3A_253 = vector.broadcast %add3A_252 : i32 to vector<16xi32>
      %add3A_254 = arith.addi %broadcast_in_dim3A_236, %add3A_253 : vector<16xi32>
      %gather3A_255 = tpu.vector_load_idx %arg22[%get3A_194, %broadcast_in_dim3A_236] : memref<250x32xf32, #tpu.memory_space<vmem>>[vector<16xi32>, vector<16xi32>], vector<16xf32>,
      tpu.vector_store_idx %arg23[%add3A_176, %add3A_254], %gather3A_255 : memref<128x128xf32, #tpu.memory_space<vmem>>[vector<16xi32>, vector<16xi32>], vector<16xf32>,
      %broadcast_in_dim3A_256 = arith.constant 3 : i32
      %broadcast_in_dim3A_257 = vector.broadcast %broadcast_in_dim3A_256 : i32 to vector<16xi32>
      %add3A_258 = arith.constant 3 : i32
      %add3A_259 = vector.broadcast %add3A_258 : i32 to vector<16xi32>
      %add3A_260 = arith.addi %mul3A_182, %add3A_259 : vector<16xi32>
      %gather3A_261 = tpu.vector_load_idx %arg18[%add3A_176, %add3A_260] : memref<128x128xf32, #tpu.memory_space<vmem>>[vector<16xi32>, vector<16xi32>], vector<16xf32>,
      tpu.vector_store_idx %arg23[%add3A_176, %broadcast_in_dim3A_257], %gather3A_261 : memref<128x128xf32, #tpu.memory_space<vmem>>[vector<16xi32>, vector<16xi32>], vector<16xf32>,
      %add3A_262 = arith.constant 32 : i32
      %add3A_263 = vector.broadcast %add3A_262 : i32 to vector<16xi32>
      %add3A_264 = arith.addi %broadcast_in_dim3A_257, %add3A_263 : vector<16xi32>
      %add3A_265 = arith.constant 3 : i32
      %add3A_266 = vector.broadcast %add3A_265 : i32 to vector<16xi32>
      %add3A_267 = arith.addi %mul3A_190, %add3A_266 : vector<16xi32>
      %gather3A_268 = tpu.vector_load_idx %arg20[%add3A_176, %add3A_267] : memref<128x128xf32, #tpu.memory_space<vmem>>[vector<16xi32>, vector<16xi32>], vector<16xf32>,
      tpu.vector_store_idx %arg23[%add3A_176, %add3A_264], %gather3A_268 : memref<128x128xf32, #tpu.memory_space<vmem>>[vector<16xi32>, vector<16xi32>], vector<16xf32>,
      %add3A_269 = arith.constant 64 : i32
      %add3A_270 = vector.broadcast %add3A_269 : i32 to vector<16xi32>
      %add3A_271 = arith.addi %broadcast_in_dim3A_257, %add3A_270 : vector<16xi32>
      %gather3A_272 = tpu.vector_load_idx %arg21[%get3A_192, %broadcast_in_dim3A_257] : memref<10x32xf32, #tpu.memory_space<vmem>>[vector<16xi32>, vector<16xi32>], vector<16xf32>,
      tpu.vector_store_idx %arg23[%add3A_176, %add3A_271], %gather3A_272 : memref<128x128xf32, #tpu.memory_space<vmem>>[vector<16xi32>, vector<16xi32>], vector<16xf32>,
      %add3A_273 = arith.constant 96 : i32
      %add3A_274 = vector.broadcast %add3A_273 : i32 to vector<16xi32>
      %add3A_275 = arith.addi %broadcast_in_dim3A_257, %add3A_274 : vector<16xi32>
      %gather3A_276 = tpu.vector_load_idx %arg22[%get3A_194, %broadcast_in_dim3A_257] : memref<250x32xf32, #tpu.memory_space<vmem>>[vector<16xi32>, vector<16xi32>], vector<16xf32>,
      tpu.vector_store_idx %arg23[%add3A_176, %add3A_275], %gather3A_276 : memref<128x128xf32, #tpu.memory_space<vmem>>[vector<16xi32>, vector<16xi32>], vector<16xf32>,
      %broadcast_in_dim3A_277 = arith.constant 4 : i32
      %broadcast_in_dim3A_278 = vector.broadcast %broadcast_in_dim3A_277 : i32 to vector<16xi32>
      %add3A_279 = arith.constant 4 : i32
      %add3A_280 = vector.broadcast %add3A_279 : i32 to vector<16xi32>
      %add3A_281 = arith.addi %mul3A_182, %add3A_280 : vector<16xi32>
      %gather3A_282 = tpu.vector_load_idx %arg18[%add3A_176, %add3A_281] : memref<128x128xf32, #tpu.memory_space<vmem>>[vector<16xi32>, vector<16xi32>], vector<16xf32>,
      tpu.vector_store_idx %arg23[%add3A_176, %broadcast_in_dim3A_278], %gather3A_282 : memref<128x128xf32, #tpu.memory_space<vmem>>[vector<16xi32>, vector<16xi32>], vector<16xf32>,
      %add3A_283 = arith.constant 32 : i32
      %add3A_284 = vector.broadcast %add3A_283 : i32 to vector<16xi32>
      %add3A_285 = arith.addi %broadcast_in_dim3A_278, %add3A_284 : vector<16xi32>
      %add3A_286 = arith.constant 4 : i32
      %add3A_287 = vector.broadcast %add3A_286 : i32 to vector<16xi32>
      %add3A_288 = arith.addi %mul3A_190, %add3A_287 : vector<16xi32>
      %gather3A_289 = tpu.vector_load_idx %arg20[%add3A_176, %add3A_288] : memref<128x128xf32, #tpu.memory_space<vmem>>[vector<16xi32>, vector<16xi32>], vector<16xf32>,
      tpu.vector_store_idx %arg23[%add3A_176, %add3A_285], %gather3A_289 : memref<128x128xf32, #tpu.memory_space<vmem>>[vector<16xi32>, vector<16xi32>], vector<16xf32>,
      %add3A_290 = arith.constant 64 : i32
      %add3A_291 = vector.broadcast %add3A_290 : i32 to vector<16xi32>
      %add3A_292 = arith.addi %broadcast_in_dim3A_278, %add3A_291 : vector<16xi32>
      %gather3A_293 = tpu.vector_load_idx %arg21[%get3A_192, %broadcast_in_dim3A_278] : memref<10x32xf32, #tpu.memory_space<vmem>>[vector<16xi32>, vector<16xi32>], vector<16xf32>,
      tpu.vector_store_idx %arg23[%add3A_176, %add3A_292], %gather3A_293 : memref<128x128xf32, #tpu.memory_space<vmem>>[vector<16xi32>, vector<16xi32>], vector<16xf32>,
      %add3A_294 = arith.constant 96 : i32
      %add3A_295 = vector.broadcast %add3A_294 : i32 to vector<16xi32>
      %add3A_296 = arith.addi %broadcast_in_dim3A_278, %add3A_295 : vector<16xi32>
      %gather3A_297 = tpu.vector_load_idx %arg22[%get3A_194, %broadcast_in_dim3A_278] : memref<250x32xf32, #tpu.memory_space<vmem>>[vector<16xi32>, vector<16xi32>], vector<16xf32>,
      tpu.vector_store_idx %arg23[%add3A_176, %add3A_296], %gather3A_297 : memref<128x128xf32, #tpu.memory_space<vmem>>[vector<16xi32>, vector<16xi32>], vector<16xf32>,
      %broadcast_in_dim3A_298 = arith.constant 5 : i32
      %broadcast_in_dim3A_299 = vector.broadcast %broadcast_in_dim3A_298 : i32 to vector<16xi32>
      %add3A_300 = arith.constant 5 : i32
      %add3A_301 = vector.broadcast %add3A_300 : i32 to vector<16xi32>
      %add3A_302 = arith.addi %mul3A_182, %add3A_301 : vector<16xi32>
      %gather3A_303 = tpu.vector_load_idx %arg18[%add3A_176, %add3A_302] : memref<128x128xf32, #tpu.memory_space<vmem>>[vector<16xi32>, vector<16xi32>], vector<16xf32>,
      tpu.vector_store_idx %arg23[%add3A_176, %broadcast_in_dim3A_299], %gather3A_303 : memref<128x128xf32, #tpu.memory_space<vmem>>[vector<16xi32>, vector<16xi32>], vector<16xf32>,
      %add3A_304 = arith.constant 32 : i32
      %add3A_305 = vector.broadcast %add3A_304 : i32 to vector<16xi32>
      %add3A_306 = arith.addi %broadcast_in_dim3A_299, %add3A_305 : vector<16xi32>
      %add3A_307 = arith.constant 5 : i32
      %add3A_308 = vector.broadcast %add3A_307 : i32 to vector<16xi32>
      %add3A_309 = arith.addi %mul3A_190, %add3A_308 : vector<16xi32>
      %gather3A_310 = tpu.vector_load_idx %arg20[%add3A_176, %add3A_309] : memref<128x128xf32, #tpu.memory_space<vmem>>[vector<16xi32>, vector<16xi32>], vector<16xf32>,
      tpu.vector_store_idx %arg23[%add3A_176, %add3A_306], %gather3A_310 : memref<128x128xf32, #tpu.memory_space<vmem>>[vector<16xi32>, vector<16xi32>], vector<16xf32>,
      %add3A_311 = arith.constant 64 : i32
      %add3A_312 = vector.broadcast %add3A_311 : i32 to vector<16xi32>
      %add3A_313 = arith.addi %broadcast_in_dim3A_299, %add3A_312 : vector<16xi32>
      %gather3A_314 = tpu.vector_load_idx %arg21[%get3A_192, %broadcast_in_dim3A_299] : memref<10x32xf32, #tpu.memory_space<vmem>>[vector<16xi32>, vector<16xi32>], vector<16xf32>,
      tpu.vector_store_idx %arg23[%add3A_176, %add3A_313], %gather3A_314 : memref<128x128xf32, #tpu.memory_space<vmem>>[vector<16xi32>, vector<16xi32>], vector<16xf32>,
      %add3A_315 = arith.constant 96 : i32
      %add3A_316 = vector.broadcast %add3A_315 : i32 to vector<16xi32>
      %add3A_317 = arith.addi %broadcast_in_dim3A_299, %add3A_316 : vector<16xi32>
      %gather3A_318 = tpu.vector_load_idx %arg22[%get3A_194, %broadcast_in_dim3A_299] : memref<250x32xf32, #tpu.memory_space<vmem>>[vector<16xi32>, vector<16xi32>], vector<16xf32>,
      tpu.vector_store_idx %arg23[%add3A_176, %add3A_317], %gather3A_318 : memref<128x128xf32, #tpu.memory_space<vmem>>[vector<16xi32>, vector<16xi32>], vector<16xf32>,
      %broadcast_in_dim3A_319 = arith.constant 6 : i32
      %broadcast_in_dim3A_320 = vector.broadcast %broadcast_in_dim3A_319 : i32 to vector<16xi32>
      %add3A_321 = arith.constant 6 : i32
      %add3A_322 = vector.broadcast %add3A_321 : i32 to vector<16xi32>
      %add3A_323 = arith.addi %mul3A_182, %add3A_322 : vector<16xi32>
      %gather3A_324 = tpu.vector_load_idx %arg18[%add3A_176, %add3A_323] : memref<128x128xf32, #tpu.memory_space<vmem>>[vector<16xi32>, vector<16xi32>], vector<16xf32>,
      tpu.vector_store_idx %arg23[%add3A_176, %broadcast_in_dim3A_320], %gather3A_324 : memref<128x128xf32, #tpu.memory_space<vmem>>[vector<16xi32>, vector<16xi32>], vector<16xf32>,
      %add3A_325 = arith.constant 32 : i32
      %add3A_326 = vector.broadcast %add3A_325 : i32 to vector<16xi32>
      %add3A_327 = arith.addi %broadcast_in_dim3A_320, %add3A_326 : vector<16xi32>
      %add3A_328 = arith.constant 6 : i32
      %add3A_329 = vector.broadcast %add3A_328 : i32 to vector<16xi32>
      %add3A_330 = arith.addi %mul3A_190, %add3A_329 : vector<16xi32>
      %gather3A_331 = tpu.vector_load_idx %arg20[%add3A_176, %add3A_330] : memref<128x128xf32, #tpu.memory_space<vmem>>[vector<16xi32>, vector<16xi32>], vector<16xf32>,
      tpu.vector_store_idx %arg23[%add3A_176, %add3A_327], %gather3A_331 : memref<128x128xf32, #tpu.memory_space<vmem>>[vector<16xi32>, vector<16xi32>], vector<16xf32>,
      %add3A_332 = arith.constant 64 : i32
      %add3A_333 = vector.broadcast %add3A_332 : i32 to vector<16xi32>
      %add3A_334 = arith.addi %broadcast_in_dim3A_320, %add3A_333 : vector<16xi32>
      %gather3A_335 = tpu.vector_load_idx %arg21[%get3A_192, %broadcast_in_dim3A_320] : memref<10x32xf32, #tpu.memory_space<vmem>>[vector<16xi32>, vector<16xi32>], vector<16xf32>,
      tpu.vector_store_idx %arg23[%add3A_176, %add3A_334], %gather3A_335 : memref<128x128xf32, #tpu.memory_space<vmem>>[vector<16xi32>, vector<16xi32>], vector<16xf32>,
      %add3A_336 = arith.constant 96 : i32
      %add3A_337 = vector.broadcast %add3A_336 : i32 to vector<16xi32>
      %add3A_338 = arith.addi %broadcast_in_dim3A_320, %add3A_337 : vector<16xi32>
      %gather3A_339 = tpu.vector_load_idx %arg22[%get3A_194, %broadcast_in_dim3A_320] : memref<250x32xf32, #tpu.memory_space<vmem>>[vector<16xi32>, vector<16xi32>], vector<16xf32>,
      tpu.vector_store_idx %arg23[%add3A_176, %add3A_338], %gather3A_339 : memref<128x128xf32, #tpu.memory_space<vmem>>[vector<16xi32>, vector<16xi32>], vector<16xf32>,
      %broadcast_in_dim3A_340 = arith.constant 7 : i32
      %broadcast_in_dim3A_341 = vector.broadcast %broadcast_in_dim3A_340 : i32 to vector<16xi32>
      %add3A_342 = arith.constant 7 : i32
      %add3A_343 = vector.broadcast %add3A_342 : i32 to vector<16xi32>
      %add3A_344 = arith.addi %mul3A_182, %add3A_343 : vector<16xi32>
      %gather3A_345 = tpu.vector_load_idx %arg18[%add3A_176, %add3A_344] : memref<128x128xf32, #tpu.memory_space<vmem>>[vector<16xi32>, vector<16xi32>], vector<16xf32>,
      tpu.vector_store_idx %arg23[%add3A_176, %broadcast_in_dim3A_341], %gather3A_345 : memref<128x128xf32, #tpu.memory_space<vmem>>[vector<16xi32>, vector<16xi32>], vector<16xf32>,
      %add3A_346 = arith.constant 32 : i32
      %add3A_347 = vector.broadcast %add3A_346 : i32 to vector<16xi32>
      %add3A_348 = arith.addi %broadcast_in_dim3A_341, %add3A_347 : vector<16xi32>
      %add3A_349 = arith.constant 7 : i32
      %add3A_350 = vector.broadcast %add3A_349 : i32 to vector<16xi32>
      %add3A_351 = arith.addi %mul3A_190, %add3A_350 : vector<16xi32>
      %gather3A_352 = tpu.vector_load_idx %arg20[%add3A_176, %add3A_351] : memref<128x128xf32, #tpu.memory_space<vmem>>[vector<16xi32>, vector<16xi32>], vector<16xf32>,
      tpu.vector_store_idx %arg23[%add3A_176, %add3A_348], %gather3A_352 : memref<128x128xf32, #tpu.memory_space<vmem>>[vector<16xi32>, vector<16xi32>], vector<16xf32>,
      %add3A_353 = arith.constant 64 : i32
      %add3A_354 = vector.broadcast %add3A_353 : i32 to vector<16xi32>
      %add3A_355 = arith.addi %broadcast_in_dim3A_341, %add3A_354 : vector<16xi32>
      %gather3A_356 = tpu.vector_load_idx %arg21[%get3A_192, %broadcast_in_dim3A_341] : memref<10x32xf32, #tpu.memory_space<vmem>>[vector<16xi32>, vector<16xi32>], vector<16xf32>,
      tpu.vector_store_idx %arg23[%add3A_176, %add3A_355], %gather3A_356 : memref<128x128xf32, #tpu.memory_space<vmem>>[vector<16xi32>, vector<16xi32>], vector<16xf32>,
      %add3A_357 = arith.constant 96 : i32
      %add3A_358 = vector.broadcast %add3A_357 : i32 to vector<16xi32>
      %add3A_359 = arith.addi %broadcast_in_dim3A_341, %add3A_358 : vector<16xi32>
      %gather3A_360 = tpu.vector_load_idx %arg22[%get3A_194, %broadcast_in_dim3A_341] : memref<250x32xf32, #tpu.memory_space<vmem>>[vector<16xi32>, vector<16xi32>], vector<16xf32>,
      tpu.vector_store_idx %arg23[%add3A_176, %add3A_359], %gather3A_360 : memref<128x128xf32, #tpu.memory_space<vmem>>[vector<16xi32>, vector<16xi32>], vector<16xf32>,
      %broadcast_in_dim3A_361 = arith.constant 8 : i32
      %broadcast_in_dim3A_362 = vector.broadcast %broadcast_in_dim3A_361 : i32 to vector<16xi32>
      %add3A_363 = arith.constant 8 : i32
      %add3A_364 = vector.broadcast %add3A_363 : i32 to vector<16xi32>
      %add3A_365 = arith.addi %mul3A_182, %add3A_364 : vector<16xi32>
      %gather3A_366 = tpu.vector_load_idx %arg18[%add3A_176, %add3A_365] : memref<128x128xf32, #tpu.memory_space<vmem>>[vector<16xi32>, vector<16xi32>], vector<16xf32>,
      tpu.vector_store_idx %arg23[%add3A_176, %broadcast_in_dim3A_362], %gather3A_366 : memref<128x128xf32, #tpu.memory_space<vmem>>[vector<16xi32>, vector<16xi32>], vector<16xf32>,
      %add3A_367 = arith.constant 32 : i32
      %add3A_368 = vector.broadcast %add3A_367 : i32 to vector<16xi32>
      %add3A_369 = arith.addi %broadcast_in_dim3A_362, %add3A_368 : vector<16xi32>
      %add3A_370 = arith.constant 8 : i32
      %add3A_371 = vector.broadcast %add3A_370 : i32 to vector<16xi32>
      %add3A_372 = arith.addi %mul3A_190, %add3A_371 : vector<16xi32>
      %gather3A_373 = tpu.vector_load_idx %arg20[%add3A_176, %add3A_372] : memref<128x128xf32, #tpu.memory_space<vmem>>[vector<16xi32>, vector<16xi32>], vector<16xf32>,
      tpu.vector_store_idx %arg23[%add3A_176, %add3A_369], %gather3A_373 : memref<128x128xf32, #tpu.memory_space<vmem>>[vector<16xi32>, vector<16xi32>], vector<16xf32>,
      %add3A_374 = arith.constant 64 : i32
      %add3A_375 = vector.broadcast %add3A_374 : i32 to vector<16xi32>
      %add3A_376 = arith.addi %broadcast_in_dim3A_362, %add3A_375 : vector<16xi32>
      %gather3A_377 = tpu.vector_load_idx %arg21[%get3A_192, %broadcast_in_dim3A_362] : memref<10x32xf32, #tpu.memory_space<vmem>>[vector<16xi32>, vector<16xi32>], vector<16xf32>,
      tpu.vector_store_idx %arg23[%add3A_176, %add3A_376], %gather3A_377 : memref<128x128xf32, #tpu.memory_space<vmem>>[vector<16xi32>, vector<16xi32>], vector<16xf32>,
      %add3A_378 = arith.constant 96 : i32
      %add3A_379 = vector.broadcast %add3A_378 : i32 to vector<16xi32>
      %add3A_380 = arith.addi %broadcast_in_dim3A_362, %add3A_379 : vector<16xi32>
      %gather3A_381 = tpu.vector_load_idx %arg22[%get3A_194, %broadcast_in_dim3A_362] : memref<250x32xf32, #tpu.memory_space<vmem>>[vector<16xi32>, vector<16xi32>], vector<16xf32>,
      tpu.vector_store_idx %arg23[%add3A_176, %add3A_380], %gather3A_381 : memref<128x128xf32, #tpu.memory_space<vmem>>[vector<16xi32>, vector<16xi32>], vector<16xf32>,
      %broadcast_in_dim3A_382 = arith.constant 9 : i32
      %broadcast_in_dim3A_383 = vector.broadcast %broadcast_in_dim3A_382 : i32 to vector<16xi32>
      %add3A_384 = arith.constant 9 : i32
      %add3A_385 = vector.broadcast %add3A_384 : i32 to vector<16xi32>
      %add3A_386 = arith.addi %mul3A_182, %add3A_385 : vector<16xi32>
      %gather3A_387 = tpu.vector_load_idx %arg18[%add3A_176, %add3A_386] : memref<128x128xf32, #tpu.memory_space<vmem>>[vector<16xi32>, vector<16xi32>], vector<16xf32>,
      tpu.vector_store_idx %arg23[%add3A_176, %broadcast_in_dim3A_383], %gather3A_387 : memref<128x128xf32, #tpu.memory_space<vmem>>[vector<16xi32>, vector<16xi32>], vector<16xf32>,
      %add3A_388 = arith.constant 32 : i32
      %add3A_389 = vector.broadcast %add3A_388 : i32 to vector<16xi32>
      %add3A_390 = arith.addi %broadcast_in_dim3A_383, %add3A_389 : vector<16xi32>
      %add3A_391 = arith.constant 9 : i32
      %add3A_392 = vector.broadcast %add3A_391 : i32 to vector<16xi32>
      %add3A_393 = arith.addi %mul3A_190, %add3A_392 : vector<16xi32>
      %gather3A_394 = tpu.vector_load_idx %arg20[%add3A_176, %add3A_393] : memref<128x128xf32, #tpu.memory_space<vmem>>[vector<16xi32>, vector<16xi32>], vector<16xf32>,
      tpu.vector_store_idx %arg23[%add3A_176, %add3A_390], %gather3A_394 : memref<128x128xf32, #tpu.memory_space<vmem>>[vector<16xi32>, vector<16xi32>], vector<16xf32>,
      %add3A_395 = arith.constant 64 : i32
      %add3A_396 = vector.broadcast %add3A_395 : i32 to vector<16xi32>
      %add3A_397 = arith.addi %broadcast_in_dim3A_383, %add3A_396 : vector<16xi32>
      %gather3A_398 = tpu.vector_load_idx %arg21[%get3A_192, %broadcast_in_dim3A_383] : memref<10x32xf32, #tpu.memory_space<vmem>>[vector<16xi32>, vector<16xi32>], vector<16xf32>,
      tpu.vector_store_idx %arg23[%add3A_176, %add3A_397], %gather3A_398 : memref<128x128xf32, #tpu.memory_space<vmem>>[vector<16xi32>, vector<16xi32>], vector<16xf32>,
      %add3A_399 = arith.constant 96 : i32
      %add3A_400 = vector.broadcast %add3A_399 : i32 to vector<16xi32>
      %add3A_401 = arith.addi %broadcast_in_dim3A_383, %add3A_400 : vector<16xi32>
      %gather3A_402 = tpu.vector_load_idx %arg22[%get3A_194, %broadcast_in_dim3A_383] : memref<250x32xf32, #tpu.memory_space<vmem>>[vector<16xi32>, vector<16xi32>], vector<16xf32>,
      tpu.vector_store_idx %arg23[%add3A_176, %add3A_401], %gather3A_402 : memref<128x128xf32, #tpu.memory_space<vmem>>[vector<16xi32>, vector<16xi32>], vector<16xf32>,
      %broadcast_in_dim3A_403 = arith.constant 10 : i32
      %broadcast_in_dim3A_404 = vector.broadcast %broadcast_in_dim3A_403 : i32 to vector<16xi32>
      %add3A_405 = arith.constant 10 : i32
      %add3A_406 = vector.broadcast %add3A_405 : i32 to vector<16xi32>
      %add3A_407 = arith.addi %mul3A_182, %add3A_406 : vector<16xi32>
      %gather3A_408 = tpu.vector_load_idx %arg18[%add3A_176, %add3A_407] : memref<128x128xf32, #tpu.memory_space<vmem>>[vector<16xi32>, vector<16xi32>], vector<16xf32>,
      tpu.vector_store_idx %arg23[%add3A_176, %broadcast_in_dim3A_404], %gather3A_408 : memref<128x128xf32, #tpu.memory_space<vmem>>[vector<16xi32>, vector<16xi32>], vector<16xf32>,
      %add3A_409 = arith.constant 32 : i32
      %add3A_410 = vector.broadcast %add3A_409 : i32 to vector<16xi32>
      %add3A_411 = arith.addi %broadcast_in_dim3A_404, %add3A_410 : vector<16xi32>
      %add3A_412 = arith.constant 10 : i32
      %add3A_413 = vector.broadcast %add3A_412 : i32 to vector<16xi32>
      %add3A_414 = arith.addi %mul3A_190, %add3A_413 : vector<16xi32>
      %gather3A_415 = tpu.vector_load_idx %arg20[%add3A_176, %add3A_414] : memref<128x128xf32, #tpu.memory_space<vmem>>[vector<16xi32>, vector<16xi32>], vector<16xf32>,
      tpu.vector_store_idx %arg23[%add3A_176, %add3A_411], %gather3A_415 : memref<128x128xf32, #tpu.memory_space<vmem>>[vector<16xi32>, vector<16xi32>], vector<16xf32>,
      %add3A_416 = arith.constant 64 : i32
      %add3A_417 = vector.broadcast %add3A_416 : i32 to vector<16xi32>
      %add3A_418 = arith.addi %broadcast_in_dim3A_404, %add3A_417 : vector<16xi32>
      %gather3A_419 = tpu.vector_load_idx %arg21[%get3A_192, %broadcast_in_dim3A_404] : memref<10x32xf32, #tpu.memory_space<vmem>>[vector<16xi32>, vector<16xi32>], vector<16xf32>,
      tpu.vector_store_idx %arg23[%add3A_176, %add3A_418], %gather3A_419 : memref<128x128xf32, #tpu.memory_space<vmem>>[vector<16xi32>, vector<16xi32>], vector<16xf32>,
      %add3A_420 = arith.constant 96 : i32
      %add3A_421 = vector.broadcast %add3A_420 : i32 to vector<16xi32>
      %add3A_422 = arith.addi %broadcast_in_dim3A_404, %add3A_421 : vector<16xi32>
      %gather3A_423 = tpu.vector_load_idx %arg22[%get3A_194, %broadcast_in_dim3A_404] : memref<250x32xf32, #tpu.memory_space<vmem>>[vector<16xi32>, vector<16xi32>], vector<16xf32>,
      tpu.vector_store_idx %arg23[%add3A_176, %add3A_422], %gather3A_423 : memref<128x128xf32, #tpu.memory_space<vmem>>[vector<16xi32>, vector<16xi32>], vector<16xf32>,
      %broadcast_in_dim3A_424 = arith.constant 11 : i32
      %broadcast_in_dim3A_425 = vector.broadcast %broadcast_in_dim3A_424 : i32 to vector<16xi32>
      %add3A_426 = arith.constant 11 : i32
      %add3A_427 = vector.broadcast %add3A_426 : i32 to vector<16xi32>
      %add3A_428 = arith.addi %mul3A_182, %add3A_427 : vector<16xi32>
      %gather3A_429 = tpu.vector_load_idx %arg18[%add3A_176, %add3A_428] : memref<128x128xf32, #tpu.memory_space<vmem>>[vector<16xi32>, vector<16xi32>], vector<16xf32>,
      tpu.vector_store_idx %arg23[%add3A_176, %broadcast_in_dim3A_425], %gather3A_429 : memref<128x128xf32, #tpu.memory_space<vmem>>[vector<16xi32>, vector<16xi32>], vector<16xf32>,
      %add3A_430 = arith.constant 32 : i32
      %add3A_431 = vector.broadcast %add3A_430 : i32 to vector<16xi32>
      %add3A_432 = arith.addi %broadcast_in_dim3A_425, %add3A_431 : vector<16xi32>
      %add3A_433 = arith.constant 11 : i32
      %add3A_434 = vector.broadcast %add3A_433 : i32 to vector<16xi32>
      %add3A_435 = arith.addi %mul3A_190, %add3A_434 : vector<16xi32>
      %gather3A_436 = tpu.vector_load_idx %arg20[%add3A_176, %add3A_435] : memref<128x128xf32, #tpu.memory_space<vmem>>[vector<16xi32>, vector<16xi32>], vector<16xf32>,
      tpu.vector_store_idx %arg23[%add3A_176, %add3A_432], %gather3A_436 : memref<128x128xf32, #tpu.memory_space<vmem>>[vector<16xi32>, vector<16xi32>], vector<16xf32>,
      %add3A_437 = arith.constant 64 : i32
      %add3A_438 = vector.broadcast %add3A_437 : i32 to vector<16xi32>
      %add3A_439 = arith.addi %broadcast_in_dim3A_425, %add3A_438 : vector<16xi32>
      %gather3A_440 = tpu.vector_load_idx %arg21[%get3A_192, %broadcast_in_dim3A_425] : memref<10x32xf32, #tpu.memory_space<vmem>>[vector<16xi32>, vector<16xi32>], vector<16xf32>,
      tpu.vector_store_idx %arg23[%add3A_176, %add3A_439], %gather3A_440 : memref<128x128xf32, #tpu.memory_space<vmem>>[vector<16xi32>, vector<16xi32>], vector<16xf32>,
      %add3A_441 = arith.constant 96 : i32
      %add3A_442 = vector.broadcast %add3A_441 : i32 to vector<16xi32>
      %add3A_443 = arith.addi %broadcast_in_dim3A_425, %add3A_442 : vector<16xi32>
      %gather3A_444 = tpu.vector_load_idx %arg22[%get3A_194, %broadcast_in_dim3A_425] : memref<250x32xf32, #tpu.memory_space<vmem>>[vector<16xi32>, vector<16xi32>], vector<16xf32>,
      tpu.vector_store_idx %arg23[%add3A_176, %add3A_443], %gather3A_444 : memref<128x128xf32, #tpu.memory_space<vmem>>[vector<16xi32>, vector<16xi32>], vector<16xf32>,
      %broadcast_in_dim3A_445 = arith.constant 12 : i32
      %broadcast_in_dim3A_446 = vector.broadcast %broadcast_in_dim3A_445 : i32 to vector<16xi32>
      %add3A_447 = arith.constant 12 : i32
      %add3A_448 = vector.broadcast %add3A_447 : i32 to vector<16xi32>
      %add3A_449 = arith.addi %mul3A_182, %add3A_448 : vector<16xi32>
      %gather3A_450 = tpu.vector_load_idx %arg18[%add3A_176, %add3A_449] : memref<128x128xf32, #tpu.memory_space<vmem>>[vector<16xi32>, vector<16xi32>], vector<16xf32>,
      tpu.vector_store_idx %arg23[%add3A_176, %broadcast_in_dim3A_446], %gather3A_450 : memref<128x128xf32, #tpu.memory_space<vmem>>[vector<16xi32>, vector<16xi32>], vector<16xf32>,
      %add3A_451 = arith.constant 32 : i32
      %add3A_452 = vector.broadcast %add3A_451 : i32 to vector<16xi32>
      %add3A_453 = arith.addi %broadcast_in_dim3A_446, %add3A_452 : vector<16xi32>
      %add3A_454 = arith.constant 12 : i32
      %add3A_455 = vector.broadcast %add3A_454 : i32 to vector<16xi32>
      %add3A_456 = arith.addi %mul3A_190, %add3A_455 : vector<16xi32>
      %gather3A_457 = tpu.vector_load_idx %arg20[%add3A_176, %add3A_456] : memref<128x128xf32, #tpu.memory_space<vmem>>[vector<16xi32>, vector<16xi32>], vector<16xf32>,
      tpu.vector_store_idx %arg23[%add3A_176, %add3A_453], %gather3A_457 : memref<128x128xf32, #tpu.memory_space<vmem>>[vector<16xi32>, vector<16xi32>], vector<16xf32>,
      %add3A_458 = arith.constant 64 : i32
      %add3A_459 = vector.broadcast %add3A_458 : i32 to vector<16xi32>
      %add3A_460 = arith.addi %broadcast_in_dim3A_446, %add3A_459 : vector<16xi32>
      %gather3A_461 = tpu.vector_load_idx %arg21[%get3A_192, %broadcast_in_dim3A_446] : memref<10x32xf32, #tpu.memory_space<vmem>>[vector<16xi32>, vector<16xi32>], vector<16xf32>,
      tpu.vector_store_idx %arg23[%add3A_176, %add3A_460], %gather3A_461 : memref<128x128xf32, #tpu.memory_space<vmem>>[vector<16xi32>, vector<16xi32>], vector<16xf32>,
      %add3A_462 = arith.constant 96 : i32
      %add3A_463 = vector.broadcast %add3A_462 : i32 to vector<16xi32>
      %add3A_464 = arith.addi %broadcast_in_dim3A_446, %add3A_463 : vector<16xi32>
      %gather3A_465 = tpu.vector_load_idx %arg22[%get3A_194, %broadcast_in_dim3A_446] : memref<250x32xf32, #tpu.memory_space<vmem>>[vector<16xi32>, vector<16xi32>], vector<16xf32>,
      tpu.vector_store_idx %arg23[%add3A_176, %add3A_464], %gather3A_465 : memref<128x128xf32, #tpu.memory_space<vmem>>[vector<16xi32>, vector<16xi32>], vector<16xf32>,
      %broadcast_in_dim3A_466 = arith.constant 13 : i32
      %broadcast_in_dim3A_467 = vector.broadcast %broadcast_in_dim3A_466 : i32 to vector<16xi32>
      %add3A_468 = arith.constant 13 : i32
      %add3A_469 = vector.broadcast %add3A_468 : i32 to vector<16xi32>
      %add3A_470 = arith.addi %mul3A_182, %add3A_469 : vector<16xi32>
      %gather3A_471 = tpu.vector_load_idx %arg18[%add3A_176, %add3A_470] : memref<128x128xf32, #tpu.memory_space<vmem>>[vector<16xi32>, vector<16xi32>], vector<16xf32>,
      tpu.vector_store_idx %arg23[%add3A_176, %broadcast_in_dim3A_467], %gather3A_471 : memref<128x128xf32, #tpu.memory_space<vmem>>[vector<16xi32>, vector<16xi32>], vector<16xf32>,
      %add3A_472 = arith.constant 32 : i32
      %add3A_473 = vector.broadcast %add3A_472 : i32 to vector<16xi32>
      %add3A_474 = arith.addi %broadcast_in_dim3A_467, %add3A_473 : vector<16xi32>
      %add3A_475 = arith.constant 13 : i32
      %add3A_476 = vector.broadcast %add3A_475 : i32 to vector<16xi32>
      %add3A_477 = arith.addi %mul3A_190, %add3A_476 : vector<16xi32>
      %gather3A_478 = tpu.vector_load_idx %arg20[%add3A_176, %add3A_477] : memref<128x128xf32, #tpu.memory_space<vmem>>[vector<16xi32>, vector<16xi32>], vector<16xf32>,
      tpu.vector_store_idx %arg23[%add3A_176, %add3A_474], %gather3A_478 : memref<128x128xf32, #tpu.memory_space<vmem>>[vector<16xi32>, vector<16xi32>], vector<16xf32>,
      %add3A_479 = arith.constant 64 : i32
      %add3A_480 = vector.broadcast %add3A_479 : i32 to vector<16xi32>
      %add3A_481 = arith.addi %broadcast_in_dim3A_467, %add3A_480 : vector<16xi32>
      %gather3A_482 = tpu.vector_load_idx %arg21[%get3A_192, %broadcast_in_dim3A_467] : memref<10x32xf32, #tpu.memory_space<vmem>>[vector<16xi32>, vector<16xi32>], vector<16xf32>,
      tpu.vector_store_idx %arg23[%add3A_176, %add3A_481], %gather3A_482 : memref<128x128xf32, #tpu.memory_space<vmem>>[vector<16xi32>, vector<16xi32>], vector<16xf32>,
      %add3A_483 = arith.constant 96 : i32
      %add3A_484 = vector.broadcast %add3A_483 : i32 to vector<16xi32>
      %add3A_485 = arith.addi %broadcast_in_dim3A_467, %add3A_484 : vector<16xi32>
      %gather3A_486 = tpu.vector_load_idx %arg22[%get3A_194, %broadcast_in_dim3A_467] : memref<250x32xf32, #tpu.memory_space<vmem>>[vector<16xi32>, vector<16xi32>], vector<16xf32>,
      tpu.vector_store_idx %arg23[%add3A_176, %add3A_485], %gather3A_486 : memref<128x128xf32, #tpu.memory_space<vmem>>[vector<16xi32>, vector<16xi32>], vector<16xf32>,
      %broadcast_in_dim3A_487 = arith.constant 14 : i32
      %broadcast_in_dim3A_488 = vector.broadcast %broadcast_in_dim3A_487 : i32 to vector<16xi32>
      %add3A_489 = arith.constant 14 : i32
      %add3A_490 = vector.broadcast %add3A_489 : i32 to vector<16xi32>
      %add3A_491 = arith.addi %mul3A_182, %add3A_490 : vector<16xi32>
      %gather3A_492 = tpu.vector_load_idx %arg18[%add3A_176, %add3A_491] : memref<128x128xf32, #tpu.memory_space<vmem>>[vector<16xi32>, vector<16xi32>], vector<16xf32>,
      tpu.vector_store_idx %arg23[%add3A_176, %broadcast_in_dim3A_488], %gather3A_492 : memref<128x128xf32, #tpu.memory_space<vmem>>[vector<16xi32>, vector<16xi32>], vector<16xf32>,
      %add3A_493 = arith.constant 32 : i32
      %add3A_494 = vector.broadcast %add3A_493 : i32 to vector<16xi32>
      %add3A_495 = arith.addi %broadcast_in_dim3A_488, %add3A_494 : vector<16xi32>
      %add3A_496 = arith.constant 14 : i32
      %add3A_497 = vector.broadcast %add3A_496 : i32 to vector<16xi32>
      %add3A_498 = arith.addi %mul3A_190, %add3A_497 : vector<16xi32>
      %gather3A_499 = tpu.vector_load_idx %arg20[%add3A_176, %add3A_498] : memref<128x128xf32, #tpu.memory_space<vmem>>[vector<16xi32>, vector<16xi32>], vector<16xf32>,
      tpu.vector_store_idx %arg23[%add3A_176, %add3A_495], %gather3A_499 : memref<128x128xf32, #tpu.memory_space<vmem>>[vector<16xi32>, vector<16xi32>], vector<16xf32>,
      %add3A_500 = arith.constant 64 : i32
      %add3A_501 = vector.broadcast %add3A_500 : i32 to vector<16xi32>
      %add3A_502 = arith.addi %broadcast_in_dim3A_488, %add3A_501 : vector<16xi32>
      %gather3A_503 = tpu.vector_load_idx %arg21[%get3A_192, %broadcast_in_dim3A_488] : memref<10x32xf32, #tpu.memory_space<vmem>>[vector<16xi32>, vector<16xi32>], vector<16xf32>,
      tpu.vector_store_idx %arg23[%add3A_176, %add3A_502], %gather3A_503 : memref<128x128xf32, #tpu.memory_space<vmem>>[vector<16xi32>, vector<16xi32>], vector<16xf32>,
      %add3A_504 = arith.constant 96 : i32
      %add3A_505 = vector.broadcast %add3A_504 : i32 to vector<16xi32>
      %add3A_506 = arith.addi %broadcast_in_dim3A_488, %add3A_505 : vector<16xi32>
      %gather3A_507 = tpu.vector_load_idx %arg22[%get3A_194, %broadcast_in_dim3A_488] : memref<250x32xf32, #tpu.memory_space<vmem>>[vector<16xi32>, vector<16xi32>], vector<16xf32>,
      tpu.vector_store_idx %arg23[%add3A_176, %add3A_506], %gather3A_507 : memref<128x128xf32, #tpu.memory_space<vmem>>[vector<16xi32>, vector<16xi32>], vector<16xf32>,
      %broadcast_in_dim3A_508 = arith.constant 15 : i32
      %broadcast_in_dim3A_509 = vector.broadcast %broadcast_in_dim3A_508 : i32 to vector<16xi32>
      %add3A_510 = arith.constant 15 : i32
      %add3A_511 = vector.broadcast %add3A_510 : i32 to vector<16xi32>
      %add3A_512 = arith.addi %mul3A_182, %add3A_511 : vector<16xi32>
      %gather3A_513 = tpu.vector_load_idx %arg18[%add3A_176, %add3A_512] : memref<128x128xf32, #tpu.memory_space<vmem>>[vector<16xi32>, vector<16xi32>], vector<16xf32>,
      tpu.vector_store_idx %arg23[%add3A_176, %broadcast_in_dim3A_509], %gather3A_513 : memref<128x128xf32, #tpu.memory_space<vmem>>[vector<16xi32>, vector<16xi32>], vector<16xf32>,
      %add3A_514 = arith.constant 32 : i32
      %add3A_515 = vector.broadcast %add3A_514 : i32 to vector<16xi32>
      %add3A_516 = arith.addi %broadcast_in_dim3A_509, %add3A_515 : vector<16xi32>
      %add3A_517 = arith.constant 15 : i32
      %add3A_518 = vector.broadcast %add3A_517 : i32 to vector<16xi32>
      %add3A_519 = arith.addi %mul3A_190, %add3A_518 : vector<16xi32>
      %gather3A_520 = tpu.vector_load_idx %arg20[%add3A_176, %add3A_519] : memref<128x128xf32, #tpu.memory_space<vmem>>[vector<16xi32>, vector<16xi32>], vector<16xf32>,
      tpu.vector_store_idx %arg23[%add3A_176, %add3A_516], %gather3A_520 : memref<128x128xf32, #tpu.memory_space<vmem>>[vector<16xi32>, vector<16xi32>], vector<16xf32>,
      %add3A_521 = arith.constant 64 : i32
      %add3A_522 = vector.broadcast %add3A_521 : i32 to vector<16xi32>
      %add3A_523 = arith.addi %broadcast_in_dim3A_509, %add3A_522 : vector<16xi32>
      %gather3A_524 = tpu.vector_load_idx %arg21[%get3A_192, %broadcast_in_dim3A_509] : memref<10x32xf32, #tpu.memory_space<vmem>>[vector<16xi32>, vector<16xi32>], vector<16xf32>,
      tpu.vector_store_idx %arg23[%add3A_176, %add3A_523], %gather3A_524 : memref<128x128xf32, #tpu.memory_space<vmem>>[vector<16xi32>, vector<16xi32>], vector<16xf32>,
      %add3A_525 = arith.constant 96 : i32
      %add3A_526 = vector.broadcast %add3A_525 : i32 to vector<16xi32>
      %add3A_527 = arith.addi %broadcast_in_dim3A_509, %add3A_526 : vector<16xi32>
      %gather3A_528 = tpu.vector_load_idx %arg22[%get3A_194, %broadcast_in_dim3A_509] : memref<250x32xf32, #tpu.memory_space<vmem>>[vector<16xi32>, vector<16xi32>], vector<16xf32>,
      tpu.vector_store_idx %arg23[%add3A_176, %add3A_527], %gather3A_528 : memref<128x128xf32, #tpu.memory_space<vmem>>[vector<16xi32>, vector<16xi32>], vector<16xf32>,
      %broadcast_in_dim3A_529 = arith.constant 16 : i32
      %broadcast_in_dim3A_530 = vector.broadcast %broadcast_in_dim3A_529 : i32 to vector<16xi32>
      %add3A_531 = arith.constant 16 : i32
      %add3A_532 = vector.broadcast %add3A_531 : i32 to vector<16xi32>
      %add3A_533 = arith.addi %mul3A_182, %add3A_532 : vector<16xi32>
      %gather3A_534 = tpu.vector_load_idx %arg18[%add3A_176, %add3A_533] : memref<128x128xf32, #tpu.memory_space<vmem>>[vector<16xi32>, vector<16xi32>], vector<16xf32>,
      tpu.vector_store_idx %arg23[%add3A_176, %broadcast_in_dim3A_530], %gather3A_534 : memref<128x128xf32, #tpu.memory_space<vmem>>[vector<16xi32>, vector<16xi32>], vector<16xf32>,
      %add3A_535 = arith.constant 32 : i32
      %add3A_536 = vector.broadcast %add3A_535 : i32 to vector<16xi32>
      %add3A_537 = arith.addi %broadcast_in_dim3A_530, %add3A_536 : vector<16xi32>
      %add3A_538 = arith.constant 16 : i32
      %add3A_539 = vector.broadcast %add3A_538 : i32 to vector<16xi32>
      %add3A_540 = arith.addi %mul3A_190, %add3A_539 : vector<16xi32>
      %gather3A_541 = tpu.vector_load_idx %arg20[%add3A_176, %add3A_540] : memref<128x128xf32, #tpu.memory_space<vmem>>[vector<16xi32>, vector<16xi32>], vector<16xf32>,
      tpu.vector_store_idx %arg23[%add3A_176, %add3A_537], %gather3A_541 : memref<128x128xf32, #tpu.memory_space<vmem>>[vector<16xi32>, vector<16xi32>], vector<16xf32>,
      %add3A_542 = arith.constant 64 : i32
      %add3A_543 = vector.broadcast %add3A_542 : i32 to vector<16xi32>
      %add3A_544 = arith.addi %broadcast_in_dim3A_530, %add3A_543 : vector<16xi32>
      %gather3A_545 = tpu.vector_load_idx %arg21[%get3A_192, %broadcast_in_dim3A_530] : memref<10x32xf32, #tpu.memory_space<vmem>>[vector<16xi32>, vector<16xi32>], vector<16xf32>,
      tpu.vector_store_idx %arg23[%add3A_176, %add3A_544], %gather3A_545 : memref<128x128xf32, #tpu.memory_space<vmem>>[vector<16xi32>, vector<16xi32>], vector<16xf32>,
      %add3A_546 = arith.constant 96 : i32
      %add3A_547 = vector.broadcast %add3A_546 : i32 to vector<16xi32>
      %add3A_548 = arith.addi %broadcast_in_dim3A_530, %add3A_547 : vector<16xi32>
      %gather3A_549 = tpu.vector_load_idx %arg22[%get3A_194, %broadcast_in_dim3A_530] : memref<250x32xf32, #tpu.memory_space<vmem>>[vector<16xi32>, vector<16xi32>], vector<16xf32>,
      tpu.vector_store_idx %arg23[%add3A_176, %add3A_548], %gather3A_549 : memref<128x128xf32, #tpu.memory_space<vmem>>[vector<16xi32>, vector<16xi32>], vector<16xf32>,
      %broadcast_in_dim3A_550 = arith.constant 17 : i32
      %broadcast_in_dim3A_551 = vector.broadcast %broadcast_in_dim3A_550 : i32 to vector<16xi32>
      %add3A_552 = arith.constant 17 : i32
      %add3A_553 = vector.broadcast %add3A_552 : i32 to vector<16xi32>
      %add3A_554 = arith.addi %mul3A_182, %add3A_553 : vector<16xi32>
      %gather3A_555 = tpu.vector_load_idx %arg18[%add3A_176, %add3A_554] : memref<128x128xf32, #tpu.memory_space<vmem>>[vector<16xi32>, vector<16xi32>], vector<16xf32>,
      tpu.vector_store_idx %arg23[%add3A_176, %broadcast_in_dim3A_551], %gather3A_555 : memref<128x128xf32, #tpu.memory_space<vmem>>[vector<16xi32>, vector<16xi32>], vector<16xf32>,
      %add3A_556 = arith.constant 32 : i32
      %add3A_557 = vector.broadcast %add3A_556 : i32 to vector<16xi32>
      %add3A_558 = arith.addi %broadcast_in_dim3A_551, %add3A_557 : vector<16xi32>
      %add3A_559 = arith.constant 17 : i32
      %add3A_560 = vector.broadcast %add3A_559 : i32 to vector<16xi32>
      %add3A_561 = arith.addi %mul3A_190, %add3A_560 : vector<16xi32>
      %gather3A_562 = tpu.vector_load_idx %arg20[%add3A_176, %add3A_561] : memref<128x128xf32, #tpu.memory_space<vmem>>[vector<16xi32>, vector<16xi32>], vector<16xf32>,
      tpu.vector_store_idx %arg23[%add3A_176, %add3A_558], %gather3A_562 : memref<128x128xf32, #tpu.memory_space<vmem>>[vector<16xi32>, vector<16xi32>], vector<16xf32>,
      %add3A_563 = arith.constant 64 : i32
      %add3A_564 = vector.broadcast %add3A_563 : i32 to vector<16xi32>
      %add3A_565 = arith.addi %broadcast_in_dim3A_551, %add3A_564 : vector<16xi32>
      %gather3A_566 = tpu.vector_load_idx %arg21[%get3A_192, %broadcast_in_dim3A_551] : memref<10x32xf32, #tpu.memory_space<vmem>>[vector<16xi32>, vector<16xi32>], vector<16xf32>,
      tpu.vector_store_idx %arg23[%add3A_176, %add3A_565], %gather3A_566 : memref<128x128xf32, #tpu.memory_space<vmem>>[vector<16xi32>, vector<16xi32>], vector<16xf32>,
      %add3A_567 = arith.constant 96 : i32
      %add3A_568 = vector.broadcast %add3A_567 : i32 to vector<16xi32>
      %add3A_569 = arith.addi %broadcast_in_dim3A_551, %add3A_568 : vector<16xi32>
      %gather3A_570 = tpu.vector_load_idx %arg22[%get3A_194, %broadcast_in_dim3A_551] : memref<250x32xf32, #tpu.memory_space<vmem>>[vector<16xi32>, vector<16xi32>], vector<16xf32>,
      tpu.vector_store_idx %arg23[%add3A_176, %add3A_569], %gather3A_570 : memref<128x128xf32, #tpu.memory_space<vmem>>[vector<16xi32>, vector<16xi32>], vector<16xf32>,
      %broadcast_in_dim3A_571 = arith.constant 18 : i32
      %broadcast_in_dim3A_572 = vector.broadcast %broadcast_in_dim3A_571 : i32 to vector<16xi32>
      %add3A_573 = arith.constant 18 : i32
      %add3A_574 = vector.broadcast %add3A_573 : i32 to vector<16xi32>
      %add3A_575 = arith.addi %mul3A_182, %add3A_574 : vector<16xi32>
      %gather3A_576 = tpu.vector_load_idx %arg18[%add3A_176, %add3A_575] : memref<128x128xf32, #tpu.memory_space<vmem>>[vector<16xi32>, vector<16xi32>], vector<16xf32>,
      tpu.vector_store_idx %arg23[%add3A_176, %broadcast_in_dim3A_572], %gather3A_576 : memref<128x128xf32, #tpu.memory_space<vmem>>[vector<16xi32>, vector<16xi32>], vector<16xf32>,
      %add3A_577 = arith.constant 32 : i32
      %add3A_578 = vector.broadcast %add3A_577 : i32 to vector<16xi32>
      %add3A_579 = arith.addi %broadcast_in_dim3A_572, %add3A_578 : vector<16xi32>
      %add3A_580 = arith.constant 18 : i32
      %add3A_581 = vector.broadcast %add3A_580 : i32 to vector<16xi32>
      %add3A_582 = arith.addi %mul3A_190, %add3A_581 : vector<16xi32>
      %gather3A_583 = tpu.vector_load_idx %arg20[%add3A_176, %add3A_582] : memref<128x128xf32, #tpu.memory_space<vmem>>[vector<16xi32>, vector<16xi32>], vector<16xf32>,
      tpu.vector_store_idx %arg23[%add3A_176, %add3A_579], %gather3A_583 : memref<128x128xf32, #tpu.memory_space<vmem>>[vector<16xi32>, vector<16xi32>], vector<16xf32>,
      %add3A_584 = arith.constant 64 : i32
      %add3A_585 = vector.broadcast %add3A_584 : i32 to vector<16xi32>
      %add3A_586 = arith.addi %broadcast_in_dim3A_572, %add3A_585 : vector<16xi32>
      %gather3A_587 = tpu.vector_load_idx %arg21[%get3A_192, %broadcast_in_dim3A_572] : memref<10x32xf32, #tpu.memory_space<vmem>>[vector<16xi32>, vector<16xi32>], vector<16xf32>,
      tpu.vector_store_idx %arg23[%add3A_176, %add3A_586], %gather3A_587 : memref<128x128xf32, #tpu.memory_space<vmem>>[vector<16xi32>, vector<16xi32>], vector<16xf32>,
      %add3A_588 = arith.constant 96 : i32
      %add3A_589 = vector.broadcast %add3A_588 : i32 to vector<16xi32>
      %add3A_590 = arith.addi %broadcast_in_dim3A_572, %add3A_589 : vector<16xi32>
      %gather3A_591 = tpu.vector_load_idx %arg22[%get3A_194, %broadcast_in_dim3A_572] : memref<250x32xf32, #tpu.memory_space<vmem>>[vector<16xi32>, vector<16xi32>], vector<16xf32>,
      tpu.vector_store_idx %arg23[%add3A_176, %add3A_590], %gather3A_591 : memref<128x128xf32, #tpu.memory_space<vmem>>[vector<16xi32>, vector<16xi32>], vector<16xf32>,
      %broadcast_in_dim3A_592 = arith.constant 19 : i32
      %broadcast_in_dim3A_593 = vector.broadcast %broadcast_in_dim3A_592 : i32 to vector<16xi32>
      %add3A_594 = arith.constant 19 : i32
      %add3A_595 = vector.broadcast %add3A_594 : i32 to vector<16xi32>
      %add3A_596 = arith.addi %mul3A_182, %add3A_595 : vector<16xi32>
      %gather3A_597 = tpu.vector_load_idx %arg18[%add3A_176, %add3A_596] : memref<128x128xf32, #tpu.memory_space<vmem>>[vector<16xi32>, vector<16xi32>], vector<16xf32>,
      tpu.vector_store_idx %arg23[%add3A_176, %broadcast_in_dim3A_593], %gather3A_597 : memref<128x128xf32, #tpu.memory_space<vmem>>[vector<16xi32>, vector<16xi32>], vector<16xf32>,
      %add3A_598 = arith.constant 32 : i32
      %add3A_599 = vector.broadcast %add3A_598 : i32 to vector<16xi32>
      %add3A_600 = arith.addi %broadcast_in_dim3A_593, %add3A_599 : vector<16xi32>
      %add3A_601 = arith.constant 19 : i32
      %add3A_602 = vector.broadcast %add3A_601 : i32 to vector<16xi32>
      %add3A_603 = arith.addi %mul3A_190, %add3A_602 : vector<16xi32>
      %gather3A_604 = tpu.vector_load_idx %arg20[%add3A_176, %add3A_603] : memref<128x128xf32, #tpu.memory_space<vmem>>[vector<16xi32>, vector<16xi32>], vector<16xf32>,
      tpu.vector_store_idx %arg23[%add3A_176, %add3A_600], %gather3A_604 : memref<128x128xf32, #tpu.memory_space<vmem>>[vector<16xi32>, vector<16xi32>], vector<16xf32>,
      %add3A_605 = arith.constant 64 : i32
      %add3A_606 = vector.broadcast %add3A_605 : i32 to vector<16xi32>
      %add3A_607 = arith.addi %broadcast_in_dim3A_593, %add3A_606 : vector<16xi32>
      %gather3A_608 = tpu.vector_load_idx %arg21[%get3A_192, %broadcast_in_dim3A_593] : memref<10x32xf32, #tpu.memory_space<vmem>>[vector<16xi32>, vector<16xi32>], vector<16xf32>,
      tpu.vector_store_idx %arg23[%add3A_176, %add3A_607], %gather3A_608 : memref<128x128xf32, #tpu.memory_space<vmem>>[vector<16xi32>, vector<16xi32>], vector<16xf32>,
      %add3A_609 = arith.constant 96 : i32
      %add3A_610 = vector.broadcast %add3A_609 : i32 to vector<16xi32>
      %add3A_611 = arith.addi %broadcast_in_dim3A_593, %add3A_610 : vector<16xi32>
      %gather3A_612 = tpu.vector_load_idx %arg22[%get3A_194, %broadcast_in_dim3A_593] : memref<250x32xf32, #tpu.memory_space<vmem>>[vector<16xi32>, vector<16xi32>], vector<16xf32>,
      tpu.vector_store_idx %arg23[%add3A_176, %add3A_611], %gather3A_612 : memref<128x128xf32, #tpu.memory_space<vmem>>[vector<16xi32>, vector<16xi32>], vector<16xf32>,
      %broadcast_in_dim3A_613 = arith.constant 20 : i32
      %broadcast_in_dim3A_614 = vector.broadcast %broadcast_in_dim3A_613 : i32 to vector<16xi32>
      %add3A_615 = arith.constant 20 : i32
      %add3A_616 = vector.broadcast %add3A_615 : i32 to vector<16xi32>
      %add3A_617 = arith.addi %mul3A_182, %add3A_616 : vector<16xi32>
      %gather3A_618 = tpu.vector_load_idx %arg18[%add3A_176, %add3A_617] : memref<128x128xf32, #tpu.memory_space<vmem>>[vector<16xi32>, vector<16xi32>], vector<16xf32>,
      tpu.vector_store_idx %arg23[%add3A_176, %broadcast_in_dim3A_614], %gather3A_618 : memref<128x128xf32, #tpu.memory_space<vmem>>[vector<16xi32>, vector<16xi32>], vector<16xf32>,
      %add3A_619 = arith.constant 32 : i32
      %add3A_620 = vector.broadcast %add3A_619 : i32 to vector<16xi32>
      %add3A_621 = arith.addi %broadcast_in_dim3A_614, %add3A_620 : vector<16xi32>
      %add3A_622 = arith.constant 20 : i32
      %add3A_623 = vector.broadcast %add3A_622 : i32 to vector<16xi32>
      %add3A_624 = arith.addi %mul3A_190, %add3A_623 : vector<16xi32>
      %gather3A_625 = tpu.vector_load_idx %arg20[%add3A_176, %add3A_624] : memref<128x128xf32, #tpu.memory_space<vmem>>[vector<16xi32>, vector<16xi32>], vector<16xf32>,
      tpu.vector_store_idx %arg23[%add3A_176, %add3A_621], %gather3A_625 : memref<128x128xf32, #tpu.memory_space<vmem>>[vector<16xi32>, vector<16xi32>], vector<16xf32>,
      %add3A_626 = arith.constant 64 : i32
      %add3A_627 = vector.broadcast %add3A_626 : i32 to vector<16xi32>
      %add3A_628 = arith.addi %broadcast_in_dim3A_614, %add3A_627 : vector<16xi32>
      %gather3A_629 = tpu.vector_load_idx %arg21[%get3A_192, %broadcast_in_dim3A_614] : memref<10x32xf32, #tpu.memory_space<vmem>>[vector<16xi32>, vector<16xi32>], vector<16xf32>,
      tpu.vector_store_idx %arg23[%add3A_176, %add3A_628], %gather3A_629 : memref<128x128xf32, #tpu.memory_space<vmem>>[vector<16xi32>, vector<16xi32>], vector<16xf32>,
      %add3A_630 = arith.constant 96 : i32
      %add3A_631 = vector.broadcast %add3A_630 : i32 to vector<16xi32>
      %add3A_632 = arith.addi %broadcast_in_dim3A_614, %add3A_631 : vector<16xi32>
      %gather3A_633 = tpu.vector_load_idx %arg22[%get3A_194, %broadcast_in_dim3A_614] : memref<250x32xf32, #tpu.memory_space<vmem>>[vector<16xi32>, vector<16xi32>], vector<16xf32>,
      tpu.vector_store_idx %arg23[%add3A_176, %add3A_632], %gather3A_633 : memref<128x128xf32, #tpu.memory_space<vmem>>[vector<16xi32>, vector<16xi32>], vector<16xf32>,
      %broadcast_in_dim3A_634 = arith.constant 21 : i32
      %broadcast_in_dim3A_635 = vector.broadcast %broadcast_in_dim3A_634 : i32 to vector<16xi32>
      %add3A_636 = arith.constant 21 : i32
      %add3A_637 = vector.broadcast %add3A_636 : i32 to vector<16xi32>
      %add3A_638 = arith.addi %mul3A_182, %add3A_637 : vector<16xi32>
      %gather3A_639 = tpu.vector_load_idx %arg18[%add3A_176, %add3A_638] : memref<128x128xf32, #tpu.memory_space<vmem>>[vector<16xi32>, vector<16xi32>], vector<16xf32>,
      tpu.vector_store_idx %arg23[%add3A_176, %broadcast_in_dim3A_635], %gather3A_639 : memref<128x128xf32, #tpu.memory_space<vmem>>[vector<16xi32>, vector<16xi32>], vector<16xf32>,
      %add3A_640 = arith.constant 32 : i32
      %add3A_641 = vector.broadcast %add3A_640 : i32 to vector<16xi32>
      %add3A_642 = arith.addi %broadcast_in_dim3A_635, %add3A_641 : vector<16xi32>
      %add3A_643 = arith.constant 21 : i32
      %add3A_644 = vector.broadcast %add3A_643 : i32 to vector<16xi32>
      %add3A_645 = arith.addi %mul3A_190, %add3A_644 : vector<16xi32>
      %gather3A_646 = tpu.vector_load_idx %arg20[%add3A_176, %add3A_645] : memref<128x128xf32, #tpu.memory_space<vmem>>[vector<16xi32>, vector<16xi32>], vector<16xf32>,
      tpu.vector_store_idx %arg23[%add3A_176, %add3A_642], %gather3A_646 : memref<128x128xf32, #tpu.memory_space<vmem>>[vector<16xi32>, vector<16xi32>], vector<16xf32>,
      %add3A_647 = arith.constant 64 : i32
      %add3A_648 = vector.broadcast %add3A_647 : i32 to vector<16xi32>
      %add3A_649 = arith.addi %broadcast_in_dim3A_635, %add3A_648 : vector<16xi32>
      %gather3A_650 = tpu.vector_load_idx %arg21[%get3A_192, %broadcast_in_dim3A_635] : memref<10x32xf32, #tpu.memory_space<vmem>>[vector<16xi32>, vector<16xi32>], vector<16xf32>,
      tpu.vector_store_idx %arg23[%add3A_176, %add3A_649], %gather3A_650 : memref<128x128xf32, #tpu.memory_space<vmem>>[vector<16xi32>, vector<16xi32>], vector<16xf32>,
      %add3A_651 = arith.constant 96 : i32
      %add3A_652 = vector.broadcast %add3A_651 : i32 to vector<16xi32>
      %add3A_653 = arith.addi %broadcast_in_dim3A_635, %add3A_652 : vector<16xi32>
      %gather3A_654 = tpu.vector_load_idx %arg22[%get3A_194, %broadcast_in_dim3A_635] : memref<250x32xf32, #tpu.memory_space<vmem>>[vector<16xi32>, vector<16xi32>], vector<16xf32>,
      tpu.vector_store_idx %arg23[%add3A_176, %add3A_653], %gather3A_654 : memref<128x128xf32, #tpu.memory_space<vmem>>[vector<16xi32>, vector<16xi32>], vector<16xf32>,
      %broadcast_in_dim3A_655 = arith.constant 22 : i32
      %broadcast_in_dim3A_656 = vector.broadcast %broadcast_in_dim3A_655 : i32 to vector<16xi32>
      %add3A_657 = arith.constant 22 : i32
      %add3A_658 = vector.broadcast %add3A_657 : i32 to vector<16xi32>
      %add3A_659 = arith.addi %mul3A_182, %add3A_658 : vector<16xi32>
      %gather3A_660 = tpu.vector_load_idx %arg18[%add3A_176, %add3A_659] : memref<128x128xf32, #tpu.memory_space<vmem>>[vector<16xi32>, vector<16xi32>], vector<16xf32>,
      tpu.vector_store_idx %arg23[%add3A_176, %broadcast_in_dim3A_656], %gather3A_660 : memref<128x128xf32, #tpu.memory_space<vmem>>[vector<16xi32>, vector<16xi32>], vector<16xf32>,
      %add3A_661 = arith.constant 32 : i32
      %add3A_662 = vector.broadcast %add3A_661 : i32 to vector<16xi32>
      %add3A_663 = arith.addi %broadcast_in_dim3A_656, %add3A_662 : vector<16xi32>
      %add3A_664 = arith.constant 22 : i32
      %add3A_665 = vector.broadcast %add3A_664 : i32 to vector<16xi32>
      %add3A_666 = arith.addi %mul3A_190, %add3A_665 : vector<16xi32>
      %gather3A_667 = tpu.vector_load_idx %arg20[%add3A_176, %add3A_666] : memref<128x128xf32, #tpu.memory_space<vmem>>[vector<16xi32>, vector<16xi32>], vector<16xf32>,
      tpu.vector_store_idx %arg23[%add3A_176, %add3A_663], %gather3A_667 : memref<128x128xf32, #tpu.memory_space<vmem>>[vector<16xi32>, vector<16xi32>], vector<16xf32>,
      %add3A_668 = arith.constant 64 : i32
      %add3A_669 = vector.broadcast %add3A_668 : i32 to vector<16xi32>
      %add3A_670 = arith.addi %broadcast_in_dim3A_656, %add3A_669 : vector<16xi32>
      %gather3A_671 = tpu.vector_load_idx %arg21[%get3A_192, %broadcast_in_dim3A_656] : memref<10x32xf32, #tpu.memory_space<vmem>>[vector<16xi32>, vector<16xi32>], vector<16xf32>,
      tpu.vector_store_idx %arg23[%add3A_176, %add3A_670], %gather3A_671 : memref<128x128xf32, #tpu.memory_space<vmem>>[vector<16xi32>, vector<16xi32>], vector<16xf32>,
      %add3A_672 = arith.constant 96 : i32
      %add3A_673 = vector.broadcast %add3A_672 : i32 to vector<16xi32>
      %add3A_674 = arith.addi %broadcast_in_dim3A_656, %add3A_673 : vector<16xi32>
      %gather3A_675 = tpu.vector_load_idx %arg22[%get3A_194, %broadcast_in_dim3A_656] : memref<250x32xf32, #tpu.memory_space<vmem>>[vector<16xi32>, vector<16xi32>], vector<16xf32>,
      tpu.vector_store_idx %arg23[%add3A_176, %add3A_674], %gather3A_675 : memref<128x128xf32, #tpu.memory_space<vmem>>[vector<16xi32>, vector<16xi32>], vector<16xf32>,
      %broadcast_in_dim3A_676 = arith.constant 23 : i32
      %broadcast_in_dim3A_677 = vector.broadcast %broadcast_in_dim3A_676 : i32 to vector<16xi32>
      %add3A_678 = arith.constant 23 : i32
      %add3A_679 = vector.broadcast %add3A_678 : i32 to vector<16xi32>
      %add3A_680 = arith.addi %mul3A_182, %add3A_679 : vector<16xi32>
      %gather3A_681 = tpu.vector_load_idx %arg18[%add3A_176, %add3A_680] : memref<128x128xf32, #tpu.memory_space<vmem>>[vector<16xi32>, vector<16xi32>], vector<16xf32>,
      tpu.vector_store_idx %arg23[%add3A_176, %broadcast_in_dim3A_677], %gather3A_681 : memref<128x128xf32, #tpu.memory_space<vmem>>[vector<16xi32>, vector<16xi32>], vector<16xf32>,
      %add3A_682 = arith.constant 32 : i32
      %add3A_683 = vector.broadcast %add3A_682 : i32 to vector<16xi32>
      %add3A_684 = arith.addi %broadcast_in_dim3A_677, %add3A_683 : vector<16xi32>
      %add3A_685 = arith.constant 23 : i32
      %add3A_686 = vector.broadcast %add3A_685 : i32 to vector<16xi32>
      %add3A_687 = arith.addi %mul3A_190, %add3A_686 : vector<16xi32>
      %gather3A_688 = tpu.vector_load_idx %arg20[%add3A_176, %add3A_687] : memref<128x128xf32, #tpu.memory_space<vmem>>[vector<16xi32>, vector<16xi32>], vector<16xf32>,
      tpu.vector_store_idx %arg23[%add3A_176, %add3A_684], %gather3A_688 : memref<128x128xf32, #tpu.memory_space<vmem>>[vector<16xi32>, vector<16xi32>], vector<16xf32>,
      %add3A_689 = arith.constant 64 : i32
      %add3A_690 = vector.broadcast %add3A_689 : i32 to vector<16xi32>
      %add3A_691 = arith.addi %broadcast_in_dim3A_677, %add3A_690 : vector<16xi32>
      %gather3A_692 = tpu.vector_load_idx %arg21[%get3A_192, %broadcast_in_dim3A_677] : memref<10x32xf32, #tpu.memory_space<vmem>>[vector<16xi32>, vector<16xi32>], vector<16xf32>,
      tpu.vector_store_idx %arg23[%add3A_176, %add3A_691], %gather3A_692 : memref<128x128xf32, #tpu.memory_space<vmem>>[vector<16xi32>, vector<16xi32>], vector<16xf32>,
      %add3A_693 = arith.constant 96 : i32
      %add3A_694 = vector.broadcast %add3A_693 : i32 to vector<16xi32>
      %add3A_695 = arith.addi %broadcast_in_dim3A_677, %add3A_694 : vector<16xi32>
      %gather3A_696 = tpu.vector_load_idx %arg22[%get3A_194, %broadcast_in_dim3A_677] : memref<250x32xf32, #tpu.memory_space<vmem>>[vector<16xi32>, vector<16xi32>], vector<16xf32>,
      tpu.vector_store_idx %arg23[%add3A_176, %add3A_695], %gather3A_696 : memref<128x128xf32, #tpu.memory_space<vmem>>[vector<16xi32>, vector<16xi32>], vector<16xf32>,
      %broadcast_in_dim3A_697 = arith.constant 24 : i32
      %broadcast_in_dim3A_698 = vector.broadcast %broadcast_in_dim3A_697 : i32 to vector<16xi32>
      %add3A_699 = arith.constant 24 : i32
      %add3A_700 = vector.broadcast %add3A_699 : i32 to vector<16xi32>
      %add3A_701 = arith.addi %mul3A_182, %add3A_700 : vector<16xi32>
      %gather3A_702 = tpu.vector_load_idx %arg18[%add3A_176, %add3A_701] : memref<128x128xf32, #tpu.memory_space<vmem>>[vector<16xi32>, vector<16xi32>], vector<16xf32>,
      tpu.vector_store_idx %arg23[%add3A_176, %broadcast_in_dim3A_698], %gather3A_702 : memref<128x128xf32, #tpu.memory_space<vmem>>[vector<16xi32>, vector<16xi32>], vector<16xf32>,
      %add3A_703 = arith.constant 32 : i32
      %add3A_704 = vector.broadcast %add3A_703 : i32 to vector<16xi32>
      %add3A_705 = arith.addi %broadcast_in_dim3A_698, %add3A_704 : vector<16xi32>
      %add3A_706 = arith.constant 24 : i32
      %add3A_707 = vector.broadcast %add3A_706 : i32 to vector<16xi32>
      %add3A_708 = arith.addi %mul3A_190, %add3A_707 : vector<16xi32>
      %gather3A_709 = tpu.vector_load_idx %arg20[%add3A_176, %add3A_708] : memref<128x128xf32, #tpu.memory_space<vmem>>[vector<16xi32>, vector<16xi32>], vector<16xf32>,
      tpu.vector_store_idx %arg23[%add3A_176, %add3A_705], %gather3A_709 : memref<128x128xf32, #tpu.memory_space<vmem>>[vector<16xi32>, vector<16xi32>], vector<16xf32>,
      %add3A_710 = arith.constant 64 : i32
      %add3A_711 = vector.broadcast %add3A_710 : i32 to vector<16xi32>
      %add3A_712 = arith.addi %broadcast_in_dim3A_698, %add3A_711 : vector<16xi32>
      %gather3A_713 = tpu.vector_load_idx %arg21[%get3A_192, %broadcast_in_dim3A_698] : memref<10x32xf32, #tpu.memory_space<vmem>>[vector<16xi32>, vector<16xi32>], vector<16xf32>,
      tpu.vector_store_idx %arg23[%add3A_176, %add3A_712], %gather3A_713 : memref<128x128xf32, #tpu.memory_space<vmem>>[vector<16xi32>, vector<16xi32>], vector<16xf32>,
      %add3A_714 = arith.constant 96 : i32
      %add3A_715 = vector.broadcast %add3A_714 : i32 to vector<16xi32>
      %add3A_716 = arith.addi %broadcast_in_dim3A_698, %add3A_715 : vector<16xi32>
      %gather3A_717 = tpu.vector_load_idx %arg22[%get3A_194, %broadcast_in_dim3A_698] : memref<250x32xf32, #tpu.memory_space<vmem>>[vector<16xi32>, vector<16xi32>], vector<16xf32>,
      tpu.vector_store_idx %arg23[%add3A_176, %add3A_716], %gather3A_717 : memref<128x128xf32, #tpu.memory_space<vmem>>[vector<16xi32>, vector<16xi32>], vector<16xf32>,
      %broadcast_in_dim3A_718 = arith.constant 25 : i32
      %broadcast_in_dim3A_719 = vector.broadcast %broadcast_in_dim3A_718 : i32 to vector<16xi32>
      %add3A_720 = arith.constant 25 : i32
      %add3A_721 = vector.broadcast %add3A_720 : i32 to vector<16xi32>
      %add3A_722 = arith.addi %mul3A_182, %add3A_721 : vector<16xi32>
      %gather3A_723 = tpu.vector_load_idx %arg18[%add3A_176, %add3A_722] : memref<128x128xf32, #tpu.memory_space<vmem>>[vector<16xi32>, vector<16xi32>], vector<16xf32>,
      tpu.vector_store_idx %arg23[%add3A_176, %broadcast_in_dim3A_719], %gather3A_723 : memref<128x128xf32, #tpu.memory_space<vmem>>[vector<16xi32>, vector<16xi32>], vector<16xf32>,
      %add3A_724 = arith.constant 32 : i32
      %add3A_725 = vector.broadcast %add3A_724 : i32 to vector<16xi32>
      %add3A_726 = arith.addi %broadcast_in_dim3A_719, %add3A_725 : vector<16xi32>
      %add3A_727 = arith.constant 25 : i32
      %add3A_728 = vector.broadcast %add3A_727 : i32 to vector<16xi32>
      %add3A_729 = arith.addi %mul3A_190, %add3A_728 : vector<16xi32>
      %gather3A_730 = tpu.vector_load_idx %arg20[%add3A_176, %add3A_729] : memref<128x128xf32, #tpu.memory_space<vmem>>[vector<16xi32>, vector<16xi32>], vector<16xf32>,
      tpu.vector_store_idx %arg23[%add3A_176, %add3A_726], %gather3A_730 : memref<128x128xf32, #tpu.memory_space<vmem>>[vector<16xi32>, vector<16xi32>], vector<16xf32>,
      %add3A_731 = arith.constant 64 : i32
      %add3A_732 = vector.broadcast %add3A_731 : i32 to vector<16xi32>
      %add3A_733 = arith.addi %broadcast_in_dim3A_719, %add3A_732 : vector<16xi32>
      %gather3A_734 = tpu.vector_load_idx %arg21[%get3A_192, %broadcast_in_dim3A_719] : memref<10x32xf32, #tpu.memory_space<vmem>>[vector<16xi32>, vector<16xi32>], vector<16xf32>,
      tpu.vector_store_idx %arg23[%add3A_176, %add3A_733], %gather3A_734 : memref<128x128xf32, #tpu.memory_space<vmem>>[vector<16xi32>, vector<16xi32>], vector<16xf32>,
      %add3A_735 = arith.constant 96 : i32
      %add3A_736 = vector.broadcast %add3A_735 : i32 to vector<16xi32>
      %add3A_737 = arith.addi %broadcast_in_dim3A_719, %add3A_736 : vector<16xi32>
      %gather3A_738 = tpu.vector_load_idx %arg22[%get3A_194, %broadcast_in_dim3A_719] : memref<250x32xf32, #tpu.memory_space<vmem>>[vector<16xi32>, vector<16xi32>], vector<16xf32>,
      tpu.vector_store_idx %arg23[%add3A_176, %add3A_737], %gather3A_738 : memref<128x128xf32, #tpu.memory_space<vmem>>[vector<16xi32>, vector<16xi32>], vector<16xf32>,
      %broadcast_in_dim3A_739 = arith.constant 26 : i32
      %broadcast_in_dim3A_740 = vector.broadcast %broadcast_in_dim3A_739 : i32 to vector<16xi32>
      %add3A_741 = arith.constant 26 : i32
      %add3A_742 = vector.broadcast %add3A_741 : i32 to vector<16xi32>
      %add3A_743 = arith.addi %mul3A_182, %add3A_742 : vector<16xi32>
      %gather3A_744 = tpu.vector_load_idx %arg18[%add3A_176, %add3A_743] : memref<128x128xf32, #tpu.memory_space<vmem>>[vector<16xi32>, vector<16xi32>], vector<16xf32>,
      tpu.vector_store_idx %arg23[%add3A_176, %broadcast_in_dim3A_740], %gather3A_744 : memref<128x128xf32, #tpu.memory_space<vmem>>[vector<16xi32>, vector<16xi32>], vector<16xf32>,
      %add3A_745 = arith.constant 32 : i32
      %add3A_746 = vector.broadcast %add3A_745 : i32 to vector<16xi32>
      %add3A_747 = arith.addi %broadcast_in_dim3A_740, %add3A_746 : vector<16xi32>
      %add3A_748 = arith.constant 26 : i32
      %add3A_749 = vector.broadcast %add3A_748 : i32 to vector<16xi32>
      %add3A_750 = arith.addi %mul3A_190, %add3A_749 : vector<16xi32>
      %gather3A_751 = tpu.vector_load_idx %arg20[%add3A_176, %add3A_750] : memref<128x128xf32, #tpu.memory_space<vmem>>[vector<16xi32>, vector<16xi32>], vector<16xf32>,
      tpu.vector_store_idx %arg23[%add3A_176, %add3A_747], %gather3A_751 : memref<128x128xf32, #tpu.memory_space<vmem>>[vector<16xi32>, vector<16xi32>], vector<16xf32>,
      %add3A_752 = arith.constant 64 : i32
      %add3A_753 = vector.broadcast %add3A_752 : i32 to vector<16xi32>
      %add3A_754 = arith.addi %broadcast_in_dim3A_740, %add3A_753 : vector<16xi32>
      %gather3A_755 = tpu.vector_load_idx %arg21[%get3A_192, %broadcast_in_dim3A_740] : memref<10x32xf32, #tpu.memory_space<vmem>>[vector<16xi32>, vector<16xi32>], vector<16xf32>,
      tpu.vector_store_idx %arg23[%add3A_176, %add3A_754], %gather3A_755 : memref<128x128xf32, #tpu.memory_space<vmem>>[vector<16xi32>, vector<16xi32>], vector<16xf32>,
      %add3A_756 = arith.constant 96 : i32
      %add3A_757 = vector.broadcast %add3A_756 : i32 to vector<16xi32>
      %add3A_758 = arith.addi %broadcast_in_dim3A_740, %add3A_757 : vector<16xi32>
      %gather3A_759 = tpu.vector_load_idx %arg22[%get3A_194, %broadcast_in_dim3A_740] : memref<250x32xf32, #tpu.memory_space<vmem>>[vector<16xi32>, vector<16xi32>], vector<16xf32>,
      tpu.vector_store_idx %arg23[%add3A_176, %add3A_758], %gather3A_759 : memref<128x128xf32, #tpu.memory_space<vmem>>[vector<16xi32>, vector<16xi32>], vector<16xf32>,
      %broadcast_in_dim3A_760 = arith.constant 27 : i32
      %broadcast_in_dim3A_761 = vector.broadcast %broadcast_in_dim3A_760 : i32 to vector<16xi32>
      %add3A_762 = arith.constant 27 : i32
      %add3A_763 = vector.broadcast %add3A_762 : i32 to vector<16xi32>
      %add3A_764 = arith.addi %mul3A_182, %add3A_763 : vector<16xi32>
      %gather3A_765 = tpu.vector_load_idx %arg18[%add3A_176, %add3A_764] : memref<128x128xf32, #tpu.memory_space<vmem>>[vector<16xi32>, vector<16xi32>], vector<16xf32>,
      tpu.vector_store_idx %arg23[%add3A_176, %broadcast_in_dim3A_761], %gather3A_765 : memref<128x128xf32, #tpu.memory_space<vmem>>[vector<16xi32>, vector<16xi32>], vector<16xf32>,
      %add3A_766 = arith.constant 32 : i32
      %add3A_767 = vector.broadcast %add3A_766 : i32 to vector<16xi32>
      %add3A_768 = arith.addi %broadcast_in_dim3A_761, %add3A_767 : vector<16xi32>
      %add3A_769 = arith.constant 27 : i32
      %add3A_770 = vector.broadcast %add3A_769 : i32 to vector<16xi32>
      %add3A_771 = arith.addi %mul3A_190, %add3A_770 : vector<16xi32>
      %gather3A_772 = tpu.vector_load_idx %arg20[%add3A_176, %add3A_771] : memref<128x128xf32, #tpu.memory_space<vmem>>[vector<16xi32>, vector<16xi32>], vector<16xf32>,
      tpu.vector_store_idx %arg23[%add3A_176, %add3A_768], %gather3A_772 : memref<128x128xf32, #tpu.memory_space<vmem>>[vector<16xi32>, vector<16xi32>], vector<16xf32>,
      %add3A_773 = arith.constant 64 : i32
      %add3A_774 = vector.broadcast %add3A_773 : i32 to vector<16xi32>
      %add3A_775 = arith.addi %broadcast_in_dim3A_761, %add3A_774 : vector<16xi32>
      %gather3A_776 = tpu.vector_load_idx %arg21[%get3A_192, %broadcast_in_dim3A_761] : memref<10x32xf32, #tpu.memory_space<vmem>>[vector<16xi32>, vector<16xi32>], vector<16xf32>,
      tpu.vector_store_idx %arg23[%add3A_176, %add3A_775], %gather3A_776 : memref<128x128xf32, #tpu.memory_space<vmem>>[vector<16xi32>, vector<16xi32>], vector<16xf32>,
      %add3A_777 = arith.constant 96 : i32
      %add3A_778 = vector.broadcast %add3A_777 : i32 to vector<16xi32>
      %add3A_779 = arith.addi %broadcast_in_dim3A_761, %add3A_778 : vector<16xi32>
      %gather3A_780 = tpu.vector_load_idx %arg22[%get3A_194, %broadcast_in_dim3A_761] : memref<250x32xf32, #tpu.memory_space<vmem>>[vector<16xi32>, vector<16xi32>], vector<16xf32>,
      tpu.vector_store_idx %arg23[%add3A_176, %add3A_779], %gather3A_780 : memref<128x128xf32, #tpu.memory_space<vmem>>[vector<16xi32>, vector<16xi32>], vector<16xf32>,
      %broadcast_in_dim3A_781 = arith.constant 28 : i32
      %broadcast_in_dim3A_782 = vector.broadcast %broadcast_in_dim3A_781 : i32 to vector<16xi32>
      %add3A_783 = arith.constant 28 : i32
      %add3A_784 = vector.broadcast %add3A_783 : i32 to vector<16xi32>
      %add3A_785 = arith.addi %mul3A_182, %add3A_784 : vector<16xi32>
      %gather3A_786 = tpu.vector_load_idx %arg18[%add3A_176, %add3A_785] : memref<128x128xf32, #tpu.memory_space<vmem>>[vector<16xi32>, vector<16xi32>], vector<16xf32>,
      tpu.vector_store_idx %arg23[%add3A_176, %broadcast_in_dim3A_782], %gather3A_786 : memref<128x128xf32, #tpu.memory_space<vmem>>[vector<16xi32>, vector<16xi32>], vector<16xf32>,
      %add3A_787 = arith.constant 32 : i32
      %add3A_788 = vector.broadcast %add3A_787 : i32 to vector<16xi32>
      %add3A_789 = arith.addi %broadcast_in_dim3A_782, %add3A_788 : vector<16xi32>
      %add3A_790 = arith.constant 28 : i32
      %add3A_791 = vector.broadcast %add3A_790 : i32 to vector<16xi32>
      %add3A_792 = arith.addi %mul3A_190, %add3A_791 : vector<16xi32>
      %gather3A_793 = tpu.vector_load_idx %arg20[%add3A_176, %add3A_792] : memref<128x128xf32, #tpu.memory_space<vmem>>[vector<16xi32>, vector<16xi32>], vector<16xf32>,
      tpu.vector_store_idx %arg23[%add3A_176, %add3A_789], %gather3A_793 : memref<128x128xf32, #tpu.memory_space<vmem>>[vector<16xi32>, vector<16xi32>], vector<16xf32>,
      %add3A_794 = arith.constant 64 : i32
      %add3A_795 = vector.broadcast %add3A_794 : i32 to vector<16xi32>
      %add3A_796 = arith.addi %broadcast_in_dim3A_782, %add3A_795 : vector<16xi32>
      %gather3A_797 = tpu.vector_load_idx %arg21[%get3A_192, %broadcast_in_dim3A_782] : memref<10x32xf32, #tpu.memory_space<vmem>>[vector<16xi32>, vector<16xi32>], vector<16xf32>,
      tpu.vector_store_idx %arg23[%add3A_176, %add3A_796], %gather3A_797 : memref<128x128xf32, #tpu.memory_space<vmem>>[vector<16xi32>, vector<16xi32>], vector<16xf32>,
      %add3A_798 = arith.constant 96 : i32
      %add3A_799 = vector.broadcast %add3A_798 : i32 to vector<16xi32>
      %add3A_800 = arith.addi %broadcast_in_dim3A_782, %add3A_799 : vector<16xi32>
      %gather3A_801 = tpu.vector_load_idx %arg22[%get3A_194, %broadcast_in_dim3A_782] : memref<250x32xf32, #tpu.memory_space<vmem>>[vector<16xi32>, vector<16xi32>], vector<16xf32>,
      tpu.vector_store_idx %arg23[%add3A_176, %add3A_800], %gather3A_801 : memref<128x128xf32, #tpu.memory_space<vmem>>[vector<16xi32>, vector<16xi32>], vector<16xf32>,
      %broadcast_in_dim3A_802 = arith.constant 29 : i32
      %broadcast_in_dim3A_803 = vector.broadcast %broadcast_in_dim3A_802 : i32 to vector<16xi32>
      %add3A_804 = arith.constant 29 : i32
      %add3A_805 = vector.broadcast %add3A_804 : i32 to vector<16xi32>
      %add3A_806 = arith.addi %mul3A_182, %add3A_805 : vector<16xi32>
      %gather3A_807 = tpu.vector_load_idx %arg18[%add3A_176, %add3A_806] : memref<128x128xf32, #tpu.memory_space<vmem>>[vector<16xi32>, vector<16xi32>], vector<16xf32>,
      tpu.vector_store_idx %arg23[%add3A_176, %broadcast_in_dim3A_803], %gather3A_807 : memref<128x128xf32, #tpu.memory_space<vmem>>[vector<16xi32>, vector<16xi32>], vector<16xf32>,
      %add3A_808 = arith.constant 32 : i32
      %add3A_809 = vector.broadcast %add3A_808 : i32 to vector<16xi32>
      %add3A_810 = arith.addi %broadcast_in_dim3A_803, %add3A_809 : vector<16xi32>
      %add3A_811 = arith.constant 29 : i32
      %add3A_812 = vector.broadcast %add3A_811 : i32 to vector<16xi32>
      %add3A_813 = arith.addi %mul3A_190, %add3A_812 : vector<16xi32>
      %gather3A_814 = tpu.vector_load_idx %arg20[%add3A_176, %add3A_813] : memref<128x128xf32, #tpu.memory_space<vmem>>[vector<16xi32>, vector<16xi32>], vector<16xf32>,
      tpu.vector_store_idx %arg23[%add3A_176, %add3A_810], %gather3A_814 : memref<128x128xf32, #tpu.memory_space<vmem>>[vector<16xi32>, vector<16xi32>], vector<16xf32>,
      %add3A_815 = arith.constant 64 : i32
      %add3A_816 = vector.broadcast %add3A_815 : i32 to vector<16xi32>
      %add3A_817 = arith.addi %broadcast_in_dim3A_803, %add3A_816 : vector<16xi32>
      %gather3A_818 = tpu.vector_load_idx %arg21[%get3A_192, %broadcast_in_dim3A_803] : memref<10x32xf32, #tpu.memory_space<vmem>>[vector<16xi32>, vector<16xi32>], vector<16xf32>,
      tpu.vector_store_idx %arg23[%add3A_176, %add3A_817], %gather3A_818 : memref<128x128xf32, #tpu.memory_space<vmem>>[vector<16xi32>, vector<16xi32>], vector<16xf32>,
      %add3A_819 = arith.constant 96 : i32
      %add3A_820 = vector.broadcast %add3A_819 : i32 to vector<16xi32>
      %add3A_821 = arith.addi %broadcast_in_dim3A_803, %add3A_820 : vector<16xi32>
      %gather3A_822 = tpu.vector_load_idx %arg22[%get3A_194, %broadcast_in_dim3A_803] : memref<250x32xf32, #tpu.memory_space<vmem>>[vector<16xi32>, vector<16xi32>], vector<16xf32>,
      tpu.vector_store_idx %arg23[%add3A_176, %add3A_821], %gather3A_822 : memref<128x128xf32, #tpu.memory_space<vmem>>[vector<16xi32>, vector<16xi32>], vector<16xf32>,
      %broadcast_in_dim3A_823 = arith.constant 30 : i32
      %broadcast_in_dim3A_824 = vector.broadcast %broadcast_in_dim3A_823 : i32 to vector<16xi32>
      %add3A_825 = arith.constant 30 : i32
      %add3A_826 = vector.broadcast %add3A_825 : i32 to vector<16xi32>
      %add3A_827 = arith.addi %mul3A_182, %add3A_826 : vector<16xi32>
      %gather3A_828 = tpu.vector_load_idx %arg18[%add3A_176, %add3A_827] : memref<128x128xf32, #tpu.memory_space<vmem>>[vector<16xi32>, vector<16xi32>], vector<16xf32>,
      tpu.vector_store_idx %arg23[%add3A_176, %broadcast_in_dim3A_824], %gather3A_828 : memref<128x128xf32, #tpu.memory_space<vmem>>[vector<16xi32>, vector<16xi32>], vector<16xf32>,
      %add3A_829 = arith.constant 32 : i32
      %add3A_830 = vector.broadcast %add3A_829 : i32 to vector<16xi32>
      %add3A_831 = arith.addi %broadcast_in_dim3A_824, %add3A_830 : vector<16xi32>
      %add3A_832 = arith.constant 30 : i32
      %add3A_833 = vector.broadcast %add3A_832 : i32 to vector<16xi32>
      %add3A_834 = arith.addi %mul3A_190, %add3A_833 : vector<16xi32>
      %gather3A_835 = tpu.vector_load_idx %arg20[%add3A_176, %add3A_834] : memref<128x128xf32, #tpu.memory_space<vmem>>[vector<16xi32>, vector<16xi32>], vector<16xf32>,
      tpu.vector_store_idx %arg23[%add3A_176, %add3A_831], %gather3A_835 : memref<128x128xf32, #tpu.memory_space<vmem>>[vector<16xi32>, vector<16xi32>], vector<16xf32>,
      %add3A_836 = arith.constant 64 : i32
      %add3A_837 = vector.broadcast %add3A_836 : i32 to vector<16xi32>
      %add3A_838 = arith.addi %broadcast_in_dim3A_824, %add3A_837 : vector<16xi32>
      %gather3A_839 = tpu.vector_load_idx %arg21[%get3A_192, %broadcast_in_dim3A_824] : memref<10x32xf32, #tpu.memory_space<vmem>>[vector<16xi32>, vector<16xi32>], vector<16xf32>,
      tpu.vector_store_idx %arg23[%add3A_176, %add3A_838], %gather3A_839 : memref<128x128xf32, #tpu.memory_space<vmem>>[vector<16xi32>, vector<16xi32>], vector<16xf32>,
      %add3A_840 = arith.constant 96 : i32
      %add3A_841 = vector.broadcast %add3A_840 : i32 to vector<16xi32>
      %add3A_842 = arith.addi %broadcast_in_dim3A_824, %add3A_841 : vector<16xi32>
      %gather3A_843 = tpu.vector_load_idx %arg22[%get3A_194, %broadcast_in_dim3A_824] : memref<250x32xf32, #tpu.memory_space<vmem>>[vector<16xi32>, vector<16xi32>], vector<16xf32>,
      tpu.vector_store_idx %arg23[%add3A_176, %add3A_842], %gather3A_843 : memref<128x128xf32, #tpu.memory_space<vmem>>[vector<16xi32>, vector<16xi32>], vector<16xf32>,
      %broadcast_in_dim3A_844 = arith.constant 31 : i32
      %broadcast_in_dim3A_845 = vector.broadcast %broadcast_in_dim3A_844 : i32 to vector<16xi32>
      %add3A_846 = arith.constant 31 : i32
      %add3A_847 = vector.broadcast %add3A_846 : i32 to vector<16xi32>
      %add3A_848 = arith.addi %mul3A_182, %add3A_847 : vector<16xi32>
      %gather3A_849 = tpu.vector_load_idx %arg18[%add3A_176, %add3A_848] : memref<128x128xf32, #tpu.memory_space<vmem>>[vector<16xi32>, vector<16xi32>], vector<16xf32>,
      tpu.vector_store_idx %arg23[%add3A_176, %broadcast_in_dim3A_845], %gather3A_849 : memref<128x128xf32, #tpu.memory_space<vmem>>[vector<16xi32>, vector<16xi32>], vector<16xf32>,
      %add3A_850 = arith.constant 32 : i32
      %add3A_851 = vector.broadcast %add3A_850 : i32 to vector<16xi32>
      %add3A_852 = arith.addi %broadcast_in_dim3A_845, %add3A_851 : vector<16xi32>
      %add3A_853 = arith.constant 31 : i32
      %add3A_854 = vector.broadcast %add3A_853 : i32 to vector<16xi32>
      %add3A_855 = arith.addi %mul3A_190, %add3A_854 : vector<16xi32>
      %gather3A_856 = tpu.vector_load_idx %arg20[%add3A_176, %add3A_855] : memref<128x128xf32, #tpu.memory_space<vmem>>[vector<16xi32>, vector<16xi32>], vector<16xf32>,
      tpu.vector_store_idx %arg23[%add3A_176, %add3A_852], %gather3A_856 : memref<128x128xf32, #tpu.memory_space<vmem>>[vector<16xi32>, vector<16xi32>], vector<16xf32>,
      %add3A_857 = arith.constant 64 : i32
      %add3A_858 = vector.broadcast %add3A_857 : i32 to vector<16xi32>
      %add3A_859 = arith.addi %broadcast_in_dim3A_845, %add3A_858 : vector<16xi32>
      %gather3A_860 = tpu.vector_load_idx %arg21[%get3A_192, %broadcast_in_dim3A_845] : memref<10x32xf32, #tpu.memory_space<vmem>>[vector<16xi32>, vector<16xi32>], vector<16xf32>,
      tpu.vector_store_idx %arg23[%add3A_176, %add3A_859], %gather3A_860 : memref<128x128xf32, #tpu.memory_space<vmem>>[vector<16xi32>, vector<16xi32>], vector<16xf32>,
      %add3A_861 = arith.constant 96 : i32
      %add3A_862 = vector.broadcast %add3A_861 : i32 to vector<16xi32>
      %add3A_863 = arith.addi %broadcast_in_dim3A_845, %add3A_862 : vector<16xi32>
      %gather3A_864 = tpu.vector_load_idx %arg22[%get3A_194, %broadcast_in_dim3A_845] : memref<250x32xf32, #tpu.memory_space<vmem>>[vector<16xi32>, vector<16xi32>], vector<16xf32>,
      tpu.vector_store_idx %arg23[%add3A_176, %add3A_863], %gather3A_864 : memref<128x128xf32, #tpu.memory_space<vmem>>[vector<16xi32>, vector<16xi32>], vector<16xf32>,
    }
    %scan3A_107 = arith.constant 8 : i32
    %add3A_108 = arith.constant 128 : i32
    %add3A_109 = arith.addi %mul3A_2, %add3A_108 : i32
    "tpu.region"() ({
      %run_scoped3A = tpu.sem_alloc : memref<!tpu.dma_semaphore, #tpu.memory_space<semaphore_mem>>
      %dma_start3A_168 = arith.constant 0 : i32
      %dma_start3A_169 = tpu.memref_slice %arg10[%add3A_109, %dma_start3A_168] : memref<16384x128xf32, #tpu.memory_space<hbm>> -> memref<128x128xf32, #tpu.memory_space<hbm>>
      %dma_start3A_170 = arith.constant 0 : i32
      %dma_start3A_171 = tpu.memref_slice %arg10[%add3A_109, %dma_start3A_170] : memref<16384x128xf32, #tpu.memory_space<hbm>> -> memref<128x128xf32, #tpu.memory_space<hbm>>
      tpu.enqueue_dma source(%arg23 : memref<128x128xf32, #tpu.memory_space<vmem>>) target(%dma_start3A_171 : memref<128x128xf32, #tpu.memory_space<hbm>>) target_semaphore(%run_scoped3A : memref<!tpu.dma_semaphore, #tpu.memory_space<semaphore_mem>>)
      %dma_wait3A_172 = arith.constant 0 : i32
      %dma_wait3A_173 = tpu.memref_slice %arg10[%add3A_109, %dma_wait3A_172] : memref<16384x128xf32, #tpu.memory_space<hbm>> -> memref<128x128xf32, #tpu.memory_space<hbm>>
      %dma_wait3A_174 = arith.constant 0 : i32
      %dma_wait3A_175 = tpu.memref_slice %arg10[%add3A_109, %dma_wait3A_174] : memref<16384x128xf32, #tpu.memory_space<hbm>> -> memref<128x128xf32, #tpu.memory_space<hbm>>
      tpu.wait_dma2 semaphore(%run_scoped3A : memref<!tpu.dma_semaphore, #tpu.memory_space<semaphore_mem>>) src(%arg23 : memref<128x128xf32, #tpu.memory_space<vmem>>) dst(%dma_wait3A_175 : memref<128x128xf32, #tpu.memory_space<hbm>>)
      tpu.yield
    }) : () -> ()
    %dma_start3A_110 = arith.constant 3 : i32
    %dma_start3A_111 = arith.constant 0 : i32
    %dma_start3A_112 = tpu.memref_slice %arg15[%dma_start3A_110, %dma_start3A_111] : memref<4x128xi32, #tpu.memory_space<vmem>> -> memref<1x128xi32, #tpu.memory_space<vmem>>
    %dma_start3A_113 = tpu.memref_squeeze %dma_start3A_112 : memref<1x128xi32, #tpu.memory_space<vmem>> -> memref<128xi32, #tpu.memory_space<vmem>>
    %dma_start3A_114 = arith.constant 0 : i32
    %dma_start3A_115 = arith.constant 0 : i32
    %dma_start3A_116 = tpu.memref_slice %arg6[%dma_start3A_114, %dma_start3A_115] : memref<250000x128xf32, #tpu.memory_space<hbm>> -> memref<250000x128xf32, #tpu.memory_space<hbm>>
    tpu.enqueue_indirect_dma source(%dma_start3A_116 : memref<250000x128xf32, #tpu.memory_space<hbm>>) target(%arg18 : memref<128x128xf32, #tpu.memory_space<vmem>>) offsets(%dma_start3A_113 : memref<128xi32, #tpu.memory_space<vmem>>) semaphore(%arg24 : memref<!tpu.dma_semaphore, #tpu.memory_space<semaphore_mem>>)
    %dma_start3A_117 = arith.constant 3 : i32
    %dma_start3A_118 = arith.constant 0 : i32
    %dma_start3A_119 = tpu.memref_slice %arg16[%dma_start3A_117, %dma_start3A_118] : memref<4x128xi32, #tpu.memory_space<vmem>> -> memref<1x128xi32, #tpu.memory_space<vmem>>
    %dma_start3A_120 = tpu.memref_squeeze %dma_start3A_119 : memref<1x128xi32, #tpu.memory_space<vmem>> -> memref<128xi32, #tpu.memory_space<vmem>>
    %dma_start3A_121 = arith.constant 0 : i32
    %dma_start3A_122 = arith.constant 0 : i32
    %dma_start3A_123 = tpu.memref_slice %arg7[%dma_start3A_121, %dma_start3A_122] : memref<25000x128xf32, #tpu.memory_space<hbm>> -> memref<25000x128xf32, #tpu.memory_space<hbm>>
    tpu.enqueue_indirect_dma source(%dma_start3A_123 : memref<25000x128xf32, #tpu.memory_space<hbm>>) target(%arg20 : memref<128x128xf32, #tpu.memory_space<vmem>>) offsets(%dma_start3A_120 : memref<128xi32, #tpu.memory_space<vmem>>) semaphore(%arg25 : memref<!tpu.dma_semaphore, #tpu.memory_space<semaphore_mem>>)
    %dma_wait3A_124 = arith.constant 2 : i32
    %dma_wait3A_125 = arith.constant 0 : i32
    %dma_wait3A_126 = tpu.memref_slice %arg15[%dma_wait3A_124, %dma_wait3A_125] : memref<4x128xi32, #tpu.memory_space<vmem>> -> memref<1x128xi32, #tpu.memory_space<vmem>>
    %dma_wait3A_127 = tpu.memref_squeeze %dma_wait3A_126 : memref<1x128xi32, #tpu.memory_space<vmem>> -> memref<128xi32, #tpu.memory_space<vmem>>
    %dma_wait3A_128 = arith.constant 0 : i32
    %dma_wait3A_129 = arith.constant 0 : i32
    %dma_wait3A_130 = tpu.memref_slice %arg6[%dma_wait3A_128, %dma_wait3A_129] : memref<250000x128xf32, #tpu.memory_space<hbm>> -> memref<250000x128xf32, #tpu.memory_space<hbm>>
    tpu.wait_indirect_dma semaphore(%arg24 : memref<!tpu.dma_semaphore, #tpu.memory_space<semaphore_mem>>) src(%dma_wait3A_130 : memref<250000x128xf32, #tpu.memory_space<hbm>>) dst(%arg17 : memref<128x128xf32, #tpu.memory_space<vmem>>)
    %dma_wait3A_131 = arith.constant 2 : i32
    %dma_wait3A_132 = arith.constant 0 : i32
    %dma_wait3A_133 = tpu.memref_slice %arg16[%dma_wait3A_131, %dma_wait3A_132] : memref<4x128xi32, #tpu.memory_space<vmem>> -> memref<1x128xi32, #tpu.memory_space<vmem>>
    %dma_wait3A_134 = tpu.memref_squeeze %dma_wait3A_133 : memref<1x128xi32, #tpu.memory_space<vmem>> -> memref<128xi32, #tpu.memory_space<vmem>>
    %dma_wait3A_135 = arith.constant 0 : i32
    %dma_wait3A_136 = arith.constant 0 : i32
    %dma_wait3A_137 = tpu.memref_slice %arg7[%dma_wait3A_135, %dma_wait3A_136] : memref<25000x128xf32, #tpu.memory_space<hbm>> -> memref<25000x128xf32, #tpu.memory_space<hbm>>
    tpu.wait_indirect_dma semaphore(%arg25 : memref<!tpu.dma_semaphore, #tpu.memory_space<semaphore_mem>>) src(%dma_wait3A_137 : memref<25000x128xf32, #tpu.memory_space<hbm>>) dst(%arg19 : memref<128x128xf32, #tpu.memory_space<vmem>>)
    %scan3A_138 = arith.constant 0 : i32
    %scan3A_139 = arith.constant 0 : i32
    %scan3A_140 = arith.constant 8 : i32
    %scan3A_141 = arith.addi %scan3A_139, %scan3A_140 : i32
    %scan3A_142 = arith.constant 1 : i32
    scf.for %scan3A_168 = %scan3A_139 to %scan3A_141 step %scan3A_142  : i32 {
      %mul3A_169 = arith.constant 16 : i32
      %mul3A_170 = arith.muli %scan3A_168, %mul3A_169 : i32
      %add3A_171 = arith.constant 256 : i32
      %add3A_172 = arith.addi %add3A_171, %mul3A_170 : i32
      %mul3A_173 = arith.constant 16 : i32
      %mul3A_174 = arith.muli %scan3A_168, %mul3A_173 : i32
      %add3A_175 = vector.broadcast %mul3A_174 : i32 to vector<16xi32>
      %add3A_176 = arith.addi %add3A_175, %iota3A : vector<16xi32>
      %get3A = arith.index_cast %add3A_172 : i32 to index
      %get3A_177 = tpu.vector_load %arg11[%get3A] {strides = array<i32>} : memref<512xi32, #tpu.memory_space<vmem>>, vector<16xi32>,
      %and3A = arith.constant 3 : i32
      %and3A_178 = vector.broadcast %and3A : i32 to vector<16xi32>
      %and3A_179 = arith.andi %get3A_177, %and3A_178 : vector<16xi32>
      %mul3A_180 = arith.constant 32 : i32
      %mul3A_181 = vector.broadcast %mul3A_180 : i32 to vector<16xi32>
      %mul3A_182 = arith.muli %and3A_179, %mul3A_181 : vector<16xi32>
      %get3A_183 = arith.index_cast %add3A_172 : i32 to index
      %get3A_184 = tpu.vector_load %arg12[%get3A_183] {strides = array<i32>} : memref<512xi32, #tpu.memory_space<vmem>>, vector<16xi32>,
      %and3A_185 = arith.constant 3 : i32
      %and3A_186 = vector.broadcast %and3A_185 : i32 to vector<16xi32>
      %and3A_187 = arith.andi %get3A_184, %and3A_186 : vector<16xi32>
      %mul3A_188 = arith.constant 32 : i32
      %mul3A_189 = vector.broadcast %mul3A_188 : i32 to vector<16xi32>
      %mul3A_190 = arith.muli %and3A_187, %mul3A_189 : vector<16xi32>
      %get3A_191 = arith.index_cast %add3A_172 : i32 to index
      %get3A_192 = tpu.vector_load %arg13[%get3A_191] {strides = array<i32>} : memref<512xi32, #tpu.memory_space<vmem>>, vector<16xi32>,
      %get3A_193 = arith.index_cast %add3A_172 : i32 to index
      %get3A_194 = tpu.vector_load %arg14[%get3A_193] {strides = array<i32>} : memref<512xi32, #tpu.memory_space<vmem>>, vector<16xi32>,
      %broadcast_in_dim3A = arith.constant 0 : i32
      %broadcast_in_dim3A_195 = vector.broadcast %broadcast_in_dim3A : i32 to vector<16xi32>
      %add3A_196 = arith.constant 0 : i32
      %add3A_197 = vector.broadcast %add3A_196 : i32 to vector<16xi32>
      %add3A_198 = arith.addi %mul3A_182, %add3A_197 : vector<16xi32>
      %gather3A = tpu.vector_load_idx %arg17[%add3A_176, %add3A_198] : memref<128x128xf32, #tpu.memory_space<vmem>>[vector<16xi32>, vector<16xi32>], vector<16xf32>,
      tpu.vector_store_idx %arg23[%add3A_176, %broadcast_in_dim3A_195], %gather3A : memref<128x128xf32, #tpu.memory_space<vmem>>[vector<16xi32>, vector<16xi32>], vector<16xf32>,
      %add3A_199 = arith.constant 32 : i32
      %add3A_200 = vector.broadcast %add3A_199 : i32 to vector<16xi32>
      %add3A_201 = arith.addi %broadcast_in_dim3A_195, %add3A_200 : vector<16xi32>
      %add3A_202 = arith.constant 0 : i32
      %add3A_203 = vector.broadcast %add3A_202 : i32 to vector<16xi32>
      %add3A_204 = arith.addi %mul3A_190, %add3A_203 : vector<16xi32>
      %gather3A_205 = tpu.vector_load_idx %arg19[%add3A_176, %add3A_204] : memref<128x128xf32, #tpu.memory_space<vmem>>[vector<16xi32>, vector<16xi32>], vector<16xf32>,
      tpu.vector_store_idx %arg23[%add3A_176, %add3A_201], %gather3A_205 : memref<128x128xf32, #tpu.memory_space<vmem>>[vector<16xi32>, vector<16xi32>], vector<16xf32>,
      %add3A_206 = arith.constant 64 : i32
      %add3A_207 = vector.broadcast %add3A_206 : i32 to vector<16xi32>
      %add3A_208 = arith.addi %broadcast_in_dim3A_195, %add3A_207 : vector<16xi32>
      %gather3A_209 = tpu.vector_load_idx %arg21[%get3A_192, %broadcast_in_dim3A_195] : memref<10x32xf32, #tpu.memory_space<vmem>>[vector<16xi32>, vector<16xi32>], vector<16xf32>,
      tpu.vector_store_idx %arg23[%add3A_176, %add3A_208], %gather3A_209 : memref<128x128xf32, #tpu.memory_space<vmem>>[vector<16xi32>, vector<16xi32>], vector<16xf32>,
      %add3A_210 = arith.constant 96 : i32
      %add3A_211 = vector.broadcast %add3A_210 : i32 to vector<16xi32>
      %add3A_212 = arith.addi %broadcast_in_dim3A_195, %add3A_211 : vector<16xi32>
      %gather3A_213 = tpu.vector_load_idx %arg22[%get3A_194, %broadcast_in_dim3A_195] : memref<250x32xf32, #tpu.memory_space<vmem>>[vector<16xi32>, vector<16xi32>], vector<16xf32>,
      tpu.vector_store_idx %arg23[%add3A_176, %add3A_212], %gather3A_213 : memref<128x128xf32, #tpu.memory_space<vmem>>[vector<16xi32>, vector<16xi32>], vector<16xf32>,
      %broadcast_in_dim3A_214 = arith.constant 1 : i32
      %broadcast_in_dim3A_215 = vector.broadcast %broadcast_in_dim3A_214 : i32 to vector<16xi32>
      %add3A_216 = arith.constant 1 : i32
      %add3A_217 = vector.broadcast %add3A_216 : i32 to vector<16xi32>
      %add3A_218 = arith.addi %mul3A_182, %add3A_217 : vector<16xi32>
      %gather3A_219 = tpu.vector_load_idx %arg17[%add3A_176, %add3A_218] : memref<128x128xf32, #tpu.memory_space<vmem>>[vector<16xi32>, vector<16xi32>], vector<16xf32>,
      tpu.vector_store_idx %arg23[%add3A_176, %broadcast_in_dim3A_215], %gather3A_219 : memref<128x128xf32, #tpu.memory_space<vmem>>[vector<16xi32>, vector<16xi32>], vector<16xf32>,
      %add3A_220 = arith.constant 32 : i32
      %add3A_221 = vector.broadcast %add3A_220 : i32 to vector<16xi32>
      %add3A_222 = arith.addi %broadcast_in_dim3A_215, %add3A_221 : vector<16xi32>
      %add3A_223 = arith.constant 1 : i32
      %add3A_224 = vector.broadcast %add3A_223 : i32 to vector<16xi32>
      %add3A_225 = arith.addi %mul3A_190, %add3A_224 : vector<16xi32>
      %gather3A_226 = tpu.vector_load_idx %arg19[%add3A_176, %add3A_225] : memref<128x128xf32, #tpu.memory_space<vmem>>[vector<16xi32>, vector<16xi32>], vector<16xf32>,
      tpu.vector_store_idx %arg23[%add3A_176, %add3A_222], %gather3A_226 : memref<128x128xf32, #tpu.memory_space<vmem>>[vector<16xi32>, vector<16xi32>], vector<16xf32>,
      %add3A_227 = arith.constant 64 : i32
      %add3A_228 = vector.broadcast %add3A_227 : i32 to vector<16xi32>
      %add3A_229 = arith.addi %broadcast_in_dim3A_215, %add3A_228 : vector<16xi32>
      %gather3A_230 = tpu.vector_load_idx %arg21[%get3A_192, %broadcast_in_dim3A_215] : memref<10x32xf32, #tpu.memory_space<vmem>>[vector<16xi32>, vector<16xi32>], vector<16xf32>,
      tpu.vector_store_idx %arg23[%add3A_176, %add3A_229], %gather3A_230 : memref<128x128xf32, #tpu.memory_space<vmem>>[vector<16xi32>, vector<16xi32>], vector<16xf32>,
      %add3A_231 = arith.constant 96 : i32
      %add3A_232 = vector.broadcast %add3A_231 : i32 to vector<16xi32>
      %add3A_233 = arith.addi %broadcast_in_dim3A_215, %add3A_232 : vector<16xi32>
      %gather3A_234 = tpu.vector_load_idx %arg22[%get3A_194, %broadcast_in_dim3A_215] : memref<250x32xf32, #tpu.memory_space<vmem>>[vector<16xi32>, vector<16xi32>], vector<16xf32>,
      tpu.vector_store_idx %arg23[%add3A_176, %add3A_233], %gather3A_234 : memref<128x128xf32, #tpu.memory_space<vmem>>[vector<16xi32>, vector<16xi32>], vector<16xf32>,
      %broadcast_in_dim3A_235 = arith.constant 2 : i32
      %broadcast_in_dim3A_236 = vector.broadcast %broadcast_in_dim3A_235 : i32 to vector<16xi32>
      %add3A_237 = arith.constant 2 : i32
      %add3A_238 = vector.broadcast %add3A_237 : i32 to vector<16xi32>
      %add3A_239 = arith.addi %mul3A_182, %add3A_238 : vector<16xi32>
      %gather3A_240 = tpu.vector_load_idx %arg17[%add3A_176, %add3A_239] : memref<128x128xf32, #tpu.memory_space<vmem>>[vector<16xi32>, vector<16xi32>], vector<16xf32>,
      tpu.vector_store_idx %arg23[%add3A_176, %broadcast_in_dim3A_236], %gather3A_240 : memref<128x128xf32, #tpu.memory_space<vmem>>[vector<16xi32>, vector<16xi32>], vector<16xf32>,
      %add3A_241 = arith.constant 32 : i32
      %add3A_242 = vector.broadcast %add3A_241 : i32 to vector<16xi32>
      %add3A_243 = arith.addi %broadcast_in_dim3A_236, %add3A_242 : vector<16xi32>
      %add3A_244 = arith.constant 2 : i32
      %add3A_245 = vector.broadcast %add3A_244 : i32 to vector<16xi32>
      %add3A_246 = arith.addi %mul3A_190, %add3A_245 : vector<16xi32>
      %gather3A_247 = tpu.vector_load_idx %arg19[%add3A_176, %add3A_246] : memref<128x128xf32, #tpu.memory_space<vmem>>[vector<16xi32>, vector<16xi32>], vector<16xf32>,
      tpu.vector_store_idx %arg23[%add3A_176, %add3A_243], %gather3A_247 : memref<128x128xf32, #tpu.memory_space<vmem>>[vector<16xi32>, vector<16xi32>], vector<16xf32>,
      %add3A_248 = arith.constant 64 : i32
      %add3A_249 = vector.broadcast %add3A_248 : i32 to vector<16xi32>
      %add3A_250 = arith.addi %broadcast_in_dim3A_236, %add3A_249 : vector<16xi32>
      %gather3A_251 = tpu.vector_load_idx %arg21[%get3A_192, %broadcast_in_dim3A_236] : memref<10x32xf32, #tpu.memory_space<vmem>>[vector<16xi32>, vector<16xi32>], vector<16xf32>,
      tpu.vector_store_idx %arg23[%add3A_176, %add3A_250], %gather3A_251 : memref<128x128xf32, #tpu.memory_space<vmem>>[vector<16xi32>, vector<16xi32>], vector<16xf32>,
      %add3A_252 = arith.constant 96 : i32
      %add3A_253 = vector.broadcast %add3A_252 : i32 to vector<16xi32>
      %add3A_254 = arith.addi %broadcast_in_dim3A_236, %add3A_253 : vector<16xi32>
      %gather3A_255 = tpu.vector_load_idx %arg22[%get3A_194, %broadcast_in_dim3A_236] : memref<250x32xf32, #tpu.memory_space<vmem>>[vector<16xi32>, vector<16xi32>], vector<16xf32>,
      tpu.vector_store_idx %arg23[%add3A_176, %add3A_254], %gather3A_255 : memref<128x128xf32, #tpu.memory_space<vmem>>[vector<16xi32>, vector<16xi32>], vector<16xf32>,
      %broadcast_in_dim3A_256 = arith.constant 3 : i32
      %broadcast_in_dim3A_257 = vector.broadcast %broadcast_in_dim3A_256 : i32 to vector<16xi32>
      %add3A_258 = arith.constant 3 : i32
      %add3A_259 = vector.broadcast %add3A_258 : i32 to vector<16xi32>
      %add3A_260 = arith.addi %mul3A_182, %add3A_259 : vector<16xi32>
      %gather3A_261 = tpu.vector_load_idx %arg17[%add3A_176, %add3A_260] : memref<128x128xf32, #tpu.memory_space<vmem>>[vector<16xi32>, vector<16xi32>], vector<16xf32>,
      tpu.vector_store_idx %arg23[%add3A_176, %broadcast_in_dim3A_257], %gather3A_261 : memref<128x128xf32, #tpu.memory_space<vmem>>[vector<16xi32>, vector<16xi32>], vector<16xf32>,
      %add3A_262 = arith.constant 32 : i32
      %add3A_263 = vector.broadcast %add3A_262 : i32 to vector<16xi32>
      %add3A_264 = arith.addi %broadcast_in_dim3A_257, %add3A_263 : vector<16xi32>
      %add3A_265 = arith.constant 3 : i32
      %add3A_266 = vector.broadcast %add3A_265 : i32 to vector<16xi32>
      %add3A_267 = arith.addi %mul3A_190, %add3A_266 : vector<16xi32>
      %gather3A_268 = tpu.vector_load_idx %arg19[%add3A_176, %add3A_267] : memref<128x128xf32, #tpu.memory_space<vmem>>[vector<16xi32>, vector<16xi32>], vector<16xf32>,
      tpu.vector_store_idx %arg23[%add3A_176, %add3A_264], %gather3A_268 : memref<128x128xf32, #tpu.memory_space<vmem>>[vector<16xi32>, vector<16xi32>], vector<16xf32>,
      %add3A_269 = arith.constant 64 : i32
      %add3A_270 = vector.broadcast %add3A_269 : i32 to vector<16xi32>
      %add3A_271 = arith.addi %broadcast_in_dim3A_257, %add3A_270 : vector<16xi32>
      %gather3A_272 = tpu.vector_load_idx %arg21[%get3A_192, %broadcast_in_dim3A_257] : memref<10x32xf32, #tpu.memory_space<vmem>>[vector<16xi32>, vector<16xi32>], vector<16xf32>,
      tpu.vector_store_idx %arg23[%add3A_176, %add3A_271], %gather3A_272 : memref<128x128xf32, #tpu.memory_space<vmem>>[vector<16xi32>, vector<16xi32>], vector<16xf32>,
      %add3A_273 = arith.constant 96 : i32
      %add3A_274 = vector.broadcast %add3A_273 : i32 to vector<16xi32>
      %add3A_275 = arith.addi %broadcast_in_dim3A_257, %add3A_274 : vector<16xi32>
      %gather3A_276 = tpu.vector_load_idx %arg22[%get3A_194, %broadcast_in_dim3A_257] : memref<250x32xf32, #tpu.memory_space<vmem>>[vector<16xi32>, vector<16xi32>], vector<16xf32>,
      tpu.vector_store_idx %arg23[%add3A_176, %add3A_275], %gather3A_276 : memref<128x128xf32, #tpu.memory_space<vmem>>[vector<16xi32>, vector<16xi32>], vector<16xf32>,
      %broadcast_in_dim3A_277 = arith.constant 4 : i32
      %broadcast_in_dim3A_278 = vector.broadcast %broadcast_in_dim3A_277 : i32 to vector<16xi32>
      %add3A_279 = arith.constant 4 : i32
      %add3A_280 = vector.broadcast %add3A_279 : i32 to vector<16xi32>
      %add3A_281 = arith.addi %mul3A_182, %add3A_280 : vector<16xi32>
      %gather3A_282 = tpu.vector_load_idx %arg17[%add3A_176, %add3A_281] : memref<128x128xf32, #tpu.memory_space<vmem>>[vector<16xi32>, vector<16xi32>], vector<16xf32>,
      tpu.vector_store_idx %arg23[%add3A_176, %broadcast_in_dim3A_278], %gather3A_282 : memref<128x128xf32, #tpu.memory_space<vmem>>[vector<16xi32>, vector<16xi32>], vector<16xf32>,
      %add3A_283 = arith.constant 32 : i32
      %add3A_284 = vector.broadcast %add3A_283 : i32 to vector<16xi32>
      %add3A_285 = arith.addi %broadcast_in_dim3A_278, %add3A_284 : vector<16xi32>
      %add3A_286 = arith.constant 4 : i32
      %add3A_287 = vector.broadcast %add3A_286 : i32 to vector<16xi32>
      %add3A_288 = arith.addi %mul3A_190, %add3A_287 : vector<16xi32>
      %gather3A_289 = tpu.vector_load_idx %arg19[%add3A_176, %add3A_288] : memref<128x128xf32, #tpu.memory_space<vmem>>[vector<16xi32>, vector<16xi32>], vector<16xf32>,
      tpu.vector_store_idx %arg23[%add3A_176, %add3A_285], %gather3A_289 : memref<128x128xf32, #tpu.memory_space<vmem>>[vector<16xi32>, vector<16xi32>], vector<16xf32>,
      %add3A_290 = arith.constant 64 : i32
      %add3A_291 = vector.broadcast %add3A_290 : i32 to vector<16xi32>
      %add3A_292 = arith.addi %broadcast_in_dim3A_278, %add3A_291 : vector<16xi32>
      %gather3A_293 = tpu.vector_load_idx %arg21[%get3A_192, %broadcast_in_dim3A_278] : memref<10x32xf32, #tpu.memory_space<vmem>>[vector<16xi32>, vector<16xi32>], vector<16xf32>,
      tpu.vector_store_idx %arg23[%add3A_176, %add3A_292], %gather3A_293 : memref<128x128xf32, #tpu.memory_space<vmem>>[vector<16xi32>, vector<16xi32>], vector<16xf32>,
      %add3A_294 = arith.constant 96 : i32
      %add3A_295 = vector.broadcast %add3A_294 : i32 to vector<16xi32>
      %add3A_296 = arith.addi %broadcast_in_dim3A_278, %add3A_295 : vector<16xi32>
      %gather3A_297 = tpu.vector_load_idx %arg22[%get3A_194, %broadcast_in_dim3A_278] : memref<250x32xf32, #tpu.memory_space<vmem>>[vector<16xi32>, vector<16xi32>], vector<16xf32>,
      tpu.vector_store_idx %arg23[%add3A_176, %add3A_296], %gather3A_297 : memref<128x128xf32, #tpu.memory_space<vmem>>[vector<16xi32>, vector<16xi32>], vector<16xf32>,
      %broadcast_in_dim3A_298 = arith.constant 5 : i32
      %broadcast_in_dim3A_299 = vector.broadcast %broadcast_in_dim3A_298 : i32 to vector<16xi32>
      %add3A_300 = arith.constant 5 : i32
      %add3A_301 = vector.broadcast %add3A_300 : i32 to vector<16xi32>
      %add3A_302 = arith.addi %mul3A_182, %add3A_301 : vector<16xi32>
      %gather3A_303 = tpu.vector_load_idx %arg17[%add3A_176, %add3A_302] : memref<128x128xf32, #tpu.memory_space<vmem>>[vector<16xi32>, vector<16xi32>], vector<16xf32>,
      tpu.vector_store_idx %arg23[%add3A_176, %broadcast_in_dim3A_299], %gather3A_303 : memref<128x128xf32, #tpu.memory_space<vmem>>[vector<16xi32>, vector<16xi32>], vector<16xf32>,
      %add3A_304 = arith.constant 32 : i32
      %add3A_305 = vector.broadcast %add3A_304 : i32 to vector<16xi32>
      %add3A_306 = arith.addi %broadcast_in_dim3A_299, %add3A_305 : vector<16xi32>
      %add3A_307 = arith.constant 5 : i32
      %add3A_308 = vector.broadcast %add3A_307 : i32 to vector<16xi32>
      %add3A_309 = arith.addi %mul3A_190, %add3A_308 : vector<16xi32>
      %gather3A_310 = tpu.vector_load_idx %arg19[%add3A_176, %add3A_309] : memref<128x128xf32, #tpu.memory_space<vmem>>[vector<16xi32>, vector<16xi32>], vector<16xf32>,
      tpu.vector_store_idx %arg23[%add3A_176, %add3A_306], %gather3A_310 : memref<128x128xf32, #tpu.memory_space<vmem>>[vector<16xi32>, vector<16xi32>], vector<16xf32>,
      %add3A_311 = arith.constant 64 : i32
      %add3A_312 = vector.broadcast %add3A_311 : i32 to vector<16xi32>
      %add3A_313 = arith.addi %broadcast_in_dim3A_299, %add3A_312 : vector<16xi32>
      %gather3A_314 = tpu.vector_load_idx %arg21[%get3A_192, %broadcast_in_dim3A_299] : memref<10x32xf32, #tpu.memory_space<vmem>>[vector<16xi32>, vector<16xi32>], vector<16xf32>,
      tpu.vector_store_idx %arg23[%add3A_176, %add3A_313], %gather3A_314 : memref<128x128xf32, #tpu.memory_space<vmem>>[vector<16xi32>, vector<16xi32>], vector<16xf32>,
      %add3A_315 = arith.constant 96 : i32
      %add3A_316 = vector.broadcast %add3A_315 : i32 to vector<16xi32>
      %add3A_317 = arith.addi %broadcast_in_dim3A_299, %add3A_316 : vector<16xi32>
      %gather3A_318 = tpu.vector_load_idx %arg22[%get3A_194, %broadcast_in_dim3A_299] : memref<250x32xf32, #tpu.memory_space<vmem>>[vector<16xi32>, vector<16xi32>], vector<16xf32>,
      tpu.vector_store_idx %arg23[%add3A_176, %add3A_317], %gather3A_318 : memref<128x128xf32, #tpu.memory_space<vmem>>[vector<16xi32>, vector<16xi32>], vector<16xf32>,
      %broadcast_in_dim3A_319 = arith.constant 6 : i32
      %broadcast_in_dim3A_320 = vector.broadcast %broadcast_in_dim3A_319 : i32 to vector<16xi32>
      %add3A_321 = arith.constant 6 : i32
      %add3A_322 = vector.broadcast %add3A_321 : i32 to vector<16xi32>
      %add3A_323 = arith.addi %mul3A_182, %add3A_322 : vector<16xi32>
      %gather3A_324 = tpu.vector_load_idx %arg17[%add3A_176, %add3A_323] : memref<128x128xf32, #tpu.memory_space<vmem>>[vector<16xi32>, vector<16xi32>], vector<16xf32>,
      tpu.vector_store_idx %arg23[%add3A_176, %broadcast_in_dim3A_320], %gather3A_324 : memref<128x128xf32, #tpu.memory_space<vmem>>[vector<16xi32>, vector<16xi32>], vector<16xf32>,
      %add3A_325 = arith.constant 32 : i32
      %add3A_326 = vector.broadcast %add3A_325 : i32 to vector<16xi32>
      %add3A_327 = arith.addi %broadcast_in_dim3A_320, %add3A_326 : vector<16xi32>
      %add3A_328 = arith.constant 6 : i32
      %add3A_329 = vector.broadcast %add3A_328 : i32 to vector<16xi32>
      %add3A_330 = arith.addi %mul3A_190, %add3A_329 : vector<16xi32>
      %gather3A_331 = tpu.vector_load_idx %arg19[%add3A_176, %add3A_330] : memref<128x128xf32, #tpu.memory_space<vmem>>[vector<16xi32>, vector<16xi32>], vector<16xf32>,
      tpu.vector_store_idx %arg23[%add3A_176, %add3A_327], %gather3A_331 : memref<128x128xf32, #tpu.memory_space<vmem>>[vector<16xi32>, vector<16xi32>], vector<16xf32>,
      %add3A_332 = arith.constant 64 : i32
      %add3A_333 = vector.broadcast %add3A_332 : i32 to vector<16xi32>
      %add3A_334 = arith.addi %broadcast_in_dim3A_320, %add3A_333 : vector<16xi32>
      %gather3A_335 = tpu.vector_load_idx %arg21[%get3A_192, %broadcast_in_dim3A_320] : memref<10x32xf32, #tpu.memory_space<vmem>>[vector<16xi32>, vector<16xi32>], vector<16xf32>,
      tpu.vector_store_idx %arg23[%add3A_176, %add3A_334], %gather3A_335 : memref<128x128xf32, #tpu.memory_space<vmem>>[vector<16xi32>, vector<16xi32>], vector<16xf32>,
      %add3A_336 = arith.constant 96 : i32
      %add3A_337 = vector.broadcast %add3A_336 : i32 to vector<16xi32>
      %add3A_338 = arith.addi %broadcast_in_dim3A_320, %add3A_337 : vector<16xi32>
      %gather3A_339 = tpu.vector_load_idx %arg22[%get3A_194, %broadcast_in_dim3A_320] : memref<250x32xf32, #tpu.memory_space<vmem>>[vector<16xi32>, vector<16xi32>], vector<16xf32>,
      tpu.vector_store_idx %arg23[%add3A_176, %add3A_338], %gather3A_339 : memref<128x128xf32, #tpu.memory_space<vmem>>[vector<16xi32>, vector<16xi32>], vector<16xf32>,
      %broadcast_in_dim3A_340 = arith.constant 7 : i32
      %broadcast_in_dim3A_341 = vector.broadcast %broadcast_in_dim3A_340 : i32 to vector<16xi32>
      %add3A_342 = arith.constant 7 : i32
      %add3A_343 = vector.broadcast %add3A_342 : i32 to vector<16xi32>
      %add3A_344 = arith.addi %mul3A_182, %add3A_343 : vector<16xi32>
      %gather3A_345 = tpu.vector_load_idx %arg17[%add3A_176, %add3A_344] : memref<128x128xf32, #tpu.memory_space<vmem>>[vector<16xi32>, vector<16xi32>], vector<16xf32>,
      tpu.vector_store_idx %arg23[%add3A_176, %broadcast_in_dim3A_341], %gather3A_345 : memref<128x128xf32, #tpu.memory_space<vmem>>[vector<16xi32>, vector<16xi32>], vector<16xf32>,
      %add3A_346 = arith.constant 32 : i32
      %add3A_347 = vector.broadcast %add3A_346 : i32 to vector<16xi32>
      %add3A_348 = arith.addi %broadcast_in_dim3A_341, %add3A_347 : vector<16xi32>
      %add3A_349 = arith.constant 7 : i32
      %add3A_350 = vector.broadcast %add3A_349 : i32 to vector<16xi32>
      %add3A_351 = arith.addi %mul3A_190, %add3A_350 : vector<16xi32>
      %gather3A_352 = tpu.vector_load_idx %arg19[%add3A_176, %add3A_351] : memref<128x128xf32, #tpu.memory_space<vmem>>[vector<16xi32>, vector<16xi32>], vector<16xf32>,
      tpu.vector_store_idx %arg23[%add3A_176, %add3A_348], %gather3A_352 : memref<128x128xf32, #tpu.memory_space<vmem>>[vector<16xi32>, vector<16xi32>], vector<16xf32>,
      %add3A_353 = arith.constant 64 : i32
      %add3A_354 = vector.broadcast %add3A_353 : i32 to vector<16xi32>
      %add3A_355 = arith.addi %broadcast_in_dim3A_341, %add3A_354 : vector<16xi32>
      %gather3A_356 = tpu.vector_load_idx %arg21[%get3A_192, %broadcast_in_dim3A_341] : memref<10x32xf32, #tpu.memory_space<vmem>>[vector<16xi32>, vector<16xi32>], vector<16xf32>,
      tpu.vector_store_idx %arg23[%add3A_176, %add3A_355], %gather3A_356 : memref<128x128xf32, #tpu.memory_space<vmem>>[vector<16xi32>, vector<16xi32>], vector<16xf32>,
      %add3A_357 = arith.constant 96 : i32
      %add3A_358 = vector.broadcast %add3A_357 : i32 to vector<16xi32>
      %add3A_359 = arith.addi %broadcast_in_dim3A_341, %add3A_358 : vector<16xi32>
      %gather3A_360 = tpu.vector_load_idx %arg22[%get3A_194, %broadcast_in_dim3A_341] : memref<250x32xf32, #tpu.memory_space<vmem>>[vector<16xi32>, vector<16xi32>], vector<16xf32>,
      tpu.vector_store_idx %arg23[%add3A_176, %add3A_359], %gather3A_360 : memref<128x128xf32, #tpu.memory_space<vmem>>[vector<16xi32>, vector<16xi32>], vector<16xf32>,
      %broadcast_in_dim3A_361 = arith.constant 8 : i32
      %broadcast_in_dim3A_362 = vector.broadcast %broadcast_in_dim3A_361 : i32 to vector<16xi32>
      %add3A_363 = arith.constant 8 : i32
      %add3A_364 = vector.broadcast %add3A_363 : i32 to vector<16xi32>
      %add3A_365 = arith.addi %mul3A_182, %add3A_364 : vector<16xi32>
      %gather3A_366 = tpu.vector_load_idx %arg17[%add3A_176, %add3A_365] : memref<128x128xf32, #tpu.memory_space<vmem>>[vector<16xi32>, vector<16xi32>], vector<16xf32>,
      tpu.vector_store_idx %arg23[%add3A_176, %broadcast_in_dim3A_362], %gather3A_366 : memref<128x128xf32, #tpu.memory_space<vmem>>[vector<16xi32>, vector<16xi32>], vector<16xf32>,
      %add3A_367 = arith.constant 32 : i32
      %add3A_368 = vector.broadcast %add3A_367 : i32 to vector<16xi32>
      %add3A_369 = arith.addi %broadcast_in_dim3A_362, %add3A_368 : vector<16xi32>
      %add3A_370 = arith.constant 8 : i32
      %add3A_371 = vector.broadcast %add3A_370 : i32 to vector<16xi32>
      %add3A_372 = arith.addi %mul3A_190, %add3A_371 : vector<16xi32>
      %gather3A_373 = tpu.vector_load_idx %arg19[%add3A_176, %add3A_372] : memref<128x128xf32, #tpu.memory_space<vmem>>[vector<16xi32>, vector<16xi32>], vector<16xf32>,
      tpu.vector_store_idx %arg23[%add3A_176, %add3A_369], %gather3A_373 : memref<128x128xf32, #tpu.memory_space<vmem>>[vector<16xi32>, vector<16xi32>], vector<16xf32>,
      %add3A_374 = arith.constant 64 : i32
      %add3A_375 = vector.broadcast %add3A_374 : i32 to vector<16xi32>
      %add3A_376 = arith.addi %broadcast_in_dim3A_362, %add3A_375 : vector<16xi32>
      %gather3A_377 = tpu.vector_load_idx %arg21[%get3A_192, %broadcast_in_dim3A_362] : memref<10x32xf32, #tpu.memory_space<vmem>>[vector<16xi32>, vector<16xi32>], vector<16xf32>,
      tpu.vector_store_idx %arg23[%add3A_176, %add3A_376], %gather3A_377 : memref<128x128xf32, #tpu.memory_space<vmem>>[vector<16xi32>, vector<16xi32>], vector<16xf32>,
      %add3A_378 = arith.constant 96 : i32
      %add3A_379 = vector.broadcast %add3A_378 : i32 to vector<16xi32>
      %add3A_380 = arith.addi %broadcast_in_dim3A_362, %add3A_379 : vector<16xi32>
      %gather3A_381 = tpu.vector_load_idx %arg22[%get3A_194, %broadcast_in_dim3A_362] : memref<250x32xf32, #tpu.memory_space<vmem>>[vector<16xi32>, vector<16xi32>], vector<16xf32>,
      tpu.vector_store_idx %arg23[%add3A_176, %add3A_380], %gather3A_381 : memref<128x128xf32, #tpu.memory_space<vmem>>[vector<16xi32>, vector<16xi32>], vector<16xf32>,
      %broadcast_in_dim3A_382 = arith.constant 9 : i32
      %broadcast_in_dim3A_383 = vector.broadcast %broadcast_in_dim3A_382 : i32 to vector<16xi32>
      %add3A_384 = arith.constant 9 : i32
      %add3A_385 = vector.broadcast %add3A_384 : i32 to vector<16xi32>
      %add3A_386 = arith.addi %mul3A_182, %add3A_385 : vector<16xi32>
      %gather3A_387 = tpu.vector_load_idx %arg17[%add3A_176, %add3A_386] : memref<128x128xf32, #tpu.memory_space<vmem>>[vector<16xi32>, vector<16xi32>], vector<16xf32>,
      tpu.vector_store_idx %arg23[%add3A_176, %broadcast_in_dim3A_383], %gather3A_387 : memref<128x128xf32, #tpu.memory_space<vmem>>[vector<16xi32>, vector<16xi32>], vector<16xf32>,
      %add3A_388 = arith.constant 32 : i32
      %add3A_389 = vector.broadcast %add3A_388 : i32 to vector<16xi32>
      %add3A_390 = arith.addi %broadcast_in_dim3A_383, %add3A_389 : vector<16xi32>
      %add3A_391 = arith.constant 9 : i32
      %add3A_392 = vector.broadcast %add3A_391 : i32 to vector<16xi32>
      %add3A_393 = arith.addi %mul3A_190, %add3A_392 : vector<16xi32>
      %gather3A_394 = tpu.vector_load_idx %arg19[%add3A_176, %add3A_393] : memref<128x128xf32, #tpu.memory_space<vmem>>[vector<16xi32>, vector<16xi32>], vector<16xf32>,
      tpu.vector_store_idx %arg23[%add3A_176, %add3A_390], %gather3A_394 : memref<128x128xf32, #tpu.memory_space<vmem>>[vector<16xi32>, vector<16xi32>], vector<16xf32>,
      %add3A_395 = arith.constant 64 : i32
      %add3A_396 = vector.broadcast %add3A_395 : i32 to vector<16xi32>
      %add3A_397 = arith.addi %broadcast_in_dim3A_383, %add3A_396 : vector<16xi32>
      %gather3A_398 = tpu.vector_load_idx %arg21[%get3A_192, %broadcast_in_dim3A_383] : memref<10x32xf32, #tpu.memory_space<vmem>>[vector<16xi32>, vector<16xi32>], vector<16xf32>,
      tpu.vector_store_idx %arg23[%add3A_176, %add3A_397], %gather3A_398 : memref<128x128xf32, #tpu.memory_space<vmem>>[vector<16xi32>, vector<16xi32>], vector<16xf32>,
      %add3A_399 = arith.constant 96 : i32
      %add3A_400 = vector.broadcast %add3A_399 : i32 to vector<16xi32>
      %add3A_401 = arith.addi %broadcast_in_dim3A_383, %add3A_400 : vector<16xi32>
      %gather3A_402 = tpu.vector_load_idx %arg22[%get3A_194, %broadcast_in_dim3A_383] : memref<250x32xf32, #tpu.memory_space<vmem>>[vector<16xi32>, vector<16xi32>], vector<16xf32>,
      tpu.vector_store_idx %arg23[%add3A_176, %add3A_401], %gather3A_402 : memref<128x128xf32, #tpu.memory_space<vmem>>[vector<16xi32>, vector<16xi32>], vector<16xf32>,
      %broadcast_in_dim3A_403 = arith.constant 10 : i32
      %broadcast_in_dim3A_404 = vector.broadcast %broadcast_in_dim3A_403 : i32 to vector<16xi32>
      %add3A_405 = arith.constant 10 : i32
      %add3A_406 = vector.broadcast %add3A_405 : i32 to vector<16xi32>
      %add3A_407 = arith.addi %mul3A_182, %add3A_406 : vector<16xi32>
      %gather3A_408 = tpu.vector_load_idx %arg17[%add3A_176, %add3A_407] : memref<128x128xf32, #tpu.memory_space<vmem>>[vector<16xi32>, vector<16xi32>], vector<16xf32>,
      tpu.vector_store_idx %arg23[%add3A_176, %broadcast_in_dim3A_404], %gather3A_408 : memref<128x128xf32, #tpu.memory_space<vmem>>[vector<16xi32>, vector<16xi32>], vector<16xf32>,
      %add3A_409 = arith.constant 32 : i32
      %add3A_410 = vector.broadcast %add3A_409 : i32 to vector<16xi32>
      %add3A_411 = arith.addi %broadcast_in_dim3A_404, %add3A_410 : vector<16xi32>
      %add3A_412 = arith.constant 10 : i32
      %add3A_413 = vector.broadcast %add3A_412 : i32 to vector<16xi32>
      %add3A_414 = arith.addi %mul3A_190, %add3A_413 : vector<16xi32>
      %gather3A_415 = tpu.vector_load_idx %arg19[%add3A_176, %add3A_414] : memref<128x128xf32, #tpu.memory_space<vmem>>[vector<16xi32>, vector<16xi32>], vector<16xf32>,
      tpu.vector_store_idx %arg23[%add3A_176, %add3A_411], %gather3A_415 : memref<128x128xf32, #tpu.memory_space<vmem>>[vector<16xi32>, vector<16xi32>], vector<16xf32>,
      %add3A_416 = arith.constant 64 : i32
      %add3A_417 = vector.broadcast %add3A_416 : i32 to vector<16xi32>
      %add3A_418 = arith.addi %broadcast_in_dim3A_404, %add3A_417 : vector<16xi32>
      %gather3A_419 = tpu.vector_load_idx %arg21[%get3A_192, %broadcast_in_dim3A_404] : memref<10x32xf32, #tpu.memory_space<vmem>>[vector<16xi32>, vector<16xi32>], vector<16xf32>,
      tpu.vector_store_idx %arg23[%add3A_176, %add3A_418], %gather3A_419 : memref<128x128xf32, #tpu.memory_space<vmem>>[vector<16xi32>, vector<16xi32>], vector<16xf32>,
      %add3A_420 = arith.constant 96 : i32
      %add3A_421 = vector.broadcast %add3A_420 : i32 to vector<16xi32>
      %add3A_422 = arith.addi %broadcast_in_dim3A_404, %add3A_421 : vector<16xi32>
      %gather3A_423 = tpu.vector_load_idx %arg22[%get3A_194, %broadcast_in_dim3A_404] : memref<250x32xf32, #tpu.memory_space<vmem>>[vector<16xi32>, vector<16xi32>], vector<16xf32>,
      tpu.vector_store_idx %arg23[%add3A_176, %add3A_422], %gather3A_423 : memref<128x128xf32, #tpu.memory_space<vmem>>[vector<16xi32>, vector<16xi32>], vector<16xf32>,
      %broadcast_in_dim3A_424 = arith.constant 11 : i32
      %broadcast_in_dim3A_425 = vector.broadcast %broadcast_in_dim3A_424 : i32 to vector<16xi32>
      %add3A_426 = arith.constant 11 : i32
      %add3A_427 = vector.broadcast %add3A_426 : i32 to vector<16xi32>
      %add3A_428 = arith.addi %mul3A_182, %add3A_427 : vector<16xi32>
      %gather3A_429 = tpu.vector_load_idx %arg17[%add3A_176, %add3A_428] : memref<128x128xf32, #tpu.memory_space<vmem>>[vector<16xi32>, vector<16xi32>], vector<16xf32>,
      tpu.vector_store_idx %arg23[%add3A_176, %broadcast_in_dim3A_425], %gather3A_429 : memref<128x128xf32, #tpu.memory_space<vmem>>[vector<16xi32>, vector<16xi32>], vector<16xf32>,
      %add3A_430 = arith.constant 32 : i32
      %add3A_431 = vector.broadcast %add3A_430 : i32 to vector<16xi32>
      %add3A_432 = arith.addi %broadcast_in_dim3A_425, %add3A_431 : vector<16xi32>
      %add3A_433 = arith.constant 11 : i32
      %add3A_434 = vector.broadcast %add3A_433 : i32 to vector<16xi32>
      %add3A_435 = arith.addi %mul3A_190, %add3A_434 : vector<16xi32>
      %gather3A_436 = tpu.vector_load_idx %arg19[%add3A_176, %add3A_435] : memref<128x128xf32, #tpu.memory_space<vmem>>[vector<16xi32>, vector<16xi32>], vector<16xf32>,
      tpu.vector_store_idx %arg23[%add3A_176, %add3A_432], %gather3A_436 : memref<128x128xf32, #tpu.memory_space<vmem>>[vector<16xi32>, vector<16xi32>], vector<16xf32>,
      %add3A_437 = arith.constant 64 : i32
      %add3A_438 = vector.broadcast %add3A_437 : i32 to vector<16xi32>
      %add3A_439 = arith.addi %broadcast_in_dim3A_425, %add3A_438 : vector<16xi32>
      %gather3A_440 = tpu.vector_load_idx %arg21[%get3A_192, %broadcast_in_dim3A_425] : memref<10x32xf32, #tpu.memory_space<vmem>>[vector<16xi32>, vector<16xi32>], vector<16xf32>,
      tpu.vector_store_idx %arg23[%add3A_176, %add3A_439], %gather3A_440 : memref<128x128xf32, #tpu.memory_space<vmem>>[vector<16xi32>, vector<16xi32>], vector<16xf32>,
      %add3A_441 = arith.constant 96 : i32
      %add3A_442 = vector.broadcast %add3A_441 : i32 to vector<16xi32>
      %add3A_443 = arith.addi %broadcast_in_dim3A_425, %add3A_442 : vector<16xi32>
      %gather3A_444 = tpu.vector_load_idx %arg22[%get3A_194, %broadcast_in_dim3A_425] : memref<250x32xf32, #tpu.memory_space<vmem>>[vector<16xi32>, vector<16xi32>], vector<16xf32>,
      tpu.vector_store_idx %arg23[%add3A_176, %add3A_443], %gather3A_444 : memref<128x128xf32, #tpu.memory_space<vmem>>[vector<16xi32>, vector<16xi32>], vector<16xf32>,
      %broadcast_in_dim3A_445 = arith.constant 12 : i32
      %broadcast_in_dim3A_446 = vector.broadcast %broadcast_in_dim3A_445 : i32 to vector<16xi32>
      %add3A_447 = arith.constant 12 : i32
      %add3A_448 = vector.broadcast %add3A_447 : i32 to vector<16xi32>
      %add3A_449 = arith.addi %mul3A_182, %add3A_448 : vector<16xi32>
      %gather3A_450 = tpu.vector_load_idx %arg17[%add3A_176, %add3A_449] : memref<128x128xf32, #tpu.memory_space<vmem>>[vector<16xi32>, vector<16xi32>], vector<16xf32>,
      tpu.vector_store_idx %arg23[%add3A_176, %broadcast_in_dim3A_446], %gather3A_450 : memref<128x128xf32, #tpu.memory_space<vmem>>[vector<16xi32>, vector<16xi32>], vector<16xf32>,
      %add3A_451 = arith.constant 32 : i32
      %add3A_452 = vector.broadcast %add3A_451 : i32 to vector<16xi32>
      %add3A_453 = arith.addi %broadcast_in_dim3A_446, %add3A_452 : vector<16xi32>
      %add3A_454 = arith.constant 12 : i32
      %add3A_455 = vector.broadcast %add3A_454 : i32 to vector<16xi32>
      %add3A_456 = arith.addi %mul3A_190, %add3A_455 : vector<16xi32>
      %gather3A_457 = tpu.vector_load_idx %arg19[%add3A_176, %add3A_456] : memref<128x128xf32, #tpu.memory_space<vmem>>[vector<16xi32>, vector<16xi32>], vector<16xf32>,
      tpu.vector_store_idx %arg23[%add3A_176, %add3A_453], %gather3A_457 : memref<128x128xf32, #tpu.memory_space<vmem>>[vector<16xi32>, vector<16xi32>], vector<16xf32>,
      %add3A_458 = arith.constant 64 : i32
      %add3A_459 = vector.broadcast %add3A_458 : i32 to vector<16xi32>
      %add3A_460 = arith.addi %broadcast_in_dim3A_446, %add3A_459 : vector<16xi32>
      %gather3A_461 = tpu.vector_load_idx %arg21[%get3A_192, %broadcast_in_dim3A_446] : memref<10x32xf32, #tpu.memory_space<vmem>>[vector<16xi32>, vector<16xi32>], vector<16xf32>,
      tpu.vector_store_idx %arg23[%add3A_176, %add3A_460], %gather3A_461 : memref<128x128xf32, #tpu.memory_space<vmem>>[vector<16xi32>, vector<16xi32>], vector<16xf32>,
      %add3A_462 = arith.constant 96 : i32
      %add3A_463 = vector.broadcast %add3A_462 : i32 to vector<16xi32>
      %add3A_464 = arith.addi %broadcast_in_dim3A_446, %add3A_463 : vector<16xi32>
      %gather3A_465 = tpu.vector_load_idx %arg22[%get3A_194, %broadcast_in_dim3A_446] : memref<250x32xf32, #tpu.memory_space<vmem>>[vector<16xi32>, vector<16xi32>], vector<16xf32>,
      tpu.vector_store_idx %arg23[%add3A_176, %add3A_464], %gather3A_465 : memref<128x128xf32, #tpu.memory_space<vmem>>[vector<16xi32>, vector<16xi32>], vector<16xf32>,
      %broadcast_in_dim3A_466 = arith.constant 13 : i32
      %broadcast_in_dim3A_467 = vector.broadcast %broadcast_in_dim3A_466 : i32 to vector<16xi32>
      %add3A_468 = arith.constant 13 : i32
      %add3A_469 = vector.broadcast %add3A_468 : i32 to vector<16xi32>
      %add3A_470 = arith.addi %mul3A_182, %add3A_469 : vector<16xi32>
      %gather3A_471 = tpu.vector_load_idx %arg17[%add3A_176, %add3A_470] : memref<128x128xf32, #tpu.memory_space<vmem>>[vector<16xi32>, vector<16xi32>], vector<16xf32>,
      tpu.vector_store_idx %arg23[%add3A_176, %broadcast_in_dim3A_467], %gather3A_471 : memref<128x128xf32, #tpu.memory_space<vmem>>[vector<16xi32>, vector<16xi32>], vector<16xf32>,
      %add3A_472 = arith.constant 32 : i32
      %add3A_473 = vector.broadcast %add3A_472 : i32 to vector<16xi32>
      %add3A_474 = arith.addi %broadcast_in_dim3A_467, %add3A_473 : vector<16xi32>
      %add3A_475 = arith.constant 13 : i32
      %add3A_476 = vector.broadcast %add3A_475 : i32 to vector<16xi32>
      %add3A_477 = arith.addi %mul3A_190, %add3A_476 : vector<16xi32>
      %gather3A_478 = tpu.vector_load_idx %arg19[%add3A_176, %add3A_477] : memref<128x128xf32, #tpu.memory_space<vmem>>[vector<16xi32>, vector<16xi32>], vector<16xf32>,
      tpu.vector_store_idx %arg23[%add3A_176, %add3A_474], %gather3A_478 : memref<128x128xf32, #tpu.memory_space<vmem>>[vector<16xi32>, vector<16xi32>], vector<16xf32>,
      %add3A_479 = arith.constant 64 : i32
      %add3A_480 = vector.broadcast %add3A_479 : i32 to vector<16xi32>
      %add3A_481 = arith.addi %broadcast_in_dim3A_467, %add3A_480 : vector<16xi32>
      %gather3A_482 = tpu.vector_load_idx %arg21[%get3A_192, %broadcast_in_dim3A_467] : memref<10x32xf32, #tpu.memory_space<vmem>>[vector<16xi32>, vector<16xi32>], vector<16xf32>,
      tpu.vector_store_idx %arg23[%add3A_176, %add3A_481], %gather3A_482 : memref<128x128xf32, #tpu.memory_space<vmem>>[vector<16xi32>, vector<16xi32>], vector<16xf32>,
      %add3A_483 = arith.constant 96 : i32
      %add3A_484 = vector.broadcast %add3A_483 : i32 to vector<16xi32>
      %add3A_485 = arith.addi %broadcast_in_dim3A_467, %add3A_484 : vector<16xi32>
      %gather3A_486 = tpu.vector_load_idx %arg22[%get3A_194, %broadcast_in_dim3A_467] : memref<250x32xf32, #tpu.memory_space<vmem>>[vector<16xi32>, vector<16xi32>], vector<16xf32>,
      tpu.vector_store_idx %arg23[%add3A_176, %add3A_485], %gather3A_486 : memref<128x128xf32, #tpu.memory_space<vmem>>[vector<16xi32>, vector<16xi32>], vector<16xf32>,
      %broadcast_in_dim3A_487 = arith.constant 14 : i32
      %broadcast_in_dim3A_488 = vector.broadcast %broadcast_in_dim3A_487 : i32 to vector<16xi32>
      %add3A_489 = arith.constant 14 : i32
      %add3A_490 = vector.broadcast %add3A_489 : i32 to vector<16xi32>
      %add3A_491 = arith.addi %mul3A_182, %add3A_490 : vector<16xi32>
      %gather3A_492 = tpu.vector_load_idx %arg17[%add3A_176, %add3A_491] : memref<128x128xf32, #tpu.memory_space<vmem>>[vector<16xi32>, vector<16xi32>], vector<16xf32>,
      tpu.vector_store_idx %arg23[%add3A_176, %broadcast_in_dim3A_488], %gather3A_492 : memref<128x128xf32, #tpu.memory_space<vmem>>[vector<16xi32>, vector<16xi32>], vector<16xf32>,
      %add3A_493 = arith.constant 32 : i32
      %add3A_494 = vector.broadcast %add3A_493 : i32 to vector<16xi32>
      %add3A_495 = arith.addi %broadcast_in_dim3A_488, %add3A_494 : vector<16xi32>
      %add3A_496 = arith.constant 14 : i32
      %add3A_497 = vector.broadcast %add3A_496 : i32 to vector<16xi32>
      %add3A_498 = arith.addi %mul3A_190, %add3A_497 : vector<16xi32>
      %gather3A_499 = tpu.vector_load_idx %arg19[%add3A_176, %add3A_498] : memref<128x128xf32, #tpu.memory_space<vmem>>[vector<16xi32>, vector<16xi32>], vector<16xf32>,
      tpu.vector_store_idx %arg23[%add3A_176, %add3A_495], %gather3A_499 : memref<128x128xf32, #tpu.memory_space<vmem>>[vector<16xi32>, vector<16xi32>], vector<16xf32>,
      %add3A_500 = arith.constant 64 : i32
      %add3A_501 = vector.broadcast %add3A_500 : i32 to vector<16xi32>
      %add3A_502 = arith.addi %broadcast_in_dim3A_488, %add3A_501 : vector<16xi32>
      %gather3A_503 = tpu.vector_load_idx %arg21[%get3A_192, %broadcast_in_dim3A_488] : memref<10x32xf32, #tpu.memory_space<vmem>>[vector<16xi32>, vector<16xi32>], vector<16xf32>,
      tpu.vector_store_idx %arg23[%add3A_176, %add3A_502], %gather3A_503 : memref<128x128xf32, #tpu.memory_space<vmem>>[vector<16xi32>, vector<16xi32>], vector<16xf32>,
      %add3A_504 = arith.constant 96 : i32
      %add3A_505 = vector.broadcast %add3A_504 : i32 to vector<16xi32>
      %add3A_506 = arith.addi %broadcast_in_dim3A_488, %add3A_505 : vector<16xi32>
      %gather3A_507 = tpu.vector_load_idx %arg22[%get3A_194, %broadcast_in_dim3A_488] : memref<250x32xf32, #tpu.memory_space<vmem>>[vector<16xi32>, vector<16xi32>], vector<16xf32>,
      tpu.vector_store_idx %arg23[%add3A_176, %add3A_506], %gather3A_507 : memref<128x128xf32, #tpu.memory_space<vmem>>[vector<16xi32>, vector<16xi32>], vector<16xf32>,
      %broadcast_in_dim3A_508 = arith.constant 15 : i32
      %broadcast_in_dim3A_509 = vector.broadcast %broadcast_in_dim3A_508 : i32 to vector<16xi32>
      %add3A_510 = arith.constant 15 : i32
      %add3A_511 = vector.broadcast %add3A_510 : i32 to vector<16xi32>
      %add3A_512 = arith.addi %mul3A_182, %add3A_511 : vector<16xi32>
      %gather3A_513 = tpu.vector_load_idx %arg17[%add3A_176, %add3A_512] : memref<128x128xf32, #tpu.memory_space<vmem>>[vector<16xi32>, vector<16xi32>], vector<16xf32>,
      tpu.vector_store_idx %arg23[%add3A_176, %broadcast_in_dim3A_509], %gather3A_513 : memref<128x128xf32, #tpu.memory_space<vmem>>[vector<16xi32>, vector<16xi32>], vector<16xf32>,
      %add3A_514 = arith.constant 32 : i32
      %add3A_515 = vector.broadcast %add3A_514 : i32 to vector<16xi32>
      %add3A_516 = arith.addi %broadcast_in_dim3A_509, %add3A_515 : vector<16xi32>
      %add3A_517 = arith.constant 15 : i32
      %add3A_518 = vector.broadcast %add3A_517 : i32 to vector<16xi32>
      %add3A_519 = arith.addi %mul3A_190, %add3A_518 : vector<16xi32>
      %gather3A_520 = tpu.vector_load_idx %arg19[%add3A_176, %add3A_519] : memref<128x128xf32, #tpu.memory_space<vmem>>[vector<16xi32>, vector<16xi32>], vector<16xf32>,
      tpu.vector_store_idx %arg23[%add3A_176, %add3A_516], %gather3A_520 : memref<128x128xf32, #tpu.memory_space<vmem>>[vector<16xi32>, vector<16xi32>], vector<16xf32>,
      %add3A_521 = arith.constant 64 : i32
      %add3A_522 = vector.broadcast %add3A_521 : i32 to vector<16xi32>
      %add3A_523 = arith.addi %broadcast_in_dim3A_509, %add3A_522 : vector<16xi32>
      %gather3A_524 = tpu.vector_load_idx %arg21[%get3A_192, %broadcast_in_dim3A_509] : memref<10x32xf32, #tpu.memory_space<vmem>>[vector<16xi32>, vector<16xi32>], vector<16xf32>,
      tpu.vector_store_idx %arg23[%add3A_176, %add3A_523], %gather3A_524 : memref<128x128xf32, #tpu.memory_space<vmem>>[vector<16xi32>, vector<16xi32>], vector<16xf32>,
      %add3A_525 = arith.constant 96 : i32
      %add3A_526 = vector.broadcast %add3A_525 : i32 to vector<16xi32>
      %add3A_527 = arith.addi %broadcast_in_dim3A_509, %add3A_526 : vector<16xi32>
      %gather3A_528 = tpu.vector_load_idx %arg22[%get3A_194, %broadcast_in_dim3A_509] : memref<250x32xf32, #tpu.memory_space<vmem>>[vector<16xi32>, vector<16xi32>], vector<16xf32>,
      tpu.vector_store_idx %arg23[%add3A_176, %add3A_527], %gather3A_528 : memref<128x128xf32, #tpu.memory_space<vmem>>[vector<16xi32>, vector<16xi32>], vector<16xf32>,
      %broadcast_in_dim3A_529 = arith.constant 16 : i32
      %broadcast_in_dim3A_530 = vector.broadcast %broadcast_in_dim3A_529 : i32 to vector<16xi32>
      %add3A_531 = arith.constant 16 : i32
      %add3A_532 = vector.broadcast %add3A_531 : i32 to vector<16xi32>
      %add3A_533 = arith.addi %mul3A_182, %add3A_532 : vector<16xi32>
      %gather3A_534 = tpu.vector_load_idx %arg17[%add3A_176, %add3A_533] : memref<128x128xf32, #tpu.memory_space<vmem>>[vector<16xi32>, vector<16xi32>], vector<16xf32>,
      tpu.vector_store_idx %arg23[%add3A_176, %broadcast_in_dim3A_530], %gather3A_534 : memref<128x128xf32, #tpu.memory_space<vmem>>[vector<16xi32>, vector<16xi32>], vector<16xf32>,
      %add3A_535 = arith.constant 32 : i32
      %add3A_536 = vector.broadcast %add3A_535 : i32 to vector<16xi32>
      %add3A_537 = arith.addi %broadcast_in_dim3A_530, %add3A_536 : vector<16xi32>
      %add3A_538 = arith.constant 16 : i32
      %add3A_539 = vector.broadcast %add3A_538 : i32 to vector<16xi32>
      %add3A_540 = arith.addi %mul3A_190, %add3A_539 : vector<16xi32>
      %gather3A_541 = tpu.vector_load_idx %arg19[%add3A_176, %add3A_540] : memref<128x128xf32, #tpu.memory_space<vmem>>[vector<16xi32>, vector<16xi32>], vector<16xf32>,
      tpu.vector_store_idx %arg23[%add3A_176, %add3A_537], %gather3A_541 : memref<128x128xf32, #tpu.memory_space<vmem>>[vector<16xi32>, vector<16xi32>], vector<16xf32>,
      %add3A_542 = arith.constant 64 : i32
      %add3A_543 = vector.broadcast %add3A_542 : i32 to vector<16xi32>
      %add3A_544 = arith.addi %broadcast_in_dim3A_530, %add3A_543 : vector<16xi32>
      %gather3A_545 = tpu.vector_load_idx %arg21[%get3A_192, %broadcast_in_dim3A_530] : memref<10x32xf32, #tpu.memory_space<vmem>>[vector<16xi32>, vector<16xi32>], vector<16xf32>,
      tpu.vector_store_idx %arg23[%add3A_176, %add3A_544], %gather3A_545 : memref<128x128xf32, #tpu.memory_space<vmem>>[vector<16xi32>, vector<16xi32>], vector<16xf32>,
      %add3A_546 = arith.constant 96 : i32
      %add3A_547 = vector.broadcast %add3A_546 : i32 to vector<16xi32>
      %add3A_548 = arith.addi %broadcast_in_dim3A_530, %add3A_547 : vector<16xi32>
      %gather3A_549 = tpu.vector_load_idx %arg22[%get3A_194, %broadcast_in_dim3A_530] : memref<250x32xf32, #tpu.memory_space<vmem>>[vector<16xi32>, vector<16xi32>], vector<16xf32>,
      tpu.vector_store_idx %arg23[%add3A_176, %add3A_548], %gather3A_549 : memref<128x128xf32, #tpu.memory_space<vmem>>[vector<16xi32>, vector<16xi32>], vector<16xf32>,
      %broadcast_in_dim3A_550 = arith.constant 17 : i32
      %broadcast_in_dim3A_551 = vector.broadcast %broadcast_in_dim3A_550 : i32 to vector<16xi32>
      %add3A_552 = arith.constant 17 : i32
      %add3A_553 = vector.broadcast %add3A_552 : i32 to vector<16xi32>
      %add3A_554 = arith.addi %mul3A_182, %add3A_553 : vector<16xi32>
      %gather3A_555 = tpu.vector_load_idx %arg17[%add3A_176, %add3A_554] : memref<128x128xf32, #tpu.memory_space<vmem>>[vector<16xi32>, vector<16xi32>], vector<16xf32>,
      tpu.vector_store_idx %arg23[%add3A_176, %broadcast_in_dim3A_551], %gather3A_555 : memref<128x128xf32, #tpu.memory_space<vmem>>[vector<16xi32>, vector<16xi32>], vector<16xf32>,
      %add3A_556 = arith.constant 32 : i32
      %add3A_557 = vector.broadcast %add3A_556 : i32 to vector<16xi32>
      %add3A_558 = arith.addi %broadcast_in_dim3A_551, %add3A_557 : vector<16xi32>
      %add3A_559 = arith.constant 17 : i32
      %add3A_560 = vector.broadcast %add3A_559 : i32 to vector<16xi32>
      %add3A_561 = arith.addi %mul3A_190, %add3A_560 : vector<16xi32>
      %gather3A_562 = tpu.vector_load_idx %arg19[%add3A_176, %add3A_561] : memref<128x128xf32, #tpu.memory_space<vmem>>[vector<16xi32>, vector<16xi32>], vector<16xf32>,
      tpu.vector_store_idx %arg23[%add3A_176, %add3A_558], %gather3A_562 : memref<128x128xf32, #tpu.memory_space<vmem>>[vector<16xi32>, vector<16xi32>], vector<16xf32>,
      %add3A_563 = arith.constant 64 : i32
      %add3A_564 = vector.broadcast %add3A_563 : i32 to vector<16xi32>
      %add3A_565 = arith.addi %broadcast_in_dim3A_551, %add3A_564 : vector<16xi32>
      %gather3A_566 = tpu.vector_load_idx %arg21[%get3A_192, %broadcast_in_dim3A_551] : memref<10x32xf32, #tpu.memory_space<vmem>>[vector<16xi32>, vector<16xi32>], vector<16xf32>,
      tpu.vector_store_idx %arg23[%add3A_176, %add3A_565], %gather3A_566 : memref<128x128xf32, #tpu.memory_space<vmem>>[vector<16xi32>, vector<16xi32>], vector<16xf32>,
      %add3A_567 = arith.constant 96 : i32
      %add3A_568 = vector.broadcast %add3A_567 : i32 to vector<16xi32>
      %add3A_569 = arith.addi %broadcast_in_dim3A_551, %add3A_568 : vector<16xi32>
      %gather3A_570 = tpu.vector_load_idx %arg22[%get3A_194, %broadcast_in_dim3A_551] : memref<250x32xf32, #tpu.memory_space<vmem>>[vector<16xi32>, vector<16xi32>], vector<16xf32>,
      tpu.vector_store_idx %arg23[%add3A_176, %add3A_569], %gather3A_570 : memref<128x128xf32, #tpu.memory_space<vmem>>[vector<16xi32>, vector<16xi32>], vector<16xf32>,
      %broadcast_in_dim3A_571 = arith.constant 18 : i32
      %broadcast_in_dim3A_572 = vector.broadcast %broadcast_in_dim3A_571 : i32 to vector<16xi32>
      %add3A_573 = arith.constant 18 : i32
      %add3A_574 = vector.broadcast %add3A_573 : i32 to vector<16xi32>
      %add3A_575 = arith.addi %mul3A_182, %add3A_574 : vector<16xi32>
      %gather3A_576 = tpu.vector_load_idx %arg17[%add3A_176, %add3A_575] : memref<128x128xf32, #tpu.memory_space<vmem>>[vector<16xi32>, vector<16xi32>], vector<16xf32>,
      tpu.vector_store_idx %arg23[%add3A_176, %broadcast_in_dim3A_572], %gather3A_576 : memref<128x128xf32, #tpu.memory_space<vmem>>[vector<16xi32>, vector<16xi32>], vector<16xf32>,
      %add3A_577 = arith.constant 32 : i32
      %add3A_578 = vector.broadcast %add3A_577 : i32 to vector<16xi32>
      %add3A_579 = arith.addi %broadcast_in_dim3A_572, %add3A_578 : vector<16xi32>
      %add3A_580 = arith.constant 18 : i32
      %add3A_581 = vector.broadcast %add3A_580 : i32 to vector<16xi32>
      %add3A_582 = arith.addi %mul3A_190, %add3A_581 : vector<16xi32>
      %gather3A_583 = tpu.vector_load_idx %arg19[%add3A_176, %add3A_582] : memref<128x128xf32, #tpu.memory_space<vmem>>[vector<16xi32>, vector<16xi32>], vector<16xf32>,
      tpu.vector_store_idx %arg23[%add3A_176, %add3A_579], %gather3A_583 : memref<128x128xf32, #tpu.memory_space<vmem>>[vector<16xi32>, vector<16xi32>], vector<16xf32>,
      %add3A_584 = arith.constant 64 : i32
      %add3A_585 = vector.broadcast %add3A_584 : i32 to vector<16xi32>
      %add3A_586 = arith.addi %broadcast_in_dim3A_572, %add3A_585 : vector<16xi32>
      %gather3A_587 = tpu.vector_load_idx %arg21[%get3A_192, %broadcast_in_dim3A_572] : memref<10x32xf32, #tpu.memory_space<vmem>>[vector<16xi32>, vector<16xi32>], vector<16xf32>,
      tpu.vector_store_idx %arg23[%add3A_176, %add3A_586], %gather3A_587 : memref<128x128xf32, #tpu.memory_space<vmem>>[vector<16xi32>, vector<16xi32>], vector<16xf32>,
      %add3A_588 = arith.constant 96 : i32
      %add3A_589 = vector.broadcast %add3A_588 : i32 to vector<16xi32>
      %add3A_590 = arith.addi %broadcast_in_dim3A_572, %add3A_589 : vector<16xi32>
      %gather3A_591 = tpu.vector_load_idx %arg22[%get3A_194, %broadcast_in_dim3A_572] : memref<250x32xf32, #tpu.memory_space<vmem>>[vector<16xi32>, vector<16xi32>], vector<16xf32>,
      tpu.vector_store_idx %arg23[%add3A_176, %add3A_590], %gather3A_591 : memref<128x128xf32, #tpu.memory_space<vmem>>[vector<16xi32>, vector<16xi32>], vector<16xf32>,
      %broadcast_in_dim3A_592 = arith.constant 19 : i32
      %broadcast_in_dim3A_593 = vector.broadcast %broadcast_in_dim3A_592 : i32 to vector<16xi32>
      %add3A_594 = arith.constant 19 : i32
      %add3A_595 = vector.broadcast %add3A_594 : i32 to vector<16xi32>
      %add3A_596 = arith.addi %mul3A_182, %add3A_595 : vector<16xi32>
      %gather3A_597 = tpu.vector_load_idx %arg17[%add3A_176, %add3A_596] : memref<128x128xf32, #tpu.memory_space<vmem>>[vector<16xi32>, vector<16xi32>], vector<16xf32>,
      tpu.vector_store_idx %arg23[%add3A_176, %broadcast_in_dim3A_593], %gather3A_597 : memref<128x128xf32, #tpu.memory_space<vmem>>[vector<16xi32>, vector<16xi32>], vector<16xf32>,
      %add3A_598 = arith.constant 32 : i32
      %add3A_599 = vector.broadcast %add3A_598 : i32 to vector<16xi32>
      %add3A_600 = arith.addi %broadcast_in_dim3A_593, %add3A_599 : vector<16xi32>
      %add3A_601 = arith.constant 19 : i32
      %add3A_602 = vector.broadcast %add3A_601 : i32 to vector<16xi32>
      %add3A_603 = arith.addi %mul3A_190, %add3A_602 : vector<16xi32>
      %gather3A_604 = tpu.vector_load_idx %arg19[%add3A_176, %add3A_603] : memref<128x128xf32, #tpu.memory_space<vmem>>[vector<16xi32>, vector<16xi32>], vector<16xf32>,
      tpu.vector_store_idx %arg23[%add3A_176, %add3A_600], %gather3A_604 : memref<128x128xf32, #tpu.memory_space<vmem>>[vector<16xi32>, vector<16xi32>], vector<16xf32>,
      %add3A_605 = arith.constant 64 : i32
      %add3A_606 = vector.broadcast %add3A_605 : i32 to vector<16xi32>
      %add3A_607 = arith.addi %broadcast_in_dim3A_593, %add3A_606 : vector<16xi32>
      %gather3A_608 = tpu.vector_load_idx %arg21[%get3A_192, %broadcast_in_dim3A_593] : memref<10x32xf32, #tpu.memory_space<vmem>>[vector<16xi32>, vector<16xi32>], vector<16xf32>,
      tpu.vector_store_idx %arg23[%add3A_176, %add3A_607], %gather3A_608 : memref<128x128xf32, #tpu.memory_space<vmem>>[vector<16xi32>, vector<16xi32>], vector<16xf32>,
      %add3A_609 = arith.constant 96 : i32
      %add3A_610 = vector.broadcast %add3A_609 : i32 to vector<16xi32>
      %add3A_611 = arith.addi %broadcast_in_dim3A_593, %add3A_610 : vector<16xi32>
      %gather3A_612 = tpu.vector_load_idx %arg22[%get3A_194, %broadcast_in_dim3A_593] : memref<250x32xf32, #tpu.memory_space<vmem>>[vector<16xi32>, vector<16xi32>], vector<16xf32>,
      tpu.vector_store_idx %arg23[%add3A_176, %add3A_611], %gather3A_612 : memref<128x128xf32, #tpu.memory_space<vmem>>[vector<16xi32>, vector<16xi32>], vector<16xf32>,
      %broadcast_in_dim3A_613 = arith.constant 20 : i32
      %broadcast_in_dim3A_614 = vector.broadcast %broadcast_in_dim3A_613 : i32 to vector<16xi32>
      %add3A_615 = arith.constant 20 : i32
      %add3A_616 = vector.broadcast %add3A_615 : i32 to vector<16xi32>
      %add3A_617 = arith.addi %mul3A_182, %add3A_616 : vector<16xi32>
      %gather3A_618 = tpu.vector_load_idx %arg17[%add3A_176, %add3A_617] : memref<128x128xf32, #tpu.memory_space<vmem>>[vector<16xi32>, vector<16xi32>], vector<16xf32>,
      tpu.vector_store_idx %arg23[%add3A_176, %broadcast_in_dim3A_614], %gather3A_618 : memref<128x128xf32, #tpu.memory_space<vmem>>[vector<16xi32>, vector<16xi32>], vector<16xf32>,
      %add3A_619 = arith.constant 32 : i32
      %add3A_620 = vector.broadcast %add3A_619 : i32 to vector<16xi32>
      %add3A_621 = arith.addi %broadcast_in_dim3A_614, %add3A_620 : vector<16xi32>
      %add3A_622 = arith.constant 20 : i32
      %add3A_623 = vector.broadcast %add3A_622 : i32 to vector<16xi32>
      %add3A_624 = arith.addi %mul3A_190, %add3A_623 : vector<16xi32>
      %gather3A_625 = tpu.vector_load_idx %arg19[%add3A_176, %add3A_624] : memref<128x128xf32, #tpu.memory_space<vmem>>[vector<16xi32>, vector<16xi32>], vector<16xf32>,
      tpu.vector_store_idx %arg23[%add3A_176, %add3A_621], %gather3A_625 : memref<128x128xf32, #tpu.memory_space<vmem>>[vector<16xi32>, vector<16xi32>], vector<16xf32>,
      %add3A_626 = arith.constant 64 : i32
      %add3A_627 = vector.broadcast %add3A_626 : i32 to vector<16xi32>
      %add3A_628 = arith.addi %broadcast_in_dim3A_614, %add3A_627 : vector<16xi32>
      %gather3A_629 = tpu.vector_load_idx %arg21[%get3A_192, %broadcast_in_dim3A_614] : memref<10x32xf32, #tpu.memory_space<vmem>>[vector<16xi32>, vector<16xi32>], vector<16xf32>,
      tpu.vector_store_idx %arg23[%add3A_176, %add3A_628], %gather3A_629 : memref<128x128xf32, #tpu.memory_space<vmem>>[vector<16xi32>, vector<16xi32>], vector<16xf32>,
      %add3A_630 = arith.constant 96 : i32
      %add3A_631 = vector.broadcast %add3A_630 : i32 to vector<16xi32>
      %add3A_632 = arith.addi %broadcast_in_dim3A_614, %add3A_631 : vector<16xi32>
      %gather3A_633 = tpu.vector_load_idx %arg22[%get3A_194, %broadcast_in_dim3A_614] : memref<250x32xf32, #tpu.memory_space<vmem>>[vector<16xi32>, vector<16xi32>], vector<16xf32>,
      tpu.vector_store_idx %arg23[%add3A_176, %add3A_632], %gather3A_633 : memref<128x128xf32, #tpu.memory_space<vmem>>[vector<16xi32>, vector<16xi32>], vector<16xf32>,
      %broadcast_in_dim3A_634 = arith.constant 21 : i32
      %broadcast_in_dim3A_635 = vector.broadcast %broadcast_in_dim3A_634 : i32 to vector<16xi32>
      %add3A_636 = arith.constant 21 : i32
      %add3A_637 = vector.broadcast %add3A_636 : i32 to vector<16xi32>
      %add3A_638 = arith.addi %mul3A_182, %add3A_637 : vector<16xi32>
      %gather3A_639 = tpu.vector_load_idx %arg17[%add3A_176, %add3A_638] : memref<128x128xf32, #tpu.memory_space<vmem>>[vector<16xi32>, vector<16xi32>], vector<16xf32>,
      tpu.vector_store_idx %arg23[%add3A_176, %broadcast_in_dim3A_635], %gather3A_639 : memref<128x128xf32, #tpu.memory_space<vmem>>[vector<16xi32>, vector<16xi32>], vector<16xf32>,
      %add3A_640 = arith.constant 32 : i32
      %add3A_641 = vector.broadcast %add3A_640 : i32 to vector<16xi32>
      %add3A_642 = arith.addi %broadcast_in_dim3A_635, %add3A_641 : vector<16xi32>
      %add3A_643 = arith.constant 21 : i32
      %add3A_644 = vector.broadcast %add3A_643 : i32 to vector<16xi32>
      %add3A_645 = arith.addi %mul3A_190, %add3A_644 : vector<16xi32>
      %gather3A_646 = tpu.vector_load_idx %arg19[%add3A_176, %add3A_645] : memref<128x128xf32, #tpu.memory_space<vmem>>[vector<16xi32>, vector<16xi32>], vector<16xf32>,
      tpu.vector_store_idx %arg23[%add3A_176, %add3A_642], %gather3A_646 : memref<128x128xf32, #tpu.memory_space<vmem>>[vector<16xi32>, vector<16xi32>], vector<16xf32>,
      %add3A_647 = arith.constant 64 : i32
      %add3A_648 = vector.broadcast %add3A_647 : i32 to vector<16xi32>
      %add3A_649 = arith.addi %broadcast_in_dim3A_635, %add3A_648 : vector<16xi32>
      %gather3A_650 = tpu.vector_load_idx %arg21[%get3A_192, %broadcast_in_dim3A_635] : memref<10x32xf32, #tpu.memory_space<vmem>>[vector<16xi32>, vector<16xi32>], vector<16xf32>,
      tpu.vector_store_idx %arg23[%add3A_176, %add3A_649], %gather3A_650 : memref<128x128xf32, #tpu.memory_space<vmem>>[vector<16xi32>, vector<16xi32>], vector<16xf32>,
      %add3A_651 = arith.constant 96 : i32
      %add3A_652 = vector.broadcast %add3A_651 : i32 to vector<16xi32>
      %add3A_653 = arith.addi %broadcast_in_dim3A_635, %add3A_652 : vector<16xi32>
      %gather3A_654 = tpu.vector_load_idx %arg22[%get3A_194, %broadcast_in_dim3A_635] : memref<250x32xf32, #tpu.memory_space<vmem>>[vector<16xi32>, vector<16xi32>], vector<16xf32>,
      tpu.vector_store_idx %arg23[%add3A_176, %add3A_653], %gather3A_654 : memref<128x128xf32, #tpu.memory_space<vmem>>[vector<16xi32>, vector<16xi32>], vector<16xf32>,
      %broadcast_in_dim3A_655 = arith.constant 22 : i32
      %broadcast_in_dim3A_656 = vector.broadcast %broadcast_in_dim3A_655 : i32 to vector<16xi32>
      %add3A_657 = arith.constant 22 : i32
      %add3A_658 = vector.broadcast %add3A_657 : i32 to vector<16xi32>
      %add3A_659 = arith.addi %mul3A_182, %add3A_658 : vector<16xi32>
      %gather3A_660 = tpu.vector_load_idx %arg17[%add3A_176, %add3A_659] : memref<128x128xf32, #tpu.memory_space<vmem>>[vector<16xi32>, vector<16xi32>], vector<16xf32>,
      tpu.vector_store_idx %arg23[%add3A_176, %broadcast_in_dim3A_656], %gather3A_660 : memref<128x128xf32, #tpu.memory_space<vmem>>[vector<16xi32>, vector<16xi32>], vector<16xf32>,
      %add3A_661 = arith.constant 32 : i32
      %add3A_662 = vector.broadcast %add3A_661 : i32 to vector<16xi32>
      %add3A_663 = arith.addi %broadcast_in_dim3A_656, %add3A_662 : vector<16xi32>
      %add3A_664 = arith.constant 22 : i32
      %add3A_665 = vector.broadcast %add3A_664 : i32 to vector<16xi32>
      %add3A_666 = arith.addi %mul3A_190, %add3A_665 : vector<16xi32>
      %gather3A_667 = tpu.vector_load_idx %arg19[%add3A_176, %add3A_666] : memref<128x128xf32, #tpu.memory_space<vmem>>[vector<16xi32>, vector<16xi32>], vector<16xf32>,
      tpu.vector_store_idx %arg23[%add3A_176, %add3A_663], %gather3A_667 : memref<128x128xf32, #tpu.memory_space<vmem>>[vector<16xi32>, vector<16xi32>], vector<16xf32>,
      %add3A_668 = arith.constant 64 : i32
      %add3A_669 = vector.broadcast %add3A_668 : i32 to vector<16xi32>
      %add3A_670 = arith.addi %broadcast_in_dim3A_656, %add3A_669 : vector<16xi32>
      %gather3A_671 = tpu.vector_load_idx %arg21[%get3A_192, %broadcast_in_dim3A_656] : memref<10x32xf32, #tpu.memory_space<vmem>>[vector<16xi32>, vector<16xi32>], vector<16xf32>,
      tpu.vector_store_idx %arg23[%add3A_176, %add3A_670], %gather3A_671 : memref<128x128xf32, #tpu.memory_space<vmem>>[vector<16xi32>, vector<16xi32>], vector<16xf32>,
      %add3A_672 = arith.constant 96 : i32
      %add3A_673 = vector.broadcast %add3A_672 : i32 to vector<16xi32>
      %add3A_674 = arith.addi %broadcast_in_dim3A_656, %add3A_673 : vector<16xi32>
      %gather3A_675 = tpu.vector_load_idx %arg22[%get3A_194, %broadcast_in_dim3A_656] : memref<250x32xf32, #tpu.memory_space<vmem>>[vector<16xi32>, vector<16xi32>], vector<16xf32>,
      tpu.vector_store_idx %arg23[%add3A_176, %add3A_674], %gather3A_675 : memref<128x128xf32, #tpu.memory_space<vmem>>[vector<16xi32>, vector<16xi32>], vector<16xf32>,
      %broadcast_in_dim3A_676 = arith.constant 23 : i32
      %broadcast_in_dim3A_677 = vector.broadcast %broadcast_in_dim3A_676 : i32 to vector<16xi32>
      %add3A_678 = arith.constant 23 : i32
      %add3A_679 = vector.broadcast %add3A_678 : i32 to vector<16xi32>
      %add3A_680 = arith.addi %mul3A_182, %add3A_679 : vector<16xi32>
      %gather3A_681 = tpu.vector_load_idx %arg17[%add3A_176, %add3A_680] : memref<128x128xf32, #tpu.memory_space<vmem>>[vector<16xi32>, vector<16xi32>], vector<16xf32>,
      tpu.vector_store_idx %arg23[%add3A_176, %broadcast_in_dim3A_677], %gather3A_681 : memref<128x128xf32, #tpu.memory_space<vmem>>[vector<16xi32>, vector<16xi32>], vector<16xf32>,
      %add3A_682 = arith.constant 32 : i32
      %add3A_683 = vector.broadcast %add3A_682 : i32 to vector<16xi32>
      %add3A_684 = arith.addi %broadcast_in_dim3A_677, %add3A_683 : vector<16xi32>
      %add3A_685 = arith.constant 23 : i32
      %add3A_686 = vector.broadcast %add3A_685 : i32 to vector<16xi32>
      %add3A_687 = arith.addi %mul3A_190, %add3A_686 : vector<16xi32>
      %gather3A_688 = tpu.vector_load_idx %arg19[%add3A_176, %add3A_687] : memref<128x128xf32, #tpu.memory_space<vmem>>[vector<16xi32>, vector<16xi32>], vector<16xf32>,
      tpu.vector_store_idx %arg23[%add3A_176, %add3A_684], %gather3A_688 : memref<128x128xf32, #tpu.memory_space<vmem>>[vector<16xi32>, vector<16xi32>], vector<16xf32>,
      %add3A_689 = arith.constant 64 : i32
      %add3A_690 = vector.broadcast %add3A_689 : i32 to vector<16xi32>
      %add3A_691 = arith.addi %broadcast_in_dim3A_677, %add3A_690 : vector<16xi32>
      %gather3A_692 = tpu.vector_load_idx %arg21[%get3A_192, %broadcast_in_dim3A_677] : memref<10x32xf32, #tpu.memory_space<vmem>>[vector<16xi32>, vector<16xi32>], vector<16xf32>,
      tpu.vector_store_idx %arg23[%add3A_176, %add3A_691], %gather3A_692 : memref<128x128xf32, #tpu.memory_space<vmem>>[vector<16xi32>, vector<16xi32>], vector<16xf32>,
      %add3A_693 = arith.constant 96 : i32
      %add3A_694 = vector.broadcast %add3A_693 : i32 to vector<16xi32>
      %add3A_695 = arith.addi %broadcast_in_dim3A_677, %add3A_694 : vector<16xi32>
      %gather3A_696 = tpu.vector_load_idx %arg22[%get3A_194, %broadcast_in_dim3A_677] : memref<250x32xf32, #tpu.memory_space<vmem>>[vector<16xi32>, vector<16xi32>], vector<16xf32>,
      tpu.vector_store_idx %arg23[%add3A_176, %add3A_695], %gather3A_696 : memref<128x128xf32, #tpu.memory_space<vmem>>[vector<16xi32>, vector<16xi32>], vector<16xf32>,
      %broadcast_in_dim3A_697 = arith.constant 24 : i32
      %broadcast_in_dim3A_698 = vector.broadcast %broadcast_in_dim3A_697 : i32 to vector<16xi32>
      %add3A_699 = arith.constant 24 : i32
      %add3A_700 = vector.broadcast %add3A_699 : i32 to vector<16xi32>
      %add3A_701 = arith.addi %mul3A_182, %add3A_700 : vector<16xi32>
      %gather3A_702 = tpu.vector_load_idx %arg17[%add3A_176, %add3A_701] : memref<128x128xf32, #tpu.memory_space<vmem>>[vector<16xi32>, vector<16xi32>], vector<16xf32>,
      tpu.vector_store_idx %arg23[%add3A_176, %broadcast_in_dim3A_698], %gather3A_702 : memref<128x128xf32, #tpu.memory_space<vmem>>[vector<16xi32>, vector<16xi32>], vector<16xf32>,
      %add3A_703 = arith.constant 32 : i32
      %add3A_704 = vector.broadcast %add3A_703 : i32 to vector<16xi32>
      %add3A_705 = arith.addi %broadcast_in_dim3A_698, %add3A_704 : vector<16xi32>
      %add3A_706 = arith.constant 24 : i32
      %add3A_707 = vector.broadcast %add3A_706 : i32 to vector<16xi32>
      %add3A_708 = arith.addi %mul3A_190, %add3A_707 : vector<16xi32>
      %gather3A_709 = tpu.vector_load_idx %arg19[%add3A_176, %add3A_708] : memref<128x128xf32, #tpu.memory_space<vmem>>[vector<16xi32>, vector<16xi32>], vector<16xf32>,
      tpu.vector_store_idx %arg23[%add3A_176, %add3A_705], %gather3A_709 : memref<128x128xf32, #tpu.memory_space<vmem>>[vector<16xi32>, vector<16xi32>], vector<16xf32>,
      %add3A_710 = arith.constant 64 : i32
      %add3A_711 = vector.broadcast %add3A_710 : i32 to vector<16xi32>
      %add3A_712 = arith.addi %broadcast_in_dim3A_698, %add3A_711 : vector<16xi32>
      %gather3A_713 = tpu.vector_load_idx %arg21[%get3A_192, %broadcast_in_dim3A_698] : memref<10x32xf32, #tpu.memory_space<vmem>>[vector<16xi32>, vector<16xi32>], vector<16xf32>,
      tpu.vector_store_idx %arg23[%add3A_176, %add3A_712], %gather3A_713 : memref<128x128xf32, #tpu.memory_space<vmem>>[vector<16xi32>, vector<16xi32>], vector<16xf32>,
      %add3A_714 = arith.constant 96 : i32
      %add3A_715 = vector.broadcast %add3A_714 : i32 to vector<16xi32>
      %add3A_716 = arith.addi %broadcast_in_dim3A_698, %add3A_715 : vector<16xi32>
      %gather3A_717 = tpu.vector_load_idx %arg22[%get3A_194, %broadcast_in_dim3A_698] : memref<250x32xf32, #tpu.memory_space<vmem>>[vector<16xi32>, vector<16xi32>], vector<16xf32>,
      tpu.vector_store_idx %arg23[%add3A_176, %add3A_716], %gather3A_717 : memref<128x128xf32, #tpu.memory_space<vmem>>[vector<16xi32>, vector<16xi32>], vector<16xf32>,
      %broadcast_in_dim3A_718 = arith.constant 25 : i32
      %broadcast_in_dim3A_719 = vector.broadcast %broadcast_in_dim3A_718 : i32 to vector<16xi32>
      %add3A_720 = arith.constant 25 : i32
      %add3A_721 = vector.broadcast %add3A_720 : i32 to vector<16xi32>
      %add3A_722 = arith.addi %mul3A_182, %add3A_721 : vector<16xi32>
      %gather3A_723 = tpu.vector_load_idx %arg17[%add3A_176, %add3A_722] : memref<128x128xf32, #tpu.memory_space<vmem>>[vector<16xi32>, vector<16xi32>], vector<16xf32>,
      tpu.vector_store_idx %arg23[%add3A_176, %broadcast_in_dim3A_719], %gather3A_723 : memref<128x128xf32, #tpu.memory_space<vmem>>[vector<16xi32>, vector<16xi32>], vector<16xf32>,
      %add3A_724 = arith.constant 32 : i32
      %add3A_725 = vector.broadcast %add3A_724 : i32 to vector<16xi32>
      %add3A_726 = arith.addi %broadcast_in_dim3A_719, %add3A_725 : vector<16xi32>
      %add3A_727 = arith.constant 25 : i32
      %add3A_728 = vector.broadcast %add3A_727 : i32 to vector<16xi32>
      %add3A_729 = arith.addi %mul3A_190, %add3A_728 : vector<16xi32>
      %gather3A_730 = tpu.vector_load_idx %arg19[%add3A_176, %add3A_729] : memref<128x128xf32, #tpu.memory_space<vmem>>[vector<16xi32>, vector<16xi32>], vector<16xf32>,
      tpu.vector_store_idx %arg23[%add3A_176, %add3A_726], %gather3A_730 : memref<128x128xf32, #tpu.memory_space<vmem>>[vector<16xi32>, vector<16xi32>], vector<16xf32>,
      %add3A_731 = arith.constant 64 : i32
      %add3A_732 = vector.broadcast %add3A_731 : i32 to vector<16xi32>
      %add3A_733 = arith.addi %broadcast_in_dim3A_719, %add3A_732 : vector<16xi32>
      %gather3A_734 = tpu.vector_load_idx %arg21[%get3A_192, %broadcast_in_dim3A_719] : memref<10x32xf32, #tpu.memory_space<vmem>>[vector<16xi32>, vector<16xi32>], vector<16xf32>,
      tpu.vector_store_idx %arg23[%add3A_176, %add3A_733], %gather3A_734 : memref<128x128xf32, #tpu.memory_space<vmem>>[vector<16xi32>, vector<16xi32>], vector<16xf32>,
      %add3A_735 = arith.constant 96 : i32
      %add3A_736 = vector.broadcast %add3A_735 : i32 to vector<16xi32>
      %add3A_737 = arith.addi %broadcast_in_dim3A_719, %add3A_736 : vector<16xi32>
      %gather3A_738 = tpu.vector_load_idx %arg22[%get3A_194, %broadcast_in_dim3A_719] : memref<250x32xf32, #tpu.memory_space<vmem>>[vector<16xi32>, vector<16xi32>], vector<16xf32>,
      tpu.vector_store_idx %arg23[%add3A_176, %add3A_737], %gather3A_738 : memref<128x128xf32, #tpu.memory_space<vmem>>[vector<16xi32>, vector<16xi32>], vector<16xf32>,
      %broadcast_in_dim3A_739 = arith.constant 26 : i32
      %broadcast_in_dim3A_740 = vector.broadcast %broadcast_in_dim3A_739 : i32 to vector<16xi32>
      %add3A_741 = arith.constant 26 : i32
      %add3A_742 = vector.broadcast %add3A_741 : i32 to vector<16xi32>
      %add3A_743 = arith.addi %mul3A_182, %add3A_742 : vector<16xi32>
      %gather3A_744 = tpu.vector_load_idx %arg17[%add3A_176, %add3A_743] : memref<128x128xf32, #tpu.memory_space<vmem>>[vector<16xi32>, vector<16xi32>], vector<16xf32>,
      tpu.vector_store_idx %arg23[%add3A_176, %broadcast_in_dim3A_740], %gather3A_744 : memref<128x128xf32, #tpu.memory_space<vmem>>[vector<16xi32>, vector<16xi32>], vector<16xf32>,
      %add3A_745 = arith.constant 32 : i32
      %add3A_746 = vector.broadcast %add3A_745 : i32 to vector<16xi32>
      %add3A_747 = arith.addi %broadcast_in_dim3A_740, %add3A_746 : vector<16xi32>
      %add3A_748 = arith.constant 26 : i32
      %add3A_749 = vector.broadcast %add3A_748 : i32 to vector<16xi32>
      %add3A_750 = arith.addi %mul3A_190, %add3A_749 : vector<16xi32>
      %gather3A_751 = tpu.vector_load_idx %arg19[%add3A_176, %add3A_750] : memref<128x128xf32, #tpu.memory_space<vmem>>[vector<16xi32>, vector<16xi32>], vector<16xf32>,
      tpu.vector_store_idx %arg23[%add3A_176, %add3A_747], %gather3A_751 : memref<128x128xf32, #tpu.memory_space<vmem>>[vector<16xi32>, vector<16xi32>], vector<16xf32>,
      %add3A_752 = arith.constant 64 : i32
      %add3A_753 = vector.broadcast %add3A_752 : i32 to vector<16xi32>
      %add3A_754 = arith.addi %broadcast_in_dim3A_740, %add3A_753 : vector<16xi32>
      %gather3A_755 = tpu.vector_load_idx %arg21[%get3A_192, %broadcast_in_dim3A_740] : memref<10x32xf32, #tpu.memory_space<vmem>>[vector<16xi32>, vector<16xi32>], vector<16xf32>,
      tpu.vector_store_idx %arg23[%add3A_176, %add3A_754], %gather3A_755 : memref<128x128xf32, #tpu.memory_space<vmem>>[vector<16xi32>, vector<16xi32>], vector<16xf32>,
      %add3A_756 = arith.constant 96 : i32
      %add3A_757 = vector.broadcast %add3A_756 : i32 to vector<16xi32>
      %add3A_758 = arith.addi %broadcast_in_dim3A_740, %add3A_757 : vector<16xi32>
      %gather3A_759 = tpu.vector_load_idx %arg22[%get3A_194, %broadcast_in_dim3A_740] : memref<250x32xf32, #tpu.memory_space<vmem>>[vector<16xi32>, vector<16xi32>], vector<16xf32>,
      tpu.vector_store_idx %arg23[%add3A_176, %add3A_758], %gather3A_759 : memref<128x128xf32, #tpu.memory_space<vmem>>[vector<16xi32>, vector<16xi32>], vector<16xf32>,
      %broadcast_in_dim3A_760 = arith.constant 27 : i32
      %broadcast_in_dim3A_761 = vector.broadcast %broadcast_in_dim3A_760 : i32 to vector<16xi32>
      %add3A_762 = arith.constant 27 : i32
      %add3A_763 = vector.broadcast %add3A_762 : i32 to vector<16xi32>
      %add3A_764 = arith.addi %mul3A_182, %add3A_763 : vector<16xi32>
      %gather3A_765 = tpu.vector_load_idx %arg17[%add3A_176, %add3A_764] : memref<128x128xf32, #tpu.memory_space<vmem>>[vector<16xi32>, vector<16xi32>], vector<16xf32>,
      tpu.vector_store_idx %arg23[%add3A_176, %broadcast_in_dim3A_761], %gather3A_765 : memref<128x128xf32, #tpu.memory_space<vmem>>[vector<16xi32>, vector<16xi32>], vector<16xf32>,
      %add3A_766 = arith.constant 32 : i32
      %add3A_767 = vector.broadcast %add3A_766 : i32 to vector<16xi32>
      %add3A_768 = arith.addi %broadcast_in_dim3A_761, %add3A_767 : vector<16xi32>
      %add3A_769 = arith.constant 27 : i32
      %add3A_770 = vector.broadcast %add3A_769 : i32 to vector<16xi32>
      %add3A_771 = arith.addi %mul3A_190, %add3A_770 : vector<16xi32>
      %gather3A_772 = tpu.vector_load_idx %arg19[%add3A_176, %add3A_771] : memref<128x128xf32, #tpu.memory_space<vmem>>[vector<16xi32>, vector<16xi32>], vector<16xf32>,
      tpu.vector_store_idx %arg23[%add3A_176, %add3A_768], %gather3A_772 : memref<128x128xf32, #tpu.memory_space<vmem>>[vector<16xi32>, vector<16xi32>], vector<16xf32>,
      %add3A_773 = arith.constant 64 : i32
      %add3A_774 = vector.broadcast %add3A_773 : i32 to vector<16xi32>
      %add3A_775 = arith.addi %broadcast_in_dim3A_761, %add3A_774 : vector<16xi32>
      %gather3A_776 = tpu.vector_load_idx %arg21[%get3A_192, %broadcast_in_dim3A_761] : memref<10x32xf32, #tpu.memory_space<vmem>>[vector<16xi32>, vector<16xi32>], vector<16xf32>,
      tpu.vector_store_idx %arg23[%add3A_176, %add3A_775], %gather3A_776 : memref<128x128xf32, #tpu.memory_space<vmem>>[vector<16xi32>, vector<16xi32>], vector<16xf32>,
      %add3A_777 = arith.constant 96 : i32
      %add3A_778 = vector.broadcast %add3A_777 : i32 to vector<16xi32>
      %add3A_779 = arith.addi %broadcast_in_dim3A_761, %add3A_778 : vector<16xi32>
      %gather3A_780 = tpu.vector_load_idx %arg22[%get3A_194, %broadcast_in_dim3A_761] : memref<250x32xf32, #tpu.memory_space<vmem>>[vector<16xi32>, vector<16xi32>], vector<16xf32>,
      tpu.vector_store_idx %arg23[%add3A_176, %add3A_779], %gather3A_780 : memref<128x128xf32, #tpu.memory_space<vmem>>[vector<16xi32>, vector<16xi32>], vector<16xf32>,
      %broadcast_in_dim3A_781 = arith.constant 28 : i32
      %broadcast_in_dim3A_782 = vector.broadcast %broadcast_in_dim3A_781 : i32 to vector<16xi32>
      %add3A_783 = arith.constant 28 : i32
      %add3A_784 = vector.broadcast %add3A_783 : i32 to vector<16xi32>
      %add3A_785 = arith.addi %mul3A_182, %add3A_784 : vector<16xi32>
      %gather3A_786 = tpu.vector_load_idx %arg17[%add3A_176, %add3A_785] : memref<128x128xf32, #tpu.memory_space<vmem>>[vector<16xi32>, vector<16xi32>], vector<16xf32>,
      tpu.vector_store_idx %arg23[%add3A_176, %broadcast_in_dim3A_782], %gather3A_786 : memref<128x128xf32, #tpu.memory_space<vmem>>[vector<16xi32>, vector<16xi32>], vector<16xf32>,
      %add3A_787 = arith.constant 32 : i32
      %add3A_788 = vector.broadcast %add3A_787 : i32 to vector<16xi32>
      %add3A_789 = arith.addi %broadcast_in_dim3A_782, %add3A_788 : vector<16xi32>
      %add3A_790 = arith.constant 28 : i32
      %add3A_791 = vector.broadcast %add3A_790 : i32 to vector<16xi32>
      %add3A_792 = arith.addi %mul3A_190, %add3A_791 : vector<16xi32>
      %gather3A_793 = tpu.vector_load_idx %arg19[%add3A_176, %add3A_792] : memref<128x128xf32, #tpu.memory_space<vmem>>[vector<16xi32>, vector<16xi32>], vector<16xf32>,
      tpu.vector_store_idx %arg23[%add3A_176, %add3A_789], %gather3A_793 : memref<128x128xf32, #tpu.memory_space<vmem>>[vector<16xi32>, vector<16xi32>], vector<16xf32>,
      %add3A_794 = arith.constant 64 : i32
      %add3A_795 = vector.broadcast %add3A_794 : i32 to vector<16xi32>
      %add3A_796 = arith.addi %broadcast_in_dim3A_782, %add3A_795 : vector<16xi32>
      %gather3A_797 = tpu.vector_load_idx %arg21[%get3A_192, %broadcast_in_dim3A_782] : memref<10x32xf32, #tpu.memory_space<vmem>>[vector<16xi32>, vector<16xi32>], vector<16xf32>,
      tpu.vector_store_idx %arg23[%add3A_176, %add3A_796], %gather3A_797 : memref<128x128xf32, #tpu.memory_space<vmem>>[vector<16xi32>, vector<16xi32>], vector<16xf32>,
      %add3A_798 = arith.constant 96 : i32
      %add3A_799 = vector.broadcast %add3A_798 : i32 to vector<16xi32>
      %add3A_800 = arith.addi %broadcast_in_dim3A_782, %add3A_799 : vector<16xi32>
      %gather3A_801 = tpu.vector_load_idx %arg22[%get3A_194, %broadcast_in_dim3A_782] : memref<250x32xf32, #tpu.memory_space<vmem>>[vector<16xi32>, vector<16xi32>], vector<16xf32>,
      tpu.vector_store_idx %arg23[%add3A_176, %add3A_800], %gather3A_801 : memref<128x128xf32, #tpu.memory_space<vmem>>[vector<16xi32>, vector<16xi32>], vector<16xf32>,
      %broadcast_in_dim3A_802 = arith.constant 29 : i32
      %broadcast_in_dim3A_803 = vector.broadcast %broadcast_in_dim3A_802 : i32 to vector<16xi32>
      %add3A_804 = arith.constant 29 : i32
      %add3A_805 = vector.broadcast %add3A_804 : i32 to vector<16xi32>
      %add3A_806 = arith.addi %mul3A_182, %add3A_805 : vector<16xi32>
      %gather3A_807 = tpu.vector_load_idx %arg17[%add3A_176, %add3A_806] : memref<128x128xf32, #tpu.memory_space<vmem>>[vector<16xi32>, vector<16xi32>], vector<16xf32>,
      tpu.vector_store_idx %arg23[%add3A_176, %broadcast_in_dim3A_803], %gather3A_807 : memref<128x128xf32, #tpu.memory_space<vmem>>[vector<16xi32>, vector<16xi32>], vector<16xf32>,
      %add3A_808 = arith.constant 32 : i32
      %add3A_809 = vector.broadcast %add3A_808 : i32 to vector<16xi32>
      %add3A_810 = arith.addi %broadcast_in_dim3A_803, %add3A_809 : vector<16xi32>
      %add3A_811 = arith.constant 29 : i32
      %add3A_812 = vector.broadcast %add3A_811 : i32 to vector<16xi32>
      %add3A_813 = arith.addi %mul3A_190, %add3A_812 : vector<16xi32>
      %gather3A_814 = tpu.vector_load_idx %arg19[%add3A_176, %add3A_813] : memref<128x128xf32, #tpu.memory_space<vmem>>[vector<16xi32>, vector<16xi32>], vector<16xf32>,
      tpu.vector_store_idx %arg23[%add3A_176, %add3A_810], %gather3A_814 : memref<128x128xf32, #tpu.memory_space<vmem>>[vector<16xi32>, vector<16xi32>], vector<16xf32>,
      %add3A_815 = arith.constant 64 : i32
      %add3A_816 = vector.broadcast %add3A_815 : i32 to vector<16xi32>
      %add3A_817 = arith.addi %broadcast_in_dim3A_803, %add3A_816 : vector<16xi32>
      %gather3A_818 = tpu.vector_load_idx %arg21[%get3A_192, %broadcast_in_dim3A_803] : memref<10x32xf32, #tpu.memory_space<vmem>>[vector<16xi32>, vector<16xi32>], vector<16xf32>,
      tpu.vector_store_idx %arg23[%add3A_176, %add3A_817], %gather3A_818 : memref<128x128xf32, #tpu.memory_space<vmem>>[vector<16xi32>, vector<16xi32>], vector<16xf32>,
      %add3A_819 = arith.constant 96 : i32
      %add3A_820 = vector.broadcast %add3A_819 : i32 to vector<16xi32>
      %add3A_821 = arith.addi %broadcast_in_dim3A_803, %add3A_820 : vector<16xi32>
      %gather3A_822 = tpu.vector_load_idx %arg22[%get3A_194, %broadcast_in_dim3A_803] : memref<250x32xf32, #tpu.memory_space<vmem>>[vector<16xi32>, vector<16xi32>], vector<16xf32>,
      tpu.vector_store_idx %arg23[%add3A_176, %add3A_821], %gather3A_822 : memref<128x128xf32, #tpu.memory_space<vmem>>[vector<16xi32>, vector<16xi32>], vector<16xf32>,
      %broadcast_in_dim3A_823 = arith.constant 30 : i32
      %broadcast_in_dim3A_824 = vector.broadcast %broadcast_in_dim3A_823 : i32 to vector<16xi32>
      %add3A_825 = arith.constant 30 : i32
      %add3A_826 = vector.broadcast %add3A_825 : i32 to vector<16xi32>
      %add3A_827 = arith.addi %mul3A_182, %add3A_826 : vector<16xi32>
      %gather3A_828 = tpu.vector_load_idx %arg17[%add3A_176, %add3A_827] : memref<128x128xf32, #tpu.memory_space<vmem>>[vector<16xi32>, vector<16xi32>], vector<16xf32>,
      tpu.vector_store_idx %arg23[%add3A_176, %broadcast_in_dim3A_824], %gather3A_828 : memref<128x128xf32, #tpu.memory_space<vmem>>[vector<16xi32>, vector<16xi32>], vector<16xf32>,
      %add3A_829 = arith.constant 32 : i32
      %add3A_830 = vector.broadcast %add3A_829 : i32 to vector<16xi32>
      %add3A_831 = arith.addi %broadcast_in_dim3A_824, %add3A_830 : vector<16xi32>
      %add3A_832 = arith.constant 30 : i32
      %add3A_833 = vector.broadcast %add3A_832 : i32 to vector<16xi32>
      %add3A_834 = arith.addi %mul3A_190, %add3A_833 : vector<16xi32>
      %gather3A_835 = tpu.vector_load_idx %arg19[%add3A_176, %add3A_834] : memref<128x128xf32, #tpu.memory_space<vmem>>[vector<16xi32>, vector<16xi32>], vector<16xf32>,
      tpu.vector_store_idx %arg23[%add3A_176, %add3A_831], %gather3A_835 : memref<128x128xf32, #tpu.memory_space<vmem>>[vector<16xi32>, vector<16xi32>], vector<16xf32>,
      %add3A_836 = arith.constant 64 : i32
      %add3A_837 = vector.broadcast %add3A_836 : i32 to vector<16xi32>
      %add3A_838 = arith.addi %broadcast_in_dim3A_824, %add3A_837 : vector<16xi32>
      %gather3A_839 = tpu.vector_load_idx %arg21[%get3A_192, %broadcast_in_dim3A_824] : memref<10x32xf32, #tpu.memory_space<vmem>>[vector<16xi32>, vector<16xi32>], vector<16xf32>,
      tpu.vector_store_idx %arg23[%add3A_176, %add3A_838], %gather3A_839 : memref<128x128xf32, #tpu.memory_space<vmem>>[vector<16xi32>, vector<16xi32>], vector<16xf32>,
      %add3A_840 = arith.constant 96 : i32
      %add3A_841 = vector.broadcast %add3A_840 : i32 to vector<16xi32>
      %add3A_842 = arith.addi %broadcast_in_dim3A_824, %add3A_841 : vector<16xi32>
      %gather3A_843 = tpu.vector_load_idx %arg22[%get3A_194, %broadcast_in_dim3A_824] : memref<250x32xf32, #tpu.memory_space<vmem>>[vector<16xi32>, vector<16xi32>], vector<16xf32>,
      tpu.vector_store_idx %arg23[%add3A_176, %add3A_842], %gather3A_843 : memref<128x128xf32, #tpu.memory_space<vmem>>[vector<16xi32>, vector<16xi32>], vector<16xf32>,
      %broadcast_in_dim3A_844 = arith.constant 31 : i32
      %broadcast_in_dim3A_845 = vector.broadcast %broadcast_in_dim3A_844 : i32 to vector<16xi32>
      %add3A_846 = arith.constant 31 : i32
      %add3A_847 = vector.broadcast %add3A_846 : i32 to vector<16xi32>
      %add3A_848 = arith.addi %mul3A_182, %add3A_847 : vector<16xi32>
      %gather3A_849 = tpu.vector_load_idx %arg17[%add3A_176, %add3A_848] : memref<128x128xf32, #tpu.memory_space<vmem>>[vector<16xi32>, vector<16xi32>], vector<16xf32>,
      tpu.vector_store_idx %arg23[%add3A_176, %broadcast_in_dim3A_845], %gather3A_849 : memref<128x128xf32, #tpu.memory_space<vmem>>[vector<16xi32>, vector<16xi32>], vector<16xf32>,
      %add3A_850 = arith.constant 32 : i32
      %add3A_851 = vector.broadcast %add3A_850 : i32 to vector<16xi32>
      %add3A_852 = arith.addi %broadcast_in_dim3A_845, %add3A_851 : vector<16xi32>
      %add3A_853 = arith.constant 31 : i32
      %add3A_854 = vector.broadcast %add3A_853 : i32 to vector<16xi32>
      %add3A_855 = arith.addi %mul3A_190, %add3A_854 : vector<16xi32>
      %gather3A_856 = tpu.vector_load_idx %arg19[%add3A_176, %add3A_855] : memref<128x128xf32, #tpu.memory_space<vmem>>[vector<16xi32>, vector<16xi32>], vector<16xf32>,
      tpu.vector_store_idx %arg23[%add3A_176, %add3A_852], %gather3A_856 : memref<128x128xf32, #tpu.memory_space<vmem>>[vector<16xi32>, vector<16xi32>], vector<16xf32>,
      %add3A_857 = arith.constant 64 : i32
      %add3A_858 = vector.broadcast %add3A_857 : i32 to vector<16xi32>
      %add3A_859 = arith.addi %broadcast_in_dim3A_845, %add3A_858 : vector<16xi32>
      %gather3A_860 = tpu.vector_load_idx %arg21[%get3A_192, %broadcast_in_dim3A_845] : memref<10x32xf32, #tpu.memory_space<vmem>>[vector<16xi32>, vector<16xi32>], vector<16xf32>,
      tpu.vector_store_idx %arg23[%add3A_176, %add3A_859], %gather3A_860 : memref<128x128xf32, #tpu.memory_space<vmem>>[vector<16xi32>, vector<16xi32>], vector<16xf32>,
      %add3A_861 = arith.constant 96 : i32
      %add3A_862 = vector.broadcast %add3A_861 : i32 to vector<16xi32>
      %add3A_863 = arith.addi %broadcast_in_dim3A_845, %add3A_862 : vector<16xi32>
      %gather3A_864 = tpu.vector_load_idx %arg22[%get3A_194, %broadcast_in_dim3A_845] : memref<250x32xf32, #tpu.memory_space<vmem>>[vector<16xi32>, vector<16xi32>], vector<16xf32>,
      tpu.vector_store_idx %arg23[%add3A_176, %add3A_863], %gather3A_864 : memref<128x128xf32, #tpu.memory_space<vmem>>[vector<16xi32>, vector<16xi32>], vector<16xf32>,
    }
    %scan3A_143 = arith.constant 8 : i32
    %add3A_144 = arith.constant 256 : i32
    %add3A_145 = arith.addi %mul3A_2, %add3A_144 : i32
    "tpu.region"() ({
      %run_scoped3A = tpu.sem_alloc : memref<!tpu.dma_semaphore, #tpu.memory_space<semaphore_mem>>
      %dma_start3A_168 = arith.constant 0 : i32
      %dma_start3A_169 = tpu.memref_slice %arg10[%add3A_145, %dma_start3A_168] : memref<16384x128xf32, #tpu.memory_space<hbm>> -> memref<128x128xf32, #tpu.memory_space<hbm>>
      %dma_start3A_170 = arith.constant 0 : i32
      %dma_start3A_171 = tpu.memref_slice %arg10[%add3A_145, %dma_start3A_170] : memref<16384x128xf32, #tpu.memory_space<hbm>> -> memref<128x128xf32, #tpu.memory_space<hbm>>
      tpu.enqueue_dma source(%arg23 : memref<128x128xf32, #tpu.memory_space<vmem>>) target(%dma_start3A_171 : memref<128x128xf32, #tpu.memory_space<hbm>>) target_semaphore(%run_scoped3A : memref<!tpu.dma_semaphore, #tpu.memory_space<semaphore_mem>>)
      %dma_wait3A_172 = arith.constant 0 : i32
      %dma_wait3A_173 = tpu.memref_slice %arg10[%add3A_145, %dma_wait3A_172] : memref<16384x128xf32, #tpu.memory_space<hbm>> -> memref<128x128xf32, #tpu.memory_space<hbm>>
      %dma_wait3A_174 = arith.constant 0 : i32
      %dma_wait3A_175 = tpu.memref_slice %arg10[%add3A_145, %dma_wait3A_174] : memref<16384x128xf32, #tpu.memory_space<hbm>> -> memref<128x128xf32, #tpu.memory_space<hbm>>
      tpu.wait_dma2 semaphore(%run_scoped3A : memref<!tpu.dma_semaphore, #tpu.memory_space<semaphore_mem>>) src(%arg23 : memref<128x128xf32, #tpu.memory_space<vmem>>) dst(%dma_wait3A_175 : memref<128x128xf32, #tpu.memory_space<hbm>>)
      tpu.yield
    }) : () -> ()
    %dma_wait3A_146 = arith.constant 3 : i32
    %dma_wait3A_147 = arith.constant 0 : i32
    %dma_wait3A_148 = tpu.memref_slice %arg15[%dma_wait3A_146, %dma_wait3A_147] : memref<4x128xi32, #tpu.memory_space<vmem>> -> memref<1x128xi32, #tpu.memory_space<vmem>>
    %dma_wait3A_149 = tpu.memref_squeeze %dma_wait3A_148 : memref<1x128xi32, #tpu.memory_space<vmem>> -> memref<128xi32, #tpu.memory_space<vmem>>
    %dma_wait3A_150 = arith.constant 0 : i32
    %dma_wait3A_151 = arith.constant 0 : i32
    %dma_wait3A_152 = tpu.memref_slice %arg6[%dma_wait3A_150, %dma_wait3A_151] : memref<250000x128xf32, #tpu.memory_space<hbm>> -> memref<250000x128xf32, #tpu.memory_space<hbm>>
    tpu.wait_indirect_dma semaphore(%arg24 : memref<!tpu.dma_semaphore, #tpu.memory_space<semaphore_mem>>) src(%dma_wait3A_152 : memref<250000x128xf32, #tpu.memory_space<hbm>>) dst(%arg18 : memref<128x128xf32, #tpu.memory_space<vmem>>)
    %dma_wait3A_153 = arith.constant 3 : i32
    %dma_wait3A_154 = arith.constant 0 : i32
    %dma_wait3A_155 = tpu.memref_slice %arg16[%dma_wait3A_153, %dma_wait3A_154] : memref<4x128xi32, #tpu.memory_space<vmem>> -> memref<1x128xi32, #tpu.memory_space<vmem>>
    %dma_wait3A_156 = tpu.memref_squeeze %dma_wait3A_155 : memref<1x128xi32, #tpu.memory_space<vmem>> -> memref<128xi32, #tpu.memory_space<vmem>>
    %dma_wait3A_157 = arith.constant 0 : i32
    %dma_wait3A_158 = arith.constant 0 : i32
    %dma_wait3A_159 = tpu.memref_slice %arg7[%dma_wait3A_157, %dma_wait3A_158] : memref<25000x128xf32, #tpu.memory_space<hbm>> -> memref<25000x128xf32, #tpu.memory_space<hbm>>
    tpu.wait_indirect_dma semaphore(%arg25 : memref<!tpu.dma_semaphore, #tpu.memory_space<semaphore_mem>>) src(%dma_wait3A_159 : memref<25000x128xf32, #tpu.memory_space<hbm>>) dst(%arg20 : memref<128x128xf32, #tpu.memory_space<vmem>>)
    %scan3A_160 = arith.constant 0 : i32
    %scan3A_161 = arith.constant 0 : i32
    %scan3A_162 = arith.constant 8 : i32
    %scan3A_163 = arith.addi %scan3A_161, %scan3A_162 : i32
    %scan3A_164 = arith.constant 1 : i32
    scf.for %scan3A_168 = %scan3A_161 to %scan3A_163 step %scan3A_164  : i32 {
      %mul3A_169 = arith.constant 16 : i32
      %mul3A_170 = arith.muli %scan3A_168, %mul3A_169 : i32
      %add3A_171 = arith.constant 384 : i32
      %add3A_172 = arith.addi %add3A_171, %mul3A_170 : i32
      %mul3A_173 = arith.constant 16 : i32
      %mul3A_174 = arith.muli %scan3A_168, %mul3A_173 : i32
      %add3A_175 = vector.broadcast %mul3A_174 : i32 to vector<16xi32>
      %add3A_176 = arith.addi %add3A_175, %iota3A : vector<16xi32>
      %get3A = arith.index_cast %add3A_172 : i32 to index
      %get3A_177 = tpu.vector_load %arg11[%get3A] {strides = array<i32>} : memref<512xi32, #tpu.memory_space<vmem>>, vector<16xi32>,
      %and3A = arith.constant 3 : i32
      %and3A_178 = vector.broadcast %and3A : i32 to vector<16xi32>
      %and3A_179 = arith.andi %get3A_177, %and3A_178 : vector<16xi32>
      %mul3A_180 = arith.constant 32 : i32
      %mul3A_181 = vector.broadcast %mul3A_180 : i32 to vector<16xi32>
      %mul3A_182 = arith.muli %and3A_179, %mul3A_181 : vector<16xi32>
      %get3A_183 = arith.index_cast %add3A_172 : i32 to index
      %get3A_184 = tpu.vector_load %arg12[%get3A_183] {strides = array<i32>} : memref<512xi32, #tpu.memory_space<vmem>>, vector<16xi32>,
      %and3A_185 = arith.constant 3 : i32
      %and3A_186 = vector.broadcast %and3A_185 : i32 to vector<16xi32>
      %and3A_187 = arith.andi %get3A_184, %and3A_186 : vector<16xi32>
      %mul3A_188 = arith.constant 32 : i32
      %mul3A_189 = vector.broadcast %mul3A_188 : i32 to vector<16xi32>
      %mul3A_190 = arith.muli %and3A_187, %mul3A_189 : vector<16xi32>
      %get3A_191 = arith.index_cast %add3A_172 : i32 to index
      %get3A_192 = tpu.vector_load %arg13[%get3A_191] {strides = array<i32>} : memref<512xi32, #tpu.memory_space<vmem>>, vector<16xi32>,
      %get3A_193 = arith.index_cast %add3A_172 : i32 to index
      %get3A_194 = tpu.vector_load %arg14[%get3A_193] {strides = array<i32>} : memref<512xi32, #tpu.memory_space<vmem>>, vector<16xi32>,
      %broadcast_in_dim3A = arith.constant 0 : i32
      %broadcast_in_dim3A_195 = vector.broadcast %broadcast_in_dim3A : i32 to vector<16xi32>
      %add3A_196 = arith.constant 0 : i32
      %add3A_197 = vector.broadcast %add3A_196 : i32 to vector<16xi32>
      %add3A_198 = arith.addi %mul3A_182, %add3A_197 : vector<16xi32>
      %gather3A = tpu.vector_load_idx %arg18[%add3A_176, %add3A_198] : memref<128x128xf32, #tpu.memory_space<vmem>>[vector<16xi32>, vector<16xi32>], vector<16xf32>,
      tpu.vector_store_idx %arg23[%add3A_176, %broadcast_in_dim3A_195], %gather3A : memref<128x128xf32, #tpu.memory_space<vmem>>[vector<16xi32>, vector<16xi32>], vector<16xf32>,
      %add3A_199 = arith.constant 32 : i32
      %add3A_200 = vector.broadcast %add3A_199 : i32 to vector<16xi32>
      %add3A_201 = arith.addi %broadcast_in_dim3A_195, %add3A_200 : vector<16xi32>
      %add3A_202 = arith.constant 0 : i32
      %add3A_203 = vector.broadcast %add3A_202 : i32 to vector<16xi32>
      %add3A_204 = arith.addi %mul3A_190, %add3A_203 : vector<16xi32>
      %gather3A_205 = tpu.vector_load_idx %arg20[%add3A_176, %add3A_204] : memref<128x128xf32, #tpu.memory_space<vmem>>[vector<16xi32>, vector<16xi32>], vector<16xf32>,
      tpu.vector_store_idx %arg23[%add3A_176, %add3A_201], %gather3A_205 : memref<128x128xf32, #tpu.memory_space<vmem>>[vector<16xi32>, vector<16xi32>], vector<16xf32>,
      %add3A_206 = arith.constant 64 : i32
      %add3A_207 = vector.broadcast %add3A_206 : i32 to vector<16xi32>
      %add3A_208 = arith.addi %broadcast_in_dim3A_195, %add3A_207 : vector<16xi32>
      %gather3A_209 = tpu.vector_load_idx %arg21[%get3A_192, %broadcast_in_dim3A_195] : memref<10x32xf32, #tpu.memory_space<vmem>>[vector<16xi32>, vector<16xi32>], vector<16xf32>,
      tpu.vector_store_idx %arg23[%add3A_176, %add3A_208], %gather3A_209 : memref<128x128xf32, #tpu.memory_space<vmem>>[vector<16xi32>, vector<16xi32>], vector<16xf32>,
      %add3A_210 = arith.constant 96 : i32
      %add3A_211 = vector.broadcast %add3A_210 : i32 to vector<16xi32>
      %add3A_212 = arith.addi %broadcast_in_dim3A_195, %add3A_211 : vector<16xi32>
      %gather3A_213 = tpu.vector_load_idx %arg22[%get3A_194, %broadcast_in_dim3A_195] : memref<250x32xf32, #tpu.memory_space<vmem>>[vector<16xi32>, vector<16xi32>], vector<16xf32>,
      tpu.vector_store_idx %arg23[%add3A_176, %add3A_212], %gather3A_213 : memref<128x128xf32, #tpu.memory_space<vmem>>[vector<16xi32>, vector<16xi32>], vector<16xf32>,
      %broadcast_in_dim3A_214 = arith.constant 1 : i32
      %broadcast_in_dim3A_215 = vector.broadcast %broadcast_in_dim3A_214 : i32 to vector<16xi32>
      %add3A_216 = arith.constant 1 : i32
      %add3A_217 = vector.broadcast %add3A_216 : i32 to vector<16xi32>
      %add3A_218 = arith.addi %mul3A_182, %add3A_217 : vector<16xi32>
      %gather3A_219 = tpu.vector_load_idx %arg18[%add3A_176, %add3A_218] : memref<128x128xf32, #tpu.memory_space<vmem>>[vector<16xi32>, vector<16xi32>], vector<16xf32>,
      tpu.vector_store_idx %arg23[%add3A_176, %broadcast_in_dim3A_215], %gather3A_219 : memref<128x128xf32, #tpu.memory_space<vmem>>[vector<16xi32>, vector<16xi32>], vector<16xf32>,
      %add3A_220 = arith.constant 32 : i32
      %add3A_221 = vector.broadcast %add3A_220 : i32 to vector<16xi32>
      %add3A_222 = arith.addi %broadcast_in_dim3A_215, %add3A_221 : vector<16xi32>
      %add3A_223 = arith.constant 1 : i32
      %add3A_224 = vector.broadcast %add3A_223 : i32 to vector<16xi32>
      %add3A_225 = arith.addi %mul3A_190, %add3A_224 : vector<16xi32>
      %gather3A_226 = tpu.vector_load_idx %arg20[%add3A_176, %add3A_225] : memref<128x128xf32, #tpu.memory_space<vmem>>[vector<16xi32>, vector<16xi32>], vector<16xf32>,
      tpu.vector_store_idx %arg23[%add3A_176, %add3A_222], %gather3A_226 : memref<128x128xf32, #tpu.memory_space<vmem>>[vector<16xi32>, vector<16xi32>], vector<16xf32>,
      %add3A_227 = arith.constant 64 : i32
      %add3A_228 = vector.broadcast %add3A_227 : i32 to vector<16xi32>
      %add3A_229 = arith.addi %broadcast_in_dim3A_215, %add3A_228 : vector<16xi32>
      %gather3A_230 = tpu.vector_load_idx %arg21[%get3A_192, %broadcast_in_dim3A_215] : memref<10x32xf32, #tpu.memory_space<vmem>>[vector<16xi32>, vector<16xi32>], vector<16xf32>,
      tpu.vector_store_idx %arg23[%add3A_176, %add3A_229], %gather3A_230 : memref<128x128xf32, #tpu.memory_space<vmem>>[vector<16xi32>, vector<16xi32>], vector<16xf32>,
      %add3A_231 = arith.constant 96 : i32
      %add3A_232 = vector.broadcast %add3A_231 : i32 to vector<16xi32>
      %add3A_233 = arith.addi %broadcast_in_dim3A_215, %add3A_232 : vector<16xi32>
      %gather3A_234 = tpu.vector_load_idx %arg22[%get3A_194, %broadcast_in_dim3A_215] : memref<250x32xf32, #tpu.memory_space<vmem>>[vector<16xi32>, vector<16xi32>], vector<16xf32>,
      tpu.vector_store_idx %arg23[%add3A_176, %add3A_233], %gather3A_234 : memref<128x128xf32, #tpu.memory_space<vmem>>[vector<16xi32>, vector<16xi32>], vector<16xf32>,
      %broadcast_in_dim3A_235 = arith.constant 2 : i32
      %broadcast_in_dim3A_236 = vector.broadcast %broadcast_in_dim3A_235 : i32 to vector<16xi32>
      %add3A_237 = arith.constant 2 : i32
      %add3A_238 = vector.broadcast %add3A_237 : i32 to vector<16xi32>
      %add3A_239 = arith.addi %mul3A_182, %add3A_238 : vector<16xi32>
      %gather3A_240 = tpu.vector_load_idx %arg18[%add3A_176, %add3A_239] : memref<128x128xf32, #tpu.memory_space<vmem>>[vector<16xi32>, vector<16xi32>], vector<16xf32>,
      tpu.vector_store_idx %arg23[%add3A_176, %broadcast_in_dim3A_236], %gather3A_240 : memref<128x128xf32, #tpu.memory_space<vmem>>[vector<16xi32>, vector<16xi32>], vector<16xf32>,
      %add3A_241 = arith.constant 32 : i32
      %add3A_242 = vector.broadcast %add3A_241 : i32 to vector<16xi32>
      %add3A_243 = arith.addi %broadcast_in_dim3A_236, %add3A_242 : vector<16xi32>
      %add3A_244 = arith.constant 2 : i32
      %add3A_245 = vector.broadcast %add3A_244 : i32 to vector<16xi32>
      %add3A_246 = arith.addi %mul3A_190, %add3A_245 : vector<16xi32>
      %gather3A_247 = tpu.vector_load_idx %arg20[%add3A_176, %add3A_246] : memref<128x128xf32, #tpu.memory_space<vmem>>[vector<16xi32>, vector<16xi32>], vector<16xf32>,
      tpu.vector_store_idx %arg23[%add3A_176, %add3A_243], %gather3A_247 : memref<128x128xf32, #tpu.memory_space<vmem>>[vector<16xi32>, vector<16xi32>], vector<16xf32>,
      %add3A_248 = arith.constant 64 : i32
      %add3A_249 = vector.broadcast %add3A_248 : i32 to vector<16xi32>
      %add3A_250 = arith.addi %broadcast_in_dim3A_236, %add3A_249 : vector<16xi32>
      %gather3A_251 = tpu.vector_load_idx %arg21[%get3A_192, %broadcast_in_dim3A_236] : memref<10x32xf32, #tpu.memory_space<vmem>>[vector<16xi32>, vector<16xi32>], vector<16xf32>,
      tpu.vector_store_idx %arg23[%add3A_176, %add3A_250], %gather3A_251 : memref<128x128xf32, #tpu.memory_space<vmem>>[vector<16xi32>, vector<16xi32>], vector<16xf32>,
      %add3A_252 = arith.constant 96 : i32
      %add3A_253 = vector.broadcast %add3A_252 : i32 to vector<16xi32>
      %add3A_254 = arith.addi %broadcast_in_dim3A_236, %add3A_253 : vector<16xi32>
      %gather3A_255 = tpu.vector_load_idx %arg22[%get3A_194, %broadcast_in_dim3A_236] : memref<250x32xf32, #tpu.memory_space<vmem>>[vector<16xi32>, vector<16xi32>], vector<16xf32>,
      tpu.vector_store_idx %arg23[%add3A_176, %add3A_254], %gather3A_255 : memref<128x128xf32, #tpu.memory_space<vmem>>[vector<16xi32>, vector<16xi32>], vector<16xf32>,
      %broadcast_in_dim3A_256 = arith.constant 3 : i32
      %broadcast_in_dim3A_257 = vector.broadcast %broadcast_in_dim3A_256 : i32 to vector<16xi32>
      %add3A_258 = arith.constant 3 : i32
      %add3A_259 = vector.broadcast %add3A_258 : i32 to vector<16xi32>
      %add3A_260 = arith.addi %mul3A_182, %add3A_259 : vector<16xi32>
      %gather3A_261 = tpu.vector_load_idx %arg18[%add3A_176, %add3A_260] : memref<128x128xf32, #tpu.memory_space<vmem>>[vector<16xi32>, vector<16xi32>], vector<16xf32>,
      tpu.vector_store_idx %arg23[%add3A_176, %broadcast_in_dim3A_257], %gather3A_261 : memref<128x128xf32, #tpu.memory_space<vmem>>[vector<16xi32>, vector<16xi32>], vector<16xf32>,
      %add3A_262 = arith.constant 32 : i32
      %add3A_263 = vector.broadcast %add3A_262 : i32 to vector<16xi32>
      %add3A_264 = arith.addi %broadcast_in_dim3A_257, %add3A_263 : vector<16xi32>
      %add3A_265 = arith.constant 3 : i32
      %add3A_266 = vector.broadcast %add3A_265 : i32 to vector<16xi32>
      %add3A_267 = arith.addi %mul3A_190, %add3A_266 : vector<16xi32>
      %gather3A_268 = tpu.vector_load_idx %arg20[%add3A_176, %add3A_267] : memref<128x128xf32, #tpu.memory_space<vmem>>[vector<16xi32>, vector<16xi32>], vector<16xf32>,
      tpu.vector_store_idx %arg23[%add3A_176, %add3A_264], %gather3A_268 : memref<128x128xf32, #tpu.memory_space<vmem>>[vector<16xi32>, vector<16xi32>], vector<16xf32>,
      %add3A_269 = arith.constant 64 : i32
      %add3A_270 = vector.broadcast %add3A_269 : i32 to vector<16xi32>
      %add3A_271 = arith.addi %broadcast_in_dim3A_257, %add3A_270 : vector<16xi32>
      %gather3A_272 = tpu.vector_load_idx %arg21[%get3A_192, %broadcast_in_dim3A_257] : memref<10x32xf32, #tpu.memory_space<vmem>>[vector<16xi32>, vector<16xi32>], vector<16xf32>,
      tpu.vector_store_idx %arg23[%add3A_176, %add3A_271], %gather3A_272 : memref<128x128xf32, #tpu.memory_space<vmem>>[vector<16xi32>, vector<16xi32>], vector<16xf32>,
      %add3A_273 = arith.constant 96 : i32
      %add3A_274 = vector.broadcast %add3A_273 : i32 to vector<16xi32>
      %add3A_275 = arith.addi %broadcast_in_dim3A_257, %add3A_274 : vector<16xi32>
      %gather3A_276 = tpu.vector_load_idx %arg22[%get3A_194, %broadcast_in_dim3A_257] : memref<250x32xf32, #tpu.memory_space<vmem>>[vector<16xi32>, vector<16xi32>], vector<16xf32>,
      tpu.vector_store_idx %arg23[%add3A_176, %add3A_275], %gather3A_276 : memref<128x128xf32, #tpu.memory_space<vmem>>[vector<16xi32>, vector<16xi32>], vector<16xf32>,
      %broadcast_in_dim3A_277 = arith.constant 4 : i32
      %broadcast_in_dim3A_278 = vector.broadcast %broadcast_in_dim3A_277 : i32 to vector<16xi32>
      %add3A_279 = arith.constant 4 : i32
      %add3A_280 = vector.broadcast %add3A_279 : i32 to vector<16xi32>
      %add3A_281 = arith.addi %mul3A_182, %add3A_280 : vector<16xi32>
      %gather3A_282 = tpu.vector_load_idx %arg18[%add3A_176, %add3A_281] : memref<128x128xf32, #tpu.memory_space<vmem>>[vector<16xi32>, vector<16xi32>], vector<16xf32>,
      tpu.vector_store_idx %arg23[%add3A_176, %broadcast_in_dim3A_278], %gather3A_282 : memref<128x128xf32, #tpu.memory_space<vmem>>[vector<16xi32>, vector<16xi32>], vector<16xf32>,
      %add3A_283 = arith.constant 32 : i32
      %add3A_284 = vector.broadcast %add3A_283 : i32 to vector<16xi32>
      %add3A_285 = arith.addi %broadcast_in_dim3A_278, %add3A_284 : vector<16xi32>
      %add3A_286 = arith.constant 4 : i32
      %add3A_287 = vector.broadcast %add3A_286 : i32 to vector<16xi32>
      %add3A_288 = arith.addi %mul3A_190, %add3A_287 : vector<16xi32>
      %gather3A_289 = tpu.vector_load_idx %arg20[%add3A_176, %add3A_288] : memref<128x128xf32, #tpu.memory_space<vmem>>[vector<16xi32>, vector<16xi32>], vector<16xf32>,
      tpu.vector_store_idx %arg23[%add3A_176, %add3A_285], %gather3A_289 : memref<128x128xf32, #tpu.memory_space<vmem>>[vector<16xi32>, vector<16xi32>], vector<16xf32>,
      %add3A_290 = arith.constant 64 : i32
      %add3A_291 = vector.broadcast %add3A_290 : i32 to vector<16xi32>
      %add3A_292 = arith.addi %broadcast_in_dim3A_278, %add3A_291 : vector<16xi32>
      %gather3A_293 = tpu.vector_load_idx %arg21[%get3A_192, %broadcast_in_dim3A_278] : memref<10x32xf32, #tpu.memory_space<vmem>>[vector<16xi32>, vector<16xi32>], vector<16xf32>,
      tpu.vector_store_idx %arg23[%add3A_176, %add3A_292], %gather3A_293 : memref<128x128xf32, #tpu.memory_space<vmem>>[vector<16xi32>, vector<16xi32>], vector<16xf32>,
      %add3A_294 = arith.constant 96 : i32
      %add3A_295 = vector.broadcast %add3A_294 : i32 to vector<16xi32>
      %add3A_296 = arith.addi %broadcast_in_dim3A_278, %add3A_295 : vector<16xi32>
      %gather3A_297 = tpu.vector_load_idx %arg22[%get3A_194, %broadcast_in_dim3A_278] : memref<250x32xf32, #tpu.memory_space<vmem>>[vector<16xi32>, vector<16xi32>], vector<16xf32>,
      tpu.vector_store_idx %arg23[%add3A_176, %add3A_296], %gather3A_297 : memref<128x128xf32, #tpu.memory_space<vmem>>[vector<16xi32>, vector<16xi32>], vector<16xf32>,
      %broadcast_in_dim3A_298 = arith.constant 5 : i32
      %broadcast_in_dim3A_299 = vector.broadcast %broadcast_in_dim3A_298 : i32 to vector<16xi32>
      %add3A_300 = arith.constant 5 : i32
      %add3A_301 = vector.broadcast %add3A_300 : i32 to vector<16xi32>
      %add3A_302 = arith.addi %mul3A_182, %add3A_301 : vector<16xi32>
      %gather3A_303 = tpu.vector_load_idx %arg18[%add3A_176, %add3A_302] : memref<128x128xf32, #tpu.memory_space<vmem>>[vector<16xi32>, vector<16xi32>], vector<16xf32>,
      tpu.vector_store_idx %arg23[%add3A_176, %broadcast_in_dim3A_299], %gather3A_303 : memref<128x128xf32, #tpu.memory_space<vmem>>[vector<16xi32>, vector<16xi32>], vector<16xf32>,
      %add3A_304 = arith.constant 32 : i32
      %add3A_305 = vector.broadcast %add3A_304 : i32 to vector<16xi32>
      %add3A_306 = arith.addi %broadcast_in_dim3A_299, %add3A_305 : vector<16xi32>
      %add3A_307 = arith.constant 5 : i32
      %add3A_308 = vector.broadcast %add3A_307 : i32 to vector<16xi32>
      %add3A_309 = arith.addi %mul3A_190, %add3A_308 : vector<16xi32>
      %gather3A_310 = tpu.vector_load_idx %arg20[%add3A_176, %add3A_309] : memref<128x128xf32, #tpu.memory_space<vmem>>[vector<16xi32>, vector<16xi32>], vector<16xf32>,
      tpu.vector_store_idx %arg23[%add3A_176, %add3A_306], %gather3A_310 : memref<128x128xf32, #tpu.memory_space<vmem>>[vector<16xi32>, vector<16xi32>], vector<16xf32>,
      %add3A_311 = arith.constant 64 : i32
      %add3A_312 = vector.broadcast %add3A_311 : i32 to vector<16xi32>
      %add3A_313 = arith.addi %broadcast_in_dim3A_299, %add3A_312 : vector<16xi32>
      %gather3A_314 = tpu.vector_load_idx %arg21[%get3A_192, %broadcast_in_dim3A_299] : memref<10x32xf32, #tpu.memory_space<vmem>>[vector<16xi32>, vector<16xi32>], vector<16xf32>,
      tpu.vector_store_idx %arg23[%add3A_176, %add3A_313], %gather3A_314 : memref<128x128xf32, #tpu.memory_space<vmem>>[vector<16xi32>, vector<16xi32>], vector<16xf32>,
      %add3A_315 = arith.constant 96 : i32
      %add3A_316 = vector.broadcast %add3A_315 : i32 to vector<16xi32>
      %add3A_317 = arith.addi %broadcast_in_dim3A_299, %add3A_316 : vector<16xi32>
      %gather3A_318 = tpu.vector_load_idx %arg22[%get3A_194, %broadcast_in_dim3A_299] : memref<250x32xf32, #tpu.memory_space<vmem>>[vector<16xi32>, vector<16xi32>], vector<16xf32>,
      tpu.vector_store_idx %arg23[%add3A_176, %add3A_317], %gather3A_318 : memref<128x128xf32, #tpu.memory_space<vmem>>[vector<16xi32>, vector<16xi32>], vector<16xf32>,
      %broadcast_in_dim3A_319 = arith.constant 6 : i32
      %broadcast_in_dim3A_320 = vector.broadcast %broadcast_in_dim3A_319 : i32 to vector<16xi32>
      %add3A_321 = arith.constant 6 : i32
      %add3A_322 = vector.broadcast %add3A_321 : i32 to vector<16xi32>
      %add3A_323 = arith.addi %mul3A_182, %add3A_322 : vector<16xi32>
      %gather3A_324 = tpu.vector_load_idx %arg18[%add3A_176, %add3A_323] : memref<128x128xf32, #tpu.memory_space<vmem>>[vector<16xi32>, vector<16xi32>], vector<16xf32>,
      tpu.vector_store_idx %arg23[%add3A_176, %broadcast_in_dim3A_320], %gather3A_324 : memref<128x128xf32, #tpu.memory_space<vmem>>[vector<16xi32>, vector<16xi32>], vector<16xf32>,
      %add3A_325 = arith.constant 32 : i32
      %add3A_326 = vector.broadcast %add3A_325 : i32 to vector<16xi32>
      %add3A_327 = arith.addi %broadcast_in_dim3A_320, %add3A_326 : vector<16xi32>
      %add3A_328 = arith.constant 6 : i32
      %add3A_329 = vector.broadcast %add3A_328 : i32 to vector<16xi32>
      %add3A_330 = arith.addi %mul3A_190, %add3A_329 : vector<16xi32>
      %gather3A_331 = tpu.vector_load_idx %arg20[%add3A_176, %add3A_330] : memref<128x128xf32, #tpu.memory_space<vmem>>[vector<16xi32>, vector<16xi32>], vector<16xf32>,
      tpu.vector_store_idx %arg23[%add3A_176, %add3A_327], %gather3A_331 : memref<128x128xf32, #tpu.memory_space<vmem>>[vector<16xi32>, vector<16xi32>], vector<16xf32>,
      %add3A_332 = arith.constant 64 : i32
      %add3A_333 = vector.broadcast %add3A_332 : i32 to vector<16xi32>
      %add3A_334 = arith.addi %broadcast_in_dim3A_320, %add3A_333 : vector<16xi32>
      %gather3A_335 = tpu.vector_load_idx %arg21[%get3A_192, %broadcast_in_dim3A_320] : memref<10x32xf32, #tpu.memory_space<vmem>>[vector<16xi32>, vector<16xi32>], vector<16xf32>,
      tpu.vector_store_idx %arg23[%add3A_176, %add3A_334], %gather3A_335 : memref<128x128xf32, #tpu.memory_space<vmem>>[vector<16xi32>, vector<16xi32>], vector<16xf32>,
      %add3A_336 = arith.constant 96 : i32
      %add3A_337 = vector.broadcast %add3A_336 : i32 to vector<16xi32>
      %add3A_338 = arith.addi %broadcast_in_dim3A_320, %add3A_337 : vector<16xi32>
      %gather3A_339 = tpu.vector_load_idx %arg22[%get3A_194, %broadcast_in_dim3A_320] : memref<250x32xf32, #tpu.memory_space<vmem>>[vector<16xi32>, vector<16xi32>], vector<16xf32>,
      tpu.vector_store_idx %arg23[%add3A_176, %add3A_338], %gather3A_339 : memref<128x128xf32, #tpu.memory_space<vmem>>[vector<16xi32>, vector<16xi32>], vector<16xf32>,
      %broadcast_in_dim3A_340 = arith.constant 7 : i32
      %broadcast_in_dim3A_341 = vector.broadcast %broadcast_in_dim3A_340 : i32 to vector<16xi32>
      %add3A_342 = arith.constant 7 : i32
      %add3A_343 = vector.broadcast %add3A_342 : i32 to vector<16xi32>
      %add3A_344 = arith.addi %mul3A_182, %add3A_343 : vector<16xi32>
      %gather3A_345 = tpu.vector_load_idx %arg18[%add3A_176, %add3A_344] : memref<128x128xf32, #tpu.memory_space<vmem>>[vector<16xi32>, vector<16xi32>], vector<16xf32>,
      tpu.vector_store_idx %arg23[%add3A_176, %broadcast_in_dim3A_341], %gather3A_345 : memref<128x128xf32, #tpu.memory_space<vmem>>[vector<16xi32>, vector<16xi32>], vector<16xf32>,
      %add3A_346 = arith.constant 32 : i32
      %add3A_347 = vector.broadcast %add3A_346 : i32 to vector<16xi32>
      %add3A_348 = arith.addi %broadcast_in_dim3A_341, %add3A_347 : vector<16xi32>
      %add3A_349 = arith.constant 7 : i32
      %add3A_350 = vector.broadcast %add3A_349 : i32 to vector<16xi32>
      %add3A_351 = arith.addi %mul3A_190, %add3A_350 : vector<16xi32>
      %gather3A_352 = tpu.vector_load_idx %arg20[%add3A_176, %add3A_351] : memref<128x128xf32, #tpu.memory_space<vmem>>[vector<16xi32>, vector<16xi32>], vector<16xf32>,
      tpu.vector_store_idx %arg23[%add3A_176, %add3A_348], %gather3A_352 : memref<128x128xf32, #tpu.memory_space<vmem>>[vector<16xi32>, vector<16xi32>], vector<16xf32>,
      %add3A_353 = arith.constant 64 : i32
      %add3A_354 = vector.broadcast %add3A_353 : i32 to vector<16xi32>
      %add3A_355 = arith.addi %broadcast_in_dim3A_341, %add3A_354 : vector<16xi32>
      %gather3A_356 = tpu.vector_load_idx %arg21[%get3A_192, %broadcast_in_dim3A_341] : memref<10x32xf32, #tpu.memory_space<vmem>>[vector<16xi32>, vector<16xi32>], vector<16xf32>,
      tpu.vector_store_idx %arg23[%add3A_176, %add3A_355], %gather3A_356 : memref<128x128xf32, #tpu.memory_space<vmem>>[vector<16xi32>, vector<16xi32>], vector<16xf32>,
      %add3A_357 = arith.constant 96 : i32
      %add3A_358 = vector.broadcast %add3A_357 : i32 to vector<16xi32>
      %add3A_359 = arith.addi %broadcast_in_dim3A_341, %add3A_358 : vector<16xi32>
      %gather3A_360 = tpu.vector_load_idx %arg22[%get3A_194, %broadcast_in_dim3A_341] : memref<250x32xf32, #tpu.memory_space<vmem>>[vector<16xi32>, vector<16xi32>], vector<16xf32>,
      tpu.vector_store_idx %arg23[%add3A_176, %add3A_359], %gather3A_360 : memref<128x128xf32, #tpu.memory_space<vmem>>[vector<16xi32>, vector<16xi32>], vector<16xf32>,
      %broadcast_in_dim3A_361 = arith.constant 8 : i32
      %broadcast_in_dim3A_362 = vector.broadcast %broadcast_in_dim3A_361 : i32 to vector<16xi32>
      %add3A_363 = arith.constant 8 : i32
      %add3A_364 = vector.broadcast %add3A_363 : i32 to vector<16xi32>
      %add3A_365 = arith.addi %mul3A_182, %add3A_364 : vector<16xi32>
      %gather3A_366 = tpu.vector_load_idx %arg18[%add3A_176, %add3A_365] : memref<128x128xf32, #tpu.memory_space<vmem>>[vector<16xi32>, vector<16xi32>], vector<16xf32>,
      tpu.vector_store_idx %arg23[%add3A_176, %broadcast_in_dim3A_362], %gather3A_366 : memref<128x128xf32, #tpu.memory_space<vmem>>[vector<16xi32>, vector<16xi32>], vector<16xf32>,
      %add3A_367 = arith.constant 32 : i32
      %add3A_368 = vector.broadcast %add3A_367 : i32 to vector<16xi32>
      %add3A_369 = arith.addi %broadcast_in_dim3A_362, %add3A_368 : vector<16xi32>
      %add3A_370 = arith.constant 8 : i32
      %add3A_371 = vector.broadcast %add3A_370 : i32 to vector<16xi32>
      %add3A_372 = arith.addi %mul3A_190, %add3A_371 : vector<16xi32>
      %gather3A_373 = tpu.vector_load_idx %arg20[%add3A_176, %add3A_372] : memref<128x128xf32, #tpu.memory_space<vmem>>[vector<16xi32>, vector<16xi32>], vector<16xf32>,
      tpu.vector_store_idx %arg23[%add3A_176, %add3A_369], %gather3A_373 : memref<128x128xf32, #tpu.memory_space<vmem>>[vector<16xi32>, vector<16xi32>], vector<16xf32>,
      %add3A_374 = arith.constant 64 : i32
      %add3A_375 = vector.broadcast %add3A_374 : i32 to vector<16xi32>
      %add3A_376 = arith.addi %broadcast_in_dim3A_362, %add3A_375 : vector<16xi32>
      %gather3A_377 = tpu.vector_load_idx %arg21[%get3A_192, %broadcast_in_dim3A_362] : memref<10x32xf32, #tpu.memory_space<vmem>>[vector<16xi32>, vector<16xi32>], vector<16xf32>,
      tpu.vector_store_idx %arg23[%add3A_176, %add3A_376], %gather3A_377 : memref<128x128xf32, #tpu.memory_space<vmem>>[vector<16xi32>, vector<16xi32>], vector<16xf32>,
      %add3A_378 = arith.constant 96 : i32
      %add3A_379 = vector.broadcast %add3A_378 : i32 to vector<16xi32>
      %add3A_380 = arith.addi %broadcast_in_dim3A_362, %add3A_379 : vector<16xi32>
      %gather3A_381 = tpu.vector_load_idx %arg22[%get3A_194, %broadcast_in_dim3A_362] : memref<250x32xf32, #tpu.memory_space<vmem>>[vector<16xi32>, vector<16xi32>], vector<16xf32>,
      tpu.vector_store_idx %arg23[%add3A_176, %add3A_380], %gather3A_381 : memref<128x128xf32, #tpu.memory_space<vmem>>[vector<16xi32>, vector<16xi32>], vector<16xf32>,
      %broadcast_in_dim3A_382 = arith.constant 9 : i32
      %broadcast_in_dim3A_383 = vector.broadcast %broadcast_in_dim3A_382 : i32 to vector<16xi32>
      %add3A_384 = arith.constant 9 : i32
      %add3A_385 = vector.broadcast %add3A_384 : i32 to vector<16xi32>
      %add3A_386 = arith.addi %mul3A_182, %add3A_385 : vector<16xi32>
      %gather3A_387 = tpu.vector_load_idx %arg18[%add3A_176, %add3A_386] : memref<128x128xf32, #tpu.memory_space<vmem>>[vector<16xi32>, vector<16xi32>], vector<16xf32>,
      tpu.vector_store_idx %arg23[%add3A_176, %broadcast_in_dim3A_383], %gather3A_387 : memref<128x128xf32, #tpu.memory_space<vmem>>[vector<16xi32>, vector<16xi32>], vector<16xf32>,
      %add3A_388 = arith.constant 32 : i32
      %add3A_389 = vector.broadcast %add3A_388 : i32 to vector<16xi32>
      %add3A_390 = arith.addi %broadcast_in_dim3A_383, %add3A_389 : vector<16xi32>
      %add3A_391 = arith.constant 9 : i32
      %add3A_392 = vector.broadcast %add3A_391 : i32 to vector<16xi32>
      %add3A_393 = arith.addi %mul3A_190, %add3A_392 : vector<16xi32>
      %gather3A_394 = tpu.vector_load_idx %arg20[%add3A_176, %add3A_393] : memref<128x128xf32, #tpu.memory_space<vmem>>[vector<16xi32>, vector<16xi32>], vector<16xf32>,
      tpu.vector_store_idx %arg23[%add3A_176, %add3A_390], %gather3A_394 : memref<128x128xf32, #tpu.memory_space<vmem>>[vector<16xi32>, vector<16xi32>], vector<16xf32>,
      %add3A_395 = arith.constant 64 : i32
      %add3A_396 = vector.broadcast %add3A_395 : i32 to vector<16xi32>
      %add3A_397 = arith.addi %broadcast_in_dim3A_383, %add3A_396 : vector<16xi32>
      %gather3A_398 = tpu.vector_load_idx %arg21[%get3A_192, %broadcast_in_dim3A_383] : memref<10x32xf32, #tpu.memory_space<vmem>>[vector<16xi32>, vector<16xi32>], vector<16xf32>,
      tpu.vector_store_idx %arg23[%add3A_176, %add3A_397], %gather3A_398 : memref<128x128xf32, #tpu.memory_space<vmem>>[vector<16xi32>, vector<16xi32>], vector<16xf32>,
      %add3A_399 = arith.constant 96 : i32
      %add3A_400 = vector.broadcast %add3A_399 : i32 to vector<16xi32>
      %add3A_401 = arith.addi %broadcast_in_dim3A_383, %add3A_400 : vector<16xi32>
      %gather3A_402 = tpu.vector_load_idx %arg22[%get3A_194, %broadcast_in_dim3A_383] : memref<250x32xf32, #tpu.memory_space<vmem>>[vector<16xi32>, vector<16xi32>], vector<16xf32>,
      tpu.vector_store_idx %arg23[%add3A_176, %add3A_401], %gather3A_402 : memref<128x128xf32, #tpu.memory_space<vmem>>[vector<16xi32>, vector<16xi32>], vector<16xf32>,
      %broadcast_in_dim3A_403 = arith.constant 10 : i32
      %broadcast_in_dim3A_404 = vector.broadcast %broadcast_in_dim3A_403 : i32 to vector<16xi32>
      %add3A_405 = arith.constant 10 : i32
      %add3A_406 = vector.broadcast %add3A_405 : i32 to vector<16xi32>
      %add3A_407 = arith.addi %mul3A_182, %add3A_406 : vector<16xi32>
      %gather3A_408 = tpu.vector_load_idx %arg18[%add3A_176, %add3A_407] : memref<128x128xf32, #tpu.memory_space<vmem>>[vector<16xi32>, vector<16xi32>], vector<16xf32>,
      tpu.vector_store_idx %arg23[%add3A_176, %broadcast_in_dim3A_404], %gather3A_408 : memref<128x128xf32, #tpu.memory_space<vmem>>[vector<16xi32>, vector<16xi32>], vector<16xf32>,
      %add3A_409 = arith.constant 32 : i32
      %add3A_410 = vector.broadcast %add3A_409 : i32 to vector<16xi32>
      %add3A_411 = arith.addi %broadcast_in_dim3A_404, %add3A_410 : vector<16xi32>
      %add3A_412 = arith.constant 10 : i32
      %add3A_413 = vector.broadcast %add3A_412 : i32 to vector<16xi32>
      %add3A_414 = arith.addi %mul3A_190, %add3A_413 : vector<16xi32>
      %gather3A_415 = tpu.vector_load_idx %arg20[%add3A_176, %add3A_414] : memref<128x128xf32, #tpu.memory_space<vmem>>[vector<16xi32>, vector<16xi32>], vector<16xf32>,
      tpu.vector_store_idx %arg23[%add3A_176, %add3A_411], %gather3A_415 : memref<128x128xf32, #tpu.memory_space<vmem>>[vector<16xi32>, vector<16xi32>], vector<16xf32>,
      %add3A_416 = arith.constant 64 : i32
      %add3A_417 = vector.broadcast %add3A_416 : i32 to vector<16xi32>
      %add3A_418 = arith.addi %broadcast_in_dim3A_404, %add3A_417 : vector<16xi32>
      %gather3A_419 = tpu.vector_load_idx %arg21[%get3A_192, %broadcast_in_dim3A_404] : memref<10x32xf32, #tpu.memory_space<vmem>>[vector<16xi32>, vector<16xi32>], vector<16xf32>,
      tpu.vector_store_idx %arg23[%add3A_176, %add3A_418], %gather3A_419 : memref<128x128xf32, #tpu.memory_space<vmem>>[vector<16xi32>, vector<16xi32>], vector<16xf32>,
      %add3A_420 = arith.constant 96 : i32
      %add3A_421 = vector.broadcast %add3A_420 : i32 to vector<16xi32>
      %add3A_422 = arith.addi %broadcast_in_dim3A_404, %add3A_421 : vector<16xi32>
      %gather3A_423 = tpu.vector_load_idx %arg22[%get3A_194, %broadcast_in_dim3A_404] : memref<250x32xf32, #tpu.memory_space<vmem>>[vector<16xi32>, vector<16xi32>], vector<16xf32>,
      tpu.vector_store_idx %arg23[%add3A_176, %add3A_422], %gather3A_423 : memref<128x128xf32, #tpu.memory_space<vmem>>[vector<16xi32>, vector<16xi32>], vector<16xf32>,
      %broadcast_in_dim3A_424 = arith.constant 11 : i32
      %broadcast_in_dim3A_425 = vector.broadcast %broadcast_in_dim3A_424 : i32 to vector<16xi32>
      %add3A_426 = arith.constant 11 : i32
      %add3A_427 = vector.broadcast %add3A_426 : i32 to vector<16xi32>
      %add3A_428 = arith.addi %mul3A_182, %add3A_427 : vector<16xi32>
      %gather3A_429 = tpu.vector_load_idx %arg18[%add3A_176, %add3A_428] : memref<128x128xf32, #tpu.memory_space<vmem>>[vector<16xi32>, vector<16xi32>], vector<16xf32>,
      tpu.vector_store_idx %arg23[%add3A_176, %broadcast_in_dim3A_425], %gather3A_429 : memref<128x128xf32, #tpu.memory_space<vmem>>[vector<16xi32>, vector<16xi32>], vector<16xf32>,
      %add3A_430 = arith.constant 32 : i32
      %add3A_431 = vector.broadcast %add3A_430 : i32 to vector<16xi32>
      %add3A_432 = arith.addi %broadcast_in_dim3A_425, %add3A_431 : vector<16xi32>
      %add3A_433 = arith.constant 11 : i32
      %add3A_434 = vector.broadcast %add3A_433 : i32 to vector<16xi32>
      %add3A_435 = arith.addi %mul3A_190, %add3A_434 : vector<16xi32>
      %gather3A_436 = tpu.vector_load_idx %arg20[%add3A_176, %add3A_435] : memref<128x128xf32, #tpu.memory_space<vmem>>[vector<16xi32>, vector<16xi32>], vector<16xf32>,
      tpu.vector_store_idx %arg23[%add3A_176, %add3A_432], %gather3A_436 : memref<128x128xf32, #tpu.memory_space<vmem>>[vector<16xi32>, vector<16xi32>], vector<16xf32>,
      %add3A_437 = arith.constant 64 : i32
      %add3A_438 = vector.broadcast %add3A_437 : i32 to vector<16xi32>
      %add3A_439 = arith.addi %broadcast_in_dim3A_425, %add3A_438 : vector<16xi32>
      %gather3A_440 = tpu.vector_load_idx %arg21[%get3A_192, %broadcast_in_dim3A_425] : memref<10x32xf32, #tpu.memory_space<vmem>>[vector<16xi32>, vector<16xi32>], vector<16xf32>,
      tpu.vector_store_idx %arg23[%add3A_176, %add3A_439], %gather3A_440 : memref<128x128xf32, #tpu.memory_space<vmem>>[vector<16xi32>, vector<16xi32>], vector<16xf32>,
      %add3A_441 = arith.constant 96 : i32
      %add3A_442 = vector.broadcast %add3A_441 : i32 to vector<16xi32>
      %add3A_443 = arith.addi %broadcast_in_dim3A_425, %add3A_442 : vector<16xi32>
      %gather3A_444 = tpu.vector_load_idx %arg22[%get3A_194, %broadcast_in_dim3A_425] : memref<250x32xf32, #tpu.memory_space<vmem>>[vector<16xi32>, vector<16xi32>], vector<16xf32>,
      tpu.vector_store_idx %arg23[%add3A_176, %add3A_443], %gather3A_444 : memref<128x128xf32, #tpu.memory_space<vmem>>[vector<16xi32>, vector<16xi32>], vector<16xf32>,
      %broadcast_in_dim3A_445 = arith.constant 12 : i32
      %broadcast_in_dim3A_446 = vector.broadcast %broadcast_in_dim3A_445 : i32 to vector<16xi32>
      %add3A_447 = arith.constant 12 : i32
      %add3A_448 = vector.broadcast %add3A_447 : i32 to vector<16xi32>
      %add3A_449 = arith.addi %mul3A_182, %add3A_448 : vector<16xi32>
      %gather3A_450 = tpu.vector_load_idx %arg18[%add3A_176, %add3A_449] : memref<128x128xf32, #tpu.memory_space<vmem>>[vector<16xi32>, vector<16xi32>], vector<16xf32>,
      tpu.vector_store_idx %arg23[%add3A_176, %broadcast_in_dim3A_446], %gather3A_450 : memref<128x128xf32, #tpu.memory_space<vmem>>[vector<16xi32>, vector<16xi32>], vector<16xf32>,
      %add3A_451 = arith.constant 32 : i32
      %add3A_452 = vector.broadcast %add3A_451 : i32 to vector<16xi32>
      %add3A_453 = arith.addi %broadcast_in_dim3A_446, %add3A_452 : vector<16xi32>
      %add3A_454 = arith.constant 12 : i32
      %add3A_455 = vector.broadcast %add3A_454 : i32 to vector<16xi32>
      %add3A_456 = arith.addi %mul3A_190, %add3A_455 : vector<16xi32>
      %gather3A_457 = tpu.vector_load_idx %arg20[%add3A_176, %add3A_456] : memref<128x128xf32, #tpu.memory_space<vmem>>[vector<16xi32>, vector<16xi32>], vector<16xf32>,
      tpu.vector_store_idx %arg23[%add3A_176, %add3A_453], %gather3A_457 : memref<128x128xf32, #tpu.memory_space<vmem>>[vector<16xi32>, vector<16xi32>], vector<16xf32>,
      %add3A_458 = arith.constant 64 : i32
      %add3A_459 = vector.broadcast %add3A_458 : i32 to vector<16xi32>
      %add3A_460 = arith.addi %broadcast_in_dim3A_446, %add3A_459 : vector<16xi32>
      %gather3A_461 = tpu.vector_load_idx %arg21[%get3A_192, %broadcast_in_dim3A_446] : memref<10x32xf32, #tpu.memory_space<vmem>>[vector<16xi32>, vector<16xi32>], vector<16xf32>,
      tpu.vector_store_idx %arg23[%add3A_176, %add3A_460], %gather3A_461 : memref<128x128xf32, #tpu.memory_space<vmem>>[vector<16xi32>, vector<16xi32>], vector<16xf32>,
      %add3A_462 = arith.constant 96 : i32
      %add3A_463 = vector.broadcast %add3A_462 : i32 to vector<16xi32>
      %add3A_464 = arith.addi %broadcast_in_dim3A_446, %add3A_463 : vector<16xi32>
      %gather3A_465 = tpu.vector_load_idx %arg22[%get3A_194, %broadcast_in_dim3A_446] : memref<250x32xf32, #tpu.memory_space<vmem>>[vector<16xi32>, vector<16xi32>], vector<16xf32>,
      tpu.vector_store_idx %arg23[%add3A_176, %add3A_464], %gather3A_465 : memref<128x128xf32, #tpu.memory_space<vmem>>[vector<16xi32>, vector<16xi32>], vector<16xf32>,
      %broadcast_in_dim3A_466 = arith.constant 13 : i32
      %broadcast_in_dim3A_467 = vector.broadcast %broadcast_in_dim3A_466 : i32 to vector<16xi32>
      %add3A_468 = arith.constant 13 : i32
      %add3A_469 = vector.broadcast %add3A_468 : i32 to vector<16xi32>
      %add3A_470 = arith.addi %mul3A_182, %add3A_469 : vector<16xi32>
      %gather3A_471 = tpu.vector_load_idx %arg18[%add3A_176, %add3A_470] : memref<128x128xf32, #tpu.memory_space<vmem>>[vector<16xi32>, vector<16xi32>], vector<16xf32>,
      tpu.vector_store_idx %arg23[%add3A_176, %broadcast_in_dim3A_467], %gather3A_471 : memref<128x128xf32, #tpu.memory_space<vmem>>[vector<16xi32>, vector<16xi32>], vector<16xf32>,
      %add3A_472 = arith.constant 32 : i32
      %add3A_473 = vector.broadcast %add3A_472 : i32 to vector<16xi32>
      %add3A_474 = arith.addi %broadcast_in_dim3A_467, %add3A_473 : vector<16xi32>
      %add3A_475 = arith.constant 13 : i32
      %add3A_476 = vector.broadcast %add3A_475 : i32 to vector<16xi32>
      %add3A_477 = arith.addi %mul3A_190, %add3A_476 : vector<16xi32>
      %gather3A_478 = tpu.vector_load_idx %arg20[%add3A_176, %add3A_477] : memref<128x128xf32, #tpu.memory_space<vmem>>[vector<16xi32>, vector<16xi32>], vector<16xf32>,
      tpu.vector_store_idx %arg23[%add3A_176, %add3A_474], %gather3A_478 : memref<128x128xf32, #tpu.memory_space<vmem>>[vector<16xi32>, vector<16xi32>], vector<16xf32>,
      %add3A_479 = arith.constant 64 : i32
      %add3A_480 = vector.broadcast %add3A_479 : i32 to vector<16xi32>
      %add3A_481 = arith.addi %broadcast_in_dim3A_467, %add3A_480 : vector<16xi32>
      %gather3A_482 = tpu.vector_load_idx %arg21[%get3A_192, %broadcast_in_dim3A_467] : memref<10x32xf32, #tpu.memory_space<vmem>>[vector<16xi32>, vector<16xi32>], vector<16xf32>,
      tpu.vector_store_idx %arg23[%add3A_176, %add3A_481], %gather3A_482 : memref<128x128xf32, #tpu.memory_space<vmem>>[vector<16xi32>, vector<16xi32>], vector<16xf32>,
      %add3A_483 = arith.constant 96 : i32
      %add3A_484 = vector.broadcast %add3A_483 : i32 to vector<16xi32>
      %add3A_485 = arith.addi %broadcast_in_dim3A_467, %add3A_484 : vector<16xi32>
      %gather3A_486 = tpu.vector_load_idx %arg22[%get3A_194, %broadcast_in_dim3A_467] : memref<250x32xf32, #tpu.memory_space<vmem>>[vector<16xi32>, vector<16xi32>], vector<16xf32>,
      tpu.vector_store_idx %arg23[%add3A_176, %add3A_485], %gather3A_486 : memref<128x128xf32, #tpu.memory_space<vmem>>[vector<16xi32>, vector<16xi32>], vector<16xf32>,
      %broadcast_in_dim3A_487 = arith.constant 14 : i32
      %broadcast_in_dim3A_488 = vector.broadcast %broadcast_in_dim3A_487 : i32 to vector<16xi32>
      %add3A_489 = arith.constant 14 : i32
      %add3A_490 = vector.broadcast %add3A_489 : i32 to vector<16xi32>
      %add3A_491 = arith.addi %mul3A_182, %add3A_490 : vector<16xi32>
      %gather3A_492 = tpu.vector_load_idx %arg18[%add3A_176, %add3A_491] : memref<128x128xf32, #tpu.memory_space<vmem>>[vector<16xi32>, vector<16xi32>], vector<16xf32>,
      tpu.vector_store_idx %arg23[%add3A_176, %broadcast_in_dim3A_488], %gather3A_492 : memref<128x128xf32, #tpu.memory_space<vmem>>[vector<16xi32>, vector<16xi32>], vector<16xf32>,
      %add3A_493 = arith.constant 32 : i32
      %add3A_494 = vector.broadcast %add3A_493 : i32 to vector<16xi32>
      %add3A_495 = arith.addi %broadcast_in_dim3A_488, %add3A_494 : vector<16xi32>
      %add3A_496 = arith.constant 14 : i32
      %add3A_497 = vector.broadcast %add3A_496 : i32 to vector<16xi32>
      %add3A_498 = arith.addi %mul3A_190, %add3A_497 : vector<16xi32>
      %gather3A_499 = tpu.vector_load_idx %arg20[%add3A_176, %add3A_498] : memref<128x128xf32, #tpu.memory_space<vmem>>[vector<16xi32>, vector<16xi32>], vector<16xf32>,
      tpu.vector_store_idx %arg23[%add3A_176, %add3A_495], %gather3A_499 : memref<128x128xf32, #tpu.memory_space<vmem>>[vector<16xi32>, vector<16xi32>], vector<16xf32>,
      %add3A_500 = arith.constant 64 : i32
      %add3A_501 = vector.broadcast %add3A_500 : i32 to vector<16xi32>
      %add3A_502 = arith.addi %broadcast_in_dim3A_488, %add3A_501 : vector<16xi32>
      %gather3A_503 = tpu.vector_load_idx %arg21[%get3A_192, %broadcast_in_dim3A_488] : memref<10x32xf32, #tpu.memory_space<vmem>>[vector<16xi32>, vector<16xi32>], vector<16xf32>,
      tpu.vector_store_idx %arg23[%add3A_176, %add3A_502], %gather3A_503 : memref<128x128xf32, #tpu.memory_space<vmem>>[vector<16xi32>, vector<16xi32>], vector<16xf32>,
      %add3A_504 = arith.constant 96 : i32
      %add3A_505 = vector.broadcast %add3A_504 : i32 to vector<16xi32>
      %add3A_506 = arith.addi %broadcast_in_dim3A_488, %add3A_505 : vector<16xi32>
      %gather3A_507 = tpu.vector_load_idx %arg22[%get3A_194, %broadcast_in_dim3A_488] : memref<250x32xf32, #tpu.memory_space<vmem>>[vector<16xi32>, vector<16xi32>], vector<16xf32>,
      tpu.vector_store_idx %arg23[%add3A_176, %add3A_506], %gather3A_507 : memref<128x128xf32, #tpu.memory_space<vmem>>[vector<16xi32>, vector<16xi32>], vector<16xf32>,
      %broadcast_in_dim3A_508 = arith.constant 15 : i32
      %broadcast_in_dim3A_509 = vector.broadcast %broadcast_in_dim3A_508 : i32 to vector<16xi32>
      %add3A_510 = arith.constant 15 : i32
      %add3A_511 = vector.broadcast %add3A_510 : i32 to vector<16xi32>
      %add3A_512 = arith.addi %mul3A_182, %add3A_511 : vector<16xi32>
      %gather3A_513 = tpu.vector_load_idx %arg18[%add3A_176, %add3A_512] : memref<128x128xf32, #tpu.memory_space<vmem>>[vector<16xi32>, vector<16xi32>], vector<16xf32>,
      tpu.vector_store_idx %arg23[%add3A_176, %broadcast_in_dim3A_509], %gather3A_513 : memref<128x128xf32, #tpu.memory_space<vmem>>[vector<16xi32>, vector<16xi32>], vector<16xf32>,
      %add3A_514 = arith.constant 32 : i32
      %add3A_515 = vector.broadcast %add3A_514 : i32 to vector<16xi32>
      %add3A_516 = arith.addi %broadcast_in_dim3A_509, %add3A_515 : vector<16xi32>
      %add3A_517 = arith.constant 15 : i32
      %add3A_518 = vector.broadcast %add3A_517 : i32 to vector<16xi32>
      %add3A_519 = arith.addi %mul3A_190, %add3A_518 : vector<16xi32>
      %gather3A_520 = tpu.vector_load_idx %arg20[%add3A_176, %add3A_519] : memref<128x128xf32, #tpu.memory_space<vmem>>[vector<16xi32>, vector<16xi32>], vector<16xf32>,
      tpu.vector_store_idx %arg23[%add3A_176, %add3A_516], %gather3A_520 : memref<128x128xf32, #tpu.memory_space<vmem>>[vector<16xi32>, vector<16xi32>], vector<16xf32>,
      %add3A_521 = arith.constant 64 : i32
      %add3A_522 = vector.broadcast %add3A_521 : i32 to vector<16xi32>
      %add3A_523 = arith.addi %broadcast_in_dim3A_509, %add3A_522 : vector<16xi32>
      %gather3A_524 = tpu.vector_load_idx %arg21[%get3A_192, %broadcast_in_dim3A_509] : memref<10x32xf32, #tpu.memory_space<vmem>>[vector<16xi32>, vector<16xi32>], vector<16xf32>,
      tpu.vector_store_idx %arg23[%add3A_176, %add3A_523], %gather3A_524 : memref<128x128xf32, #tpu.memory_space<vmem>>[vector<16xi32>, vector<16xi32>], vector<16xf32>,
      %add3A_525 = arith.constant 96 : i32
      %add3A_526 = vector.broadcast %add3A_525 : i32 to vector<16xi32>
      %add3A_527 = arith.addi %broadcast_in_dim3A_509, %add3A_526 : vector<16xi32>
      %gather3A_528 = tpu.vector_load_idx %arg22[%get3A_194, %broadcast_in_dim3A_509] : memref<250x32xf32, #tpu.memory_space<vmem>>[vector<16xi32>, vector<16xi32>], vector<16xf32>,
      tpu.vector_store_idx %arg23[%add3A_176, %add3A_527], %gather3A_528 : memref<128x128xf32, #tpu.memory_space<vmem>>[vector<16xi32>, vector<16xi32>], vector<16xf32>,
      %broadcast_in_dim3A_529 = arith.constant 16 : i32
      %broadcast_in_dim3A_530 = vector.broadcast %broadcast_in_dim3A_529 : i32 to vector<16xi32>
      %add3A_531 = arith.constant 16 : i32
      %add3A_532 = vector.broadcast %add3A_531 : i32 to vector<16xi32>
      %add3A_533 = arith.addi %mul3A_182, %add3A_532 : vector<16xi32>
      %gather3A_534 = tpu.vector_load_idx %arg18[%add3A_176, %add3A_533] : memref<128x128xf32, #tpu.memory_space<vmem>>[vector<16xi32>, vector<16xi32>], vector<16xf32>,
      tpu.vector_store_idx %arg23[%add3A_176, %broadcast_in_dim3A_530], %gather3A_534 : memref<128x128xf32, #tpu.memory_space<vmem>>[vector<16xi32>, vector<16xi32>], vector<16xf32>,
      %add3A_535 = arith.constant 32 : i32
      %add3A_536 = vector.broadcast %add3A_535 : i32 to vector<16xi32>
      %add3A_537 = arith.addi %broadcast_in_dim3A_530, %add3A_536 : vector<16xi32>
      %add3A_538 = arith.constant 16 : i32
      %add3A_539 = vector.broadcast %add3A_538 : i32 to vector<16xi32>
      %add3A_540 = arith.addi %mul3A_190, %add3A_539 : vector<16xi32>
      %gather3A_541 = tpu.vector_load_idx %arg20[%add3A_176, %add3A_540] : memref<128x128xf32, #tpu.memory_space<vmem>>[vector<16xi32>, vector<16xi32>], vector<16xf32>,
      tpu.vector_store_idx %arg23[%add3A_176, %add3A_537], %gather3A_541 : memref<128x128xf32, #tpu.memory_space<vmem>>[vector<16xi32>, vector<16xi32>], vector<16xf32>,
      %add3A_542 = arith.constant 64 : i32
      %add3A_543 = vector.broadcast %add3A_542 : i32 to vector<16xi32>
      %add3A_544 = arith.addi %broadcast_in_dim3A_530, %add3A_543 : vector<16xi32>
      %gather3A_545 = tpu.vector_load_idx %arg21[%get3A_192, %broadcast_in_dim3A_530] : memref<10x32xf32, #tpu.memory_space<vmem>>[vector<16xi32>, vector<16xi32>], vector<16xf32>,
      tpu.vector_store_idx %arg23[%add3A_176, %add3A_544], %gather3A_545 : memref<128x128xf32, #tpu.memory_space<vmem>>[vector<16xi32>, vector<16xi32>], vector<16xf32>,
      %add3A_546 = arith.constant 96 : i32
      %add3A_547 = vector.broadcast %add3A_546 : i32 to vector<16xi32>
      %add3A_548 = arith.addi %broadcast_in_dim3A_530, %add3A_547 : vector<16xi32>
      %gather3A_549 = tpu.vector_load_idx %arg22[%get3A_194, %broadcast_in_dim3A_530] : memref<250x32xf32, #tpu.memory_space<vmem>>[vector<16xi32>, vector<16xi32>], vector<16xf32>,
      tpu.vector_store_idx %arg23[%add3A_176, %add3A_548], %gather3A_549 : memref<128x128xf32, #tpu.memory_space<vmem>>[vector<16xi32>, vector<16xi32>], vector<16xf32>,
      %broadcast_in_dim3A_550 = arith.constant 17 : i32
      %broadcast_in_dim3A_551 = vector.broadcast %broadcast_in_dim3A_550 : i32 to vector<16xi32>
      %add3A_552 = arith.constant 17 : i32
      %add3A_553 = vector.broadcast %add3A_552 : i32 to vector<16xi32>
      %add3A_554 = arith.addi %mul3A_182, %add3A_553 : vector<16xi32>
      %gather3A_555 = tpu.vector_load_idx %arg18[%add3A_176, %add3A_554] : memref<128x128xf32, #tpu.memory_space<vmem>>[vector<16xi32>, vector<16xi32>], vector<16xf32>,
      tpu.vector_store_idx %arg23[%add3A_176, %broadcast_in_dim3A_551], %gather3A_555 : memref<128x128xf32, #tpu.memory_space<vmem>>[vector<16xi32>, vector<16xi32>], vector<16xf32>,
      %add3A_556 = arith.constant 32 : i32
      %add3A_557 = vector.broadcast %add3A_556 : i32 to vector<16xi32>
      %add3A_558 = arith.addi %broadcast_in_dim3A_551, %add3A_557 : vector<16xi32>
      %add3A_559 = arith.constant 17 : i32
      %add3A_560 = vector.broadcast %add3A_559 : i32 to vector<16xi32>
      %add3A_561 = arith.addi %mul3A_190, %add3A_560 : vector<16xi32>
      %gather3A_562 = tpu.vector_load_idx %arg20[%add3A_176, %add3A_561] : memref<128x128xf32, #tpu.memory_space<vmem>>[vector<16xi32>, vector<16xi32>], vector<16xf32>,
      tpu.vector_store_idx %arg23[%add3A_176, %add3A_558], %gather3A_562 : memref<128x128xf32, #tpu.memory_space<vmem>>[vector<16xi32>, vector<16xi32>], vector<16xf32>,
      %add3A_563 = arith.constant 64 : i32
      %add3A_564 = vector.broadcast %add3A_563 : i32 to vector<16xi32>
      %add3A_565 = arith.addi %broadcast_in_dim3A_551, %add3A_564 : vector<16xi32>
      %gather3A_566 = tpu.vector_load_idx %arg21[%get3A_192, %broadcast_in_dim3A_551] : memref<10x32xf32, #tpu.memory_space<vmem>>[vector<16xi32>, vector<16xi32>], vector<16xf32>,
      tpu.vector_store_idx %arg23[%add3A_176, %add3A_565], %gather3A_566 : memref<128x128xf32, #tpu.memory_space<vmem>>[vector<16xi32>, vector<16xi32>], vector<16xf32>,
      %add3A_567 = arith.constant 96 : i32
      %add3A_568 = vector.broadcast %add3A_567 : i32 to vector<16xi32>
      %add3A_569 = arith.addi %broadcast_in_dim3A_551, %add3A_568 : vector<16xi32>
      %gather3A_570 = tpu.vector_load_idx %arg22[%get3A_194, %broadcast_in_dim3A_551] : memref<250x32xf32, #tpu.memory_space<vmem>>[vector<16xi32>, vector<16xi32>], vector<16xf32>,
      tpu.vector_store_idx %arg23[%add3A_176, %add3A_569], %gather3A_570 : memref<128x128xf32, #tpu.memory_space<vmem>>[vector<16xi32>, vector<16xi32>], vector<16xf32>,
      %broadcast_in_dim3A_571 = arith.constant 18 : i32
      %broadcast_in_dim3A_572 = vector.broadcast %broadcast_in_dim3A_571 : i32 to vector<16xi32>
      %add3A_573 = arith.constant 18 : i32
      %add3A_574 = vector.broadcast %add3A_573 : i32 to vector<16xi32>
      %add3A_575 = arith.addi %mul3A_182, %add3A_574 : vector<16xi32>
      %gather3A_576 = tpu.vector_load_idx %arg18[%add3A_176, %add3A_575] : memref<128x128xf32, #tpu.memory_space<vmem>>[vector<16xi32>, vector<16xi32>], vector<16xf32>,
      tpu.vector_store_idx %arg23[%add3A_176, %broadcast_in_dim3A_572], %gather3A_576 : memref<128x128xf32, #tpu.memory_space<vmem>>[vector<16xi32>, vector<16xi32>], vector<16xf32>,
      %add3A_577 = arith.constant 32 : i32
      %add3A_578 = vector.broadcast %add3A_577 : i32 to vector<16xi32>
      %add3A_579 = arith.addi %broadcast_in_dim3A_572, %add3A_578 : vector<16xi32>
      %add3A_580 = arith.constant 18 : i32
      %add3A_581 = vector.broadcast %add3A_580 : i32 to vector<16xi32>
      %add3A_582 = arith.addi %mul3A_190, %add3A_581 : vector<16xi32>
      %gather3A_583 = tpu.vector_load_idx %arg20[%add3A_176, %add3A_582] : memref<128x128xf32, #tpu.memory_space<vmem>>[vector<16xi32>, vector<16xi32>], vector<16xf32>,
      tpu.vector_store_idx %arg23[%add3A_176, %add3A_579], %gather3A_583 : memref<128x128xf32, #tpu.memory_space<vmem>>[vector<16xi32>, vector<16xi32>], vector<16xf32>,
      %add3A_584 = arith.constant 64 : i32
      %add3A_585 = vector.broadcast %add3A_584 : i32 to vector<16xi32>
      %add3A_586 = arith.addi %broadcast_in_dim3A_572, %add3A_585 : vector<16xi32>
      %gather3A_587 = tpu.vector_load_idx %arg21[%get3A_192, %broadcast_in_dim3A_572] : memref<10x32xf32, #tpu.memory_space<vmem>>[vector<16xi32>, vector<16xi32>], vector<16xf32>,
      tpu.vector_store_idx %arg23[%add3A_176, %add3A_586], %gather3A_587 : memref<128x128xf32, #tpu.memory_space<vmem>>[vector<16xi32>, vector<16xi32>], vector<16xf32>,
      %add3A_588 = arith.constant 96 : i32
      %add3A_589 = vector.broadcast %add3A_588 : i32 to vector<16xi32>
      %add3A_590 = arith.addi %broadcast_in_dim3A_572, %add3A_589 : vector<16xi32>
      %gather3A_591 = tpu.vector_load_idx %arg22[%get3A_194, %broadcast_in_dim3A_572] : memref<250x32xf32, #tpu.memory_space<vmem>>[vector<16xi32>, vector<16xi32>], vector<16xf32>,
      tpu.vector_store_idx %arg23[%add3A_176, %add3A_590], %gather3A_591 : memref<128x128xf32, #tpu.memory_space<vmem>>[vector<16xi32>, vector<16xi32>], vector<16xf32>,
      %broadcast_in_dim3A_592 = arith.constant 19 : i32
      %broadcast_in_dim3A_593 = vector.broadcast %broadcast_in_dim3A_592 : i32 to vector<16xi32>
      %add3A_594 = arith.constant 19 : i32
      %add3A_595 = vector.broadcast %add3A_594 : i32 to vector<16xi32>
      %add3A_596 = arith.addi %mul3A_182, %add3A_595 : vector<16xi32>
      %gather3A_597 = tpu.vector_load_idx %arg18[%add3A_176, %add3A_596] : memref<128x128xf32, #tpu.memory_space<vmem>>[vector<16xi32>, vector<16xi32>], vector<16xf32>,
      tpu.vector_store_idx %arg23[%add3A_176, %broadcast_in_dim3A_593], %gather3A_597 : memref<128x128xf32, #tpu.memory_space<vmem>>[vector<16xi32>, vector<16xi32>], vector<16xf32>,
      %add3A_598 = arith.constant 32 : i32
      %add3A_599 = vector.broadcast %add3A_598 : i32 to vector<16xi32>
      %add3A_600 = arith.addi %broadcast_in_dim3A_593, %add3A_599 : vector<16xi32>
      %add3A_601 = arith.constant 19 : i32
      %add3A_602 = vector.broadcast %add3A_601 : i32 to vector<16xi32>
      %add3A_603 = arith.addi %mul3A_190, %add3A_602 : vector<16xi32>
      %gather3A_604 = tpu.vector_load_idx %arg20[%add3A_176, %add3A_603] : memref<128x128xf32, #tpu.memory_space<vmem>>[vector<16xi32>, vector<16xi32>], vector<16xf32>,
      tpu.vector_store_idx %arg23[%add3A_176, %add3A_600], %gather3A_604 : memref<128x128xf32, #tpu.memory_space<vmem>>[vector<16xi32>, vector<16xi32>], vector<16xf32>,
      %add3A_605 = arith.constant 64 : i32
      %add3A_606 = vector.broadcast %add3A_605 : i32 to vector<16xi32>
      %add3A_607 = arith.addi %broadcast_in_dim3A_593, %add3A_606 : vector<16xi32>
      %gather3A_608 = tpu.vector_load_idx %arg21[%get3A_192, %broadcast_in_dim3A_593] : memref<10x32xf32, #tpu.memory_space<vmem>>[vector<16xi32>, vector<16xi32>], vector<16xf32>,
      tpu.vector_store_idx %arg23[%add3A_176, %add3A_607], %gather3A_608 : memref<128x128xf32, #tpu.memory_space<vmem>>[vector<16xi32>, vector<16xi32>], vector<16xf32>,
      %add3A_609 = arith.constant 96 : i32
      %add3A_610 = vector.broadcast %add3A_609 : i32 to vector<16xi32>
      %add3A_611 = arith.addi %broadcast_in_dim3A_593, %add3A_610 : vector<16xi32>
      %gather3A_612 = tpu.vector_load_idx %arg22[%get3A_194, %broadcast_in_dim3A_593] : memref<250x32xf32, #tpu.memory_space<vmem>>[vector<16xi32>, vector<16xi32>], vector<16xf32>,
      tpu.vector_store_idx %arg23[%add3A_176, %add3A_611], %gather3A_612 : memref<128x128xf32, #tpu.memory_space<vmem>>[vector<16xi32>, vector<16xi32>], vector<16xf32>,
      %broadcast_in_dim3A_613 = arith.constant 20 : i32
      %broadcast_in_dim3A_614 = vector.broadcast %broadcast_in_dim3A_613 : i32 to vector<16xi32>
      %add3A_615 = arith.constant 20 : i32
      %add3A_616 = vector.broadcast %add3A_615 : i32 to vector<16xi32>
      %add3A_617 = arith.addi %mul3A_182, %add3A_616 : vector<16xi32>
      %gather3A_618 = tpu.vector_load_idx %arg18[%add3A_176, %add3A_617] : memref<128x128xf32, #tpu.memory_space<vmem>>[vector<16xi32>, vector<16xi32>], vector<16xf32>,
      tpu.vector_store_idx %arg23[%add3A_176, %broadcast_in_dim3A_614], %gather3A_618 : memref<128x128xf32, #tpu.memory_space<vmem>>[vector<16xi32>, vector<16xi32>], vector<16xf32>,
      %add3A_619 = arith.constant 32 : i32
      %add3A_620 = vector.broadcast %add3A_619 : i32 to vector<16xi32>
      %add3A_621 = arith.addi %broadcast_in_dim3A_614, %add3A_620 : vector<16xi32>
      %add3A_622 = arith.constant 20 : i32
      %add3A_623 = vector.broadcast %add3A_622 : i32 to vector<16xi32>
      %add3A_624 = arith.addi %mul3A_190, %add3A_623 : vector<16xi32>
      %gather3A_625 = tpu.vector_load_idx %arg20[%add3A_176, %add3A_624] : memref<128x128xf32, #tpu.memory_space<vmem>>[vector<16xi32>, vector<16xi32>], vector<16xf32>,
      tpu.vector_store_idx %arg23[%add3A_176, %add3A_621], %gather3A_625 : memref<128x128xf32, #tpu.memory_space<vmem>>[vector<16xi32>, vector<16xi32>], vector<16xf32>,
      %add3A_626 = arith.constant 64 : i32
      %add3A_627 = vector.broadcast %add3A_626 : i32 to vector<16xi32>
      %add3A_628 = arith.addi %broadcast_in_dim3A_614, %add3A_627 : vector<16xi32>
      %gather3A_629 = tpu.vector_load_idx %arg21[%get3A_192, %broadcast_in_dim3A_614] : memref<10x32xf32, #tpu.memory_space<vmem>>[vector<16xi32>, vector<16xi32>], vector<16xf32>,
      tpu.vector_store_idx %arg23[%add3A_176, %add3A_628], %gather3A_629 : memref<128x128xf32, #tpu.memory_space<vmem>>[vector<16xi32>, vector<16xi32>], vector<16xf32>,
      %add3A_630 = arith.constant 96 : i32
      %add3A_631 = vector.broadcast %add3A_630 : i32 to vector<16xi32>
      %add3A_632 = arith.addi %broadcast_in_dim3A_614, %add3A_631 : vector<16xi32>
      %gather3A_633 = tpu.vector_load_idx %arg22[%get3A_194, %broadcast_in_dim3A_614] : memref<250x32xf32, #tpu.memory_space<vmem>>[vector<16xi32>, vector<16xi32>], vector<16xf32>,
      tpu.vector_store_idx %arg23[%add3A_176, %add3A_632], %gather3A_633 : memref<128x128xf32, #tpu.memory_space<vmem>>[vector<16xi32>, vector<16xi32>], vector<16xf32>,
      %broadcast_in_dim3A_634 = arith.constant 21 : i32
      %broadcast_in_dim3A_635 = vector.broadcast %broadcast_in_dim3A_634 : i32 to vector<16xi32>
      %add3A_636 = arith.constant 21 : i32
      %add3A_637 = vector.broadcast %add3A_636 : i32 to vector<16xi32>
      %add3A_638 = arith.addi %mul3A_182, %add3A_637 : vector<16xi32>
      %gather3A_639 = tpu.vector_load_idx %arg18[%add3A_176, %add3A_638] : memref<128x128xf32, #tpu.memory_space<vmem>>[vector<16xi32>, vector<16xi32>], vector<16xf32>,
      tpu.vector_store_idx %arg23[%add3A_176, %broadcast_in_dim3A_635], %gather3A_639 : memref<128x128xf32, #tpu.memory_space<vmem>>[vector<16xi32>, vector<16xi32>], vector<16xf32>,
      %add3A_640 = arith.constant 32 : i32
      %add3A_641 = vector.broadcast %add3A_640 : i32 to vector<16xi32>
      %add3A_642 = arith.addi %broadcast_in_dim3A_635, %add3A_641 : vector<16xi32>
      %add3A_643 = arith.constant 21 : i32
      %add3A_644 = vector.broadcast %add3A_643 : i32 to vector<16xi32>
      %add3A_645 = arith.addi %mul3A_190, %add3A_644 : vector<16xi32>
      %gather3A_646 = tpu.vector_load_idx %arg20[%add3A_176, %add3A_645] : memref<128x128xf32, #tpu.memory_space<vmem>>[vector<16xi32>, vector<16xi32>], vector<16xf32>,
      tpu.vector_store_idx %arg23[%add3A_176, %add3A_642], %gather3A_646 : memref<128x128xf32, #tpu.memory_space<vmem>>[vector<16xi32>, vector<16xi32>], vector<16xf32>,
      %add3A_647 = arith.constant 64 : i32
      %add3A_648 = vector.broadcast %add3A_647 : i32 to vector<16xi32>
      %add3A_649 = arith.addi %broadcast_in_dim3A_635, %add3A_648 : vector<16xi32>
      %gather3A_650 = tpu.vector_load_idx %arg21[%get3A_192, %broadcast_in_dim3A_635] : memref<10x32xf32, #tpu.memory_space<vmem>>[vector<16xi32>, vector<16xi32>], vector<16xf32>,
      tpu.vector_store_idx %arg23[%add3A_176, %add3A_649], %gather3A_650 : memref<128x128xf32, #tpu.memory_space<vmem>>[vector<16xi32>, vector<16xi32>], vector<16xf32>,
      %add3A_651 = arith.constant 96 : i32
      %add3A_652 = vector.broadcast %add3A_651 : i32 to vector<16xi32>
      %add3A_653 = arith.addi %broadcast_in_dim3A_635, %add3A_652 : vector<16xi32>
      %gather3A_654 = tpu.vector_load_idx %arg22[%get3A_194, %broadcast_in_dim3A_635] : memref<250x32xf32, #tpu.memory_space<vmem>>[vector<16xi32>, vector<16xi32>], vector<16xf32>,
      tpu.vector_store_idx %arg23[%add3A_176, %add3A_653], %gather3A_654 : memref<128x128xf32, #tpu.memory_space<vmem>>[vector<16xi32>, vector<16xi32>], vector<16xf32>,
      %broadcast_in_dim3A_655 = arith.constant 22 : i32
      %broadcast_in_dim3A_656 = vector.broadcast %broadcast_in_dim3A_655 : i32 to vector<16xi32>
      %add3A_657 = arith.constant 22 : i32
      %add3A_658 = vector.broadcast %add3A_657 : i32 to vector<16xi32>
      %add3A_659 = arith.addi %mul3A_182, %add3A_658 : vector<16xi32>
      %gather3A_660 = tpu.vector_load_idx %arg18[%add3A_176, %add3A_659] : memref<128x128xf32, #tpu.memory_space<vmem>>[vector<16xi32>, vector<16xi32>], vector<16xf32>,
      tpu.vector_store_idx %arg23[%add3A_176, %broadcast_in_dim3A_656], %gather3A_660 : memref<128x128xf32, #tpu.memory_space<vmem>>[vector<16xi32>, vector<16xi32>], vector<16xf32>,
      %add3A_661 = arith.constant 32 : i32
      %add3A_662 = vector.broadcast %add3A_661 : i32 to vector<16xi32>
      %add3A_663 = arith.addi %broadcast_in_dim3A_656, %add3A_662 : vector<16xi32>
      %add3A_664 = arith.constant 22 : i32
      %add3A_665 = vector.broadcast %add3A_664 : i32 to vector<16xi32>
      %add3A_666 = arith.addi %mul3A_190, %add3A_665 : vector<16xi32>
      %gather3A_667 = tpu.vector_load_idx %arg20[%add3A_176, %add3A_666] : memref<128x128xf32, #tpu.memory_space<vmem>>[vector<16xi32>, vector<16xi32>], vector<16xf32>,
      tpu.vector_store_idx %arg23[%add3A_176, %add3A_663], %gather3A_667 : memref<128x128xf32, #tpu.memory_space<vmem>>[vector<16xi32>, vector<16xi32>], vector<16xf32>,
      %add3A_668 = arith.constant 64 : i32
      %add3A_669 = vector.broadcast %add3A_668 : i32 to vector<16xi32>
      %add3A_670 = arith.addi %broadcast_in_dim3A_656, %add3A_669 : vector<16xi32>
      %gather3A_671 = tpu.vector_load_idx %arg21[%get3A_192, %broadcast_in_dim3A_656] : memref<10x32xf32, #tpu.memory_space<vmem>>[vector<16xi32>, vector<16xi32>], vector<16xf32>,
      tpu.vector_store_idx %arg23[%add3A_176, %add3A_670], %gather3A_671 : memref<128x128xf32, #tpu.memory_space<vmem>>[vector<16xi32>, vector<16xi32>], vector<16xf32>,
      %add3A_672 = arith.constant 96 : i32
      %add3A_673 = vector.broadcast %add3A_672 : i32 to vector<16xi32>
      %add3A_674 = arith.addi %broadcast_in_dim3A_656, %add3A_673 : vector<16xi32>
      %gather3A_675 = tpu.vector_load_idx %arg22[%get3A_194, %broadcast_in_dim3A_656] : memref<250x32xf32, #tpu.memory_space<vmem>>[vector<16xi32>, vector<16xi32>], vector<16xf32>,
      tpu.vector_store_idx %arg23[%add3A_176, %add3A_674], %gather3A_675 : memref<128x128xf32, #tpu.memory_space<vmem>>[vector<16xi32>, vector<16xi32>], vector<16xf32>,
      %broadcast_in_dim3A_676 = arith.constant 23 : i32
      %broadcast_in_dim3A_677 = vector.broadcast %broadcast_in_dim3A_676 : i32 to vector<16xi32>
      %add3A_678 = arith.constant 23 : i32
      %add3A_679 = vector.broadcast %add3A_678 : i32 to vector<16xi32>
      %add3A_680 = arith.addi %mul3A_182, %add3A_679 : vector<16xi32>
      %gather3A_681 = tpu.vector_load_idx %arg18[%add3A_176, %add3A_680] : memref<128x128xf32, #tpu.memory_space<vmem>>[vector<16xi32>, vector<16xi32>], vector<16xf32>,
      tpu.vector_store_idx %arg23[%add3A_176, %broadcast_in_dim3A_677], %gather3A_681 : memref<128x128xf32, #tpu.memory_space<vmem>>[vector<16xi32>, vector<16xi32>], vector<16xf32>,
      %add3A_682 = arith.constant 32 : i32
      %add3A_683 = vector.broadcast %add3A_682 : i32 to vector<16xi32>
      %add3A_684 = arith.addi %broadcast_in_dim3A_677, %add3A_683 : vector<16xi32>
      %add3A_685 = arith.constant 23 : i32
      %add3A_686 = vector.broadcast %add3A_685 : i32 to vector<16xi32>
      %add3A_687 = arith.addi %mul3A_190, %add3A_686 : vector<16xi32>
      %gather3A_688 = tpu.vector_load_idx %arg20[%add3A_176, %add3A_687] : memref<128x128xf32, #tpu.memory_space<vmem>>[vector<16xi32>, vector<16xi32>], vector<16xf32>,
      tpu.vector_store_idx %arg23[%add3A_176, %add3A_684], %gather3A_688 : memref<128x128xf32, #tpu.memory_space<vmem>>[vector<16xi32>, vector<16xi32>], vector<16xf32>,
      %add3A_689 = arith.constant 64 : i32
      %add3A_690 = vector.broadcast %add3A_689 : i32 to vector<16xi32>
      %add3A_691 = arith.addi %broadcast_in_dim3A_677, %add3A_690 : vector<16xi32>
      %gather3A_692 = tpu.vector_load_idx %arg21[%get3A_192, %broadcast_in_dim3A_677] : memref<10x32xf32, #tpu.memory_space<vmem>>[vector<16xi32>, vector<16xi32>], vector<16xf32>,
      tpu.vector_store_idx %arg23[%add3A_176, %add3A_691], %gather3A_692 : memref<128x128xf32, #tpu.memory_space<vmem>>[vector<16xi32>, vector<16xi32>], vector<16xf32>,
      %add3A_693 = arith.constant 96 : i32
      %add3A_694 = vector.broadcast %add3A_693 : i32 to vector<16xi32>
      %add3A_695 = arith.addi %broadcast_in_dim3A_677, %add3A_694 : vector<16xi32>
      %gather3A_696 = tpu.vector_load_idx %arg22[%get3A_194, %broadcast_in_dim3A_677] : memref<250x32xf32, #tpu.memory_space<vmem>>[vector<16xi32>, vector<16xi32>], vector<16xf32>,
      tpu.vector_store_idx %arg23[%add3A_176, %add3A_695], %gather3A_696 : memref<128x128xf32, #tpu.memory_space<vmem>>[vector<16xi32>, vector<16xi32>], vector<16xf32>,
      %broadcast_in_dim3A_697 = arith.constant 24 : i32
      %broadcast_in_dim3A_698 = vector.broadcast %broadcast_in_dim3A_697 : i32 to vector<16xi32>
      %add3A_699 = arith.constant 24 : i32
      %add3A_700 = vector.broadcast %add3A_699 : i32 to vector<16xi32>
      %add3A_701 = arith.addi %mul3A_182, %add3A_700 : vector<16xi32>
      %gather3A_702 = tpu.vector_load_idx %arg18[%add3A_176, %add3A_701] : memref<128x128xf32, #tpu.memory_space<vmem>>[vector<16xi32>, vector<16xi32>], vector<16xf32>,
      tpu.vector_store_idx %arg23[%add3A_176, %broadcast_in_dim3A_698], %gather3A_702 : memref<128x128xf32, #tpu.memory_space<vmem>>[vector<16xi32>, vector<16xi32>], vector<16xf32>,
      %add3A_703 = arith.constant 32 : i32
      %add3A_704 = vector.broadcast %add3A_703 : i32 to vector<16xi32>
      %add3A_705 = arith.addi %broadcast_in_dim3A_698, %add3A_704 : vector<16xi32>
      %add3A_706 = arith.constant 24 : i32
      %add3A_707 = vector.broadcast %add3A_706 : i32 to vector<16xi32>
      %add3A_708 = arith.addi %mul3A_190, %add3A_707 : vector<16xi32>
      %gather3A_709 = tpu.vector_load_idx %arg20[%add3A_176, %add3A_708] : memref<128x128xf32, #tpu.memory_space<vmem>>[vector<16xi32>, vector<16xi32>], vector<16xf32>,
      tpu.vector_store_idx %arg23[%add3A_176, %add3A_705], %gather3A_709 : memref<128x128xf32, #tpu.memory_space<vmem>>[vector<16xi32>, vector<16xi32>], vector<16xf32>,
      %add3A_710 = arith.constant 64 : i32
      %add3A_711 = vector.broadcast %add3A_710 : i32 to vector<16xi32>
      %add3A_712 = arith.addi %broadcast_in_dim3A_698, %add3A_711 : vector<16xi32>
      %gather3A_713 = tpu.vector_load_idx %arg21[%get3A_192, %broadcast_in_dim3A_698] : memref<10x32xf32, #tpu.memory_space<vmem>>[vector<16xi32>, vector<16xi32>], vector<16xf32>,
      tpu.vector_store_idx %arg23[%add3A_176, %add3A_712], %gather3A_713 : memref<128x128xf32, #tpu.memory_space<vmem>>[vector<16xi32>, vector<16xi32>], vector<16xf32>,
      %add3A_714 = arith.constant 96 : i32
      %add3A_715 = vector.broadcast %add3A_714 : i32 to vector<16xi32>
      %add3A_716 = arith.addi %broadcast_in_dim3A_698, %add3A_715 : vector<16xi32>
      %gather3A_717 = tpu.vector_load_idx %arg22[%get3A_194, %broadcast_in_dim3A_698] : memref<250x32xf32, #tpu.memory_space<vmem>>[vector<16xi32>, vector<16xi32>], vector<16xf32>,
      tpu.vector_store_idx %arg23[%add3A_176, %add3A_716], %gather3A_717 : memref<128x128xf32, #tpu.memory_space<vmem>>[vector<16xi32>, vector<16xi32>], vector<16xf32>,
      %broadcast_in_dim3A_718 = arith.constant 25 : i32
      %broadcast_in_dim3A_719 = vector.broadcast %broadcast_in_dim3A_718 : i32 to vector<16xi32>
      %add3A_720 = arith.constant 25 : i32
      %add3A_721 = vector.broadcast %add3A_720 : i32 to vector<16xi32>
      %add3A_722 = arith.addi %mul3A_182, %add3A_721 : vector<16xi32>
      %gather3A_723 = tpu.vector_load_idx %arg18[%add3A_176, %add3A_722] : memref<128x128xf32, #tpu.memory_space<vmem>>[vector<16xi32>, vector<16xi32>], vector<16xf32>,
      tpu.vector_store_idx %arg23[%add3A_176, %broadcast_in_dim3A_719], %gather3A_723 : memref<128x128xf32, #tpu.memory_space<vmem>>[vector<16xi32>, vector<16xi32>], vector<16xf32>,
      %add3A_724 = arith.constant 32 : i32
      %add3A_725 = vector.broadcast %add3A_724 : i32 to vector<16xi32>
      %add3A_726 = arith.addi %broadcast_in_dim3A_719, %add3A_725 : vector<16xi32>
      %add3A_727 = arith.constant 25 : i32
      %add3A_728 = vector.broadcast %add3A_727 : i32 to vector<16xi32>
      %add3A_729 = arith.addi %mul3A_190, %add3A_728 : vector<16xi32>
      %gather3A_730 = tpu.vector_load_idx %arg20[%add3A_176, %add3A_729] : memref<128x128xf32, #tpu.memory_space<vmem>>[vector<16xi32>, vector<16xi32>], vector<16xf32>,
      tpu.vector_store_idx %arg23[%add3A_176, %add3A_726], %gather3A_730 : memref<128x128xf32, #tpu.memory_space<vmem>>[vector<16xi32>, vector<16xi32>], vector<16xf32>,
      %add3A_731 = arith.constant 64 : i32
      %add3A_732 = vector.broadcast %add3A_731 : i32 to vector<16xi32>
      %add3A_733 = arith.addi %broadcast_in_dim3A_719, %add3A_732 : vector<16xi32>
      %gather3A_734 = tpu.vector_load_idx %arg21[%get3A_192, %broadcast_in_dim3A_719] : memref<10x32xf32, #tpu.memory_space<vmem>>[vector<16xi32>, vector<16xi32>], vector<16xf32>,
      tpu.vector_store_idx %arg23[%add3A_176, %add3A_733], %gather3A_734 : memref<128x128xf32, #tpu.memory_space<vmem>>[vector<16xi32>, vector<16xi32>], vector<16xf32>,
      %add3A_735 = arith.constant 96 : i32
      %add3A_736 = vector.broadcast %add3A_735 : i32 to vector<16xi32>
      %add3A_737 = arith.addi %broadcast_in_dim3A_719, %add3A_736 : vector<16xi32>
      %gather3A_738 = tpu.vector_load_idx %arg22[%get3A_194, %broadcast_in_dim3A_719] : memref<250x32xf32, #tpu.memory_space<vmem>>[vector<16xi32>, vector<16xi32>], vector<16xf32>,
      tpu.vector_store_idx %arg23[%add3A_176, %add3A_737], %gather3A_738 : memref<128x128xf32, #tpu.memory_space<vmem>>[vector<16xi32>, vector<16xi32>], vector<16xf32>,
      %broadcast_in_dim3A_739 = arith.constant 26 : i32
      %broadcast_in_dim3A_740 = vector.broadcast %broadcast_in_dim3A_739 : i32 to vector<16xi32>
      %add3A_741 = arith.constant 26 : i32
      %add3A_742 = vector.broadcast %add3A_741 : i32 to vector<16xi32>
      %add3A_743 = arith.addi %mul3A_182, %add3A_742 : vector<16xi32>
      %gather3A_744 = tpu.vector_load_idx %arg18[%add3A_176, %add3A_743] : memref<128x128xf32, #tpu.memory_space<vmem>>[vector<16xi32>, vector<16xi32>], vector<16xf32>,
      tpu.vector_store_idx %arg23[%add3A_176, %broadcast_in_dim3A_740], %gather3A_744 : memref<128x128xf32, #tpu.memory_space<vmem>>[vector<16xi32>, vector<16xi32>], vector<16xf32>,
      %add3A_745 = arith.constant 32 : i32
      %add3A_746 = vector.broadcast %add3A_745 : i32 to vector<16xi32>
      %add3A_747 = arith.addi %broadcast_in_dim3A_740, %add3A_746 : vector<16xi32>
      %add3A_748 = arith.constant 26 : i32
      %add3A_749 = vector.broadcast %add3A_748 : i32 to vector<16xi32>
      %add3A_750 = arith.addi %mul3A_190, %add3A_749 : vector<16xi32>
      %gather3A_751 = tpu.vector_load_idx %arg20[%add3A_176, %add3A_750] : memref<128x128xf32, #tpu.memory_space<vmem>>[vector<16xi32>, vector<16xi32>], vector<16xf32>,
      tpu.vector_store_idx %arg23[%add3A_176, %add3A_747], %gather3A_751 : memref<128x128xf32, #tpu.memory_space<vmem>>[vector<16xi32>, vector<16xi32>], vector<16xf32>,
      %add3A_752 = arith.constant 64 : i32
      %add3A_753 = vector.broadcast %add3A_752 : i32 to vector<16xi32>
      %add3A_754 = arith.addi %broadcast_in_dim3A_740, %add3A_753 : vector<16xi32>
      %gather3A_755 = tpu.vector_load_idx %arg21[%get3A_192, %broadcast_in_dim3A_740] : memref<10x32xf32, #tpu.memory_space<vmem>>[vector<16xi32>, vector<16xi32>], vector<16xf32>,
      tpu.vector_store_idx %arg23[%add3A_176, %add3A_754], %gather3A_755 : memref<128x128xf32, #tpu.memory_space<vmem>>[vector<16xi32>, vector<16xi32>], vector<16xf32>,
      %add3A_756 = arith.constant 96 : i32
      %add3A_757 = vector.broadcast %add3A_756 : i32 to vector<16xi32>
      %add3A_758 = arith.addi %broadcast_in_dim3A_740, %add3A_757 : vector<16xi32>
      %gather3A_759 = tpu.vector_load_idx %arg22[%get3A_194, %broadcast_in_dim3A_740] : memref<250x32xf32, #tpu.memory_space<vmem>>[vector<16xi32>, vector<16xi32>], vector<16xf32>,
      tpu.vector_store_idx %arg23[%add3A_176, %add3A_758], %gather3A_759 : memref<128x128xf32, #tpu.memory_space<vmem>>[vector<16xi32>, vector<16xi32>], vector<16xf32>,
      %broadcast_in_dim3A_760 = arith.constant 27 : i32
      %broadcast_in_dim3A_761 = vector.broadcast %broadcast_in_dim3A_760 : i32 to vector<16xi32>
      %add3A_762 = arith.constant 27 : i32
      %add3A_763 = vector.broadcast %add3A_762 : i32 to vector<16xi32>
      %add3A_764 = arith.addi %mul3A_182, %add3A_763 : vector<16xi32>
      %gather3A_765 = tpu.vector_load_idx %arg18[%add3A_176, %add3A_764] : memref<128x128xf32, #tpu.memory_space<vmem>>[vector<16xi32>, vector<16xi32>], vector<16xf32>,
      tpu.vector_store_idx %arg23[%add3A_176, %broadcast_in_dim3A_761], %gather3A_765 : memref<128x128xf32, #tpu.memory_space<vmem>>[vector<16xi32>, vector<16xi32>], vector<16xf32>,
      %add3A_766 = arith.constant 32 : i32
      %add3A_767 = vector.broadcast %add3A_766 : i32 to vector<16xi32>
      %add3A_768 = arith.addi %broadcast_in_dim3A_761, %add3A_767 : vector<16xi32>
      %add3A_769 = arith.constant 27 : i32
      %add3A_770 = vector.broadcast %add3A_769 : i32 to vector<16xi32>
      %add3A_771 = arith.addi %mul3A_190, %add3A_770 : vector<16xi32>
      %gather3A_772 = tpu.vector_load_idx %arg20[%add3A_176, %add3A_771] : memref<128x128xf32, #tpu.memory_space<vmem>>[vector<16xi32>, vector<16xi32>], vector<16xf32>,
      tpu.vector_store_idx %arg23[%add3A_176, %add3A_768], %gather3A_772 : memref<128x128xf32, #tpu.memory_space<vmem>>[vector<16xi32>, vector<16xi32>], vector<16xf32>,
      %add3A_773 = arith.constant 64 : i32
      %add3A_774 = vector.broadcast %add3A_773 : i32 to vector<16xi32>
      %add3A_775 = arith.addi %broadcast_in_dim3A_761, %add3A_774 : vector<16xi32>
      %gather3A_776 = tpu.vector_load_idx %arg21[%get3A_192, %broadcast_in_dim3A_761] : memref<10x32xf32, #tpu.memory_space<vmem>>[vector<16xi32>, vector<16xi32>], vector<16xf32>,
      tpu.vector_store_idx %arg23[%add3A_176, %add3A_775], %gather3A_776 : memref<128x128xf32, #tpu.memory_space<vmem>>[vector<16xi32>, vector<16xi32>], vector<16xf32>,
      %add3A_777 = arith.constant 96 : i32
      %add3A_778 = vector.broadcast %add3A_777 : i32 to vector<16xi32>
      %add3A_779 = arith.addi %broadcast_in_dim3A_761, %add3A_778 : vector<16xi32>
      %gather3A_780 = tpu.vector_load_idx %arg22[%get3A_194, %broadcast_in_dim3A_761] : memref<250x32xf32, #tpu.memory_space<vmem>>[vector<16xi32>, vector<16xi32>], vector<16xf32>,
      tpu.vector_store_idx %arg23[%add3A_176, %add3A_779], %gather3A_780 : memref<128x128xf32, #tpu.memory_space<vmem>>[vector<16xi32>, vector<16xi32>], vector<16xf32>,
      %broadcast_in_dim3A_781 = arith.constant 28 : i32
      %broadcast_in_dim3A_782 = vector.broadcast %broadcast_in_dim3A_781 : i32 to vector<16xi32>
      %add3A_783 = arith.constant 28 : i32
      %add3A_784 = vector.broadcast %add3A_783 : i32 to vector<16xi32>
      %add3A_785 = arith.addi %mul3A_182, %add3A_784 : vector<16xi32>
      %gather3A_786 = tpu.vector_load_idx %arg18[%add3A_176, %add3A_785] : memref<128x128xf32, #tpu.memory_space<vmem>>[vector<16xi32>, vector<16xi32>], vector<16xf32>,
      tpu.vector_store_idx %arg23[%add3A_176, %broadcast_in_dim3A_782], %gather3A_786 : memref<128x128xf32, #tpu.memory_space<vmem>>[vector<16xi32>, vector<16xi32>], vector<16xf32>,
      %add3A_787 = arith.constant 32 : i32
      %add3A_788 = vector.broadcast %add3A_787 : i32 to vector<16xi32>
      %add3A_789 = arith.addi %broadcast_in_dim3A_782, %add3A_788 : vector<16xi32>
      %add3A_790 = arith.constant 28 : i32
      %add3A_791 = vector.broadcast %add3A_790 : i32 to vector<16xi32>
      %add3A_792 = arith.addi %mul3A_190, %add3A_791 : vector<16xi32>
      %gather3A_793 = tpu.vector_load_idx %arg20[%add3A_176, %add3A_792] : memref<128x128xf32, #tpu.memory_space<vmem>>[vector<16xi32>, vector<16xi32>], vector<16xf32>,
      tpu.vector_store_idx %arg23[%add3A_176, %add3A_789], %gather3A_793 : memref<128x128xf32, #tpu.memory_space<vmem>>[vector<16xi32>, vector<16xi32>], vector<16xf32>,
      %add3A_794 = arith.constant 64 : i32
      %add3A_795 = vector.broadcast %add3A_794 : i32 to vector<16xi32>
      %add3A_796 = arith.addi %broadcast_in_dim3A_782, %add3A_795 : vector<16xi32>
      %gather3A_797 = tpu.vector_load_idx %arg21[%get3A_192, %broadcast_in_dim3A_782] : memref<10x32xf32, #tpu.memory_space<vmem>>[vector<16xi32>, vector<16xi32>], vector<16xf32>,
      tpu.vector_store_idx %arg23[%add3A_176, %add3A_796], %gather3A_797 : memref<128x128xf32, #tpu.memory_space<vmem>>[vector<16xi32>, vector<16xi32>], vector<16xf32>,
      %add3A_798 = arith.constant 96 : i32
      %add3A_799 = vector.broadcast %add3A_798 : i32 to vector<16xi32>
      %add3A_800 = arith.addi %broadcast_in_dim3A_782, %add3A_799 : vector<16xi32>
      %gather3A_801 = tpu.vector_load_idx %arg22[%get3A_194, %broadcast_in_dim3A_782] : memref<250x32xf32, #tpu.memory_space<vmem>>[vector<16xi32>, vector<16xi32>], vector<16xf32>,
      tpu.vector_store_idx %arg23[%add3A_176, %add3A_800], %gather3A_801 : memref<128x128xf32, #tpu.memory_space<vmem>>[vector<16xi32>, vector<16xi32>], vector<16xf32>,
      %broadcast_in_dim3A_802 = arith.constant 29 : i32
      %broadcast_in_dim3A_803 = vector.broadcast %broadcast_in_dim3A_802 : i32 to vector<16xi32>
      %add3A_804 = arith.constant 29 : i32
      %add3A_805 = vector.broadcast %add3A_804 : i32 to vector<16xi32>
      %add3A_806 = arith.addi %mul3A_182, %add3A_805 : vector<16xi32>
      %gather3A_807 = tpu.vector_load_idx %arg18[%add3A_176, %add3A_806] : memref<128x128xf32, #tpu.memory_space<vmem>>[vector<16xi32>, vector<16xi32>], vector<16xf32>,
      tpu.vector_store_idx %arg23[%add3A_176, %broadcast_in_dim3A_803], %gather3A_807 : memref<128x128xf32, #tpu.memory_space<vmem>>[vector<16xi32>, vector<16xi32>], vector<16xf32>,
      %add3A_808 = arith.constant 32 : i32
      %add3A_809 = vector.broadcast %add3A_808 : i32 to vector<16xi32>
      %add3A_810 = arith.addi %broadcast_in_dim3A_803, %add3A_809 : vector<16xi32>
      %add3A_811 = arith.constant 29 : i32
      %add3A_812 = vector.broadcast %add3A_811 : i32 to vector<16xi32>
      %add3A_813 = arith.addi %mul3A_190, %add3A_812 : vector<16xi32>
      %gather3A_814 = tpu.vector_load_idx %arg20[%add3A_176, %add3A_813] : memref<128x128xf32, #tpu.memory_space<vmem>>[vector<16xi32>, vector<16xi32>], vector<16xf32>,
      tpu.vector_store_idx %arg23[%add3A_176, %add3A_810], %gather3A_814 : memref<128x128xf32, #tpu.memory_space<vmem>>[vector<16xi32>, vector<16xi32>], vector<16xf32>,
      %add3A_815 = arith.constant 64 : i32
      %add3A_816 = vector.broadcast %add3A_815 : i32 to vector<16xi32>
      %add3A_817 = arith.addi %broadcast_in_dim3A_803, %add3A_816 : vector<16xi32>
      %gather3A_818 = tpu.vector_load_idx %arg21[%get3A_192, %broadcast_in_dim3A_803] : memref<10x32xf32, #tpu.memory_space<vmem>>[vector<16xi32>, vector<16xi32>], vector<16xf32>,
      tpu.vector_store_idx %arg23[%add3A_176, %add3A_817], %gather3A_818 : memref<128x128xf32, #tpu.memory_space<vmem>>[vector<16xi32>, vector<16xi32>], vector<16xf32>,
      %add3A_819 = arith.constant 96 : i32
      %add3A_820 = vector.broadcast %add3A_819 : i32 to vector<16xi32>
      %add3A_821 = arith.addi %broadcast_in_dim3A_803, %add3A_820 : vector<16xi32>
      %gather3A_822 = tpu.vector_load_idx %arg22[%get3A_194, %broadcast_in_dim3A_803] : memref<250x32xf32, #tpu.memory_space<vmem>>[vector<16xi32>, vector<16xi32>], vector<16xf32>,
      tpu.vector_store_idx %arg23[%add3A_176, %add3A_821], %gather3A_822 : memref<128x128xf32, #tpu.memory_space<vmem>>[vector<16xi32>, vector<16xi32>], vector<16xf32>,
      %broadcast_in_dim3A_823 = arith.constant 30 : i32
      %broadcast_in_dim3A_824 = vector.broadcast %broadcast_in_dim3A_823 : i32 to vector<16xi32>
      %add3A_825 = arith.constant 30 : i32
      %add3A_826 = vector.broadcast %add3A_825 : i32 to vector<16xi32>
      %add3A_827 = arith.addi %mul3A_182, %add3A_826 : vector<16xi32>
      %gather3A_828 = tpu.vector_load_idx %arg18[%add3A_176, %add3A_827] : memref<128x128xf32, #tpu.memory_space<vmem>>[vector<16xi32>, vector<16xi32>], vector<16xf32>,
      tpu.vector_store_idx %arg23[%add3A_176, %broadcast_in_dim3A_824], %gather3A_828 : memref<128x128xf32, #tpu.memory_space<vmem>>[vector<16xi32>, vector<16xi32>], vector<16xf32>,
      %add3A_829 = arith.constant 32 : i32
      %add3A_830 = vector.broadcast %add3A_829 : i32 to vector<16xi32>
      %add3A_831 = arith.addi %broadcast_in_dim3A_824, %add3A_830 : vector<16xi32>
      %add3A_832 = arith.constant 30 : i32
      %add3A_833 = vector.broadcast %add3A_832 : i32 to vector<16xi32>
      %add3A_834 = arith.addi %mul3A_190, %add3A_833 : vector<16xi32>
      %gather3A_835 = tpu.vector_load_idx %arg20[%add3A_176, %add3A_834] : memref<128x128xf32, #tpu.memory_space<vmem>>[vector<16xi32>, vector<16xi32>], vector<16xf32>,
      tpu.vector_store_idx %arg23[%add3A_176, %add3A_831], %gather3A_835 : memref<128x128xf32, #tpu.memory_space<vmem>>[vector<16xi32>, vector<16xi32>], vector<16xf32>,
      %add3A_836 = arith.constant 64 : i32
      %add3A_837 = vector.broadcast %add3A_836 : i32 to vector<16xi32>
      %add3A_838 = arith.addi %broadcast_in_dim3A_824, %add3A_837 : vector<16xi32>
      %gather3A_839 = tpu.vector_load_idx %arg21[%get3A_192, %broadcast_in_dim3A_824] : memref<10x32xf32, #tpu.memory_space<vmem>>[vector<16xi32>, vector<16xi32>], vector<16xf32>,
      tpu.vector_store_idx %arg23[%add3A_176, %add3A_838], %gather3A_839 : memref<128x128xf32, #tpu.memory_space<vmem>>[vector<16xi32>, vector<16xi32>], vector<16xf32>,
      %add3A_840 = arith.constant 96 : i32
      %add3A_841 = vector.broadcast %add3A_840 : i32 to vector<16xi32>
      %add3A_842 = arith.addi %broadcast_in_dim3A_824, %add3A_841 : vector<16xi32>
      %gather3A_843 = tpu.vector_load_idx %arg22[%get3A_194, %broadcast_in_dim3A_824] : memref<250x32xf32, #tpu.memory_space<vmem>>[vector<16xi32>, vector<16xi32>], vector<16xf32>,
      tpu.vector_store_idx %arg23[%add3A_176, %add3A_842], %gather3A_843 : memref<128x128xf32, #tpu.memory_space<vmem>>[vector<16xi32>, vector<16xi32>], vector<16xf32>,
      %broadcast_in_dim3A_844 = arith.constant 31 : i32
      %broadcast_in_dim3A_845 = vector.broadcast %broadcast_in_dim3A_844 : i32 to vector<16xi32>
      %add3A_846 = arith.constant 31 : i32
      %add3A_847 = vector.broadcast %add3A_846 : i32 to vector<16xi32>
      %add3A_848 = arith.addi %mul3A_182, %add3A_847 : vector<16xi32>
      %gather3A_849 = tpu.vector_load_idx %arg18[%add3A_176, %add3A_848] : memref<128x128xf32, #tpu.memory_space<vmem>>[vector<16xi32>, vector<16xi32>], vector<16xf32>,
      tpu.vector_store_idx %arg23[%add3A_176, %broadcast_in_dim3A_845], %gather3A_849 : memref<128x128xf32, #tpu.memory_space<vmem>>[vector<16xi32>, vector<16xi32>], vector<16xf32>,
      %add3A_850 = arith.constant 32 : i32
      %add3A_851 = vector.broadcast %add3A_850 : i32 to vector<16xi32>
      %add3A_852 = arith.addi %broadcast_in_dim3A_845, %add3A_851 : vector<16xi32>
      %add3A_853 = arith.constant 31 : i32
      %add3A_854 = vector.broadcast %add3A_853 : i32 to vector<16xi32>
      %add3A_855 = arith.addi %mul3A_190, %add3A_854 : vector<16xi32>
      %gather3A_856 = tpu.vector_load_idx %arg20[%add3A_176, %add3A_855] : memref<128x128xf32, #tpu.memory_space<vmem>>[vector<16xi32>, vector<16xi32>], vector<16xf32>,
      tpu.vector_store_idx %arg23[%add3A_176, %add3A_852], %gather3A_856 : memref<128x128xf32, #tpu.memory_space<vmem>>[vector<16xi32>, vector<16xi32>], vector<16xf32>,
      %add3A_857 = arith.constant 64 : i32
      %add3A_858 = vector.broadcast %add3A_857 : i32 to vector<16xi32>
      %add3A_859 = arith.addi %broadcast_in_dim3A_845, %add3A_858 : vector<16xi32>
      %gather3A_860 = tpu.vector_load_idx %arg21[%get3A_192, %broadcast_in_dim3A_845] : memref<10x32xf32, #tpu.memory_space<vmem>>[vector<16xi32>, vector<16xi32>], vector<16xf32>,
      tpu.vector_store_idx %arg23[%add3A_176, %add3A_859], %gather3A_860 : memref<128x128xf32, #tpu.memory_space<vmem>>[vector<16xi32>, vector<16xi32>], vector<16xf32>,
      %add3A_861 = arith.constant 96 : i32
      %add3A_862 = vector.broadcast %add3A_861 : i32 to vector<16xi32>
      %add3A_863 = arith.addi %broadcast_in_dim3A_845, %add3A_862 : vector<16xi32>
      %gather3A_864 = tpu.vector_load_idx %arg22[%get3A_194, %broadcast_in_dim3A_845] : memref<250x32xf32, #tpu.memory_space<vmem>>[vector<16xi32>, vector<16xi32>], vector<16xf32>,
      tpu.vector_store_idx %arg23[%add3A_176, %add3A_863], %gather3A_864 : memref<128x128xf32, #tpu.memory_space<vmem>>[vector<16xi32>, vector<16xi32>], vector<16xf32>,
    }
    %scan3A_165 = arith.constant 8 : i32
    %add3A_166 = arith.constant 384 : i32
    %add3A_167 = arith.addi %mul3A_2, %add3A_166 : i32
    "tpu.region"() ({
      %run_scoped3A = tpu.sem_alloc : memref<!tpu.dma_semaphore, #tpu.memory_space<semaphore_mem>>
      %dma_start3A_168 = arith.constant 0 : i32
      %dma_start3A_169 = tpu.memref_slice %arg10[%add3A_167, %dma_start3A_168] : memref<16384x128xf32, #tpu.memory_space<hbm>> -> memref<128x128xf32, #tpu.memory_space<hbm>>
      %dma_start3A_170 = arith.constant 0 : i32
      %dma_start3A_171 = tpu.memref_slice %arg10[%add3A_167, %dma_start3A_170] : memref<16384x128xf32, #tpu.memory_space<hbm>> -> memref<128x128xf32, #tpu.memory_space<hbm>>
      tpu.enqueue_dma source(%arg23 : memref<128x128xf32, #tpu.memory_space<vmem>>) target(%dma_start3A_171 : memref<128x128xf32, #tpu.memory_space<hbm>>) target_semaphore(%run_scoped3A : memref<!tpu.dma_semaphore, #tpu.memory_space<semaphore_mem>>)
      %dma_wait3A_172 = arith.constant 0 : i32
      %dma_wait3A_173 = tpu.memref_slice %arg10[%add3A_167, %dma_wait3A_172] : memref<16384x128xf32, #tpu.memory_space<hbm>> -> memref<128x128xf32, #tpu.memory_space<hbm>>
      %dma_wait3A_174 = arith.constant 0 : i32
      %dma_wait3A_175 = tpu.memref_slice %arg10[%add3A_167, %dma_wait3A_174] : memref<16384x128xf32, #tpu.memory_space<hbm>> -> memref<128x128xf32, #tpu.memory_space<hbm>>
      tpu.wait_dma2 semaphore(%run_scoped3A : memref<!tpu.dma_semaphore, #tpu.memory_space<semaphore_mem>>) src(%arg23 : memref<128x128xf32, #tpu.memory_space<vmem>>) dst(%dma_wait3A_175 : memref<128x128xf32, #tpu.memory_space<hbm>>)
      tpu.yield
    }) : () -> ()
    return
  }
}

</mosaic_0001>

<sc_bundles>
// kernel: kernel.3.cloned.1.call-start
scs
__scs_entry_jumppad:
0x0: {  	(pc) =	sbr.rel $0x88, $3  }
0x1: {  	(tag) =	ssettag $0x0;
	lr =	simm.s32 $0x1  }
0x2: {  	[smem:$0x3F99] =	sst lr;
	_ =	strace $0xD0000000  }
0x3: {  	_ = 	snop  }
0x4: {  	_ = 	snop  }
0x5: {  	_ = 	snop  }
0x6: {  	_ = 	snop  }
0x7: {  	_ = 	snop  }
__scs_overlays_trampoline_lowered:
0x8: {  	[smem:$0x3FA8] =	sst s0  }
0x9: {  	[smem:$0x3FA9] =	sst s1  }
0xa: {  	[smem:$0x3FAA] =	sst s2  }
0xb: {  	[smem:$0x3FAB] =	sst s3  }
0xc: {  	[smem:$0x3FAC] =	sst s4  }
0xd: {  	[smem:$0x3FAD] =	sst s5  }
0xe: {  	[smem:$0x3FAE] =	sst s6  }
0xf: {  	[smem:$0x3FAF] =	sst s7  }
0x10: {  	[smem:$0x3FB0] =	sst s8  }
0x11: {  	[smem:$0x3FB1] =	sst s9;
	s0 =	simm.s32 @!p0 $0x0  }
0x12: {  	s1 =	sld [smem:$0x3F97];
	s0 =	simm.s32 @p0 $0x1  }
0x13: {  	[smem:$0x3FB2] =	sst s0;
	s0 =	simm.s32 @!p1 $0x0  }
0x14: {  	s2 =	sld [smem:$0x3F96];
	s0 =	simm.s32 @p1 $0x1  }
0x15: {  	[smem:$0x3FB3] =	sst s0;
	s0 =	simm.s32 @!p2 $0x0  }
0x16: {  	s3 =	sld [smem:$0x3FDB];
	s0 =	simm.s32 @p2 $0x1  }
0x17: {  	s4 =	simm.s32 $0x1BF5;
	[smem:$0x3FB5] =	sst s0  }
0x18: {  	s0 =	sld [smem:$0x3F98];
	_ =	swait.ge [sflag:s4], $0x0  }
0x19: {  	s7 =	sld [smem:$0x3F99]  }
0x1a: {  	s8 =	sadd.s32 $0xFFFFE003, lr  }
0x1b: {  	s9 =	sadd.s32 $0xFFFFFEF7, lr;
	s5 =	simm.s32 $0xFFFFFFFF;
	p2 =	slt.u32 s8, $0xFFFFF086  }
0x1c: {  	p1 =	slt.u32 s9, $0xF7A;
	s5 =	simm.s32 @!p2 $0x0  }
0x1d: {  	s5 =	simm.s32 @p1 $0x1;
	p0 =	seq.s32 s7, s2  }
0x1e: {  	s7 =	smul.u32 @!p0 $0xF7A, s2;
	p2 =	seq.s32 @!p0 s5, $0x0  }
0x1f: {  	s9 =	smul.u32 $0xF7A, s1;
	s8 =	simm.s32 @!p0 $0x1BF5;
	p2 =	por !p2, p0  }
0x20: {  	[sflag:s8] =	ssyncset.s32 @!p0 $0xFFFFF086;
	s6 =	sadd.s32 @!p0 s3, s7;
	s7 =	simm.s32 @!p0 $0x108  }
0x21: {  	s3 =	sadd.s32 s3, s9;
	s6 =	sadd.s32 @!p0 $0x88, s6;
	s7 =	simm.s32 @p2 $0x1082  }
0x22: {  	[simem:s7], [sflag:s8] =	dma.local @!p0 [hbm:s6], $0xF7A  }
0x23: {  	s9 =	sor.u32 $0xD0000000, s2;
	s6 =	simm.s32 $0x108;
	_ =	swait.ge @!p0 [sflag:s8], $0x0  }
0x24: {  	s3 =	sadd.s32 $0x88, s3;
	s6 =	simm.s32 @!p1 $0x1082;
	[sflag:s4] =	ssyncset.s32 $0xFFFFF086  }
0x25: {  	[simem:s6], [sflag:s4] =	dma.local [hbm:s3], $0xF7A  }
0x26: {  	[smem:$0x3F99] =	sst s1;
	(tag) =	ssettag s2;
	_ =	strace s9  }
0x27: {  	s1 =	sld [smem:$0x3FA9]  }
0x28: {  	s2 =	sld [smem:$0x3FAA]  }
0x29: {  	s4 =	sld [smem:$0x3FAC]  }
0x2a: {  	p0 =	seq.s32 s5, $0x0;
	s5 =	sld [smem:$0x3FAD]  }
0x2b: {  	s6 =	sld [smem:$0x3FAE]  }
0x2c: {  	s7 =	sld [smem:$0x3FAF]  }
0x2d: {  	s3 =	simm.s32 $0x108;
	s8 =	sld [smem:$0x3FB0]  }
0x2e: {  	s3 =	simm.s32 @!p0 $0x1082;
	s9 =	sld [smem:$0x3FB1]  }
0x2f: {  	lr =	sadd.s32 s0, s3;
	s0 =	sld [smem:$0x3FA8]  }
0x30: {  	s3 =	sld [smem:$0x3FAB]  }
0x31: {  	[smem:$0x3FB4] =	sst s10  }
0x32: {  	s10 =	sld [smem:$0x3FB2];
	_ =	sdelay $0x3  }
0x33: {  	p0 =	seq.s32 s10, $0x1;
	s10 =	sld [smem:$0x3FB4];
	_ =	sdelay $0x3  }
0x34: {  	[smem:$0x3FB4] =	sst s10  }
0x35: {  	s10 =	sld [smem:$0x3FB3];
	_ =	sdelay $0x3  }
0x36: {  	p1 =	seq.s32 s10, $0x1;
	s10 =	sld [smem:$0x3FB4];
	_ =	sdelay $0x3  }
0x37: {  	[smem:$0x3FB4] =	sst s10  }
0x38: {  	s10 =	sld [smem:$0x3FB5]  }
0x39: {  	_ = 	snop;
	(pc) =	sbr.ind lr, $3  }
0x3a: {  	_ = 	snop  }
0x3b: {  	_ = 	snop  }
0x3c: {  	p2 =	seq.s32 s10, $0x1;
	s10 =	sld [smem:$0x3FB4]  }
0x3d: {  	_ =	shalt  }
0x3e: {  	_ =	shalt  }
0x3f: {  	_ =	shalt  }
0x40: {  	_ =	shalt  }
0x41: {  	_ =	shalt  }
0x42: {  	_ =	shalt  }
0x43: {  	_ =	shalt  }
0x44: {  	_ =	shalt  }
0x45: {  	_ =	shalt  }
0x46: {  	_ =	shalt  }
0x47: {  	_ =	shalt  }
0x48: {  	_ =	shalt  }
0x49: {  	_ =	shalt  }
0x4a: {  	_ =	shalt  }
0x4b: {  	_ =	shalt  }
0x4c: {  	_ =	shalt  }
0x4d: {  	_ =	shalt  }
0x4e: {  	_ =	shalt  }
0x4f: {  	_ =	shalt  }
0x50: {  	_ =	shalt  }
0x51: {  	_ =	shalt  }
0x52: {  	_ =	shalt  }
0x53: {  	_ =	shalt  }
0x54: {  	_ =	shalt  }
0x55: {  	_ =	shalt  }
0x56: {  	_ =	shalt  }
0x57: {  	_ =	shalt  }
0x58: {  	_ =	shalt  }
0x59: {  	_ =	shalt  }
0x5a: {  	_ =	shalt  }
0x5b: {  	_ =	shalt  }
0x5c: {  	_ =	shalt  }
0x5d: {  	_ =	shalt  }
0x5e: {  	_ =	shalt  }
0x5f: {  	_ =	shalt  }
0x60: {  	_ =	shalt  }
0x61: {  	_ =	shalt  }
0x62: {  	_ =	shalt  }
0x63: {  	_ =	shalt  }
0x64: {  	_ =	shalt  }
0x65: {  	_ =	shalt  }
0x66: {  	_ =	shalt  }
0x67: {  	_ =	shalt  }
0x68: {  	_ =	shalt  }
0x69: {  	_ =	shalt  }
0x6a: {  	_ =	shalt  }
0x6b: {  	_ =	shalt  }
0x6c: {  	_ =	shalt  }
0x6d: {  	_ =	shalt  }
0x6e: {  	_ =	shalt  }
0x6f: {  	_ =	shalt  }
0x70: {  	_ =	shalt  }
0x71: {  	_ =	shalt  }
0x72: {  	_ =	shalt  }
0x73: {  	_ =	shalt  }
0x74: {  	_ =	shalt  }
0x75: {  	_ =	shalt  }
0x76: {  	_ =	shalt  }
0x77: {  	_ =	shalt  }
0x78: {  	_ =	shalt  }
0x79: {  	_ =	shalt  }
0x7a: {  	_ =	shalt  }
0x7b: {  	_ =	shalt  }
0x7c: {  	_ =	shalt  }
0x7d: {  	_ =	shalt  }
0x7e: {  	_ =	shalt  }
0x7f: {  	_ =	shalt  }
0x80: {  	_ =	shalt  }
0x81: {  	_ =	shalt  }
0x82: {  	_ =	shalt  }
0x83: {  	_ =	shalt  }
0x84: {  	_ =	shalt  }
0x85: {  	_ =	shalt  }
0x86: {  	_ =	shalt  }
0x87: {  	_ =	shalt  }
.Lfunc_end0:
.L_simem_size_0:
called_computation_lowered:
.L_overlay_start_0:
0x88: {  	s2 =	sld [smem:$0x3FD9]  }
0x89: {  	s3 =	sld [smem:$0x3FFE];
	_ =	sdelay $0x1  }
0x8a: {  	s1 =	srdreg.scid  }
0x8b: {  	s0 =	sand.u32 $0x1, s1  }
0x8c: {  	s17 =	sshll.u32 s0, $0xA;
	s2 =	sadd.s32 s3, s2  }
0x8d: {  	s2 =	sadd.s32 s2, s17  }
0x8e: {  	[smem:$0x3FC0] =	sst s2  }
0x8f: {  	_ = 	snop  }
0x90: {  	s2 =	sld [smem:$0x3FC9]  }
0x91: {  	s18 =	sld [smem:$0x3FC8]  }
0x92: {  	s4 =	sld [smem:$0x3FC7]  }
0x93: {  	s5 =	sld [smem:$0x3FC6]  }
0x94: {  	s6 =	sld [smem:$0x3FC3]  }
0x95: {  	s7 =	sld [smem:$0x3FD0];
	(tm) =	ssettm $0x1  }
0x96: {  	s8 =	sld [smem:$0x3FFB];
	_ =	sdelay $0x3  }
0x97: {  	_ =	strace s8  }
0x98: {  	s8 =	sld [smem:$0x3FFC];
	_ =	sdelay $0x3  }
0x99: {  	_ =	strace s8  }
0x9a: {  	s8 =	sld [smem:$0x3FFD];
	_ =	sdelay $0x3  }
0x9b: {  	_ =	strace s8  }
0x9c: {  	_ =	strace $0x8FFFFFFF  }
0x9d: {  	s19 =	sld [smem:$0x3FDB];
	_ =	sdelay $0x1  }
0x9e: {  	s9 =	simm.s32 $_scs_section_size  }
0x9f: {  	s10 =	simm.s32 $_size__tile_overlayer_lowered;
	s11 =	simm.s32 $_tile_overlayer_lowered  }
0xa0: {  	s22 =	simm.s32 $0x1BFF;
	s21 =	sshll.u32 s11, $0x1;
	s8 =	sadd.s32 s9, s19  }
0xa1: {  	s12 =	simm.s32 $0x0;
	s20 =	sshll.u32 s10, $0x1;
	s10 =	sadd.s32 s21, s8  }
0xa2: {  	[timem:s12], [sflag:s22] =	dma.local [hbm:s10], s20  }
0xa3: {  	_ =	swait.ge [sflag:s22], s20  }
0xa4: {  	s9 =	ssub.s32 $0x0, s20;
	[sflag:s22] =	ssyncset.done $0x0  }
0xa5: {  	[sflag:s22] =	ssyncadd.s32 s9;
	_ =	sdelay $0x1  }
0xa6: {  	s23 =	simm.s32 $0x1B8B  }
0xa7: {  	_ =	swait.ge [sflag:s23], $0x1  }
0xa8: {  	[sflag:s23] =	ssyncset.done $0x0  }
0xa9: {  	s25 =	simm.s32 $0x1B8E;
	s24 =	sld [smem:$0x3FFE];
	[sflag:s23] =	ssyncadd.s32 $0xFFFFFFFF  }
0xaa: {  	s26 =	simm.s32 $execute0_lowered;
	[smem:$0x3FD2] =	sst s25  }
0xab: {  	s10 =	sshll.u32 s26, $0x1;
	_ =	strace $0x80000046;
	[dreg:$0x1] =	wrdreg $0xFFFFFFFF  }
0xac: {  	s28 =	simm.s32 $_size_execute0_lowered;
	s8 =	sadd.s32 s8, s10;
	[dreg:$0x0] =	wrdreg $0x0  }
0xad: {  	s10 =	sshll.u32 s28, $0x1;
	[dreg:$0x2] =	wrdreg s8  }
0xae: {  	[dreg:$0x3] =	wrdreg s10  }
0xaf: {  	[dreg:$0x4] =	wrdreg $0xC0  }
0xb0: {  	_ =	task [dreg:s12], $0x5FFFF  }
0xb1: {  	[dreg:$0x1] =	wrdreg $0xFFFFFFFF  }
0xb2: {  	[dreg:$0x0] =	wrdreg $0x60  }
0xb3: {  	[dreg:$0x2] =	wrdreg s2  }
0xb4: {  	[dreg:$0x3] =	wrdreg s18  }
0xb5: {  	[dreg:$0x4] =	wrdreg s4  }
0xb6: {  	[dreg:$0x5] =	wrdreg s5  }
0xb7: {  	[dreg:$0x6] =	wrdreg s24  }
0xb8: {  	[dreg:$0x7] =	wrdreg s6  }
0xb9: {  	[dreg:$0x8] =	wrdreg s7  }
0xba: {  	[dreg:$0x9] =	wrdreg $0x9  }
0xbb: {  	_ =	task.clear_ibuf [dreg:s12], $0xAFFFF;
	_ =	strace $0x90000046  }
0xbc: {  	s29 =	simm.s32 $0x9;
	_ =	strace $0x80000048  }
0xbd: {  	_ =	swait.ge [sflag:s29], $0x1  }
0xbe: {  	[sflag:s29] =	ssyncadd.s32 $0xFFFFFFFF  }
0xbf: {  	_ =	strace $0x90000048  }
0xc0: {  	_ =	sfence  }
0xc1: {  	s30 =	sld [smem:$0x0];
	_ =	sdelay $0x2  }
0xc2: {  	s31 =	sshll.u32 s1, $0xD;
	s1 =	sshrl.u32 s1, $0x2  }
0xc3: {  	s3 =	sand.u32 $0x4000, s31;
	s1 =	sadd.s32 s1, s30  }
0xc4: {  	s0 =	sor.u32 s3, s0;
	s1 =	sshll.u32 s1, $0x11  }
0xc5: {  	s0 =	sor.u32 s1, s0  }
0xc6: {  	s0 =	sadd.s32 $0x8F2B, s0  }
0xc7: {  	[sflag:s0] =	ssyncadd.remote.s32 $0x1  }
0xc8: {  	_ =	sfence.sel $0xFFFF  }
0xc9: {  	[dreg:$0x0] =	wrdreg $0xFFFFFFFF;
	(pc) =	sbr.abs _section_cstart, $3  }
0xca: {  	[dreg:$0x1] =	wrdreg $0xFFFFFFFF  }
0xcb: {  	_ =	task.clear_ibuf [dreg:s12], $0x2FFFF;
	_ =	strace $0x9FFFFFFF  }
0xcc: {  	(tm) =	ssettm $0x7FFFFFFF  }
0xcd: {  	_ =	shalt  }
tec
execute0_lowered:
.L_overlay_start_1:
0x0: {  	(tag) =	ssettag $0x1  }
0x1: {  	s0 =	rddreg [dreg:$0x0]  }
0x2: {  	s1 =	rddreg [dreg:$0x1]  }
0x3: {  	s3 =	rddreg [dreg:$0x2]  }
0x4: {  	s10 =	rddreg [dreg:$0x3]  }
0x5: {  	s6 =	rddreg [dreg:$0x4]  }
0x6: {  	s11 =	rddreg [dreg:$0x6]  }
0x7: {  	s2 =	simm.s32 $0x0;
	s5 =	srdreg.scid;
	s8 =	stileid.u32  }
0x8: {  	s16 =	simm.s32 $0x3;
	s17 =	simm.s32 $0x10C00;
	s18 =	simm.s32 $0x11400  }
0x9: {  	s19 =	simm.s32 $0x80;
	s21 =	simm.s32 $0xC00;
	s23 =	simm.s32 $0x8C00  }
0xa: {  	s28 =	simm.s32 $0xCC00;
	s29 =	simm.s32 $0x1;
	s30 =	simm.s32 $0x2  }
0xb: {  	s31 =	simm.s32 $0x19400;
	s20 =	simm.s32 $0xB80;
	s22 =	simm.s32 $0x0  }
0xc: {  	[smem:$0x7FF] =	sst s2;
	s4 =	sadd.s32 $0xF42C00, s6;
	s5 =	sand.u32 $0x1, s5  }
0xd: {  	s8 =	sshll.u32 s8, $0xA;
	_ =	strace $0x80000047;
	s9 =	sshll.u32 s5, $0x9  }
0xe: {  	s7 =	ssub.s32 $0x2, s5;
	s5 =	sadd.s32 $0x187200, s6;
	s9 =	sor.u32 s9, s8  }
0xf: {  	s6 =	sadd.s32 $0x800, s6;
	s12 =	sshrl.u32 s7, $0x1;
	s25 =	sshrl.u32 s9, $0x3  }
0x10: {  	s15 =	ssub.s32 s7, s12;
	s26 =	sshll.u32 s9, $0x4;
	s7 =	sadd.s32 s0, s25  }
0x11: {  	s8 =	sadd.s32 s1, s25;
	s9 =	sadd.s32 s3, s25;
	s10 =	sadd.s32 s10, s25  }
0x12: {  	v0 =	vlaneseq.u32;
	s11 =	sadd.s32 s11, s26;
	s15 =	smax.u32 s15, $0x1;
	s25 =	simm.s32 $0x4C00  }
0x13: {  	v0 =	vmul.u32 $0x80, v0;
	s12 =	sadd.s32 $0x800, s11;
	s13 =	sadd.s32 $0x1000, s11;
	s14 =	sadd.s32 $0x1800, s11  }
.LBB2_1:
0x14: {  	[tilespmem:s2], [sflag:$0x3] =	stream.linear.gather [hbm4b:s7+s2], $0x200, $0x38;
	[tilespmem:$0x1D400] =	vst v63  }
0x15: {  	_ =	swait.ge [sflag:s16], $0x200  }
0x16: {  	[sflag:s16] =	ssyncset.done $0x0  }
0x17: {  	s24 =	simm.s32 $0x200;
	[sflag:s16] =	ssyncadd.s32 $0xFFFFFE00  }
0x18: {  	[tilespmem:s24], [sflag:$0x3] =	stream.linear.gather [hbm4b:s8+s2], $0x200, $0x38;
	[tilespmem:$0x1D400] =	vst v63  }
0x19: {  	_ =	swait.ge [sflag:s16], $0x200  }
0x1a: {  	[sflag:s16] =	ssyncset.done $0x0  }
0x1b: {  	s26 =	simm.s32 $0x400;
	[sflag:s16] =	ssyncadd.s32 $0xFFFFFE00  }
0x1c: {  	[tilespmem:s26], [sflag:$0x3] =	stream.linear.gather [hbm4b:s9+s2], $0x200, $0x38;
	[tilespmem:$0x1D400] =	vst v63  }
0x1d: {  	_ =	swait.ge [sflag:s16], $0x200  }
0x1e: {  	[sflag:s16] =	ssyncset.done $0x0  }
0x1f: {  	s0 =	simm.s32 $0x600;
	[sflag:s16] =	ssyncadd.s32 $0xFFFFFE00  }
0x20: {  	[tilespmem:s0], [sflag:$0x3] =	stream.linear.gather [hbm4b:s10+s2], $0x200, $0x38;
	[tilespmem:$0x1D400] =	vst v63  }
0x21: {  	_ =	swait.ge [sflag:s16], $0x200  }
0x22: {  	[sflag:s16] =	ssyncset.done $0x0  }
0x23: {  	[sflag:s16] =	ssyncadd.s32 $0xFFFFFE00  }
0x24: {  	s1 =	rddreg [dreg:$0x5]  }
0x25: {  	[tilespmem:s17], [sflag:$0x3] =	stream.linear.gather [hbm4b:s1+s2], $0x500, $0x38;
	[tilespmem:$0x1D400] =	vst v63  }
0x26: {  	_ =	swait.ge [sflag:s16], $0x500  }
0x27: {  	[sflag:s16] =	ssyncset.done $0x0  }
0x28: {  	[sflag:s16] =	ssyncadd.s32 $0xFFFFFB00  }
0x29: {  	[tilespmem:s18], [sflag:$0x3] =	stream.linear.gather [hbm4b:s6+s2], $0x7D00, $0x38;
	[tilespmem:$0x1D400] =	vst v63  }
0x2a: {  	_ =	swait.ge [sflag:s16], $0x7D00  }
0x2b: {  	[sflag:s16] =	ssyncset.done $0x0  }
0x2c: {  	[sflag:s16] =	ssyncadd.s32 $0xFFFF8300  }
0x2d: {  	v1 =	vld [tilespmem:$0x0]  }
0x2e: {  	v2 =	vld [tilespmem:$0x200]  }
0x2f: {  	v3 =	vld [tilespmem:$0x10]  }
0x30: {  	v4 =	vld [tilespmem:$0x210]  }
0x31: {  	v5 =	vld [tilespmem:$0x20]  }
0x32: {  	v6 =	vld [tilespmem:$0x220];
	v1 =	vshra.s32 v1, $0x2  }
0x33: {  	[tilespmem:$0x800] =	vst v1;
	v1 =	vshra.s32 v2, $0x2;
	v2 =	vld [tilespmem:$0x30]  }
0x34: {  	[tilespmem:$0xA00] =	vst v1;
	v1 =	vshra.s32 v3, $0x2;
	v3 =	vld [tilespmem:$0x230]  }
0x35: {  	v30 =	vld [tilespmem:$0x40];
	[tilespmem:$0x810] =	vst v1;
	v1 =	vshra.s32 v4, $0x2  }
0x36: {  	v31 =	vld [tilespmem:$0x240];
	[tilespmem:$0xA10] =	vst v1;
	v1 =	vshra.s32 v5, $0x2  }
0x37: {  	v32 =	vld [tilespmem:$0x50];
	[tilespmem:$0x820] =	vst v1;
	v1 =	vshra.s32 v6, $0x2  }
0x38: {  	[tilespmem:$0xA20] =	vst v1;
	v1 =	vshra.s32 v2, $0x2;
	v2 =	vld [tilespmem:$0x250]  }
0x39: {  	[tilespmem:$0x830] =	vst v1;
	v1 =	vshra.s32 v3, $0x2;
	v3 =	vld [tilespmem:$0x60]  }
0x3a: {  	v33 =	vld [tilespmem:$0x260];
	[tilespmem:$0xA30] =	vst v1;
	v1 =	vshra.s32 v30, $0x2  }
0x3b: {  	v34 =	vld [tilespmem:$0x70];
	[tilespmem:$0x840] =	vst v1;
	v1 =	vshra.s32 v31, $0x2  }
0x3c: {  	v35 =	vld [tilespmem:$0x270];
	[tilespmem:$0xA40] =	vst v1;
	v1 =	vshra.s32 v32, $0x2  }
0x3d: {  	[tilespmem:$0x850] =	vst v1;
	v1 =	vshra.s32 v2, $0x2;
	v2 =	vld [tilespmem:$0x80]  }
0x3e: {  	[tilespmem:$0xA50] =	vst v1;
	v1 =	vshra.s32 v3, $0x2;
	v3 =	vld [tilespmem:$0x280]  }
0x3f: {  	v36 =	vld [tilespmem:$0x90];
	[tilespmem:$0x860] =	vst v1;
	v1 =	vshra.s32 v33, $0x2  }
0x40: {  	v37 =	vld [tilespmem:$0x290];
	[tilespmem:$0xA60] =	vst v1;
	v1 =	vshra.s32 v34, $0x2  }
0x41: {  	v38 =	vld [tilespmem:$0xA0];
	[tilespmem:$0x870] =	vst v1;
	v1 =	vshra.s32 v35, $0x2  }
0x42: {  	[tilespmem:$0xA70] =	vst v1;
	v1 =	vshra.s32 v2, $0x2;
	v2 =	vld [tilespmem:$0x2A0]  }
0x43: {  	[tilespmem:$0x880] =	vst v1;
	v1 =	vshra.s32 v3, $0x2;
	v3 =	vld [tilespmem:$0xB0]  }
0x44: {  	v39 =	vld [tilespmem:$0x2B0];
	[tilespmem:$0xA80] =	vst v1;
	v1 =	vshra.s32 v36, $0x2  }
0x45: {  	v40 =	vld [tilespmem:$0xC0];
	[tilespmem:$0x890] =	vst v1;
	v1 =	vshra.s32 v37, $0x2  }
0x46: {  	v41 =	vld [tilespmem:$0x2C0];
	[tilespmem:$0xA90] =	vst v1;
	v1 =	vshra.s32 v38, $0x2  }
0x47: {  	[tilespmem:$0x8A0] =	vst v1;
	v1 =	vshra.s32 v2, $0x2;
	v2 =	vld [tilespmem:$0xD0]  }
0x48: {  	[tilespmem:$0xAA0] =	vst v1;
	v1 =	vshra.s32 v3, $0x2;
	v3 =	vld [tilespmem:$0x2D0]  }
0x49: {  	v42 =	vld [tilespmem:$0xE0];
	[tilespmem:$0x8B0] =	vst v1;
	v1 =	vshra.s32 v39, $0x2  }
0x4a: {  	v43 =	vld [tilespmem:$0x2E0];
	[tilespmem:$0xAB0] =	vst v1;
	v1 =	vshra.s32 v40, $0x2  }
0x4b: {  	v44 =	vld [tilespmem:$0xF0];
	[tilespmem:$0x8C0] =	vst v1;
	v1 =	vshra.s32 v41, $0x2  }
0x4c: {  	[tilespmem:$0xAC0] =	vst v1;
	v1 =	vshra.s32 v2, $0x2;
	v2 =	vld [tilespmem:$0x2F0]  }
0x4d: {  	[tilespmem:$0x8D0] =	vst v1;
	v1 =	vshra.s32 v3, $0x2;
	v3 =	vld [tilespmem:$0x100]  }
0x4e: {  	v45 =	vld [tilespmem:$0x300];
	[tilespmem:$0xAD0] =	vst v1;
	v1 =	vshra.s32 v42, $0x2  }
0x4f: {  	v46 =	vld [tilespmem:$0x110];
	[tilespmem:$0x8E0] =	vst v1;
	v1 =	vshra.s32 v43, $0x2  }
0x50: {  	v47 =	vld [tilespmem:$0x310];
	[tilespmem:$0xAE0] =	vst v1;
	v1 =	vshra.s32 v44, $0x2  }
0x51: {  	[tilespmem:$0x8F0] =	vst v1;
	v1 =	vshra.s32 v2, $0x2;
	v2 =	vld [tilespmem:$0x120]  }
0x52: {  	[tilespmem:$0xAF0] =	vst v1;
	v1 =	vshra.s32 v3, $0x2;
	v3 =	vld [tilespmem:$0x320]  }
0x53: {  	v48 =	vld [tilespmem:$0x130];
	[tilespmem:$0x900] =	vst v1;
	v1 =	vshra.s32 v45, $0x2  }
0x54: {  	v49 =	vld [tilespmem:$0x330];
	[tilespmem:$0xB00] =	vst v1;
	v1 =	vshra.s32 v46, $0x2  }
0x55: {  	v50 =	vld [tilespmem:$0x140];
	[tilespmem:$0x910] =	vst v1;
	v1 =	vshra.s32 v47, $0x2  }
0x56: {  	[tilespmem:$0xB10] =	vst v1;
	v1 =	vshra.s32 v2, $0x2;
	v2 =	vld [tilespmem:$0x340]  }
0x57: {  	[tilespmem:$0x920] =	vst v1;
	v1 =	vshra.s32 v3, $0x2;
	v3 =	vld [tilespmem:$0x150]  }
0x58: {  	v51 =	vld [tilespmem:$0x350];
	[tilespmem:$0xB20] =	vst v1;
	v1 =	vshra.s32 v48, $0x2  }
0x59: {  	v52 =	vld [tilespmem:$0x160];
	[tilespmem:$0x930] =	vst v1;
	v1 =	vshra.s32 v49, $0x2  }
0x5a: {  	v53 =	vld [tilespmem:$0x360];
	[tilespmem:$0xB30] =	vst v1;
	v1 =	vshra.s32 v50, $0x2  }
0x5b: {  	[tilespmem:$0x940] =	vst v1;
	v1 =	vshra.s32 v2, $0x2;
	v2 =	vld [tilespmem:$0x170]  }
0x5c: {  	[tilespmem:$0xB40] =	vst v1;
	v1 =	vshra.s32 v3, $0x2;
	v3 =	vld [tilespmem:$0x370]  }
0x5d: {  	v54 =	vld [tilespmem:$0x180];
	[tilespmem:$0x950] =	vst v1;
	v1 =	vshra.s32 v51, $0x2  }
0x5e: {  	v55 =	vld [tilespmem:$0x380];
	[tilespmem:$0xB50] =	vst v1;
	v1 =	vshra.s32 v52, $0x2  }
0x5f: {  	v56 =	vld [tilespmem:$0x190];
	[tilespmem:$0x960] =	vst v1;
	v1 =	vshra.s32 v53, $0x2  }
0x60: {  	[tilespmem:$0xB60] =	vst v1;
	v1 =	vshra.s32 v2, $0x2;
	v2 =	vld [tilespmem:$0x390]  }
0x61: {  	[tilespmem:$0x970] =	vst v1;
	v1 =	vshra.s32 v3, $0x2;
	v3 =	vld [tilespmem:$0x1A0]  }
0x62: {  	v57 =	vld [tilespmem:$0x3A0];
	[tilespmem:$0xB70] =	vst v1;
	v1 =	vshra.s32 v54, $0x2  }
0x63: {  	v58 =	vld [tilespmem:$0x1B0];
	[tilespmem:$0x980] =	vst v1;
	v1 =	vshra.s32 v55, $0x2  }
0x64: {  	v59 =	vld [tilespmem:$0x3B0];
	[tilespmem:$0xB80] =	vst v1;
	v1 =	vshra.s32 v56, $0x2  }
0x65: {  	[tilespmem:$0x990] =	vst v1;
	v1 =	vshra.s32 v2, $0x2;
	v2 =	vld [tilespmem:$0x1C0]  }
0x66: {  	[tilespmem:$0xB90] =	vst v1;
	v1 =	vshra.s32 v3, $0x2;
	v3 =	vld [tilespmem:$0x3C0]  }
0x67: {  	v60 =	vld [tilespmem:$0x1D0];
	[tilespmem:$0x9A0] =	vst v1;
	v1 =	vshra.s32 v57, $0x2  }
0x68: {  	v61 =	vld [tilespmem:$0x3D0];
	[tilespmem:$0xBA0] =	vst v1;
	v1 =	vshra.s32 v58, $0x2  }
0x69: {  	v62 =	vld [tilespmem:$0x1E0];
	[tilespmem:$0x9B0] =	vst v1;
	v1 =	vshra.s32 v59, $0x2  }
0x6a: {  	[tilespmem:$0xBB0] =	vst v1;
	v1 =	vshra.s32 v2, $0x2;
	v2 =	vld [tilespmem:$0x3E0]  }
0x6b: {  	[tilespmem:$0x9C0] =	vst v1;
	v1 =	vshra.s32 v3, $0x2;
	v3 =	vld [tilespmem:$0x1F0]  }
0x6c: {  	v63 =	vld [tilespmem:$0x3F0];
	[tilespmem:$0xBC0] =	vst v1;
	v1 =	vshra.s32 v60, $0x2  }
0x6d: {  	[tilespmem:$0x9D0] =	vst v1;
	v1 =	vshra.s32 v61, $0x2  }
0x6e: {  	[tilespmem:$0xBD0] =	vst v1;
	v1 =	vshra.s32 v62, $0x2  }
0x6f: {  	[tilespmem:$0x9E0] =	vst v1;
	v1 =	vshra.s32 v2, $0x2  }
0x70: {  	[tilespmem:$0xBE0] =	vst v1;
	v1 =	vshra.s32 v3, $0x2  }
0x71: {  	[tilespmem:$0x9F0] =	vst v1;
	v1 =	vshra.s32 v63, $0x2  }
0x72: {  	s3 =	simm.s32 $0x800;
	[tilespmem:$0xBF0] =	vst v1  }
0x73: {  	[tilespmem:s21], [sflag:$0x1] =	stream.indirect.gather [hbm4b:s4+s19], $0x80, s3, s19, $0xb8;
	[tilespmem:$0x1D400] =	vst v63  }
0x74: {  	s3 =	simm.s32 $0xA00  }
0x75: {  	[tilespmem:s23], [sflag:$0x2] =	stream.indirect.gather [hbm4b:s5+s19], $0x80, s3, s19, $0xb8;
	[tilespmem:$0x1D400] =	vst v63  }
0x76: {  	s3 =	simm.s32 $0x880  }
0x77: {  	[tilespmem:s25], [sflag:$0x1] =	stream.indirect.gather [hbm4b:s4+s19], $0x80, s3, s19, $0xb8;
	[tilespmem:$0x1D400] =	vst v63  }
0x78: {  	s3 =	simm.s32 $0xA80  }
0x79: {  	[tilespmem:s28], [sflag:$0x2] =	stream.indirect.gather [hbm4b:s5+s19], $0x80, s3, s19, $0xb8;
	[tilespmem:$0x1D400] =	vst v63  }
0x7a: {  	_ =	swait.ge [sflag:s29], $0x4000  }
0x7b: {  	[sflag:s29] =	ssyncset.done $0x0  }
0x7c: {  	[sflag:s29] =	ssyncadd.s32 $0xFFFFC000  }
0x7d: {  	_ =	swait.ge [sflag:s30], $0x4000  }
0x7e: {  	[sflag:s30] =	ssyncset.done $0x0  }
0x7f: {  	s1 =	simm.s32 $0x0;
	s3 =	simm.s32 $0x0;
	[sflag:s30] =	ssyncadd.s32 $0xFFFFC000  }
.LBB2_2:
0x80: {  	v1 =	vld [tilespmem:s3+$0x0];
	_ =	sdelay $0x3  }
0x81: {  	v2 =	vmov s1  }
0x82: {  	v2 =	vshll.u32 v2, $0x7;
	v1 =	vshll.u32 v1, $0x5  }
0x83: {  	v4 =	vld [tilespmem:s24+$0x0];
	v3 =	vand.u32 $0x60, v1;
	v1 =	vor.u32 v0, v2  }
0x84: {  	v2 =	vor.u32 v1, v3;
	_ =	sdelay $0x3  }
0x85: {  	v3 =	vshll.u32 v4, $0x5  }
0x86: {  	v3 =	vand.u32 $0x60, v3;
	v27 =	vld.idx.msk [tilespmem:v2+s21+$0x0], $0xffff  }
0x87: {  	v3 =	vor.u32 v1, v3  }
0x88: {  	v5 =	vld [tilespmem:s26+$0x0];
	_ =	sdelay $0x2  }
0x89: {  	v6 =	vld [tilespmem:s0+$0x0];
	[tilespmem:v1+s31+$0x0] =	vst.idx.msk $0xffff, v27  }
0x8a: {  	v8 =	vor.u32 $0x20, v1;
	v7 =	vld.idx.msk [tilespmem:v3+s23+$0x0], $0xffff  }
0x8b: {  	v4 =	vshll.u32 v5, $0x7;
	_ =	sdelay $0x3  }
0x8c: {  	[tilespmem:v8+s31+$0x0] =	vst.idx.msk $0xffff, v7  }
0x8d: {  	v28 =	vor.u32 $0x40, v1;
	v7 =	vld.idx.msk [tilespmem:v4+s17+$0x0], $0xffff  }
0x8e: {  	v5 =	vshll.u32 v6, $0x7;
	_ =	sdelay $0x3  }
0x8f: {  	[tilespmem:v28+s31+$0x0] =	vst.idx.msk $0xffff, v7  }
0x90: {  	v29 =	vor.u32 $0x60, v1;
	v6 =	vld.idx.msk [tilespmem:v5+s18+$0x0], $0xffff  }
0x91: {  	v30 =	vor.u32 $0x1, v2;
	_ =	sdelay $0x3  }
0x92: {  	[tilespmem:v29+s31+$0x0] =	vst.idx.msk $0xffff, v6  }
0x93: {  	v31 =	vor.u32 $0x1, v1;
	v6 =	vld.idx.msk [tilespmem:v30+s21+$0x0], $0xffff  }
0x94: {  	v32 =	vor.u32 $0x1, v3;
	_ =	sdelay $0x3  }
0x95: {  	[tilespmem:v31+s31+$0x0] =	vst.idx.msk $0xffff, v6  }
0x96: {  	v33 =	vor.u32 $0x21, v1;
	v6 =	vld.idx.msk [tilespmem:v32+s23+$0x0], $0xffff  }
0x97: {  	v34 =	vor.u32 $0x1, v4;
	_ =	sdelay $0x3  }
0x98: {  	[tilespmem:v33+s31+$0x0] =	vst.idx.msk $0xffff, v6  }
0x99: {  	v35 =	vor.u32 $0x41, v1;
	v6 =	vld.idx.msk [tilespmem:v34+s17+$0x0], $0xffff  }
0x9a: {  	v36 =	vor.u32 $0x1, v5;
	_ =	sdelay $0x3  }
0x9b: {  	[tilespmem:v35+s31+$0x0] =	vst.idx.msk $0xffff, v6  }
0x9c: {  	v37 =	vor.u32 $0x61, v1;
	v6 =	vld.idx.msk [tilespmem:v36+s18+$0x0], $0xffff  }
0x9d: {  	v38 =	vor.u32 $0x2, v2;
	_ =	sdelay $0x3  }
0x9e: {  	[tilespmem:v37+s31+$0x0] =	vst.idx.msk $0xffff, v6  }
0x9f: {  	v39 =	vor.u32 $0x2, v1;
	v6 =	vld.idx.msk [tilespmem:v38+s21+$0x0], $0xffff  }
0xa0: {  	v40 =	vor.u32 $0x2, v3;
	_ =	sdelay $0x3  }
0xa1: {  	[tilespmem:v39+s31+$0x0] =	vst.idx.msk $0xffff, v6  }
0xa2: {  	v41 =	vor.u32 $0x22, v1;
	v6 =	vld.idx.msk [tilespmem:v40+s23+$0x0], $0xffff  }
0xa3: {  	v42 =	vor.u32 $0x2, v4;
	_ =	sdelay $0x3  }
0xa4: {  	[tilespmem:v41+s31+$0x0] =	vst.idx.msk $0xffff, v6  }
0xa5: {  	v43 =	vor.u32 $0x42, v1;
	v6 =	vld.idx.msk [tilespmem:v42+s17+$0x0], $0xffff  }
0xa6: {  	v44 =	vor.u32 $0x2, v5;
	_ =	sdelay $0x3  }
0xa7: {  	[tilespmem:v43+s31+$0x0] =	vst.idx.msk $0xffff, v6  }
0xa8: {  	v45 =	vor.u32 $0x62, v1;
	v6 =	vld.idx.msk [tilespmem:v44+s18+$0x0], $0xffff  }
0xa9: {  	v46 =	vor.u32 $0x3, v2;
	_ =	sdelay $0x3  }
0xaa: {  	[tilespmem:v45+s31+$0x0] =	vst.idx.msk $0xffff, v6  }
0xab: {  	v47 =	vor.u32 $0x3, v1;
	v6 =	vld.idx.msk [tilespmem:v46+s21+$0x0], $0xffff  }
0xac: {  	v48 =	vor.u32 $0x3, v3;
	_ =	sdelay $0x3  }
0xad: {  	[tilespmem:v47+s31+$0x0] =	vst.idx.msk $0xffff, v6  }
0xae: {  	v49 =	vor.u32 $0x23, v1;
	v6 =	vld.idx.msk [tilespmem:v48+s23+$0x0], $0xffff  }
0xaf: {  	v50 =	vor.u32 $0x3, v4;
	_ =	sdelay $0x3  }
0xb0: {  	[tilespmem:v49+s31+$0x0] =	vst.idx.msk $0xffff, v6  }
0xb1: {  	v51 =	vor.u32 $0x43, v1;
	v6 =	vld.idx.msk [tilespmem:v50+s17+$0x0], $0xffff  }
0xb2: {  	v52 =	vor.u32 $0x3, v5;
	_ =	sdelay $0x3  }
0xb3: {  	[tilespmem:v51+s31+$0x0] =	vst.idx.msk $0xffff, v6  }
0xb4: {  	v53 =	vor.u32 $0x63, v1;
	v6 =	vld.idx.msk [tilespmem:v52+s18+$0x0], $0xffff  }
0xb5: {  	v54 =	vor.u32 $0x4, v2;
	_ =	sdelay $0x3  }
0xb6: {  	[tilespmem:v53+s31+$0x0] =	vst.idx.msk $0xffff, v6  }
0xb7: {  	v55 =	vor.u32 $0x4, v1;
	v6 =	vld.idx.msk [tilespmem:v54+s21+$0x0], $0xffff  }
0xb8: {  	v56 =	vor.u32 $0x4, v3;
	_ =	sdelay $0x3  }
0xb9: {  	[tilespmem:v55+s31+$0x0] =	vst.idx.msk $0xffff, v6  }
0xba: {  	v57 =	vor.u32 $0x24, v1;
	v6 =	vld.idx.msk [tilespmem:v56+s23+$0x0], $0xffff  }
0xbb: {  	v58 =	vor.u32 $0x4, v4;
	_ =	sdelay $0x3  }
0xbc: {  	[tilespmem:v57+s31+$0x0] =	vst.idx.msk $0xffff, v6  }
0xbd: {  	v59 =	vor.u32 $0x44, v1;
	v6 =	vld.idx.msk [tilespmem:v58+s17+$0x0], $0xffff  }
0xbe: {  	v60 =	vor.u32 $0x4, v5;
	_ =	sdelay $0x3  }
0xbf: {  	[tilespmem:v59+s31+$0x0] =	vst.idx.msk $0xffff, v6  }
0xc0: {  	v61 =	vor.u32 $0x64, v1;
	v6 =	vld.idx.msk [tilespmem:v60+s18+$0x0], $0xffff  }
0xc1: {  	v62 =	vor.u32 $0x5, v2;
	_ =	sdelay $0x3  }
0xc2: {  	[tilespmem:v61+s31+$0x0] =	vst.idx.msk $0xffff, v6  }
0xc3: {  	v63 =	vor.u32 $0x5, v1;
	v6 =	vld.idx.msk [tilespmem:v62+s21+$0x0], $0xffff  }
0xc4: {  	v12 =	vor.u32 $0x5, v3;
	_ =	sdelay $0x3  }
0xc5: {  	[tilespmem:v63+s31+$0x0] =	vst.idx.msk $0xffff, v6  }
0xc6: {  	v13 =	vor.u32 $0x25, v1;
	v6 =	vld.idx.msk [tilespmem:v12+s23+$0x0], $0xffff  }
0xc7: {  	v14 =	vor.u32 $0x5, v4;
	_ =	sdelay $0x3  }
0xc8: {  	[tilespmem:v13+s31+$0x0] =	vst.idx.msk $0xffff, v6  }
0xc9: {  	v15 =	vor.u32 $0x45, v1;
	v6 =	vld.idx.msk [tilespmem:v14+s17+$0x0], $0xffff  }
0xca: {  	v16 =	vor.u32 $0x5, v5;
	_ =	sdelay $0x3  }
0xcb: {  	[tilespmem:v15+s31+$0x0] =	vst.idx.msk $0xffff, v6  }
0xcc: {  	v17 =	vor.u32 $0x65, v1;
	v6 =	vld.idx.msk [tilespmem:v16+s18+$0x0], $0xffff  }
0xcd: {  	v18 =	vor.u32 $0x6, v2;
	_ =	sdelay $0x3  }
0xce: {  	[tilespmem:v17+s31+$0x0] =	vst.idx.msk $0xffff, v6  }
0xcf: {  	v19 =	vor.u32 $0x6, v1;
	v6 =	vld.idx.msk [tilespmem:v18+s21+$0x0], $0xffff  }
0xd0: {  	v20 =	vor.u32 $0x6, v3;
	_ =	sdelay $0x3  }
0xd1: {  	[tilespmem:v19+s31+$0x0] =	vst.idx.msk $0xffff, v6  }
0xd2: {  	v21 =	vor.u32 $0x26, v1;
	v6 =	vld.idx.msk [tilespmem:v20+s23+$0x0], $0xffff  }
0xd3: {  	v22 =	vor.u32 $0x6, v4;
	_ =	sdelay $0x3  }
0xd4: {  	[tilespmem:v21+s31+$0x0] =	vst.idx.msk $0xffff, v6  }
0xd5: {  	v23 =	vor.u32 $0x46, v1;
	v6 =	vld.idx.msk [tilespmem:v22+s17+$0x0], $0xffff  }
0xd6: {  	v24 =	vor.u32 $0x6, v5;
	_ =	sdelay $0x3  }
0xd7: {  	[tilespmem:v23+s31+$0x0] =	vst.idx.msk $0xffff, v6  }
0xd8: {  	v25 =	vor.u32 $0x66, v1;
	v6 =	vld.idx.msk [tilespmem:v24+s18+$0x0], $0xffff  }
0xd9: {  	v26 =	vor.u32 $0x7, v2;
	_ =	sdelay $0x3  }
0xda: {  	[tilespmem:v25+s31+$0x0] =	vst.idx.msk $0xffff, v6  }
0xdb: {  	v27 =	vor.u32 $0x7, v1;
	v6 =	vld.idx.msk [tilespmem:v26+s21+$0x0], $0xffff  }
0xdc: {  	v28 =	vor.u32 $0x7, v3;
	_ =	sdelay $0x3  }
0xdd: {  	[tilespmem:v27+s31+$0x0] =	vst.idx.msk $0xffff, v6  }
0xde: {  	v29 =	vor.u32 $0x27, v1;
	v6 =	vld.idx.msk [tilespmem:v28+s23+$0x0], $0xffff  }
0xdf: {  	v30 =	vor.u32 $0x7, v4;
	_ =	sdelay $0x3  }
0xe0: {  	[tilespmem:v29+s31+$0x0] =	vst.idx.msk $0xffff, v6  }
0xe1: {  	v31 =	vor.u32 $0x47, v1;
	v6 =	vld.idx.msk [tilespmem:v30+s17+$0x0], $0xffff  }
0xe2: {  	v32 =	vor.u32 $0x7, v5;
	_ =	sdelay $0x3  }
0xe3: {  	[tilespmem:v31+s31+$0x0] =	vst.idx.msk $0xffff, v6  }
0xe4: {  	v33 =	vor.u32 $0x67, v1;
	v6 =	vld.idx.msk [tilespmem:v32+s18+$0x0], $0xffff  }
0xe5: {  	v34 =	vor.u32 $0x8, v2;
	_ =	sdelay $0x3  }
0xe6: {  	[tilespmem:v33+s31+$0x0] =	vst.idx.msk $0xffff, v6  }
0xe7: {  	v35 =	vor.u32 $0x8, v1;
	v6 =	vld.idx.msk [tilespmem:v34+s21+$0x0], $0xffff  }
0xe8: {  	v36 =	vor.u32 $0x8, v3;
	_ =	sdelay $0x3  }
0xe9: {  	[tilespmem:v35+s31+$0x0] =	vst.idx.msk $0xffff, v6  }
0xea: {  	v37 =	vor.u32 $0x28, v1;
	v6 =	vld.idx.msk [tilespmem:v36+s23+$0x0], $0xffff  }
0xeb: {  	v38 =	vor.u32 $0x8, v4;
	_ =	sdelay $0x3  }
0xec: {  	[tilespmem:v37+s31+$0x0] =	vst.idx.msk $0xffff, v6  }
0xed: {  	v39 =	vor.u32 $0x48, v1;
	v6 =	vld.idx.msk [tilespmem:v38+s17+$0x0], $0xffff  }
0xee: {  	v40 =	vor.u32 $0x8, v5;
	_ =	sdelay $0x3  }
0xef: {  	[tilespmem:v39+s31+$0x0] =	vst.idx.msk $0xffff, v6  }
0xf0: {  	v41 =	vor.u32 $0x68, v1;
	v6 =	vld.idx.msk [tilespmem:v40+s18+$0x0], $0xffff  }
0xf1: {  	v42 =	vor.u32 $0x9, v2;
	_ =	sdelay $0x3  }
0xf2: {  	[tilespmem:v41+s31+$0x0] =	vst.idx.msk $0xffff, v6  }
0xf3: {  	v43 =	vor.u32 $0x9, v1;
	v6 =	vld.idx.msk [tilespmem:v42+s21+$0x0], $0xffff  }
0xf4: {  	v44 =	vor.u32 $0x9, v3;
	_ =	sdelay $0x3  }
0xf5: {  	[tilespmem:v43+s31+$0x0] =	vst.idx.msk $0xffff, v6  }
0xf6: {  	v45 =	vor.u32 $0x29, v1;
	v6 =	vld.idx.msk [tilespmem:v44+s23+$0x0], $0xffff  }
0xf7: {  	v46 =	vor.u32 $0x9, v4;
	_ =	sdelay $0x3  }
0xf8: {  	[tilespmem:v45+s31+$0x0] =	vst.idx.msk $0xffff, v6  }
0xf9: {  	v47 =	vor.u32 $0x49, v1;
	v6 =	vld.idx.msk [tilespmem:v46+s17+$0x0], $0xffff  }
0xfa: {  	v48 =	vor.u32 $0x9, v5;
	_ =	sdelay $0x3  }
0xfb: {  	[tilespmem:v47+s31+$0x0] =	vst.idx.msk $0xffff, v6  }
0xfc: {  	v49 =	vor.u32 $0x69, v1;
	v6 =	vld.idx.msk [tilespmem:v48+s18+$0x0], $0xffff  }
0xfd: {  	v50 =	vor.u32 $0xA, v2;
	_ =	sdelay $0x3  }
0xfe: {  	[tilespmem:v49+s31+$0x0] =	vst.idx.msk $0xffff, v6  }
0xff: {  	v51 =	vor.u32 $0xA, v1;
	v6 =	vld.idx.msk [tilespmem:v50+s21+$0x0], $0xffff  }
0x100: {  	v52 =	vor.u32 $0xA, v3;
	_ =	sdelay $0x3  }
0x101: {  	[tilespmem:v51+s31+$0x0] =	vst.idx.msk $0xffff, v6  }
0x102: {  	v53 =	vor.u32 $0x2A, v1;
	v6 =	vld.idx.msk [tilespmem:v52+s23+$0x0], $0xffff  }
0x103: {  	v54 =	vor.u32 $0xA, v4;
	_ =	sdelay $0x3  }
0x104: {  	[tilespmem:v53+s31+$0x0] =	vst.idx.msk $0xffff, v6  }
0x105: {  	v55 =	vor.u32 $0x4A, v1;
	v6 =	vld.idx.msk [tilespmem:v54+s17+$0x0], $0xffff  }
0x106: {  	v56 =	vor.u32 $0xA, v5;
	_ =	sdelay $0x3  }
0x107: {  	[tilespmem:v55+s31+$0x0] =	vst.idx.msk $0xffff, v6  }
0x108: {  	v57 =	vor.u32 $0x6A, v1;
	v6 =	vld.idx.msk [tilespmem:v56+s18+$0x0], $0xffff  }
0x109: {  	v58 =	vor.u32 $0xB, v2;
	_ =	sdelay $0x3  }
0x10a: {  	[tilespmem:v57+s31+$0x0] =	vst.idx.msk $0xffff, v6  }
0x10b: {  	v59 =	vor.u32 $0xB, v1;
	v6 =	vld.idx.msk [tilespmem:v58+s21+$0x0], $0xffff  }
0x10c: {  	v60 =	vor.u32 $0xB, v3;
	_ =	sdelay $0x3  }
0x10d: {  	[tilespmem:v59+s31+$0x0] =	vst.idx.msk $0xffff, v6  }
0x10e: {  	v61 =	vor.u32 $0x2B, v1;
	v6 =	vld.idx.msk [tilespmem:v60+s23+$0x0], $0xffff  }
0x10f: {  	v62 =	vor.u32 $0xB, v4;
	_ =	sdelay $0x3  }
0x110: {  	[tilespmem:v61+s31+$0x0] =	vst.idx.msk $0xffff, v6  }
0x111: {  	v63 =	vor.u32 $0x4B, v1;
	v6 =	vld.idx.msk [tilespmem:v62+s17+$0x0], $0xffff  }
0x112: {  	v12 =	vor.u32 $0xB, v5;
	_ =	sdelay $0x3  }
0x113: {  	[tilespmem:v63+s31+$0x0] =	vst.idx.msk $0xffff, v6  }
0x114: {  	v13 =	vor.u32 $0x6B, v1;
	v6 =	vld.idx.msk [tilespmem:v12+s18+$0x0], $0xffff  }
0x115: {  	v14 =	vor.u32 $0xC, v2;
	_ =	sdelay $0x3  }
0x116: {  	[tilespmem:v13+s31+$0x0] =	vst.idx.msk $0xffff, v6  }
0x117: {  	v15 =	vor.u32 $0xC, v1;
	v6 =	vld.idx.msk [tilespmem:v14+s21+$0x0], $0xffff  }
0x118: {  	v16 =	vor.u32 $0xC, v3;
	_ =	sdelay $0x3  }
0x119: {  	[tilespmem:v15+s31+$0x0] =	vst.idx.msk $0xffff, v6  }
0x11a: {  	v17 =	vor.u32 $0x2C, v1;
	v6 =	vld.idx.msk [tilespmem:v16+s23+$0x0], $0xffff  }
0x11b: {  	v18 =	vor.u32 $0xC, v4;
	_ =	sdelay $0x3  }
0x11c: {  	[tilespmem:v17+s31+$0x0] =	vst.idx.msk $0xffff, v6  }
0x11d: {  	v19 =	vor.u32 $0x4C, v1;
	v6 =	vld.idx.msk [tilespmem:v18+s17+$0x0], $0xffff  }
0x11e: {  	v20 =	vor.u32 $0xC, v5;
	_ =	sdelay $0x3  }
0x11f: {  	[tilespmem:v19+s31+$0x0] =	vst.idx.msk $0xffff, v6  }
0x120: {  	v21 =	vor.u32 $0x6C, v1;
	v6 =	vld.idx.msk [tilespmem:v20+s18+$0x0], $0xffff  }
0x121: {  	v22 =	vor.u32 $0xD, v2;
	_ =	sdelay $0x3  }
0x122: {  	[tilespmem:v21+s31+$0x0] =	vst.idx.msk $0xffff, v6  }
0x123: {  	v23 =	vor.u32 $0xD, v1;
	v6 =	vld.idx.msk [tilespmem:v22+s21+$0x0], $0xffff  }
0x124: {  	v24 =	vor.u32 $0xD, v3;
	_ =	sdelay $0x3  }
0x125: {  	[tilespmem:v23+s31+$0x0] =	vst.idx.msk $0xffff, v6  }
0x126: {  	v25 =	vor.u32 $0x2D, v1;
	v6 =	vld.idx.msk [tilespmem:v24+s23+$0x0], $0xffff  }
0x127: {  	v26 =	vor.u32 $0xD, v4;
	_ =	sdelay $0x3  }
0x128: {  	[tilespmem:v25+s31+$0x0] =	vst.idx.msk $0xffff, v6  }
0x129: {  	v27 =	vor.u32 $0x4D, v1;
	v6 =	vld.idx.msk [tilespmem:v26+s17+$0x0], $0xffff  }
0x12a: {  	v28 =	vor.u32 $0xD, v5;
	_ =	sdelay $0x3  }
0x12b: {  	[tilespmem:v27+s31+$0x0] =	vst.idx.msk $0xffff, v6  }
0x12c: {  	v29 =	vor.u32 $0x6D, v1;
	v6 =	vld.idx.msk [tilespmem:v28+s18+$0x0], $0xffff  }
0x12d: {  	v30 =	vor.u32 $0xE, v2;
	_ =	sdelay $0x3  }
0x12e: {  	[tilespmem:v29+s31+$0x0] =	vst.idx.msk $0xffff, v6  }
0x12f: {  	v31 =	vor.u32 $0xE, v1;
	v6 =	vld.idx.msk [tilespmem:v30+s21+$0x0], $0xffff  }
0x130: {  	v32 =	vor.u32 $0xE, v3;
	_ =	sdelay $0x3  }
0x131: {  	[tilespmem:v31+s31+$0x0] =	vst.idx.msk $0xffff, v6  }
0x132: {  	v33 =	vor.u32 $0x2E, v1;
	v6 =	vld.idx.msk [tilespmem:v32+s23+$0x0], $0xffff  }
0x133: {  	v34 =	vor.u32 $0xE, v4;
	_ =	sdelay $0x3  }
0x134: {  	[tilespmem:v33+s31+$0x0] =	vst.idx.msk $0xffff, v6  }
0x135: {  	v35 =	vor.u32 $0x4E, v1;
	v6 =	vld.idx.msk [tilespmem:v34+s17+$0x0], $0xffff  }
0x136: {  	v36 =	vor.u32 $0xE, v5;
	_ =	sdelay $0x3  }
0x137: {  	[tilespmem:v35+s31+$0x0] =	vst.idx.msk $0xffff, v6  }
0x138: {  	v37 =	vor.u32 $0x6E, v1;
	v6 =	vld.idx.msk [tilespmem:v36+s18+$0x0], $0xffff  }
0x139: {  	v38 =	vor.u32 $0xF, v2;
	_ =	sdelay $0x3  }
0x13a: {  	[tilespmem:v37+s31+$0x0] =	vst.idx.msk $0xffff, v6  }
0x13b: {  	v39 =	vor.u32 $0xF, v1;
	v6 =	vld.idx.msk [tilespmem:v38+s21+$0x0], $0xffff  }
0x13c: {  	v40 =	vor.u32 $0xF, v3;
	_ =	sdelay $0x3  }
0x13d: {  	[tilespmem:v39+s31+$0x0] =	vst.idx.msk $0xffff, v6  }
0x13e: {  	v41 =	vor.u32 $0x2F, v1;
	v6 =	vld.idx.msk [tilespmem:v40+s23+$0x0], $0xffff  }
0x13f: {  	v42 =	vor.u32 $0xF, v4;
	_ =	sdelay $0x3  }
0x140: {  	[tilespmem:v41+s31+$0x0] =	vst.idx.msk $0xffff, v6  }
0x141: {  	v43 =	vor.u32 $0x4F, v1;
	v6 =	vld.idx.msk [tilespmem:v42+s17+$0x0], $0xffff  }
0x142: {  	v44 =	vor.u32 $0xF, v5;
	_ =	sdelay $0x3  }
0x143: {  	[tilespmem:v43+s31+$0x0] =	vst.idx.msk $0xffff, v6  }
0x144: {  	v45 =	vor.u32 $0x6F, v1;
	v6 =	vld.idx.msk [tilespmem:v44+s18+$0x0], $0xffff  }
0x145: {  	v46 =	vor.u32 $0x10, v2;
	_ =	sdelay $0x3  }
0x146: {  	[tilespmem:v45+s31+$0x0] =	vst.idx.msk $0xffff, v6  }
0x147: {  	v47 =	vor.u32 $0x10, v1;
	v6 =	vld.idx.msk [tilespmem:v46+s21+$0x0], $0xffff  }
0x148: {  	v48 =	vor.u32 $0x10, v3;
	_ =	sdelay $0x3  }
0x149: {  	[tilespmem:v47+s31+$0x0] =	vst.idx.msk $0xffff, v6  }
0x14a: {  	v49 =	vor.u32 $0x30, v1;
	v6 =	vld.idx.msk [tilespmem:v48+s23+$0x0], $0xffff  }
0x14b: {  	v50 =	vor.u32 $0x10, v4;
	_ =	sdelay $0x3  }
0x14c: {  	[tilespmem:v49+s31+$0x0] =	vst.idx.msk $0xffff, v6  }
0x14d: {  	v51 =	vor.u32 $0x50, v1;
	v6 =	vld.idx.msk [tilespmem:v50+s17+$0x0], $0xffff  }
0x14e: {  	v52 =	vor.u32 $0x10, v5;
	_ =	sdelay $0x3  }
0x14f: {  	[tilespmem:v51+s31+$0x0] =	vst.idx.msk $0xffff, v6  }
0x150: {  	v53 =	vor.u32 $0x70, v1;
	v6 =	vld.idx.msk [tilespmem:v52+s18+$0x0], $0xffff  }
0x151: {  	v54 =	vor.u32 $0x11, v2;
	_ =	sdelay $0x3  }
0x152: {  	[tilespmem:v53+s31+$0x0] =	vst.idx.msk $0xffff, v6  }
0x153: {  	v55 =	vor.u32 $0x11, v1;
	v6 =	vld.idx.msk [tilespmem:v54+s21+$0x0], $0xffff  }
0x154: {  	v56 =	vor.u32 $0x11, v3;
	_ =	sdelay $0x3  }
0x155: {  	[tilespmem:v55+s31+$0x0] =	vst.idx.msk $0xffff, v6  }
0x156: {  	v57 =	vor.u32 $0x31, v1;
	v6 =	vld.idx.msk [tilespmem:v56+s23+$0x0], $0xffff  }
0x157: {  	v58 =	vor.u32 $0x11, v4;
	_ =	sdelay $0x3  }
0x158: {  	[tilespmem:v57+s31+$0x0] =	vst.idx.msk $0xffff, v6  }
0x159: {  	v59 =	vor.u32 $0x51, v1;
	v6 =	vld.idx.msk [tilespmem:v58+s17+$0x0], $0xffff  }
0x15a: {  	v60 =	vor.u32 $0x11, v5;
	_ =	sdelay $0x3  }
0x15b: {  	[tilespmem:v59+s31+$0x0] =	vst.idx.msk $0xffff, v6  }
0x15c: {  	v61 =	vor.u32 $0x71, v1;
	v6 =	vld.idx.msk [tilespmem:v60+s18+$0x0], $0xffff  }
0x15d: {  	v62 =	vor.u32 $0x12, v2;
	_ =	sdelay $0x3  }
0x15e: {  	[tilespmem:v61+s31+$0x0] =	vst.idx.msk $0xffff, v6  }
0x15f: {  	v63 =	vor.u32 $0x12, v1;
	v6 =	vld.idx.msk [tilespmem:v62+s21+$0x0], $0xffff  }
0x160: {  	v12 =	vor.u32 $0x12, v3;
	_ =	sdelay $0x3  }
0x161: {  	[tilespmem:v63+s31+$0x0] =	vst.idx.msk $0xffff, v6  }
0x162: {  	v13 =	vor.u32 $0x32, v1;
	v6 =	vld.idx.msk [tilespmem:v12+s23+$0x0], $0xffff  }
0x163: {  	v14 =	vor.u32 $0x12, v4;
	_ =	sdelay $0x3  }
0x164: {  	[tilespmem:v13+s31+$0x0] =	vst.idx.msk $0xffff, v6  }
0x165: {  	v15 =	vor.u32 $0x52, v1;
	v6 =	vld.idx.msk [tilespmem:v14+s17+$0x0], $0xffff  }
0x166: {  	v16 =	vor.u32 $0x12, v5;
	_ =	sdelay $0x3  }
0x167: {  	[tilespmem:v15+s31+$0x0] =	vst.idx.msk $0xffff, v6  }
0x168: {  	v17 =	vor.u32 $0x72, v1;
	v6 =	vld.idx.msk [tilespmem:v16+s18+$0x0], $0xffff  }
0x169: {  	v18 =	vor.u32 $0x13, v2;
	_ =	sdelay $0x3  }
0x16a: {  	[tilespmem:v17+s31+$0x0] =	vst.idx.msk $0xffff, v6  }
0x16b: {  	v19 =	vor.u32 $0x13, v1;
	v6 =	vld.idx.msk [tilespmem:v18+s21+$0x0], $0xffff  }
0x16c: {  	v20 =	vor.u32 $0x13, v3;
	_ =	sdelay $0x3  }
0x16d: {  	[tilespmem:v19+s31+$0x0] =	vst.idx.msk $0xffff, v6  }
0x16e: {  	v21 =	vor.u32 $0x33, v1;
	v6 =	vld.idx.msk [tilespmem:v20+s23+$0x0], $0xffff  }
0x16f: {  	v22 =	vor.u32 $0x13, v4;
	_ =	sdelay $0x3  }
0x170: {  	[tilespmem:v21+s31+$0x0] =	vst.idx.msk $0xffff, v6  }
0x171: {  	v23 =	vor.u32 $0x53, v1;
	v6 =	vld.idx.msk [tilespmem:v22+s17+$0x0], $0xffff  }
0x172: {  	v24 =	vor.u32 $0x13, v5;
	_ =	sdelay $0x3  }
0x173: {  	[tilespmem:v23+s31+$0x0] =	vst.idx.msk $0xffff, v6  }
0x174: {  	v25 =	vor.u32 $0x73, v1;
	v6 =	vld.idx.msk [tilespmem:v24+s18+$0x0], $0xffff  }
0x175: {  	v26 =	vor.u32 $0x14, v2;
	_ =	sdelay $0x3  }
0x176: {  	[tilespmem:v25+s31+$0x0] =	vst.idx.msk $0xffff, v6  }
0x177: {  	v27 =	vor.u32 $0x14, v1;
	v6 =	vld.idx.msk [tilespmem:v26+s21+$0x0], $0xffff  }
0x178: {  	v28 =	vor.u32 $0x14, v3;
	_ =	sdelay $0x3  }
0x179: {  	[tilespmem:v27+s31+$0x0] =	vst.idx.msk $0xffff, v6  }
0x17a: {  	v29 =	vor.u32 $0x34, v1;
	v6 =	vld.idx.msk [tilespmem:v28+s23+$0x0], $0xffff  }
0x17b: {  	v30 =	vor.u32 $0x14, v4;
	_ =	sdelay $0x3  }
0x17c: {  	[tilespmem:v29+s31+$0x0] =	vst.idx.msk $0xffff, v6  }
0x17d: {  	v31 =	vor.u32 $0x54, v1;
	v6 =	vld.idx.msk [tilespmem:v30+s17+$0x0], $0xffff  }
0x17e: {  	v32 =	vor.u32 $0x14, v5;
	_ =	sdelay $0x3  }
0x17f: {  	[tilespmem:v31+s31+$0x0] =	vst.idx.msk $0xffff, v6  }
0x180: {  	v33 =	vor.u32 $0x74, v1;
	v6 =	vld.idx.msk [tilespmem:v32+s18+$0x0], $0xffff  }
0x181: {  	v34 =	vor.u32 $0x15, v2;
	_ =	sdelay $0x3  }
0x182: {  	[tilespmem:v33+s31+$0x0] =	vst.idx.msk $0xffff, v6  }
0x183: {  	v35 =	vor.u32 $0x15, v1;
	v6 =	vld.idx.msk [tilespmem:v34+s21+$0x0], $0xffff  }
0x184: {  	v36 =	vor.u32 $0x15, v3;
	_ =	sdelay $0x3  }
0x185: {  	[tilespmem:v35+s31+$0x0] =	vst.idx.msk $0xffff, v6  }
0x186: {  	v37 =	vor.u32 $0x35, v1;
	v6 =	vld.idx.msk [tilespmem:v36+s23+$0x0], $0xffff  }
0x187: {  	v38 =	vor.u32 $0x15, v4;
	_ =	sdelay $0x3  }
0x188: {  	[tilespmem:v37+s31+$0x0] =	vst.idx.msk $0xffff, v6  }
0x189: {  	v39 =	vor.u32 $0x55, v1;
	v6 =	vld.idx.msk [tilespmem:v38+s17+$0x0], $0xffff  }
0x18a: {  	v40 =	vor.u32 $0x15, v5;
	_ =	sdelay $0x3  }
0x18b: {  	[tilespmem:v39+s31+$0x0] =	vst.idx.msk $0xffff, v6  }
0x18c: {  	v41 =	vor.u32 $0x75, v1;
	v6 =	vld.idx.msk [tilespmem:v40+s18+$0x0], $0xffff  }
0x18d: {  	v42 =	vor.u32 $0x16, v2;
	_ =	sdelay $0x3  }
0x18e: {  	[tilespmem:v41+s31+$0x0] =	vst.idx.msk $0xffff, v6  }
0x18f: {  	v43 =	vor.u32 $0x16, v1;
	v6 =	vld.idx.msk [tilespmem:v42+s21+$0x0], $0xffff  }
0x190: {  	v44 =	vor.u32 $0x16, v3;
	_ =	sdelay $0x3  }
0x191: {  	[tilespmem:v43+s31+$0x0] =	vst.idx.msk $0xffff, v6  }
0x192: {  	v45 =	vor.u32 $0x36, v1;
	v6 =	vld.idx.msk [tilespmem:v44+s23+$0x0], $0xffff  }
0x193: {  	v46 =	vor.u32 $0x16, v4;
	_ =	sdelay $0x3  }
0x194: {  	[tilespmem:v45+s31+$0x0] =	vst.idx.msk $0xffff, v6  }
0x195: {  	v47 =	vor.u32 $0x56, v1;
	v6 =	vld.idx.msk [tilespmem:v46+s17+$0x0], $0xffff  }
0x196: {  	v48 =	vor.u32 $0x16, v5;
	_ =	sdelay $0x3  }
0x197: {  	[tilespmem:v47+s31+$0x0] =	vst.idx.msk $0xffff, v6  }
0x198: {  	v49 =	vor.u32 $0x76, v1;
	v6 =	vld.idx.msk [tilespmem:v48+s18+$0x0], $0xffff  }
0x199: {  	v50 =	vor.u32 $0x17, v2;
	_ =	sdelay $0x3  }
0x19a: {  	[tilespmem:v49+s31+$0x0] =	vst.idx.msk $0xffff, v6  }
0x19b: {  	v51 =	vor.u32 $0x17, v1;
	v6 =	vld.idx.msk [tilespmem:v50+s21+$0x0], $0xffff  }
0x19c: {  	v52 =	vor.u32 $0x17, v3;
	_ =	sdelay $0x3  }
0x19d: {  	[tilespmem:v51+s31+$0x0] =	vst.idx.msk $0xffff, v6  }
0x19e: {  	v53 =	vor.u32 $0x37, v1;
	v6 =	vld.idx.msk [tilespmem:v52+s23+$0x0], $0xffff  }
0x19f: {  	v54 =	vor.u32 $0x17, v4;
	_ =	sdelay $0x3  }
0x1a0: {  	[tilespmem:v53+s31+$0x0] =	vst.idx.msk $0xffff, v6  }
0x1a1: {  	v55 =	vor.u32 $0x57, v1;
	v6 =	vld.idx.msk [tilespmem:v54+s17+$0x0], $0xffff  }
0x1a2: {  	v56 =	vor.u32 $0x17, v5;
	_ =	sdelay $0x3  }
0x1a3: {  	[tilespmem:v55+s31+$0x0] =	vst.idx.msk $0xffff, v6  }
0x1a4: {  	v57 =	vor.u32 $0x77, v1;
	v6 =	vld.idx.msk [tilespmem:v56+s18+$0x0], $0xffff  }
0x1a5: {  	v58 =	vor.u32 $0x18, v2;
	_ =	sdelay $0x3  }
0x1a6: {  	[tilespmem:v57+s31+$0x0] =	vst.idx.msk $0xffff, v6  }
0x1a7: {  	v59 =	vor.u32 $0x18, v1;
	v6 =	vld.idx.msk [tilespmem:v58+s21+$0x0], $0xffff  }
0x1a8: {  	v60 =	vor.u32 $0x18, v3;
	_ =	sdelay $0x3  }
0x1a9: {  	[tilespmem:v59+s31+$0x0] =	vst.idx.msk $0xffff, v6  }
0x1aa: {  	v61 =	vor.u32 $0x38, v1;
	v6 =	vld.idx.msk [tilespmem:v60+s23+$0x0], $0xffff  }
0x1ab: {  	v62 =	vor.u32 $0x18, v4;
	_ =	sdelay $0x3  }
0x1ac: {  	[tilespmem:v61+s31+$0x0] =	vst.idx.msk $0xffff, v6  }
0x1ad: {  	v63 =	vor.u32 $0x58, v1;
	v6 =	vld.idx.msk [tilespmem:v62+s17+$0x0], $0xffff  }
0x1ae: {  	v12 =	vor.u32 $0x18, v5;
	_ =	sdelay $0x3  }
0x1af: {  	[tilespmem:v63+s31+$0x0] =	vst.idx.msk $0xffff, v6  }
0x1b0: {  	v13 =	vor.u32 $0x78, v1;
	v6 =	vld.idx.msk [tilespmem:v12+s18+$0x0], $0xffff  }
0x1b1: {  	v14 =	vor.u32 $0x19, v2;
	_ =	sdelay $0x3  }
0x1b2: {  	[tilespmem:v13+s31+$0x0] =	vst.idx.msk $0xffff, v6  }
0x1b3: {  	v15 =	vor.u32 $0x19, v1;
	v6 =	vld.idx.msk [tilespmem:v14+s21+$0x0], $0xffff  }
0x1b4: {  	v16 =	vor.u32 $0x19, v3;
	_ =	sdelay $0x3  }
0x1b5: {  	[tilespmem:v15+s31+$0x0] =	vst.idx.msk $0xffff, v6  }
0x1b6: {  	v17 =	vor.u32 $0x39, v1;
	v6 =	vld.idx.msk [tilespmem:v16+s23+$0x0], $0xffff  }
0x1b7: {  	v18 =	vor.u32 $0x19, v4;
	_ =	sdelay $0x3  }
0x1b8: {  	[tilespmem:v17+s31+$0x0] =	vst.idx.msk $0xffff, v6  }
0x1b9: {  	v19 =	vor.u32 $0x59, v1;
	v6 =	vld.idx.msk [tilespmem:v18+s17+$0x0], $0xffff  }
0x1ba: {  	v20 =	vor.u32 $0x19, v5;
	_ =	sdelay $0x3  }
0x1bb: {  	[tilespmem:v19+s31+$0x0] =	vst.idx.msk $0xffff, v6  }
0x1bc: {  	v21 =	vor.u32 $0x79, v1;
	v6 =	vld.idx.msk [tilespmem:v20+s18+$0x0], $0xffff  }
0x1bd: {  	v22 =	vor.u32 $0x1A, v2;
	_ =	sdelay $0x3  }
0x1be: {  	[tilespmem:v21+s31+$0x0] =	vst.idx.msk $0xffff, v6  }
0x1bf: {  	v23 =	vor.u32 $0x1A, v1;
	v6 =	vld.idx.msk [tilespmem:v22+s21+$0x0], $0xffff  }
0x1c0: {  	v24 =	vor.u32 $0x1A, v3;
	_ =	sdelay $0x3  }
0x1c1: {  	[tilespmem:v23+s31+$0x0] =	vst.idx.msk $0xffff, v6  }
0x1c2: {  	v25 =	vor.u32 $0x3A, v1;
	v6 =	vld.idx.msk [tilespmem:v24+s23+$0x0], $0xffff  }
0x1c3: {  	v26 =	vor.u32 $0x1A, v4;
	_ =	sdelay $0x3  }
0x1c4: {  	[tilespmem:v25+s31+$0x0] =	vst.idx.msk $0xffff, v6  }
0x1c5: {  	v27 =	vor.u32 $0x5A, v1;
	v6 =	vld.idx.msk [tilespmem:v26+s17+$0x0], $0xffff  }
0x1c6: {  	v28 =	vor.u32 $0x1A, v5;
	_ =	sdelay $0x3  }
0x1c7: {  	[tilespmem:v27+s31+$0x0] =	vst.idx.msk $0xffff, v6  }
0x1c8: {  	v29 =	vor.u32 $0x7A, v1;
	v6 =	vld.idx.msk [tilespmem:v28+s18+$0x0], $0xffff  }
0x1c9: {  	v30 =	vor.u32 $0x1B, v2;
	_ =	sdelay $0x3  }
0x1ca: {  	[tilespmem:v29+s31+$0x0] =	vst.idx.msk $0xffff, v6  }
0x1cb: {  	v31 =	vor.u32 $0x1B, v1;
	v6 =	vld.idx.msk [tilespmem:v30+s21+$0x0], $0xffff  }
0x1cc: {  	v32 =	vor.u32 $0x1B, v3;
	_ =	sdelay $0x3  }
0x1cd: {  	[tilespmem:v31+s31+$0x0] =	vst.idx.msk $0xffff, v6  }
0x1ce: {  	v33 =	vor.u32 $0x3B, v1;
	v6 =	vld.idx.msk [tilespmem:v32+s23+$0x0], $0xffff  }
0x1cf: {  	v34 =	vor.u32 $0x1B, v4;
	_ =	sdelay $0x3  }
0x1d0: {  	[tilespmem:v33+s31+$0x0] =	vst.idx.msk $0xffff, v6  }
0x1d1: {  	v35 =	vor.u32 $0x5B, v1;
	v6 =	vld.idx.msk [tilespmem:v34+s17+$0x0], $0xffff  }
0x1d2: {  	v36 =	vor.u32 $0x1B, v5;
	_ =	sdelay $0x3  }
0x1d3: {  	[tilespmem:v35+s31+$0x0] =	vst.idx.msk $0xffff, v6  }
0x1d4: {  	v37 =	vor.u32 $0x7B, v1;
	v6 =	vld.idx.msk [tilespmem:v36+s18+$0x0], $0xffff  }
0x1d5: {  	v38 =	vor.u32 $0x1C, v2;
	_ =	sdelay $0x3  }
0x1d6: {  	[tilespmem:v37+s31+$0x0] =	vst.idx.msk $0xffff, v6  }
0x1d7: {  	v39 =	vor.u32 $0x1C, v1;
	v6 =	vld.idx.msk [tilespmem:v38+s21+$0x0], $0xffff  }
0x1d8: {  	v40 =	vor.u32 $0x1C, v3;
	_ =	sdelay $0x3  }
0x1d9: {  	[tilespmem:v39+s31+$0x0] =	vst.idx.msk $0xffff, v6  }
0x1da: {  	v41 =	vor.u32 $0x3C, v1;
	v6 =	vld.idx.msk [tilespmem:v40+s23+$0x0], $0xffff  }
0x1db: {  	v42 =	vor.u32 $0x1C, v4;
	_ =	sdelay $0x3  }
0x1dc: {  	[tilespmem:v41+s31+$0x0] =	vst.idx.msk $0xffff, v6  }
0x1dd: {  	v43 =	vor.u32 $0x5C, v1;
	v6 =	vld.idx.msk [tilespmem:v42+s17+$0x0], $0xffff  }
0x1de: {  	v44 =	vor.u32 $0x1C, v5;
	_ =	sdelay $0x3  }
0x1df: {  	[tilespmem:v43+s31+$0x0] =	vst.idx.msk $0xffff, v6  }
0x1e0: {  	v45 =	vor.u32 $0x7C, v1;
	v6 =	vld.idx.msk [tilespmem:v44+s18+$0x0], $0xffff  }
0x1e1: {  	v46 =	vor.u32 $0x1D, v2;
	_ =	sdelay $0x3  }
0x1e2: {  	[tilespmem:v45+s31+$0x0] =	vst.idx.msk $0xffff, v6  }
0x1e3: {  	v47 =	vor.u32 $0x1D, v1;
	v6 =	vld.idx.msk [tilespmem:v46+s21+$0x0], $0xffff  }
0x1e4: {  	v48 =	vor.u32 $0x1D, v3;
	_ =	sdelay $0x3  }
0x1e5: {  	[tilespmem:v47+s31+$0x0] =	vst.idx.msk $0xffff, v6  }
0x1e6: {  	v49 =	vor.u32 $0x3D, v1;
	v6 =	vld.idx.msk [tilespmem:v48+s23+$0x0], $0xffff  }
0x1e7: {  	v50 =	vor.u32 $0x1D, v4;
	_ =	sdelay $0x3  }
0x1e8: {  	[tilespmem:v49+s31+$0x0] =	vst.idx.msk $0xffff, v6  }
0x1e9: {  	v51 =	vor.u32 $0x5D, v1;
	v6 =	vld.idx.msk [tilespmem:v50+s17+$0x0], $0xffff  }
0x1ea: {  	v52 =	vor.u32 $0x1D, v5;
	_ =	sdelay $0x3  }
0x1eb: {  	[tilespmem:v51+s31+$0x0] =	vst.idx.msk $0xffff, v6  }
0x1ec: {  	v53 =	vor.u32 $0x7D, v1;
	v6 =	vld.idx.msk [tilespmem:v52+s18+$0x0], $0xffff  }
0x1ed: {  	v54 =	vor.u32 $0x1E, v2;
	_ =	sdelay $0x3  }
0x1ee: {  	[tilespmem:v53+s31+$0x0] =	vst.idx.msk $0xffff, v6  }
0x1ef: {  	v55 =	vor.u32 $0x1E, v1;
	v6 =	vld.idx.msk [tilespmem:v54+s21+$0x0], $0xffff  }
0x1f0: {  	v56 =	vor.u32 $0x1E, v3;
	_ =	sdelay $0x3  }
0x1f1: {  	[tilespmem:v55+s31+$0x0] =	vst.idx.msk $0xffff, v6  }
0x1f2: {  	v57 =	vor.u32 $0x3E, v1;
	v6 =	vld.idx.msk [tilespmem:v56+s23+$0x0], $0xffff  }
0x1f3: {  	v58 =	vor.u32 $0x1E, v4;
	_ =	sdelay $0x3  }
0x1f4: {  	[tilespmem:v57+s31+$0x0] =	vst.idx.msk $0xffff, v6  }
0x1f5: {  	v59 =	vor.u32 $0x5E, v1;
	v6 =	vld.idx.msk [tilespmem:v58+s17+$0x0], $0xffff  }
0x1f6: {  	v60 =	vor.u32 $0x1E, v5;
	_ =	sdelay $0x3  }
0x1f7: {  	[tilespmem:v59+s31+$0x0] =	vst.idx.msk $0xffff, v6  }
0x1f8: {  	v61 =	vor.u32 $0x7E, v1;
	v6 =	vld.idx.msk [tilespmem:v60+s18+$0x0], $0xffff  }
0x1f9: {  	v2 =	vor.u32 $0x1F, v2;
	_ =	sdelay $0x3  }
0x1fa: {  	[tilespmem:v61+s31+$0x0] =	vst.idx.msk $0xffff, v6  }
0x1fb: {  	v62 =	vor.u32 $0x1F, v1;
	v2 =	vld.idx.msk [tilespmem:v2+s21+$0x0], $0xffff  }
0x1fc: {  	v3 =	vor.u32 $0x1F, v3;
	_ =	sdelay $0x3  }
0x1fd: {  	[tilespmem:v62+s31+$0x0] =	vst.idx.msk $0xffff, v2  }
0x1fe: {  	v2 =	vld.idx.msk [tilespmem:v3+s23+$0x0], $0xffff;
	v3 =	vor.u32 $0x3F, v1  }
0x1ff: {  	v4 =	vor.u32 $0x1F, v4;
	_ =	sdelay $0x3  }
0x200: {  	[tilespmem:v3+s31+$0x0] =	vst.idx.msk $0xffff, v2  }
0x201: {  	v3 =	vor.u32 $0x5F, v1;
	v2 =	vld.idx.msk [tilespmem:v4+s17+$0x0], $0xffff  }
0x202: {  	v63 =	vor.u32 $0x1F, v5;
	_ =	sdelay $0x3  }
0x203: {  	[tilespmem:v3+s31+$0x0] =	vst.idx.msk $0xffff, v2  }
0x204: {  	p0 =	sne.s32 s1, $0x70;
	v1 =	vor.u32 $0x7F, v1;
	v2 =	vld.idx.msk [tilespmem:v63+s18+$0x0], $0xffff  }
.Ltmp0:
0x205: {  	_ = 	snop;
	(pc) =	sbr.rel @p0 .LBB2_2-.Ltmp0, $3  }
0x206: {  	_ =	sdelay $0x1  }
0x207: {  	s3 =	sadd.s32 $0x10, s3;
	s24 =	sadd.s32 $0x10, s24  }
0x208: {  	s26 =	sadd.s32 $0x10, s26;
	s0 =	sadd.s32 $0x10, s0;
	s1 =	sadd.s32 $0x10, s1;
	[tilespmem:v1+s31+$0x0] =	vst.idx.msk $0xffff, v2  }
0x209: {  	s0 =	simm.s32 $0x0  }
0x20a: {  	[hbm4b:s11+s0] =	stream.linear.scatter [tilespmem:s31], [sflag:$0x3], $0x4000, $0x38;
	[tilespmem:$0x1D400] =	vst v63  }
0x20b: {  	_ =	swait.ge [sflag:s16], $0x4000  }
0x20c: {  	[sflag:s16] =	ssyncset.done $0x0  }
0x20d: {  	s24 =	simm.s32 $0x80;
	s1 =	simm.s32 $0x900;
	[sflag:s16] =	ssyncadd.s32 $0xFFFFC000  }
0x20e: {  	[tilespmem:s21], [sflag:$0x1] =	stream.indirect.gather [hbm4b:s4+s24], $0x80, s1, s24, $0xb8;
	[tilespmem:$0x1D400] =	vst v63  }
0x20f: {  	s26 =	simm.s32 $0xB00  }
0x210: {  	[tilespmem:s23], [sflag:$0x2] =	stream.indirect.gather [hbm4b:s5+s24], $0x80, s26, s24, $0xb8;
	[tilespmem:$0x1D400] =	vst v63  }
0x211: {  	_ =	swait.ge [sflag:s29], $0x4000  }
0x212: {  	[sflag:s29] =	ssyncset.done $0x0  }
0x213: {  	[sflag:s29] =	ssyncadd.s32 $0xFFFFC000  }
0x214: {  	_ =	swait.ge [sflag:s30], $0x4000  }
0x215: {  	s3 =	simm.s32 $0x480;
	[sflag:s30] =	ssyncset.done $0x0  }
0x216: {  	s1 =	simm.s32 $0x680;
	s26 =	simm.s32 $0x280;
	[sflag:s30] =	ssyncadd.s32 $0xFFFFC000  }
.LBB2_4:
0x217: {  	v1 =	vld [tilespmem:s24+$0x0];
	_ =	sdelay $0x3  }
0x218: {  	v2 =	vmov s0  }
0x219: {  	v2 =	vshll.u32 v2, $0x7;
	v1 =	vshll.u32 v1, $0x5  }
0x21a: {  	v4 =	vld [tilespmem:s26+$0x0];
	v3 =	vand.u32 $0x60, v1;
	v1 =	vor.u32 v0, v2  }
0x21b: {  	v2 =	vor.u32 v1, v3;
	_ =	sdelay $0x3  }
0x21c: {  	v3 =	vshll.u32 v4, $0x5  }
0x21d: {  	v3 =	vand.u32 $0x60, v3;
	v27 =	vld.idx.msk [tilespmem:v2+s25+$0x0], $0xffff  }
0x21e: {  	v3 =	vor.u32 v1, v3  }
0x21f: {  	v5 =	vld [tilespmem:s3+$0x0];
	_ =	sdelay $0x2  }
0x220: {  	v6 =	vld [tilespmem:s1+$0x0];
	[tilespmem:v1+s31+$0x0] =	vst.idx.msk $0xffff, v27  }
0x221: {  	v8 =	vor.u32 $0x20, v1;
	v7 =	vld.idx.msk [tilespmem:v3+s28+$0x0], $0xffff  }
0x222: {  	v4 =	vshll.u32 v5, $0x7;
	_ =	sdelay $0x3  }
0x223: {  	[tilespmem:v8+s31+$0x0] =	vst.idx.msk $0xffff, v7  }
0x224: {  	v28 =	vor.u32 $0x40, v1;
	v7 =	vld.idx.msk [tilespmem:v4+s17+$0x0], $0xffff  }
0x225: {  	v5 =	vshll.u32 v6, $0x7;
	_ =	sdelay $0x3  }
0x226: {  	[tilespmem:v28+s31+$0x0] =	vst.idx.msk $0xffff, v7  }
0x227: {  	v29 =	vor.u32 $0x60, v1;
	v6 =	vld.idx.msk [tilespmem:v5+s18+$0x0], $0xffff  }
0x228: {  	v30 =	vor.u32 $0x1, v2;
	_ =	sdelay $0x3  }
0x229: {  	[tilespmem:v29+s31+$0x0] =	vst.idx.msk $0xffff, v6  }
0x22a: {  	v31 =	vor.u32 $0x1, v1;
	v6 =	vld.idx.msk [tilespmem:v30+s25+$0x0], $0xffff  }
0x22b: {  	v32 =	vor.u32 $0x1, v3;
	_ =	sdelay $0x3  }
0x22c: {  	[tilespmem:v31+s31+$0x0] =	vst.idx.msk $0xffff, v6  }
0x22d: {  	v33 =	vor.u32 $0x21, v1;
	v6 =	vld.idx.msk [tilespmem:v32+s28+$0x0], $0xffff  }
0x22e: {  	v34 =	vor.u32 $0x1, v4;
	_ =	sdelay $0x3  }
0x22f: {  	[tilespmem:v33+s31+$0x0] =	vst.idx.msk $0xffff, v6  }
0x230: {  	v35 =	vor.u32 $0x41, v1;
	v6 =	vld.idx.msk [tilespmem:v34+s17+$0x0], $0xffff  }
0x231: {  	v36 =	vor.u32 $0x1, v5;
	_ =	sdelay $0x3  }
0x232: {  	[tilespmem:v35+s31+$0x0] =	vst.idx.msk $0xffff, v6  }
0x233: {  	v37 =	vor.u32 $0x61, v1;
	v6 =	vld.idx.msk [tilespmem:v36+s18+$0x0], $0xffff  }
0x234: {  	v38 =	vor.u32 $0x2, v2;
	_ =	sdelay $0x3  }
0x235: {  	[tilespmem:v37+s31+$0x0] =	vst.idx.msk $0xffff, v6  }
0x236: {  	v39 =	vor.u32 $0x2, v1;
	v6 =	vld.idx.msk [tilespmem:v38+s25+$0x0], $0xffff  }
0x237: {  	v40 =	vor.u32 $0x2, v3;
	_ =	sdelay $0x3  }
0x238: {  	[tilespmem:v39+s31+$0x0] =	vst.idx.msk $0xffff, v6  }
0x239: {  	v41 =	vor.u32 $0x22, v1;
	v6 =	vld.idx.msk [tilespmem:v40+s28+$0x0], $0xffff  }
0x23a: {  	v42 =	vor.u32 $0x2, v4;
	_ =	sdelay $0x3  }
0x23b: {  	[tilespmem:v41+s31+$0x0] =	vst.idx.msk $0xffff, v6  }
0x23c: {  	v43 =	vor.u32 $0x42, v1;
	v6 =	vld.idx.msk [tilespmem:v42+s17+$0x0], $0xffff  }
0x23d: {  	v44 =	vor.u32 $0x2, v5;
	_ =	sdelay $0x3  }
0x23e: {  	[tilespmem:v43+s31+$0x0] =	vst.idx.msk $0xffff, v6  }
0x23f: {  	v45 =	vor.u32 $0x62, v1;
	v6 =	vld.idx.msk [tilespmem:v44+s18+$0x0], $0xffff  }
0x240: {  	v46 =	vor.u32 $0x3, v2;
	_ =	sdelay $0x3  }
0x241: {  	[tilespmem:v45+s31+$0x0] =	vst.idx.msk $0xffff, v6  }
0x242: {  	v47 =	vor.u32 $0x3, v1;
	v6 =	vld.idx.msk [tilespmem:v46+s25+$0x0], $0xffff  }
0x243: {  	v48 =	vor.u32 $0x3, v3;
	_ =	sdelay $0x3  }
0x244: {  	[tilespmem:v47+s31+$0x0] =	vst.idx.msk $0xffff, v6  }
0x245: {  	v49 =	vor.u32 $0x23, v1;
	v6 =	vld.idx.msk [tilespmem:v48+s28+$0x0], $0xffff  }
0x246: {  	v50 =	vor.u32 $0x3, v4;
	_ =	sdelay $0x3  }
0x247: {  	[tilespmem:v49+s31+$0x0] =	vst.idx.msk $0xffff, v6  }
0x248: {  	v51 =	vor.u32 $0x43, v1;
	v6 =	vld.idx.msk [tilespmem:v50+s17+$0x0], $0xffff  }
0x249: {  	v52 =	vor.u32 $0x3, v5;
	_ =	sdelay $0x3  }
0x24a: {  	[tilespmem:v51+s31+$0x0] =	vst.idx.msk $0xffff, v6  }
0x24b: {  	v53 =	vor.u32 $0x63, v1;
	v6 =	vld.idx.msk [tilespmem:v52+s18+$0x0], $0xffff  }
0x24c: {  	v54 =	vor.u32 $0x4, v2;
	_ =	sdelay $0x3  }
0x24d: {  	[tilespmem:v53+s31+$0x0] =	vst.idx.msk $0xffff, v6  }
0x24e: {  	v55 =	vor.u32 $0x4, v1;
	v6 =	vld.idx.msk [tilespmem:v54+s25+$0x0], $0xffff  }
0x24f: {  	v56 =	vor.u32 $0x4, v3;
	_ =	sdelay $0x3  }
0x250: {  	[tilespmem:v55+s31+$0x0] =	vst.idx.msk $0xffff, v6  }
0x251: {  	v57 =	vor.u32 $0x24, v1;
	v6 =	vld.idx.msk [tilespmem:v56+s28+$0x0], $0xffff  }
0x252: {  	v58 =	vor.u32 $0x4, v4;
	_ =	sdelay $0x3  }
0x253: {  	[tilespmem:v57+s31+$0x0] =	vst.idx.msk $0xffff, v6  }
0x254: {  	v59 =	vor.u32 $0x44, v1;
	v6 =	vld.idx.msk [tilespmem:v58+s17+$0x0], $0xffff  }
0x255: {  	v60 =	vor.u32 $0x4, v5;
	_ =	sdelay $0x3  }
0x256: {  	[tilespmem:v59+s31+$0x0] =	vst.idx.msk $0xffff, v6  }
0x257: {  	v61 =	vor.u32 $0x64, v1;
	v6 =	vld.idx.msk [tilespmem:v60+s18+$0x0], $0xffff  }
0x258: {  	v62 =	vor.u32 $0x5, v2;
	_ =	sdelay $0x3  }
0x259: {  	[tilespmem:v61+s31+$0x0] =	vst.idx.msk $0xffff, v6  }
0x25a: {  	v63 =	vor.u32 $0x5, v1;
	v6 =	vld.idx.msk [tilespmem:v62+s25+$0x0], $0xffff  }
0x25b: {  	v12 =	vor.u32 $0x5, v3;
	_ =	sdelay $0x3  }
0x25c: {  	[tilespmem:v63+s31+$0x0] =	vst.idx.msk $0xffff, v6  }
0x25d: {  	v13 =	vor.u32 $0x25, v1;
	v6 =	vld.idx.msk [tilespmem:v12+s28+$0x0], $0xffff  }
0x25e: {  	v14 =	vor.u32 $0x5, v4;
	_ =	sdelay $0x3  }
0x25f: {  	[tilespmem:v13+s31+$0x0] =	vst.idx.msk $0xffff, v6  }
0x260: {  	v15 =	vor.u32 $0x45, v1;
	v6 =	vld.idx.msk [tilespmem:v14+s17+$0x0], $0xffff  }
0x261: {  	v16 =	vor.u32 $0x5, v5;
	_ =	sdelay $0x3  }
0x262: {  	[tilespmem:v15+s31+$0x0] =	vst.idx.msk $0xffff, v6  }
0x263: {  	v17 =	vor.u32 $0x65, v1;
	v6 =	vld.idx.msk [tilespmem:v16+s18+$0x0], $0xffff  }
0x264: {  	v18 =	vor.u32 $0x6, v2;
	_ =	sdelay $0x3  }
0x265: {  	[tilespmem:v17+s31+$0x0] =	vst.idx.msk $0xffff, v6  }
0x266: {  	v19 =	vor.u32 $0x6, v1;
	v6 =	vld.idx.msk [tilespmem:v18+s25+$0x0], $0xffff  }
0x267: {  	v20 =	vor.u32 $0x6, v3;
	_ =	sdelay $0x3  }
0x268: {  	[tilespmem:v19+s31+$0x0] =	vst.idx.msk $0xffff, v6  }
0x269: {  	v21 =	vor.u32 $0x26, v1;
	v6 =	vld.idx.msk [tilespmem:v20+s28+$0x0], $0xffff  }
0x26a: {  	v22 =	vor.u32 $0x6, v4;
	_ =	sdelay $0x3  }
0x26b: {  	[tilespmem:v21+s31+$0x0] =	vst.idx.msk $0xffff, v6  }
0x26c: {  	v23 =	vor.u32 $0x46, v1;
	v6 =	vld.idx.msk [tilespmem:v22+s17+$0x0], $0xffff  }
0x26d: {  	v24 =	vor.u32 $0x6, v5;
	_ =	sdelay $0x3  }
0x26e: {  	[tilespmem:v23+s31+$0x0] =	vst.idx.msk $0xffff, v6  }
0x26f: {  	v25 =	vor.u32 $0x66, v1;
	v6 =	vld.idx.msk [tilespmem:v24+s18+$0x0], $0xffff  }
0x270: {  	v26 =	vor.u32 $0x7, v2;
	_ =	sdelay $0x3  }
0x271: {  	[tilespmem:v25+s31+$0x0] =	vst.idx.msk $0xffff, v6  }
0x272: {  	v27 =	vor.u32 $0x7, v1;
	v6 =	vld.idx.msk [tilespmem:v26+s25+$0x0], $0xffff  }
0x273: {  	v28 =	vor.u32 $0x7, v3;
	_ =	sdelay $0x3  }
0x274: {  	[tilespmem:v27+s31+$0x0] =	vst.idx.msk $0xffff, v6  }
0x275: {  	v29 =	vor.u32 $0x27, v1;
	v6 =	vld.idx.msk [tilespmem:v28+s28+$0x0], $0xffff  }
0x276: {  	v30 =	vor.u32 $0x7, v4;
	_ =	sdelay $0x3  }
0x277: {  	[tilespmem:v29+s31+$0x0] =	vst.idx.msk $0xffff, v6  }
0x278: {  	v31 =	vor.u32 $0x47, v1;
	v6 =	vld.idx.msk [tilespmem:v30+s17+$0x0], $0xffff  }
0x279: {  	v32 =	vor.u32 $0x7, v5;
	_ =	sdelay $0x3  }
0x27a: {  	[tilespmem:v31+s31+$0x0] =	vst.idx.msk $0xffff, v6  }
0x27b: {  	v33 =	vor.u32 $0x67, v1;
	v6 =	vld.idx.msk [tilespmem:v32+s18+$0x0], $0xffff  }
0x27c: {  	v34 =	vor.u32 $0x8, v2;
	_ =	sdelay $0x3  }
0x27d: {  	[tilespmem:v33+s31+$0x0] =	vst.idx.msk $0xffff, v6  }
0x27e: {  	v35 =	vor.u32 $0x8, v1;
	v6 =	vld.idx.msk [tilespmem:v34+s25+$0x0], $0xffff  }
0x27f: {  	v36 =	vor.u32 $0x8, v3;
	_ =	sdelay $0x3  }
0x280: {  	[tilespmem:v35+s31+$0x0] =	vst.idx.msk $0xffff, v6  }
0x281: {  	v37 =	vor.u32 $0x28, v1;
	v6 =	vld.idx.msk [tilespmem:v36+s28+$0x0], $0xffff  }
0x282: {  	v38 =	vor.u32 $0x8, v4;
	_ =	sdelay $0x3  }
0x283: {  	[tilespmem:v37+s31+$0x0] =	vst.idx.msk $0xffff, v6  }
0x284: {  	v39 =	vor.u32 $0x48, v1;
	v6 =	vld.idx.msk [tilespmem:v38+s17+$0x0], $0xffff  }
0x285: {  	v40 =	vor.u32 $0x8, v5;
	_ =	sdelay $0x3  }
0x286: {  	[tilespmem:v39+s31+$0x0] =	vst.idx.msk $0xffff, v6  }
0x287: {  	v41 =	vor.u32 $0x68, v1;
	v6 =	vld.idx.msk [tilespmem:v40+s18+$0x0], $0xffff  }
0x288: {  	v42 =	vor.u32 $0x9, v2;
	_ =	sdelay $0x3  }
0x289: {  	[tilespmem:v41+s31+$0x0] =	vst.idx.msk $0xffff, v6  }
0x28a: {  	v43 =	vor.u32 $0x9, v1;
	v6 =	vld.idx.msk [tilespmem:v42+s25+$0x0], $0xffff  }
0x28b: {  	v44 =	vor.u32 $0x9, v3;
	_ =	sdelay $0x3  }
0x28c: {  	[tilespmem:v43+s31+$0x0] =	vst.idx.msk $0xffff, v6  }
0x28d: {  	v45 =	vor.u32 $0x29, v1;
	v6 =	vld.idx.msk [tilespmem:v44+s28+$0x0], $0xffff  }
0x28e: {  	v46 =	vor.u32 $0x9, v4;
	_ =	sdelay $0x3  }
0x28f: {  	[tilespmem:v45+s31+$0x0] =	vst.idx.msk $0xffff, v6  }
0x290: {  	v47 =	vor.u32 $0x49, v1;
	v6 =	vld.idx.msk [tilespmem:v46+s17+$0x0], $0xffff  }
0x291: {  	v48 =	vor.u32 $0x9, v5;
	_ =	sdelay $0x3  }
0x292: {  	[tilespmem:v47+s31+$0x0] =	vst.idx.msk $0xffff, v6  }
0x293: {  	v49 =	vor.u32 $0x69, v1;
	v6 =	vld.idx.msk [tilespmem:v48+s18+$0x0], $0xffff  }
0x294: {  	v50 =	vor.u32 $0xA, v2;
	_ =	sdelay $0x3  }
0x295: {  	[tilespmem:v49+s31+$0x0] =	vst.idx.msk $0xffff, v6  }
0x296: {  	v51 =	vor.u32 $0xA, v1;
	v6 =	vld.idx.msk [tilespmem:v50+s25+$0x0], $0xffff  }
0x297: {  	v52 =	vor.u32 $0xA, v3;
	_ =	sdelay $0x3  }
0x298: {  	[tilespmem:v51+s31+$0x0] =	vst.idx.msk $0xffff, v6  }
0x299: {  	v53 =	vor.u32 $0x2A, v1;
	v6 =	vld.idx.msk [tilespmem:v52+s28+$0x0], $0xffff  }
0x29a: {  	v54 =	vor.u32 $0xA, v4;
	_ =	sdelay $0x3  }
0x29b: {  	[tilespmem:v53+s31+$0x0] =	vst.idx.msk $0xffff, v6  }
0x29c: {  	v55 =	vor.u32 $0x4A, v1;
	v6 =	vld.idx.msk [tilespmem:v54+s17+$0x0], $0xffff  }
0x29d: {  	v56 =	vor.u32 $0xA, v5;
	_ =	sdelay $0x3  }
0x29e: {  	[tilespmem:v55+s31+$0x0] =	vst.idx.msk $0xffff, v6  }
0x29f: {  	v57 =	vor.u32 $0x6A, v1;
	v6 =	vld.idx.msk [tilespmem:v56+s18+$0x0], $0xffff  }
0x2a0: {  	v58 =	vor.u32 $0xB, v2;
	_ =	sdelay $0x3  }
0x2a1: {  	[tilespmem:v57+s31+$0x0] =	vst.idx.msk $0xffff, v6  }
0x2a2: {  	v59 =	vor.u32 $0xB, v1;
	v6 =	vld.idx.msk [tilespmem:v58+s25+$0x0], $0xffff  }
0x2a3: {  	v60 =	vor.u32 $0xB, v3;
	_ =	sdelay $0x3  }
0x2a4: {  	[tilespmem:v59+s31+$0x0] =	vst.idx.msk $0xffff, v6  }
0x2a5: {  	v61 =	vor.u32 $0x2B, v1;
	v6 =	vld.idx.msk [tilespmem:v60+s28+$0x0], $0xffff  }
0x2a6: {  	v62 =	vor.u32 $0xB, v4;
	_ =	sdelay $0x3  }
0x2a7: {  	[tilespmem:v61+s31+$0x0] =	vst.idx.msk $0xffff, v6  }
0x2a8: {  	v63 =	vor.u32 $0x4B, v1;
	v6 =	vld.idx.msk [tilespmem:v62+s17+$0x0], $0xffff  }
0x2a9: {  	v12 =	vor.u32 $0xB, v5;
	_ =	sdelay $0x3  }
0x2aa: {  	[tilespmem:v63+s31+$0x0] =	vst.idx.msk $0xffff, v6  }
0x2ab: {  	v13 =	vor.u32 $0x6B, v1;
	v6 =	vld.idx.msk [tilespmem:v12+s18+$0x0], $0xffff  }
0x2ac: {  	v14 =	vor.u32 $0xC, v2;
	_ =	sdelay $0x3  }
0x2ad: {  	[tilespmem:v13+s31+$0x0] =	vst.idx.msk $0xffff, v6  }
0x2ae: {  	v15 =	vor.u32 $0xC, v1;
	v6 =	vld.idx.msk [tilespmem:v14+s25+$0x0], $0xffff  }
0x2af: {  	v16 =	vor.u32 $0xC, v3;
	_ =	sdelay $0x3  }
0x2b0: {  	[tilespmem:v15+s31+$0x0] =	vst.idx.msk $0xffff, v6  }
0x2b1: {  	v17 =	vor.u32 $0x2C, v1;
	v6 =	vld.idx.msk [tilespmem:v16+s28+$0x0], $0xffff  }
0x2b2: {  	v18 =	vor.u32 $0xC, v4;
	_ =	sdelay $0x3  }
0x2b3: {  	[tilespmem:v17+s31+$0x0] =	vst.idx.msk $0xffff, v6  }
0x2b4: {  	v19 =	vor.u32 $0x4C, v1;
	v6 =	vld.idx.msk [tilespmem:v18+s17+$0x0], $0xffff  }
0x2b5: {  	v20 =	vor.u32 $0xC, v5;
	_ =	sdelay $0x3  }
0x2b6: {  	[tilespmem:v19+s31+$0x0] =	vst.idx.msk $0xffff, v6  }
0x2b7: {  	v21 =	vor.u32 $0x6C, v1;
	v6 =	vld.idx.msk [tilespmem:v20+s18+$0x0], $0xffff  }
0x2b8: {  	v22 =	vor.u32 $0xD, v2;
	_ =	sdelay $0x3  }
0x2b9: {  	[tilespmem:v21+s31+$0x0] =	vst.idx.msk $0xffff, v6  }
0x2ba: {  	v23 =	vor.u32 $0xD, v1;
	v6 =	vld.idx.msk [tilespmem:v22+s25+$0x0], $0xffff  }
0x2bb: {  	v24 =	vor.u32 $0xD, v3;
	_ =	sdelay $0x3  }
0x2bc: {  	[tilespmem:v23+s31+$0x0] =	vst.idx.msk $0xffff, v6  }
0x2bd: {  	v25 =	vor.u32 $0x2D, v1;
	v6 =	vld.idx.msk [tilespmem:v24+s28+$0x0], $0xffff  }
0x2be: {  	v26 =	vor.u32 $0xD, v4;
	_ =	sdelay $0x3  }
0x2bf: {  	[tilespmem:v25+s31+$0x0] =	vst.idx.msk $0xffff, v6  }
0x2c0: {  	v27 =	vor.u32 $0x4D, v1;
	v6 =	vld.idx.msk [tilespmem:v26+s17+$0x0], $0xffff  }
0x2c1: {  	v28 =	vor.u32 $0xD, v5;
	_ =	sdelay $0x3  }
0x2c2: {  	[tilespmem:v27+s31+$0x0] =	vst.idx.msk $0xffff, v6  }
0x2c3: {  	v29 =	vor.u32 $0x6D, v1;
	v6 =	vld.idx.msk [tilespmem:v28+s18+$0x0], $0xffff  }
0x2c4: {  	v30 =	vor.u32 $0xE, v2;
	_ =	sdelay $0x3  }
0x2c5: {  	[tilespmem:v29+s31+$0x0] =	vst.idx.msk $0xffff, v6  }
0x2c6: {  	v31 =	vor.u32 $0xE, v1;
	v6 =	vld.idx.msk [tilespmem:v30+s25+$0x0], $0xffff  }
0x2c7: {  	v32 =	vor.u32 $0xE, v3;
	_ =	sdelay $0x3  }
0x2c8: {  	[tilespmem:v31+s31+$0x0] =	vst.idx.msk $0xffff, v6  }
0x2c9: {  	v33 =	vor.u32 $0x2E, v1;
	v6 =	vld.idx.msk [tilespmem:v32+s28+$0x0], $0xffff  }
0x2ca: {  	v34 =	vor.u32 $0xE, v4;
	_ =	sdelay $0x3  }
0x2cb: {  	[tilespmem:v33+s31+$0x0] =	vst.idx.msk $0xffff, v6  }
0x2cc: {  	v35 =	vor.u32 $0x4E, v1;
	v6 =	vld.idx.msk [tilespmem:v34+s17+$0x0], $0xffff  }
0x2cd: {  	v36 =	vor.u32 $0xE, v5;
	_ =	sdelay $0x3  }
0x2ce: {  	[tilespmem:v35+s31+$0x0] =	vst.idx.msk $0xffff, v6  }
0x2cf: {  	v37 =	vor.u32 $0x6E, v1;
	v6 =	vld.idx.msk [tilespmem:v36+s18+$0x0], $0xffff  }
0x2d0: {  	v38 =	vor.u32 $0xF, v2;
	_ =	sdelay $0x3  }
0x2d1: {  	[tilespmem:v37+s31+$0x0] =	vst.idx.msk $0xffff, v6  }
0x2d2: {  	v39 =	vor.u32 $0xF, v1;
	v6 =	vld.idx.msk [tilespmem:v38+s25+$0x0], $0xffff  }
0x2d3: {  	v40 =	vor.u32 $0xF, v3;
	_ =	sdelay $0x3  }
0x2d4: {  	[tilespmem:v39+s31+$0x0] =	vst.idx.msk $0xffff, v6  }
0x2d5: {  	v41 =	vor.u32 $0x2F, v1;
	v6 =	vld.idx.msk [tilespmem:v40+s28+$0x0], $0xffff  }
0x2d6: {  	v42 =	vor.u32 $0xF, v4;
	_ =	sdelay $0x3  }
0x2d7: {  	[tilespmem:v41+s31+$0x0] =	vst.idx.msk $0xffff, v6  }
0x2d8: {  	v43 =	vor.u32 $0x4F, v1;
	v6 =	vld.idx.msk [tilespmem:v42+s17+$0x0], $0xffff  }
0x2d9: {  	v44 =	vor.u32 $0xF, v5;
	_ =	sdelay $0x3  }
0x2da: {  	[tilespmem:v43+s31+$0x0] =	vst.idx.msk $0xffff, v6  }
0x2db: {  	v45 =	vor.u32 $0x6F, v1;
	v6 =	vld.idx.msk [tilespmem:v44+s18+$0x0], $0xffff  }
0x2dc: {  	v46 =	vor.u32 $0x10, v2;
	_ =	sdelay $0x3  }
0x2dd: {  	[tilespmem:v45+s31+$0x0] =	vst.idx.msk $0xffff, v6  }
0x2de: {  	v47 =	vor.u32 $0x10, v1;
	v6 =	vld.idx.msk [tilespmem:v46+s25+$0x0], $0xffff  }
0x2df: {  	v48 =	vor.u32 $0x10, v3;
	_ =	sdelay $0x3  }
0x2e0: {  	[tilespmem:v47+s31+$0x0] =	vst.idx.msk $0xffff, v6  }
0x2e1: {  	v49 =	vor.u32 $0x30, v1;
	v6 =	vld.idx.msk [tilespmem:v48+s28+$0x0], $0xffff  }
0x2e2: {  	v50 =	vor.u32 $0x10, v4;
	_ =	sdelay $0x3  }
0x2e3: {  	[tilespmem:v49+s31+$0x0] =	vst.idx.msk $0xffff, v6  }
0x2e4: {  	v51 =	vor.u32 $0x50, v1;
	v6 =	vld.idx.msk [tilespmem:v50+s17+$0x0], $0xffff  }
0x2e5: {  	v52 =	vor.u32 $0x10, v5;
	_ =	sdelay $0x3  }
0x2e6: {  	[tilespmem:v51+s31+$0x0] =	vst.idx.msk $0xffff, v6  }
0x2e7: {  	v53 =	vor.u32 $0x70, v1;
	v6 =	vld.idx.msk [tilespmem:v52+s18+$0x0], $0xffff  }
0x2e8: {  	v54 =	vor.u32 $0x11, v2;
	_ =	sdelay $0x3  }
0x2e9: {  	[tilespmem:v53+s31+$0x0] =	vst.idx.msk $0xffff, v6  }
0x2ea: {  	v55 =	vor.u32 $0x11, v1;
	v6 =	vld.idx.msk [tilespmem:v54+s25+$0x0], $0xffff  }
0x2eb: {  	v56 =	vor.u32 $0x11, v3;
	_ =	sdelay $0x3  }
0x2ec: {  	[tilespmem:v55+s31+$0x0] =	vst.idx.msk $0xffff, v6  }
0x2ed: {  	v57 =	vor.u32 $0x31, v1;
	v6 =	vld.idx.msk [tilespmem:v56+s28+$0x0], $0xffff  }
0x2ee: {  	v58 =	vor.u32 $0x11, v4;
	_ =	sdelay $0x3  }
0x2ef: {  	[tilespmem:v57+s31+$0x0] =	vst.idx.msk $0xffff, v6  }
0x2f0: {  	v59 =	vor.u32 $0x51, v1;
	v6 =	vld.idx.msk [tilespmem:v58+s17+$0x0], $0xffff  }
0x2f1: {  	v60 =	vor.u32 $0x11, v5;
	_ =	sdelay $0x3  }
0x2f2: {  	[tilespmem:v59+s31+$0x0] =	vst.idx.msk $0xffff, v6  }
0x2f3: {  	v61 =	vor.u32 $0x71, v1;
	v6 =	vld.idx.msk [tilespmem:v60+s18+$0x0], $0xffff  }
0x2f4: {  	v62 =	vor.u32 $0x12, v2;
	_ =	sdelay $0x3  }
0x2f5: {  	[tilespmem:v61+s31+$0x0] =	vst.idx.msk $0xffff, v6  }
0x2f6: {  	v63 =	vor.u32 $0x12, v1;
	v6 =	vld.idx.msk [tilespmem:v62+s25+$0x0], $0xffff  }
0x2f7: {  	v12 =	vor.u32 $0x12, v3;
	_ =	sdelay $0x3  }
0x2f8: {  	[tilespmem:v63+s31+$0x0] =	vst.idx.msk $0xffff, v6  }
0x2f9: {  	v13 =	vor.u32 $0x32, v1;
	v6 =	vld.idx.msk [tilespmem:v12+s28+$0x0], $0xffff  }
0x2fa: {  	v14 =	vor.u32 $0x12, v4;
	_ =	sdelay $0x3  }
0x2fb: {  	[tilespmem:v13+s31+$0x0] =	vst.idx.msk $0xffff, v6  }
0x2fc: {  	v15 =	vor.u32 $0x52, v1;
	v6 =	vld.idx.msk [tilespmem:v14+s17+$0x0], $0xffff  }
0x2fd: {  	v16 =	vor.u32 $0x12, v5;
	_ =	sdelay $0x3  }
0x2fe: {  	[tilespmem:v15+s31+$0x0] =	vst.idx.msk $0xffff, v6  }
0x2ff: {  	v17 =	vor.u32 $0x72, v1;
	v6 =	vld.idx.msk [tilespmem:v16+s18+$0x0], $0xffff  }
0x300: {  	v18 =	vor.u32 $0x13, v2;
	_ =	sdelay $0x3  }
0x301: {  	[tilespmem:v17+s31+$0x0] =	vst.idx.msk $0xffff, v6  }
0x302: {  	v19 =	vor.u32 $0x13, v1;
	v6 =	vld.idx.msk [tilespmem:v18+s25+$0x0], $0xffff  }
0x303: {  	v20 =	vor.u32 $0x13, v3;
	_ =	sdelay $0x3  }
0x304: {  	[tilespmem:v19+s31+$0x0] =	vst.idx.msk $0xffff, v6  }
0x305: {  	v21 =	vor.u32 $0x33, v1;
	v6 =	vld.idx.msk [tilespmem:v20+s28+$0x0], $0xffff  }
0x306: {  	v22 =	vor.u32 $0x13, v4;
	_ =	sdelay $0x3  }
0x307: {  	[tilespmem:v21+s31+$0x0] =	vst.idx.msk $0xffff, v6  }
0x308: {  	v23 =	vor.u32 $0x53, v1;
	v6 =	vld.idx.msk [tilespmem:v22+s17+$0x0], $0xffff  }
0x309: {  	v24 =	vor.u32 $0x13, v5;
	_ =	sdelay $0x3  }
0x30a: {  	[tilespmem:v23+s31+$0x0] =	vst.idx.msk $0xffff, v6  }
0x30b: {  	v25 =	vor.u32 $0x73, v1;
	v6 =	vld.idx.msk [tilespmem:v24+s18+$0x0], $0xffff  }
0x30c: {  	v26 =	vor.u32 $0x14, v2;
	_ =	sdelay $0x3  }
0x30d: {  	[tilespmem:v25+s31+$0x0] =	vst.idx.msk $0xffff, v6  }
0x30e: {  	v27 =	vor.u32 $0x14, v1;
	v6 =	vld.idx.msk [tilespmem:v26+s25+$0x0], $0xffff  }
0x30f: {  	v28 =	vor.u32 $0x14, v3;
	_ =	sdelay $0x3  }
0x310: {  	[tilespmem:v27+s31+$0x0] =	vst.idx.msk $0xffff, v6  }
0x311: {  	v29 =	vor.u32 $0x34, v1;
	v6 =	vld.idx.msk [tilespmem:v28+s28+$0x0], $0xffff  }
0x312: {  	v30 =	vor.u32 $0x14, v4;
	_ =	sdelay $0x3  }
0x313: {  	[tilespmem:v29+s31+$0x0] =	vst.idx.msk $0xffff, v6  }
0x314: {  	v31 =	vor.u32 $0x54, v1;
	v6 =	vld.idx.msk [tilespmem:v30+s17+$0x0], $0xffff  }
0x315: {  	v32 =	vor.u32 $0x14, v5;
	_ =	sdelay $0x3  }
0x316: {  	[tilespmem:v31+s31+$0x0] =	vst.idx.msk $0xffff, v6  }
0x317: {  	v33 =	vor.u32 $0x74, v1;
	v6 =	vld.idx.msk [tilespmem:v32+s18+$0x0], $0xffff  }
0x318: {  	v34 =	vor.u32 $0x15, v2;
	_ =	sdelay $0x3  }
0x319: {  	[tilespmem:v33+s31+$0x0] =	vst.idx.msk $0xffff, v6  }
0x31a: {  	v35 =	vor.u32 $0x15, v1;
	v6 =	vld.idx.msk [tilespmem:v34+s25+$0x0], $0xffff  }
0x31b: {  	v36 =	vor.u32 $0x15, v3;
	_ =	sdelay $0x3  }
0x31c: {  	[tilespmem:v35+s31+$0x0] =	vst.idx.msk $0xffff, v6  }
0x31d: {  	v37 =	vor.u32 $0x35, v1;
	v6 =	vld.idx.msk [tilespmem:v36+s28+$0x0], $0xffff  }
0x31e: {  	v38 =	vor.u32 $0x15, v4;
	_ =	sdelay $0x3  }
0x31f: {  	[tilespmem:v37+s31+$0x0] =	vst.idx.msk $0xffff, v6  }
0x320: {  	v39 =	vor.u32 $0x55, v1;
	v6 =	vld.idx.msk [tilespmem:v38+s17+$0x0], $0xffff  }
0x321: {  	v40 =	vor.u32 $0x15, v5;
	_ =	sdelay $0x3  }
0x322: {  	[tilespmem:v39+s31+$0x0] =	vst.idx.msk $0xffff, v6  }
0x323: {  	v41 =	vor.u32 $0x75, v1;
	v6 =	vld.idx.msk [tilespmem:v40+s18+$0x0], $0xffff  }
0x324: {  	v42 =	vor.u32 $0x16, v2;
	_ =	sdelay $0x3  }
0x325: {  	[tilespmem:v41+s31+$0x0] =	vst.idx.msk $0xffff, v6  }
0x326: {  	v43 =	vor.u32 $0x16, v1;
	v6 =	vld.idx.msk [tilespmem:v42+s25+$0x0], $0xffff  }
0x327: {  	v44 =	vor.u32 $0x16, v3;
	_ =	sdelay $0x3  }
0x328: {  	[tilespmem:v43+s31+$0x0] =	vst.idx.msk $0xffff, v6  }
0x329: {  	v45 =	vor.u32 $0x36, v1;
	v6 =	vld.idx.msk [tilespmem:v44+s28+$0x0], $0xffff  }
0x32a: {  	v46 =	vor.u32 $0x16, v4;
	_ =	sdelay $0x3  }
0x32b: {  	[tilespmem:v45+s31+$0x0] =	vst.idx.msk $0xffff, v6  }
0x32c: {  	v47 =	vor.u32 $0x56, v1;
	v6 =	vld.idx.msk [tilespmem:v46+s17+$0x0], $0xffff  }
0x32d: {  	v48 =	vor.u32 $0x16, v5;
	_ =	sdelay $0x3  }
0x32e: {  	[tilespmem:v47+s31+$0x0] =	vst.idx.msk $0xffff, v6  }
0x32f: {  	v49 =	vor.u32 $0x76, v1;
	v6 =	vld.idx.msk [tilespmem:v48+s18+$0x0], $0xffff  }
0x330: {  	v50 =	vor.u32 $0x17, v2;
	_ =	sdelay $0x3  }
0x331: {  	[tilespmem:v49+s31+$0x0] =	vst.idx.msk $0xffff, v6  }
0x332: {  	v51 =	vor.u32 $0x17, v1;
	v6 =	vld.idx.msk [tilespmem:v50+s25+$0x0], $0xffff  }
0x333: {  	v52 =	vor.u32 $0x17, v3;
	_ =	sdelay $0x3  }
0x334: {  	[tilespmem:v51+s31+$0x0] =	vst.idx.msk $0xffff, v6  }
0x335: {  	v53 =	vor.u32 $0x37, v1;
	v6 =	vld.idx.msk [tilespmem:v52+s28+$0x0], $0xffff  }
0x336: {  	v54 =	vor.u32 $0x17, v4;
	_ =	sdelay $0x3  }
0x337: {  	[tilespmem:v53+s31+$0x0] =	vst.idx.msk $0xffff, v6  }
0x338: {  	v55 =	vor.u32 $0x57, v1;
	v6 =	vld.idx.msk [tilespmem:v54+s17+$0x0], $0xffff  }
0x339: {  	v56 =	vor.u32 $0x17, v5;
	_ =	sdelay $0x3  }
0x33a: {  	[tilespmem:v55+s31+$0x0] =	vst.idx.msk $0xffff, v6  }
0x33b: {  	v57 =	vor.u32 $0x77, v1;
	v6 =	vld.idx.msk [tilespmem:v56+s18+$0x0], $0xffff  }
0x33c: {  	v58 =	vor.u32 $0x18, v2;
	_ =	sdelay $0x3  }
0x33d: {  	[tilespmem:v57+s31+$0x0] =	vst.idx.msk $0xffff, v6  }
0x33e: {  	v59 =	vor.u32 $0x18, v1;
	v6 =	vld.idx.msk [tilespmem:v58+s25+$0x0], $0xffff  }
0x33f: {  	v60 =	vor.u32 $0x18, v3;
	_ =	sdelay $0x3  }
0x340: {  	[tilespmem:v59+s31+$0x0] =	vst.idx.msk $0xffff, v6  }
0x341: {  	v61 =	vor.u32 $0x38, v1;
	v6 =	vld.idx.msk [tilespmem:v60+s28+$0x0], $0xffff  }
0x342: {  	v62 =	vor.u32 $0x18, v4;
	_ =	sdelay $0x3  }
0x343: {  	[tilespmem:v61+s31+$0x0] =	vst.idx.msk $0xffff, v6  }
0x344: {  	v63 =	vor.u32 $0x58, v1;
	v6 =	vld.idx.msk [tilespmem:v62+s17+$0x0], $0xffff  }
0x345: {  	v12 =	vor.u32 $0x18, v5;
	_ =	sdelay $0x3  }
0x346: {  	[tilespmem:v63+s31+$0x0] =	vst.idx.msk $0xffff, v6  }
0x347: {  	v13 =	vor.u32 $0x78, v1;
	v6 =	vld.idx.msk [tilespmem:v12+s18+$0x0], $0xffff  }
0x348: {  	v14 =	vor.u32 $0x19, v2;
	_ =	sdelay $0x3  }
0x349: {  	[tilespmem:v13+s31+$0x0] =	vst.idx.msk $0xffff, v6  }
0x34a: {  	v15 =	vor.u32 $0x19, v1;
	v6 =	vld.idx.msk [tilespmem:v14+s25+$0x0], $0xffff  }
0x34b: {  	v16 =	vor.u32 $0x19, v3;
	_ =	sdelay $0x3  }
0x34c: {  	[tilespmem:v15+s31+$0x0] =	vst.idx.msk $0xffff, v6  }
0x34d: {  	v17 =	vor.u32 $0x39, v1;
	v6 =	vld.idx.msk [tilespmem:v16+s28+$0x0], $0xffff  }
0x34e: {  	v18 =	vor.u32 $0x19, v4;
	_ =	sdelay $0x3  }
0x34f: {  	[tilespmem:v17+s31+$0x0] =	vst.idx.msk $0xffff, v6  }
0x350: {  	v19 =	vor.u32 $0x59, v1;
	v6 =	vld.idx.msk [tilespmem:v18+s17+$0x0], $0xffff  }
0x351: {  	v20 =	vor.u32 $0x19, v5;
	_ =	sdelay $0x3  }
0x352: {  	[tilespmem:v19+s31+$0x0] =	vst.idx.msk $0xffff, v6  }
0x353: {  	v21 =	vor.u32 $0x79, v1;
	v6 =	vld.idx.msk [tilespmem:v20+s18+$0x0], $0xffff  }
0x354: {  	v22 =	vor.u32 $0x1A, v2;
	_ =	sdelay $0x3  }
0x355: {  	[tilespmem:v21+s31+$0x0] =	vst.idx.msk $0xffff, v6  }
0x356: {  	v23 =	vor.u32 $0x1A, v1;
	v6 =	vld.idx.msk [tilespmem:v22+s25+$0x0], $0xffff  }
0x357: {  	v24 =	vor.u32 $0x1A, v3;
	_ =	sdelay $0x3  }
0x358: {  	[tilespmem:v23+s31+$0x0] =	vst.idx.msk $0xffff, v6  }
0x359: {  	v25 =	vor.u32 $0x3A, v1;
	v6 =	vld.idx.msk [tilespmem:v24+s28+$0x0], $0xffff  }
0x35a: {  	v26 =	vor.u32 $0x1A, v4;
	_ =	sdelay $0x3  }
0x35b: {  	[tilespmem:v25+s31+$0x0] =	vst.idx.msk $0xffff, v6  }
0x35c: {  	v27 =	vor.u32 $0x5A, v1;
	v6 =	vld.idx.msk [tilespmem:v26+s17+$0x0], $0xffff  }
0x35d: {  	v28 =	vor.u32 $0x1A, v5;
	_ =	sdelay $0x3  }
0x35e: {  	[tilespmem:v27+s31+$0x0] =	vst.idx.msk $0xffff, v6  }
0x35f: {  	v29 =	vor.u32 $0x7A, v1;
	v6 =	vld.idx.msk [tilespmem:v28+s18+$0x0], $0xffff  }
0x360: {  	v30 =	vor.u32 $0x1B, v2;
	_ =	sdelay $0x3  }
0x361: {  	[tilespmem:v29+s31+$0x0] =	vst.idx.msk $0xffff, v6  }
0x362: {  	v31 =	vor.u32 $0x1B, v1;
	v6 =	vld.idx.msk [tilespmem:v30+s25+$0x0], $0xffff  }
0x363: {  	v32 =	vor.u32 $0x1B, v3;
	_ =	sdelay $0x3  }
0x364: {  	[tilespmem:v31+s31+$0x0] =	vst.idx.msk $0xffff, v6  }
0x365: {  	v33 =	vor.u32 $0x3B, v1;
	v6 =	vld.idx.msk [tilespmem:v32+s28+$0x0], $0xffff  }
0x366: {  	v34 =	vor.u32 $0x1B, v4;
	_ =	sdelay $0x3  }
0x367: {  	[tilespmem:v33+s31+$0x0] =	vst.idx.msk $0xffff, v6  }
0x368: {  	v35 =	vor.u32 $0x5B, v1;
	v6 =	vld.idx.msk [tilespmem:v34+s17+$0x0], $0xffff  }
0x369: {  	v36 =	vor.u32 $0x1B, v5;
	_ =	sdelay $0x3  }
0x36a: {  	[tilespmem:v35+s31+$0x0] =	vst.idx.msk $0xffff, v6  }
0x36b: {  	v37 =	vor.u32 $0x7B, v1;
	v6 =	vld.idx.msk [tilespmem:v36+s18+$0x0], $0xffff  }
0x36c: {  	v38 =	vor.u32 $0x1C, v2;
	_ =	sdelay $0x3  }
0x36d: {  	[tilespmem:v37+s31+$0x0] =	vst.idx.msk $0xffff, v6  }
0x36e: {  	v39 =	vor.u32 $0x1C, v1;
	v6 =	vld.idx.msk [tilespmem:v38+s25+$0x0], $0xffff  }
0x36f: {  	v40 =	vor.u32 $0x1C, v3;
	_ =	sdelay $0x3  }
0x370: {  	[tilespmem:v39+s31+$0x0] =	vst.idx.msk $0xffff, v6  }
0x371: {  	v41 =	vor.u32 $0x3C, v1;
	v6 =	vld.idx.msk [tilespmem:v40+s28+$0x0], $0xffff  }
0x372: {  	v42 =	vor.u32 $0x1C, v4;
	_ =	sdelay $0x3  }
0x373: {  	[tilespmem:v41+s31+$0x0] =	vst.idx.msk $0xffff, v6  }
0x374: {  	v43 =	vor.u32 $0x5C, v1;
	v6 =	vld.idx.msk [tilespmem:v42+s17+$0x0], $0xffff  }
0x375: {  	v44 =	vor.u32 $0x1C, v5;
	_ =	sdelay $0x3  }
0x376: {  	[tilespmem:v43+s31+$0x0] =	vst.idx.msk $0xffff, v6  }
0x377: {  	v45 =	vor.u32 $0x7C, v1;
	v6 =	vld.idx.msk [tilespmem:v44+s18+$0x0], $0xffff  }
0x378: {  	v46 =	vor.u32 $0x1D, v2;
	_ =	sdelay $0x3  }
0x379: {  	[tilespmem:v45+s31+$0x0] =	vst.idx.msk $0xffff, v6  }
0x37a: {  	v47 =	vor.u32 $0x1D, v1;
	v6 =	vld.idx.msk [tilespmem:v46+s25+$0x0], $0xffff  }
0x37b: {  	v48 =	vor.u32 $0x1D, v3;
	_ =	sdelay $0x3  }
0x37c: {  	[tilespmem:v47+s31+$0x0] =	vst.idx.msk $0xffff, v6  }
0x37d: {  	v49 =	vor.u32 $0x3D, v1;
	v6 =	vld.idx.msk [tilespmem:v48+s28+$0x0], $0xffff  }
0x37e: {  	v50 =	vor.u32 $0x1D, v4;
	_ =	sdelay $0x3  }
0x37f: {  	[tilespmem:v49+s31+$0x0] =	vst.idx.msk $0xffff, v6  }
0x380: {  	v51 =	vor.u32 $0x5D, v1;
	v6 =	vld.idx.msk [tilespmem:v50+s17+$0x0], $0xffff  }
0x381: {  	v52 =	vor.u32 $0x1D, v5;
	_ =	sdelay $0x3  }
0x382: {  	[tilespmem:v51+s31+$0x0] =	vst.idx.msk $0xffff, v6  }
0x383: {  	v53 =	vor.u32 $0x7D, v1;
	v6 =	vld.idx.msk [tilespmem:v52+s18+$0x0], $0xffff  }
0x384: {  	v54 =	vor.u32 $0x1E, v2;
	_ =	sdelay $0x3  }
0x385: {  	[tilespmem:v53+s31+$0x0] =	vst.idx.msk $0xffff, v6  }
0x386: {  	v55 =	vor.u32 $0x1E, v1;
	v6 =	vld.idx.msk [tilespmem:v54+s25+$0x0], $0xffff  }
0x387: {  	v56 =	vor.u32 $0x1E, v3;
	_ =	sdelay $0x3  }
0x388: {  	[tilespmem:v55+s31+$0x0] =	vst.idx.msk $0xffff, v6  }
0x389: {  	v57 =	vor.u32 $0x3E, v1;
	v6 =	vld.idx.msk [tilespmem:v56+s28+$0x0], $0xffff  }
0x38a: {  	v58 =	vor.u32 $0x1E, v4;
	_ =	sdelay $0x3  }
0x38b: {  	[tilespmem:v57+s31+$0x0] =	vst.idx.msk $0xffff, v6  }
0x38c: {  	v59 =	vor.u32 $0x5E, v1;
	v6 =	vld.idx.msk [tilespmem:v58+s17+$0x0], $0xffff  }
0x38d: {  	v60 =	vor.u32 $0x1E, v5;
	_ =	sdelay $0x3  }
0x38e: {  	[tilespmem:v59+s31+$0x0] =	vst.idx.msk $0xffff, v6  }
0x38f: {  	v61 =	vor.u32 $0x7E, v1;
	v6 =	vld.idx.msk [tilespmem:v60+s18+$0x0], $0xffff  }
0x390: {  	v2 =	vor.u32 $0x1F, v2;
	_ =	sdelay $0x3  }
0x391: {  	[tilespmem:v61+s31+$0x0] =	vst.idx.msk $0xffff, v6  }
0x392: {  	v62 =	vor.u32 $0x1F, v1;
	v2 =	vld.idx.msk [tilespmem:v2+s25+$0x0], $0xffff  }
0x393: {  	v3 =	vor.u32 $0x1F, v3;
	_ =	sdelay $0x3  }
0x394: {  	[tilespmem:v62+s31+$0x0] =	vst.idx.msk $0xffff, v2  }
0x395: {  	v2 =	vld.idx.msk [tilespmem:v3+s28+$0x0], $0xffff;
	v3 =	vor.u32 $0x3F, v1  }
0x396: {  	v4 =	vor.u32 $0x1F, v4;
	_ =	sdelay $0x3  }
0x397: {  	[tilespmem:v3+s31+$0x0] =	vst.idx.msk $0xffff, v2  }
0x398: {  	v3 =	vor.u32 $0x5F, v1;
	v2 =	vld.idx.msk [tilespmem:v4+s17+$0x0], $0xffff  }
0x399: {  	v63 =	vor.u32 $0x1F, v5;
	_ =	sdelay $0x3  }
0x39a: {  	[tilespmem:v3+s31+$0x0] =	vst.idx.msk $0xffff, v2  }
0x39b: {  	p0 =	sne.s32 s0, $0x70;
	v1 =	vor.u32 $0x7F, v1;
	v2 =	vld.idx.msk [tilespmem:v63+s18+$0x0], $0xffff  }
.Ltmp1:
0x39c: {  	_ = 	snop;
	(pc) =	sbr.rel @p0 .LBB2_4-.Ltmp1, $3  }
0x39d: {  	_ =	sdelay $0x1  }
0x39e: {  	s24 =	sadd.s32 $0x10, s24;
	s26 =	sadd.s32 $0x10, s26  }
0x39f: {  	s3 =	sadd.s32 $0x10, s3;
	s1 =	sadd.s32 $0x10, s1;
	s0 =	sadd.s32 $0x10, s0;
	[tilespmem:v1+s31+$0x0] =	vst.idx.msk $0xffff, v2  }
0x3a0: {  	s0 =	simm.s32 $0x0  }
0x3a1: {  	[hbm4b:s12+s0] =	stream.linear.scatter [tilespmem:s31], [sflag:$0x3], $0x4000, $0x38;
	[tilespmem:$0x1D400] =	vst v63  }
0x3a2: {  	_ =	swait.ge [sflag:s16], $0x4000  }
0x3a3: {  	[sflag:s16] =	ssyncset.done $0x0  }
0x3a4: {  	s1 =	simm.s32 $0x980;
	[sflag:s16] =	ssyncadd.s32 $0xFFFFC000  }
0x3a5: {  	[tilespmem:s25], [sflag:$0x1] =	stream.indirect.gather [hbm4b:s4+s19], $0x80, s1, s19, $0xb8;
	[tilespmem:$0x1D400] =	vst v63  }
0x3a6: {  	_ = 	snop  }
0x3a7: {  	[tilespmem:s28], [sflag:$0x2] =	stream.indirect.gather [hbm4b:s5+s19], $0x80, s20, s19, $0xb8;
	[tilespmem:$0x1D400] =	vst v63  }
0x3a8: {  	_ =	swait.ge [sflag:s29], $0x4000  }
0x3a9: {  	[sflag:s29] =	ssyncset.done $0x0  }
0x3aa: {  	[sflag:s29] =	ssyncadd.s32 $0xFFFFC000  }
0x3ab: {  	_ =	swait.ge [sflag:s30], $0x4000  }
0x3ac: {  	s24 =	simm.s32 $0x100;
	s26 =	simm.s32 $0x300;
	[sflag:s30] =	ssyncset.done $0x0  }
0x3ad: {  	s3 =	simm.s32 $0x500;
	s1 =	simm.s32 $0x700;
	[sflag:s30] =	ssyncadd.s32 $0xFFFFC000  }
.LBB2_6:
0x3ae: {  	v1 =	vld [tilespmem:s24+$0x0];
	_ =	sdelay $0x3  }
0x3af: {  	v2 =	vmov s0  }
0x3b0: {  	v2 =	vshll.u32 v2, $0x7;
	v1 =	vshll.u32 v1, $0x5  }
0x3b1: {  	v4 =	vld [tilespmem:s26+$0x0];
	v3 =	vand.u32 $0x60, v1;
	v1 =	vor.u32 v0, v2  }
0x3b2: {  	v2 =	vor.u32 v1, v3;
	_ =	sdelay $0x3  }
0x3b3: {  	v3 =	vshll.u32 v4, $0x5  }
0x3b4: {  	v3 =	vand.u32 $0x60, v3;
	v27 =	vld.idx.msk [tilespmem:v2+s21+$0x0], $0xffff  }
0x3b5: {  	v3 =	vor.u32 v1, v3  }
0x3b6: {  	v5 =	vld [tilespmem:s3+$0x0];
	_ =	sdelay $0x2  }
0x3b7: {  	v6 =	vld [tilespmem:s1+$0x0];
	[tilespmem:v1+s31+$0x0] =	vst.idx.msk $0xffff, v27  }
0x3b8: {  	v8 =	vor.u32 $0x20, v1;
	v7 =	vld.idx.msk [tilespmem:v3+s23+$0x0], $0xffff  }
0x3b9: {  	v4 =	vshll.u32 v5, $0x7;
	_ =	sdelay $0x3  }
0x3ba: {  	[tilespmem:v8+s31+$0x0] =	vst.idx.msk $0xffff, v7  }
0x3bb: {  	v28 =	vor.u32 $0x40, v1;
	v7 =	vld.idx.msk [tilespmem:v4+s17+$0x0], $0xffff  }
0x3bc: {  	v5 =	vshll.u32 v6, $0x7;
	_ =	sdelay $0x3  }
0x3bd: {  	[tilespmem:v28+s31+$0x0] =	vst.idx.msk $0xffff, v7  }
0x3be: {  	v29 =	vor.u32 $0x60, v1;
	v6 =	vld.idx.msk [tilespmem:v5+s18+$0x0], $0xffff  }
0x3bf: {  	v30 =	vor.u32 $0x1, v2;
	_ =	sdelay $0x3  }
0x3c0: {  	[tilespmem:v29+s31+$0x0] =	vst.idx.msk $0xffff, v6  }
0x3c1: {  	v31 =	vor.u32 $0x1, v1;
	v6 =	vld.idx.msk [tilespmem:v30+s21+$0x0], $0xffff  }
0x3c2: {  	v32 =	vor.u32 $0x1, v3;
	_ =	sdelay $0x3  }
0x3c3: {  	[tilespmem:v31+s31+$0x0] =	vst.idx.msk $0xffff, v6  }
0x3c4: {  	v33 =	vor.u32 $0x21, v1;
	v6 =	vld.idx.msk [tilespmem:v32+s23+$0x0], $0xffff  }
0x3c5: {  	v34 =	vor.u32 $0x1, v4;
	_ =	sdelay $0x3  }
0x3c6: {  	[tilespmem:v33+s31+$0x0] =	vst.idx.msk $0xffff, v6  }
0x3c7: {  	v35 =	vor.u32 $0x41, v1;
	v6 =	vld.idx.msk [tilespmem:v34+s17+$0x0], $0xffff  }
0x3c8: {  	v36 =	vor.u32 $0x1, v5;
	_ =	sdelay $0x3  }
0x3c9: {  	[tilespmem:v35+s31+$0x0] =	vst.idx.msk $0xffff, v6  }
0x3ca: {  	v37 =	vor.u32 $0x61, v1;
	v6 =	vld.idx.msk [tilespmem:v36+s18+$0x0], $0xffff  }
0x3cb: {  	v38 =	vor.u32 $0x2, v2;
	_ =	sdelay $0x3  }
0x3cc: {  	[tilespmem:v37+s31+$0x0] =	vst.idx.msk $0xffff, v6  }
0x3cd: {  	v39 =	vor.u32 $0x2, v1;
	v6 =	vld.idx.msk [tilespmem:v38+s21+$0x0], $0xffff  }
0x3ce: {  	v40 =	vor.u32 $0x2, v3;
	_ =	sdelay $0x3  }
0x3cf: {  	[tilespmem:v39+s31+$0x0] =	vst.idx.msk $0xffff, v6  }
0x3d0: {  	v41 =	vor.u32 $0x22, v1;
	v6 =	vld.idx.msk [tilespmem:v40+s23+$0x0], $0xffff  }
0x3d1: {  	v42 =	vor.u32 $0x2, v4;
	_ =	sdelay $0x3  }
0x3d2: {  	[tilespmem:v41+s31+$0x0] =	vst.idx.msk $0xffff, v6  }
0x3d3: {  	v43 =	vor.u32 $0x42, v1;
	v6 =	vld.idx.msk [tilespmem:v42+s17+$0x0], $0xffff  }
0x3d4: {  	v44 =	vor.u32 $0x2, v5;
	_ =	sdelay $0x3  }
0x3d5: {  	[tilespmem:v43+s31+$0x0] =	vst.idx.msk $0xffff, v6  }
0x3d6: {  	v45 =	vor.u32 $0x62, v1;
	v6 =	vld.idx.msk [tilespmem:v44+s18+$0x0], $0xffff  }
0x3d7: {  	v46 =	vor.u32 $0x3, v2;
	_ =	sdelay $0x3  }
0x3d8: {  	[tilespmem:v45+s31+$0x0] =	vst.idx.msk $0xffff, v6  }
0x3d9: {  	v47 =	vor.u32 $0x3, v1;
	v6 =	vld.idx.msk [tilespmem:v46+s21+$0x0], $0xffff  }
0x3da: {  	v48 =	vor.u32 $0x3, v3;
	_ =	sdelay $0x3  }
0x3db: {  	[tilespmem:v47+s31+$0x0] =	vst.idx.msk $0xffff, v6  }
0x3dc: {  	v49 =	vor.u32 $0x23, v1;
	v6 =	vld.idx.msk [tilespmem:v48+s23+$0x0], $0xffff  }
0x3dd: {  	v50 =	vor.u32 $0x3, v4;
	_ =	sdelay $0x3  }
0x3de: {  	[tilespmem:v49+s31+$0x0] =	vst.idx.msk $0xffff, v6  }
0x3df: {  	v51 =	vor.u32 $0x43, v1;
	v6 =	vld.idx.msk [tilespmem:v50+s17+$0x0], $0xffff  }
0x3e0: {  	v52 =	vor.u32 $0x3, v5;
	_ =	sdelay $0x3  }
0x3e1: {  	[tilespmem:v51+s31+$0x0] =	vst.idx.msk $0xffff, v6  }
0x3e2: {  	v53 =	vor.u32 $0x63, v1;
	v6 =	vld.idx.msk [tilespmem:v52+s18+$0x0], $0xffff  }
0x3e3: {  	v54 =	vor.u32 $0x4, v2;
	_ =	sdelay $0x3  }
0x3e4: {  	[tilespmem:v53+s31+$0x0] =	vst.idx.msk $0xffff, v6  }
0x3e5: {  	v55 =	vor.u32 $0x4, v1;
	v6 =	vld.idx.msk [tilespmem:v54+s21+$0x0], $0xffff  }
0x3e6: {  	v56 =	vor.u32 $0x4, v3;
	_ =	sdelay $0x3  }
0x3e7: {  	[tilespmem:v55+s31+$0x0] =	vst.idx.msk $0xffff, v6  }
0x3e8: {  	v57 =	vor.u32 $0x24, v1;
	v6 =	vld.idx.msk [tilespmem:v56+s23+$0x0], $0xffff  }
0x3e9: {  	v58 =	vor.u32 $0x4, v4;
	_ =	sdelay $0x3  }
0x3ea: {  	[tilespmem:v57+s31+$0x0] =	vst.idx.msk $0xffff, v6  }
0x3eb: {  	v59 =	vor.u32 $0x44, v1;
	v6 =	vld.idx.msk [tilespmem:v58+s17+$0x0], $0xffff  }
0x3ec: {  	v60 =	vor.u32 $0x4, v5;
	_ =	sdelay $0x3  }
0x3ed: {  	[tilespmem:v59+s31+$0x0] =	vst.idx.msk $0xffff, v6  }
0x3ee: {  	v61 =	vor.u32 $0x64, v1;
	v6 =	vld.idx.msk [tilespmem:v60+s18+$0x0], $0xffff  }
0x3ef: {  	v62 =	vor.u32 $0x5, v2;
	_ =	sdelay $0x3  }
0x3f0: {  	[tilespmem:v61+s31+$0x0] =	vst.idx.msk $0xffff, v6  }
0x3f1: {  	v63 =	vor.u32 $0x5, v1;
	v6 =	vld.idx.msk [tilespmem:v62+s21+$0x0], $0xffff  }
0x3f2: {  	v12 =	vor.u32 $0x5, v3;
	_ =	sdelay $0x3  }
0x3f3: {  	[tilespmem:v63+s31+$0x0] =	vst.idx.msk $0xffff, v6  }
0x3f4: {  	v13 =	vor.u32 $0x25, v1;
	v6 =	vld.idx.msk [tilespmem:v12+s23+$0x0], $0xffff  }
0x3f5: {  	v14 =	vor.u32 $0x5, v4;
	_ =	sdelay $0x3  }
0x3f6: {  	[tilespmem:v13+s31+$0x0] =	vst.idx.msk $0xffff, v6  }
0x3f7: {  	v15 =	vor.u32 $0x45, v1;
	v6 =	vld.idx.msk [tilespmem:v14+s17+$0x0], $0xffff  }
0x3f8: {  	v16 =	vor.u32 $0x5, v5;
	_ =	sdelay $0x3  }
0x3f9: {  	[tilespmem:v15+s31+$0x0] =	vst.idx.msk $0xffff, v6  }
0x3fa: {  	v17 =	vor.u32 $0x65, v1;
	v6 =	vld.idx.msk [tilespmem:v16+s18+$0x0], $0xffff  }
0x3fb: {  	v18 =	vor.u32 $0x6, v2;
	_ =	sdelay $0x3  }
0x3fc: {  	[tilespmem:v17+s31+$0x0] =	vst.idx.msk $0xffff, v6  }
0x3fd: {  	v19 =	vor.u32 $0x6, v1;
	v6 =	vld.idx.msk [tilespmem:v18+s21+$0x0], $0xffff  }
0x3fe: {  	v20 =	vor.u32 $0x6, v3;
	_ =	sdelay $0x3  }
0x3ff: {  	[tilespmem:v19+s31+$0x0] =	vst.idx.msk $0xffff, v6  }
0x400: {  	v21 =	vor.u32 $0x26, v1;
	v6 =	vld.idx.msk [tilespmem:v20+s23+$0x0], $0xffff  }
0x401: {  	v22 =	vor.u32 $0x6, v4;
	_ =	sdelay $0x3  }
0x402: {  	[tilespmem:v21+s31+$0x0] =	vst.idx.msk $0xffff, v6  }
0x403: {  	v23 =	vor.u32 $0x46, v1;
	v6 =	vld.idx.msk [tilespmem:v22+s17+$0x0], $0xffff  }
0x404: {  	v24 =	vor.u32 $0x6, v5;
	_ =	sdelay $0x3  }
0x405: {  	[tilespmem:v23+s31+$0x0] =	vst.idx.msk $0xffff, v6  }
0x406: {  	v25 =	vor.u32 $0x66, v1;
	v6 =	vld.idx.msk [tilespmem:v24+s18+$0x0], $0xffff  }
0x407: {  	v26 =	vor.u32 $0x7, v2;
	_ =	sdelay $0x3  }
0x408: {  	[tilespmem:v25+s31+$0x0] =	vst.idx.msk $0xffff, v6  }
0x409: {  	v27 =	vor.u32 $0x7, v1;
	v6 =	vld.idx.msk [tilespmem:v26+s21+$0x0], $0xffff  }
0x40a: {  	v28 =	vor.u32 $0x7, v3;
	_ =	sdelay $0x3  }
0x40b: {  	[tilespmem:v27+s31+$0x0] =	vst.idx.msk $0xffff, v6  }
0x40c: {  	v29 =	vor.u32 $0x27, v1;
	v6 =	vld.idx.msk [tilespmem:v28+s23+$0x0], $0xffff  }
0x40d: {  	v30 =	vor.u32 $0x7, v4;
	_ =	sdelay $0x3  }
0x40e: {  	[tilespmem:v29+s31+$0x0] =	vst.idx.msk $0xffff, v6  }
0x40f: {  	v31 =	vor.u32 $0x47, v1;
	v6 =	vld.idx.msk [tilespmem:v30+s17+$0x0], $0xffff  }
0x410: {  	v32 =	vor.u32 $0x7, v5;
	_ =	sdelay $0x3  }
0x411: {  	[tilespmem:v31+s31+$0x0] =	vst.idx.msk $0xffff, v6  }
0x412: {  	v33 =	vor.u32 $0x67, v1;
	v6 =	vld.idx.msk [tilespmem:v32+s18+$0x0], $0xffff  }
0x413: {  	v34 =	vor.u32 $0x8, v2;
	_ =	sdelay $0x3  }
0x414: {  	[tilespmem:v33+s31+$0x0] =	vst.idx.msk $0xffff, v6  }
0x415: {  	v35 =	vor.u32 $0x8, v1;
	v6 =	vld.idx.msk [tilespmem:v34+s21+$0x0], $0xffff  }
0x416: {  	v36 =	vor.u32 $0x8, v3;
	_ =	sdelay $0x3  }
0x417: {  	[tilespmem:v35+s31+$0x0] =	vst.idx.msk $0xffff, v6  }
0x418: {  	v37 =	vor.u32 $0x28, v1;
	v6 =	vld.idx.msk [tilespmem:v36+s23+$0x0], $0xffff  }
0x419: {  	v38 =	vor.u32 $0x8, v4;
	_ =	sdelay $0x3  }
0x41a: {  	[tilespmem:v37+s31+$0x0] =	vst.idx.msk $0xffff, v6  }
0x41b: {  	v39 =	vor.u32 $0x48, v1;
	v6 =	vld.idx.msk [tilespmem:v38+s17+$0x0], $0xffff  }
0x41c: {  	v40 =	vor.u32 $0x8, v5;
	_ =	sdelay $0x3  }
0x41d: {  	[tilespmem:v39+s31+$0x0] =	vst.idx.msk $0xffff, v6  }
0x41e: {  	v41 =	vor.u32 $0x68, v1;
	v6 =	vld.idx.msk [tilespmem:v40+s18+$0x0], $0xffff  }
0x41f: {  	v42 =	vor.u32 $0x9, v2;
	_ =	sdelay $0x3  }
0x420: {  	[tilespmem:v41+s31+$0x0] =	vst.idx.msk $0xffff, v6  }
0x421: {  	v43 =	vor.u32 $0x9, v1;
	v6 =	vld.idx.msk [tilespmem:v42+s21+$0x0], $0xffff  }
0x422: {  	v44 =	vor.u32 $0x9, v3;
	_ =	sdelay $0x3  }
0x423: {  	[tilespmem:v43+s31+$0x0] =	vst.idx.msk $0xffff, v6  }
0x424: {  	v45 =	vor.u32 $0x29, v1;
	v6 =	vld.idx.msk [tilespmem:v44+s23+$0x0], $0xffff  }
0x425: {  	v46 =	vor.u32 $0x9, v4;
	_ =	sdelay $0x3  }
0x426: {  	[tilespmem:v45+s31+$0x0] =	vst.idx.msk $0xffff, v6  }
0x427: {  	v47 =	vor.u32 $0x49, v1;
	v6 =	vld.idx.msk [tilespmem:v46+s17+$0x0], $0xffff  }
0x428: {  	v48 =	vor.u32 $0x9, v5;
	_ =	sdelay $0x3  }
0x429: {  	[tilespmem:v47+s31+$0x0] =	vst.idx.msk $0xffff, v6  }
0x42a: {  	v49 =	vor.u32 $0x69, v1;
	v6 =	vld.idx.msk [tilespmem:v48+s18+$0x0], $0xffff  }
0x42b: {  	v50 =	vor.u32 $0xA, v2;
	_ =	sdelay $0x3  }
0x42c: {  	[tilespmem:v49+s31+$0x0] =	vst.idx.msk $0xffff, v6  }
0x42d: {  	v51 =	vor.u32 $0xA, v1;
	v6 =	vld.idx.msk [tilespmem:v50+s21+$0x0], $0xffff  }
0x42e: {  	v52 =	vor.u32 $0xA, v3;
	_ =	sdelay $0x3  }
0x42f: {  	[tilespmem:v51+s31+$0x0] =	vst.idx.msk $0xffff, v6  }
0x430: {  	v53 =	vor.u32 $0x2A, v1;
	v6 =	vld.idx.msk [tilespmem:v52+s23+$0x0], $0xffff  }
0x431: {  	v54 =	vor.u32 $0xA, v4;
	_ =	sdelay $0x3  }
0x432: {  	[tilespmem:v53+s31+$0x0] =	vst.idx.msk $0xffff, v6  }
0x433: {  	v55 =	vor.u32 $0x4A, v1;
	v6 =	vld.idx.msk [tilespmem:v54+s17+$0x0], $0xffff  }
0x434: {  	v56 =	vor.u32 $0xA, v5;
	_ =	sdelay $0x3  }
0x435: {  	[tilespmem:v55+s31+$0x0] =	vst.idx.msk $0xffff, v6  }
0x436: {  	v57 =	vor.u32 $0x6A, v1;
	v6 =	vld.idx.msk [tilespmem:v56+s18+$0x0], $0xffff  }
0x437: {  	v58 =	vor.u32 $0xB, v2;
	_ =	sdelay $0x3  }
0x438: {  	[tilespmem:v57+s31+$0x0] =	vst.idx.msk $0xffff, v6  }
0x439: {  	v59 =	vor.u32 $0xB, v1;
	v6 =	vld.idx.msk [tilespmem:v58+s21+$0x0], $0xffff  }
0x43a: {  	v60 =	vor.u32 $0xB, v3;
	_ =	sdelay $0x3  }
0x43b: {  	[tilespmem:v59+s31+$0x0] =	vst.idx.msk $0xffff, v6  }
0x43c: {  	v61 =	vor.u32 $0x2B, v1;
	v6 =	vld.idx.msk [tilespmem:v60+s23+$0x0], $0xffff  }
0x43d: {  	v62 =	vor.u32 $0xB, v4;
	_ =	sdelay $0x3  }
0x43e: {  	[tilespmem:v61+s31+$0x0] =	vst.idx.msk $0xffff, v6  }
0x43f: {  	v63 =	vor.u32 $0x4B, v1;
	v6 =	vld.idx.msk [tilespmem:v62+s17+$0x0], $0xffff  }
0x440: {  	v12 =	vor.u32 $0xB, v5;
	_ =	sdelay $0x3  }
0x441: {  	[tilespmem:v63+s31+$0x0] =	vst.idx.msk $0xffff, v6  }
0x442: {  	v13 =	vor.u32 $0x6B, v1;
	v6 =	vld.idx.msk [tilespmem:v12+s18+$0x0], $0xffff  }
0x443: {  	v14 =	vor.u32 $0xC, v2;
	_ =	sdelay $0x3  }
0x444: {  	[tilespmem:v13+s31+$0x0] =	vst.idx.msk $0xffff, v6  }
0x445: {  	v15 =	vor.u32 $0xC, v1;
	v6 =	vld.idx.msk [tilespmem:v14+s21+$0x0], $0xffff  }
0x446: {  	v16 =	vor.u32 $0xC, v3;
	_ =	sdelay $0x3  }
0x447: {  	[tilespmem:v15+s31+$0x0] =	vst.idx.msk $0xffff, v6  }
0x448: {  	v17 =	vor.u32 $0x2C, v1;
	v6 =	vld.idx.msk [tilespmem:v16+s23+$0x0], $0xffff  }
0x449: {  	v18 =	vor.u32 $0xC, v4;
	_ =	sdelay $0x3  }
0x44a: {  	[tilespmem:v17+s31+$0x0] =	vst.idx.msk $0xffff, v6  }
0x44b: {  	v19 =	vor.u32 $0x4C, v1;
	v6 =	vld.idx.msk [tilespmem:v18+s17+$0x0], $0xffff  }
0x44c: {  	v20 =	vor.u32 $0xC, v5;
	_ =	sdelay $0x3  }
0x44d: {  	[tilespmem:v19+s31+$0x0] =	vst.idx.msk $0xffff, v6  }
0x44e: {  	v21 =	vor.u32 $0x6C, v1;
	v6 =	vld.idx.msk [tilespmem:v20+s18+$0x0], $0xffff  }
0x44f: {  	v22 =	vor.u32 $0xD, v2;
	_ =	sdelay $0x3  }
0x450: {  	[tilespmem:v21+s31+$0x0] =	vst.idx.msk $0xffff, v6  }
0x451: {  	v23 =	vor.u32 $0xD, v1;
	v6 =	vld.idx.msk [tilespmem:v22+s21+$0x0], $0xffff  }
0x452: {  	v24 =	vor.u32 $0xD, v3;
	_ =	sdelay $0x3  }
0x453: {  	[tilespmem:v23+s31+$0x0] =	vst.idx.msk $0xffff, v6  }
0x454: {  	v25 =	vor.u32 $0x2D, v1;
	v6 =	vld.idx.msk [tilespmem:v24+s23+$0x0], $0xffff  }
0x455: {  	v26 =	vor.u32 $0xD, v4;
	_ =	sdelay $0x3  }
0x456: {  	[tilespmem:v25+s31+$0x0] =	vst.idx.msk $0xffff, v6  }
0x457: {  	v27 =	vor.u32 $0x4D, v1;
	v6 =	vld.idx.msk [tilespmem:v26+s17+$0x0], $0xffff  }
0x458: {  	v28 =	vor.u32 $0xD, v5;
	_ =	sdelay $0x3  }
0x459: {  	[tilespmem:v27+s31+$0x0] =	vst.idx.msk $0xffff, v6  }
0x45a: {  	v29 =	vor.u32 $0x6D, v1;
	v6 =	vld.idx.msk [tilespmem:v28+s18+$0x0], $0xffff  }
0x45b: {  	v30 =	vor.u32 $0xE, v2;
	_ =	sdelay $0x3  }
0x45c: {  	[tilespmem:v29+s31+$0x0] =	vst.idx.msk $0xffff, v6  }
0x45d: {  	v31 =	vor.u32 $0xE, v1;
	v6 =	vld.idx.msk [tilespmem:v30+s21+$0x0], $0xffff  }
0x45e: {  	v32 =	vor.u32 $0xE, v3;
	_ =	sdelay $0x3  }
0x45f: {  	[tilespmem:v31+s31+$0x0] =	vst.idx.msk $0xffff, v6  }
0x460: {  	v33 =	vor.u32 $0x2E, v1;
	v6 =	vld.idx.msk [tilespmem:v32+s23+$0x0], $0xffff  }
0x461: {  	v34 =	vor.u32 $0xE, v4;
	_ =	sdelay $0x3  }
0x462: {  	[tilespmem:v33+s31+$0x0] =	vst.idx.msk $0xffff, v6  }
0x463: {  	v35 =	vor.u32 $0x4E, v1;
	v6 =	vld.idx.msk [tilespmem:v34+s17+$0x0], $0xffff  }
0x464: {  	v36 =	vor.u32 $0xE, v5;
	_ =	sdelay $0x3  }
0x465: {  	[tilespmem:v35+s31+$0x0] =	vst.idx.msk $0xffff, v6  }
0x466: {  	v37 =	vor.u32 $0x6E, v1;
	v6 =	vld.idx.msk [tilespmem:v36+s18+$0x0], $0xffff  }
0x467: {  	v38 =	vor.u32 $0xF, v2;
	_ =	sdelay $0x3  }
0x468: {  	[tilespmem:v37+s31+$0x0] =	vst.idx.msk $0xffff, v6  }
0x469: {  	v39 =	vor.u32 $0xF, v1;
	v6 =	vld.idx.msk [tilespmem:v38+s21+$0x0], $0xffff  }
0x46a: {  	v40 =	vor.u32 $0xF, v3;
	_ =	sdelay $0x3  }
0x46b: {  	[tilespmem:v39+s31+$0x0] =	vst.idx.msk $0xffff, v6  }
0x46c: {  	v41 =	vor.u32 $0x2F, v1;
	v6 =	vld.idx.msk [tilespmem:v40+s23+$0x0], $0xffff  }
0x46d: {  	v42 =	vor.u32 $0xF, v4;
	_ =	sdelay $0x3  }
0x46e: {  	[tilespmem:v41+s31+$0x0] =	vst.idx.msk $0xffff, v6  }
0x46f: {  	v43 =	vor.u32 $0x4F, v1;
	v6 =	vld.idx.msk [tilespmem:v42+s17+$0x0], $0xffff  }
0x470: {  	v44 =	vor.u32 $0xF, v5;
	_ =	sdelay $0x3  }
0x471: {  	[tilespmem:v43+s31+$0x0] =	vst.idx.msk $0xffff, v6  }
0x472: {  	v45 =	vor.u32 $0x6F, v1;
	v6 =	vld.idx.msk [tilespmem:v44+s18+$0x0], $0xffff  }
0x473: {  	v46 =	vor.u32 $0x10, v2;
	_ =	sdelay $0x3  }
0x474: {  	[tilespmem:v45+s31+$0x0] =	vst.idx.msk $0xffff, v6  }
0x475: {  	v47 =	vor.u32 $0x10, v1;
	v6 =	vld.idx.msk [tilespmem:v46+s21+$0x0], $0xffff  }
0x476: {  	v48 =	vor.u32 $0x10, v3;
	_ =	sdelay $0x3  }
0x477: {  	[tilespmem:v47+s31+$0x0] =	vst.idx.msk $0xffff, v6  }
0x478: {  	v49 =	vor.u32 $0x30, v1;
	v6 =	vld.idx.msk [tilespmem:v48+s23+$0x0], $0xffff  }
0x479: {  	v50 =	vor.u32 $0x10, v4;
	_ =	sdelay $0x3  }
0x47a: {  	[tilespmem:v49+s31+$0x0] =	vst.idx.msk $0xffff, v6  }
0x47b: {  	v51 =	vor.u32 $0x50, v1;
	v6 =	vld.idx.msk [tilespmem:v50+s17+$0x0], $0xffff  }
0x47c: {  	v52 =	vor.u32 $0x10, v5;
	_ =	sdelay $0x3  }
0x47d: {  	[tilespmem:v51+s31+$0x0] =	vst.idx.msk $0xffff, v6  }
0x47e: {  	v53 =	vor.u32 $0x70, v1;
	v6 =	vld.idx.msk [tilespmem:v52+s18+$0x0], $0xffff  }
0x47f: {  	v54 =	vor.u32 $0x11, v2;
	_ =	sdelay $0x3  }
0x480: {  	[tilespmem:v53+s31+$0x0] =	vst.idx.msk $0xffff, v6  }
0x481: {  	v55 =	vor.u32 $0x11, v1;
	v6 =	vld.idx.msk [tilespmem:v54+s21+$0x0], $0xffff  }
0x482: {  	v56 =	vor.u32 $0x11, v3;
	_ =	sdelay $0x3  }
0x483: {  	[tilespmem:v55+s31+$0x0] =	vst.idx.msk $0xffff, v6  }
0x484: {  	v57 =	vor.u32 $0x31, v1;
	v6 =	vld.idx.msk [tilespmem:v56+s23+$0x0], $0xffff  }
0x485: {  	v58 =	vor.u32 $0x11, v4;
	_ =	sdelay $0x3  }
0x486: {  	[tilespmem:v57+s31+$0x0] =	vst.idx.msk $0xffff, v6  }
0x487: {  	v59 =	vor.u32 $0x51, v1;
	v6 =	vld.idx.msk [tilespmem:v58+s17+$0x0], $0xffff  }
0x488: {  	v60 =	vor.u32 $0x11, v5;
	_ =	sdelay $0x3  }
0x489: {  	[tilespmem:v59+s31+$0x0] =	vst.idx.msk $0xffff, v6  }
0x48a: {  	v61 =	vor.u32 $0x71, v1;
	v6 =	vld.idx.msk [tilespmem:v60+s18+$0x0], $0xffff  }
0x48b: {  	v62 =	vor.u32 $0x12, v2;
	_ =	sdelay $0x3  }
0x48c: {  	[tilespmem:v61+s31+$0x0] =	vst.idx.msk $0xffff, v6  }
0x48d: {  	v63 =	vor.u32 $0x12, v1;
	v6 =	vld.idx.msk [tilespmem:v62+s21+$0x0], $0xffff  }
0x48e: {  	v12 =	vor.u32 $0x12, v3;
	_ =	sdelay $0x3  }
0x48f: {  	[tilespmem:v63+s31+$0x0] =	vst.idx.msk $0xffff, v6  }
0x490: {  	v13 =	vor.u32 $0x32, v1;
	v6 =	vld.idx.msk [tilespmem:v12+s23+$0x0], $0xffff  }
0x491: {  	v14 =	vor.u32 $0x12, v4;
	_ =	sdelay $0x3  }
0x492: {  	[tilespmem:v13+s31+$0x0] =	vst.idx.msk $0xffff, v6  }
0x493: {  	v15 =	vor.u32 $0x52, v1;
	v6 =	vld.idx.msk [tilespmem:v14+s17+$0x0], $0xffff  }
0x494: {  	v16 =	vor.u32 $0x12, v5;
	_ =	sdelay $0x3  }
0x495: {  	[tilespmem:v15+s31+$0x0] =	vst.idx.msk $0xffff, v6  }
0x496: {  	v17 =	vor.u32 $0x72, v1;
	v6 =	vld.idx.msk [tilespmem:v16+s18+$0x0], $0xffff  }
0x497: {  	v18 =	vor.u32 $0x13, v2;
	_ =	sdelay $0x3  }
0x498: {  	[tilespmem:v17+s31+$0x0] =	vst.idx.msk $0xffff, v6  }
0x499: {  	v19 =	vor.u32 $0x13, v1;
	v6 =	vld.idx.msk [tilespmem:v18+s21+$0x0], $0xffff  }
0x49a: {  	v20 =	vor.u32 $0x13, v3;
	_ =	sdelay $0x3  }
0x49b: {  	[tilespmem:v19+s31+$0x0] =	vst.idx.msk $0xffff, v6  }
0x49c: {  	v21 =	vor.u32 $0x33, v1;
	v6 =	vld.idx.msk [tilespmem:v20+s23+$0x0], $0xffff  }
0x49d: {  	v22 =	vor.u32 $0x13, v4;
	_ =	sdelay $0x3  }
0x49e: {  	[tilespmem:v21+s31+$0x0] =	vst.idx.msk $0xffff, v6  }
0x49f: {  	v23 =	vor.u32 $0x53, v1;
	v6 =	vld.idx.msk [tilespmem:v22+s17+$0x0], $0xffff  }
0x4a0: {  	v24 =	vor.u32 $0x13, v5;
	_ =	sdelay $0x3  }
0x4a1: {  	[tilespmem:v23+s31+$0x0] =	vst.idx.msk $0xffff, v6  }
0x4a2: {  	v25 =	vor.u32 $0x73, v1;
	v6 =	vld.idx.msk [tilespmem:v24+s18+$0x0], $0xffff  }
0x4a3: {  	v26 =	vor.u32 $0x14, v2;
	_ =	sdelay $0x3  }
0x4a4: {  	[tilespmem:v25+s31+$0x0] =	vst.idx.msk $0xffff, v6  }
0x4a5: {  	v27 =	vor.u32 $0x14, v1;
	v6 =	vld.idx.msk [tilespmem:v26+s21+$0x0], $0xffff  }
0x4a6: {  	v28 =	vor.u32 $0x14, v3;
	_ =	sdelay $0x3  }
0x4a7: {  	[tilespmem:v27+s31+$0x0] =	vst.idx.msk $0xffff, v6  }
0x4a8: {  	v29 =	vor.u32 $0x34, v1;
	v6 =	vld.idx.msk [tilespmem:v28+s23+$0x0], $0xffff  }
0x4a9: {  	v30 =	vor.u32 $0x14, v4;
	_ =	sdelay $0x3  }
0x4aa: {  	[tilespmem:v29+s31+$0x0] =	vst.idx.msk $0xffff, v6  }
0x4ab: {  	v31 =	vor.u32 $0x54, v1;
	v6 =	vld.idx.msk [tilespmem:v30+s17+$0x0], $0xffff  }
0x4ac: {  	v32 =	vor.u32 $0x14, v5;
	_ =	sdelay $0x3  }
0x4ad: {  	[tilespmem:v31+s31+$0x0] =	vst.idx.msk $0xffff, v6  }
0x4ae: {  	v33 =	vor.u32 $0x74, v1;
	v6 =	vld.idx.msk [tilespmem:v32+s18+$0x0], $0xffff  }
0x4af: {  	v34 =	vor.u32 $0x15, v2;
	_ =	sdelay $0x3  }
0x4b0: {  	[tilespmem:v33+s31+$0x0] =	vst.idx.msk $0xffff, v6  }
0x4b1: {  	v35 =	vor.u32 $0x15, v1;
	v6 =	vld.idx.msk [tilespmem:v34+s21+$0x0], $0xffff  }
0x4b2: {  	v36 =	vor.u32 $0x15, v3;
	_ =	sdelay $0x3  }
0x4b3: {  	[tilespmem:v35+s31+$0x0] =	vst.idx.msk $0xffff, v6  }
0x4b4: {  	v37 =	vor.u32 $0x35, v1;
	v6 =	vld.idx.msk [tilespmem:v36+s23+$0x0], $0xffff  }
0x4b5: {  	v38 =	vor.u32 $0x15, v4;
	_ =	sdelay $0x3  }
0x4b6: {  	[tilespmem:v37+s31+$0x0] =	vst.idx.msk $0xffff, v6  }
0x4b7: {  	v39 =	vor.u32 $0x55, v1;
	v6 =	vld.idx.msk [tilespmem:v38+s17+$0x0], $0xffff  }
0x4b8: {  	v40 =	vor.u32 $0x15, v5;
	_ =	sdelay $0x3  }
0x4b9: {  	[tilespmem:v39+s31+$0x0] =	vst.idx.msk $0xffff, v6  }
0x4ba: {  	v41 =	vor.u32 $0x75, v1;
	v6 =	vld.idx.msk [tilespmem:v40+s18+$0x0], $0xffff  }
0x4bb: {  	v42 =	vor.u32 $0x16, v2;
	_ =	sdelay $0x3  }
0x4bc: {  	[tilespmem:v41+s31+$0x0] =	vst.idx.msk $0xffff, v6  }
0x4bd: {  	v43 =	vor.u32 $0x16, v1;
	v6 =	vld.idx.msk [tilespmem:v42+s21+$0x0], $0xffff  }
0x4be: {  	v44 =	vor.u32 $0x16, v3;
	_ =	sdelay $0x3  }
0x4bf: {  	[tilespmem:v43+s31+$0x0] =	vst.idx.msk $0xffff, v6  }
0x4c0: {  	v45 =	vor.u32 $0x36, v1;
	v6 =	vld.idx.msk [tilespmem:v44+s23+$0x0], $0xffff  }
0x4c1: {  	v46 =	vor.u32 $0x16, v4;
	_ =	sdelay $0x3  }
0x4c2: {  	[tilespmem:v45+s31+$0x0] =	vst.idx.msk $0xffff, v6  }
0x4c3: {  	v47 =	vor.u32 $0x56, v1;
	v6 =	vld.idx.msk [tilespmem:v46+s17+$0x0], $0xffff  }
0x4c4: {  	v48 =	vor.u32 $0x16, v5;
	_ =	sdelay $0x3  }
0x4c5: {  	[tilespmem:v47+s31+$0x0] =	vst.idx.msk $0xffff, v6  }
0x4c6: {  	v49 =	vor.u32 $0x76, v1;
	v6 =	vld.idx.msk [tilespmem:v48+s18+$0x0], $0xffff  }
0x4c7: {  	v50 =	vor.u32 $0x17, v2;
	_ =	sdelay $0x3  }
0x4c8: {  	[tilespmem:v49+s31+$0x0] =	vst.idx.msk $0xffff, v6  }
0x4c9: {  	v51 =	vor.u32 $0x17, v1;
	v6 =	vld.idx.msk [tilespmem:v50+s21+$0x0], $0xffff  }
0x4ca: {  	v52 =	vor.u32 $0x17, v3;
	_ =	sdelay $0x3  }
0x4cb: {  	[tilespmem:v51+s31+$0x0] =	vst.idx.msk $0xffff, v6  }
0x4cc: {  	v53 =	vor.u32 $0x37, v1;
	v6 =	vld.idx.msk [tilespmem:v52+s23+$0x0], $0xffff  }
0x4cd: {  	v54 =	vor.u32 $0x17, v4;
	_ =	sdelay $0x3  }
0x4ce: {  	[tilespmem:v53+s31+$0x0] =	vst.idx.msk $0xffff, v6  }
0x4cf: {  	v55 =	vor.u32 $0x57, v1;
	v6 =	vld.idx.msk [tilespmem:v54+s17+$0x0], $0xffff  }
0x4d0: {  	v56 =	vor.u32 $0x17, v5;
	_ =	sdelay $0x3  }
0x4d1: {  	[tilespmem:v55+s31+$0x0] =	vst.idx.msk $0xffff, v6  }
0x4d2: {  	v57 =	vor.u32 $0x77, v1;
	v6 =	vld.idx.msk [tilespmem:v56+s18+$0x0], $0xffff  }
0x4d3: {  	v58 =	vor.u32 $0x18, v2;
	_ =	sdelay $0x3  }
0x4d4: {  	[tilespmem:v57+s31+$0x0] =	vst.idx.msk $0xffff, v6  }
0x4d5: {  	v59 =	vor.u32 $0x18, v1;
	v6 =	vld.idx.msk [tilespmem:v58+s21+$0x0], $0xffff  }
0x4d6: {  	v60 =	vor.u32 $0x18, v3;
	_ =	sdelay $0x3  }
0x4d7: {  	[tilespmem:v59+s31+$0x0] =	vst.idx.msk $0xffff, v6  }
0x4d8: {  	v61 =	vor.u32 $0x38, v1;
	v6 =	vld.idx.msk [tilespmem:v60+s23+$0x0], $0xffff  }
0x4d9: {  	v62 =	vor.u32 $0x18, v4;
	_ =	sdelay $0x3  }
0x4da: {  	[tilespmem:v61+s31+$0x0] =	vst.idx.msk $0xffff, v6  }
0x4db: {  	v63 =	vor.u32 $0x58, v1;
	v6 =	vld.idx.msk [tilespmem:v62+s17+$0x0], $0xffff  }
0x4dc: {  	v12 =	vor.u32 $0x18, v5;
	_ =	sdelay $0x3  }
0x4dd: {  	[tilespmem:v63+s31+$0x0] =	vst.idx.msk $0xffff, v6  }
0x4de: {  	v13 =	vor.u32 $0x78, v1;
	v6 =	vld.idx.msk [tilespmem:v12+s18+$0x0], $0xffff  }
0x4df: {  	v14 =	vor.u32 $0x19, v2;
	_ =	sdelay $0x3  }
0x4e0: {  	[tilespmem:v13+s31+$0x0] =	vst.idx.msk $0xffff, v6  }
0x4e1: {  	v15 =	vor.u32 $0x19, v1;
	v6 =	vld.idx.msk [tilespmem:v14+s21+$0x0], $0xffff  }
0x4e2: {  	v16 =	vor.u32 $0x19, v3;
	_ =	sdelay $0x3  }
0x4e3: {  	[tilespmem:v15+s31+$0x0] =	vst.idx.msk $0xffff, v6  }
0x4e4: {  	v17 =	vor.u32 $0x39, v1;
	v6 =	vld.idx.msk [tilespmem:v16+s23+$0x0], $0xffff  }
0x4e5: {  	v18 =	vor.u32 $0x19, v4;
	_ =	sdelay $0x3  }
0x4e6: {  	[tilespmem:v17+s31+$0x0] =	vst.idx.msk $0xffff, v6  }
0x4e7: {  	v19 =	vor.u32 $0x59, v1;
	v6 =	vld.idx.msk [tilespmem:v18+s17+$0x0], $0xffff  }
0x4e8: {  	v20 =	vor.u32 $0x19, v5;
	_ =	sdelay $0x3  }
0x4e9: {  	[tilespmem:v19+s31+$0x0] =	vst.idx.msk $0xffff, v6  }
0x4ea: {  	v21 =	vor.u32 $0x79, v1;
	v6 =	vld.idx.msk [tilespmem:v20+s18+$0x0], $0xffff  }
0x4eb: {  	v22 =	vor.u32 $0x1A, v2;
	_ =	sdelay $0x3  }
0x4ec: {  	[tilespmem:v21+s31+$0x0] =	vst.idx.msk $0xffff, v6  }
0x4ed: {  	v23 =	vor.u32 $0x1A, v1;
	v6 =	vld.idx.msk [tilespmem:v22+s21+$0x0], $0xffff  }
0x4ee: {  	v24 =	vor.u32 $0x1A, v3;
	_ =	sdelay $0x3  }
0x4ef: {  	[tilespmem:v23+s31+$0x0] =	vst.idx.msk $0xffff, v6  }
0x4f0: {  	v25 =	vor.u32 $0x3A, v1;
	v6 =	vld.idx.msk [tilespmem:v24+s23+$0x0], $0xffff  }
0x4f1: {  	v26 =	vor.u32 $0x1A, v4;
	_ =	sdelay $0x3  }
0x4f2: {  	[tilespmem:v25+s31+$0x0] =	vst.idx.msk $0xffff, v6  }
0x4f3: {  	v27 =	vor.u32 $0x5A, v1;
	v6 =	vld.idx.msk [tilespmem:v26+s17+$0x0], $0xffff  }
0x4f4: {  	v28 =	vor.u32 $0x1A, v5;
	_ =	sdelay $0x3  }
0x4f5: {  	[tilespmem:v27+s31+$0x0] =	vst.idx.msk $0xffff, v6  }
0x4f6: {  	v29 =	vor.u32 $0x7A, v1;
	v6 =	vld.idx.msk [tilespmem:v28+s18+$0x0], $0xffff  }
0x4f7: {  	v30 =	vor.u32 $0x1B, v2;
	_ =	sdelay $0x3  }
0x4f8: {  	[tilespmem:v29+s31+$0x0] =	vst.idx.msk $0xffff, v6  }
0x4f9: {  	v31 =	vor.u32 $0x1B, v1;
	v6 =	vld.idx.msk [tilespmem:v30+s21+$0x0], $0xffff  }
0x4fa: {  	v32 =	vor.u32 $0x1B, v3;
	_ =	sdelay $0x3  }
0x4fb: {  	[tilespmem:v31+s31+$0x0] =	vst.idx.msk $0xffff, v6  }
0x4fc: {  	v33 =	vor.u32 $0x3B, v1;
	v6 =	vld.idx.msk [tilespmem:v32+s23+$0x0], $0xffff  }
0x4fd: {  	v34 =	vor.u32 $0x1B, v4;
	_ =	sdelay $0x3  }
0x4fe: {  	[tilespmem:v33+s31+$0x0] =	vst.idx.msk $0xffff, v6  }
0x4ff: {  	v35 =	vor.u32 $0x5B, v1;
	v6 =	vld.idx.msk [tilespmem:v34+s17+$0x0], $0xffff  }
0x500: {  	v36 =	vor.u32 $0x1B, v5;
	_ =	sdelay $0x3  }
0x501: {  	[tilespmem:v35+s31+$0x0] =	vst.idx.msk $0xffff, v6  }
0x502: {  	v37 =	vor.u32 $0x7B, v1;
	v6 =	vld.idx.msk [tilespmem:v36+s18+$0x0], $0xffff  }
0x503: {  	v38 =	vor.u32 $0x1C, v2;
	_ =	sdelay $0x3  }
0x504: {  	[tilespmem:v37+s31+$0x0] =	vst.idx.msk $0xffff, v6  }
0x505: {  	v39 =	vor.u32 $0x1C, v1;
	v6 =	vld.idx.msk [tilespmem:v38+s21+$0x0], $0xffff  }
0x506: {  	v40 =	vor.u32 $0x1C, v3;
	_ =	sdelay $0x3  }
0x507: {  	[tilespmem:v39+s31+$0x0] =	vst.idx.msk $0xffff, v6  }
0x508: {  	v41 =	vor.u32 $0x3C, v1;
	v6 =	vld.idx.msk [tilespmem:v40+s23+$0x0], $0xffff  }
0x509: {  	v42 =	vor.u32 $0x1C, v4;
	_ =	sdelay $0x3  }
0x50a: {  	[tilespmem:v41+s31+$0x0] =	vst.idx.msk $0xffff, v6  }
0x50b: {  	v43 =	vor.u32 $0x5C, v1;
	v6 =	vld.idx.msk [tilespmem:v42+s17+$0x0], $0xffff  }
0x50c: {  	v44 =	vor.u32 $0x1C, v5;
	_ =	sdelay $0x3  }
0x50d: {  	[tilespmem:v43+s31+$0x0] =	vst.idx.msk $0xffff, v6  }
0x50e: {  	v45 =	vor.u32 $0x7C, v1;
	v6 =	vld.idx.msk [tilespmem:v44+s18+$0x0], $0xffff  }
0x50f: {  	v46 =	vor.u32 $0x1D, v2;
	_ =	sdelay $0x3  }
0x510: {  	[tilespmem:v45+s31+$0x0] =	vst.idx.msk $0xffff, v6  }
0x511: {  	v47 =	vor.u32 $0x1D, v1;
	v6 =	vld.idx.msk [tilespmem:v46+s21+$0x0], $0xffff  }
0x512: {  	v48 =	vor.u32 $0x1D, v3;
	_ =	sdelay $0x3  }
0x513: {  	[tilespmem:v47+s31+$0x0] =	vst.idx.msk $0xffff, v6  }
0x514: {  	v49 =	vor.u32 $0x3D, v1;
	v6 =	vld.idx.msk [tilespmem:v48+s23+$0x0], $0xffff  }
0x515: {  	v50 =	vor.u32 $0x1D, v4;
	_ =	sdelay $0x3  }
0x516: {  	[tilespmem:v49+s31+$0x0] =	vst.idx.msk $0xffff, v6  }
0x517: {  	v51 =	vor.u32 $0x5D, v1;
	v6 =	vld.idx.msk [tilespmem:v50+s17+$0x0], $0xffff  }
0x518: {  	v52 =	vor.u32 $0x1D, v5;
	_ =	sdelay $0x3  }
0x519: {  	[tilespmem:v51+s31+$0x0] =	vst.idx.msk $0xffff, v6  }
0x51a: {  	v53 =	vor.u32 $0x7D, v1;
	v6 =	vld.idx.msk [tilespmem:v52+s18+$0x0], $0xffff  }
0x51b: {  	v54 =	vor.u32 $0x1E, v2;
	_ =	sdelay $0x3  }
0x51c: {  	[tilespmem:v53+s31+$0x0] =	vst.idx.msk $0xffff, v6  }
0x51d: {  	v55 =	vor.u32 $0x1E, v1;
	v6 =	vld.idx.msk [tilespmem:v54+s21+$0x0], $0xffff  }
0x51e: {  	v56 =	vor.u32 $0x1E, v3;
	_ =	sdelay $0x3  }
0x51f: {  	[tilespmem:v55+s31+$0x0] =	vst.idx.msk $0xffff, v6  }
0x520: {  	v57 =	vor.u32 $0x3E, v1;
	v6 =	vld.idx.msk [tilespmem:v56+s23+$0x0], $0xffff  }
0x521: {  	v58 =	vor.u32 $0x1E, v4;
	_ =	sdelay $0x3  }
0x522: {  	[tilespmem:v57+s31+$0x0] =	vst.idx.msk $0xffff, v6  }
0x523: {  	v59 =	vor.u32 $0x5E, v1;
	v6 =	vld.idx.msk [tilespmem:v58+s17+$0x0], $0xffff  }
0x524: {  	v60 =	vor.u32 $0x1E, v5;
	_ =	sdelay $0x3  }
0x525: {  	[tilespmem:v59+s31+$0x0] =	vst.idx.msk $0xffff, v6  }
0x526: {  	v61 =	vor.u32 $0x7E, v1;
	v6 =	vld.idx.msk [tilespmem:v60+s18+$0x0], $0xffff  }
0x527: {  	v2 =	vor.u32 $0x1F, v2;
	_ =	sdelay $0x3  }
0x528: {  	[tilespmem:v61+s31+$0x0] =	vst.idx.msk $0xffff, v6  }
0x529: {  	v62 =	vor.u32 $0x1F, v1;
	v2 =	vld.idx.msk [tilespmem:v2+s21+$0x0], $0xffff  }
0x52a: {  	v3 =	vor.u32 $0x1F, v3;
	_ =	sdelay $0x3  }
0x52b: {  	[tilespmem:v62+s31+$0x0] =	vst.idx.msk $0xffff, v2  }
0x52c: {  	v2 =	vld.idx.msk [tilespmem:v3+s23+$0x0], $0xffff;
	v3 =	vor.u32 $0x3F, v1  }
0x52d: {  	v4 =	vor.u32 $0x1F, v4;
	_ =	sdelay $0x3  }
0x52e: {  	[tilespmem:v3+s31+$0x0] =	vst.idx.msk $0xffff, v2  }
0x52f: {  	v3 =	vor.u32 $0x5F, v1;
	v2 =	vld.idx.msk [tilespmem:v4+s17+$0x0], $0xffff  }
0x530: {  	v63 =	vor.u32 $0x1F, v5;
	_ =	sdelay $0x3  }
0x531: {  	[tilespmem:v3+s31+$0x0] =	vst.idx.msk $0xffff, v2  }
0x532: {  	p0 =	sne.s32 s0, $0x70;
	v1 =	vor.u32 $0x7F, v1;
	v2 =	vld.idx.msk [tilespmem:v63+s18+$0x0], $0xffff  }
.Ltmp2:
0x533: {  	_ = 	snop;
	(pc) =	sbr.rel @p0 .LBB2_6-.Ltmp2, $3  }
0x534: {  	_ =	sdelay $0x1  }
0x535: {  	s24 =	sadd.s32 $0x10, s24;
	s26 =	sadd.s32 $0x10, s26  }
0x536: {  	s3 =	sadd.s32 $0x10, s3;
	s1 =	sadd.s32 $0x10, s1;
	s0 =	sadd.s32 $0x10, s0;
	[tilespmem:v1+s31+$0x0] =	vst.idx.msk $0xffff, v2  }
0x537: {  	s0 =	simm.s32 $0x0  }
0x538: {  	[hbm4b:s13+s0] =	stream.linear.scatter [tilespmem:s31], [sflag:$0x3], $0x4000, $0x38;
	[tilespmem:$0x1D400] =	vst v63  }
0x539: {  	_ =	swait.ge [sflag:s16], $0x4000  }
0x53a: {  	[sflag:s16] =	ssyncset.done $0x0  }
0x53b: {  	[sflag:s16] =	ssyncadd.s32 $0xFFFFC000  }
0x53c: {  	_ =	swait.ge [sflag:s29], $0x4000  }
0x53d: {  	[sflag:s29] =	ssyncset.done $0x0  }
0x53e: {  	[sflag:s29] =	ssyncadd.s32 $0xFFFFC000  }
0x53f: {  	_ =	swait.ge [sflag:s30], $0x4000  }
0x540: {  	s24 =	simm.s32 $0x180;
	s26 =	simm.s32 $0x380;
	[sflag:s30] =	ssyncset.done $0x0  }
0x541: {  	s3 =	simm.s32 $0x580;
	s1 =	simm.s32 $0x780;
	[sflag:s30] =	ssyncadd.s32 $0xFFFFC000  }
.LBB2_8:
0x542: {  	v1 =	vld [tilespmem:s24+$0x0];
	_ =	sdelay $0x3  }
0x543: {  	v2 =	vmov s0  }
0x544: {  	v2 =	vshll.u32 v2, $0x7;
	v1 =	vshll.u32 v1, $0x5  }
0x545: {  	v4 =	vld [tilespmem:s26+$0x0];
	v3 =	vand.u32 $0x60, v1;
	v1 =	vor.u32 v0, v2  }
0x546: {  	v2 =	vor.u32 v1, v3;
	_ =	sdelay $0x3  }
0x547: {  	v3 =	vshll.u32 v4, $0x5  }
0x548: {  	v3 =	vand.u32 $0x60, v3;
	v27 =	vld.idx.msk [tilespmem:v2+s25+$0x0], $0xffff  }
0x549: {  	v3 =	vor.u32 v1, v3  }
0x54a: {  	v5 =	vld [tilespmem:s3+$0x0];
	_ =	sdelay $0x2  }
0x54b: {  	v6 =	vld [tilespmem:s1+$0x0];
	[tilespmem:v1+s31+$0x0] =	vst.idx.msk $0xffff, v27  }
0x54c: {  	v8 =	vor.u32 $0x20, v1;
	v7 =	vld.idx.msk [tilespmem:v3+s28+$0x0], $0xffff  }
0x54d: {  	v4 =	vshll.u32 v5, $0x7;
	_ =	sdelay $0x3  }
0x54e: {  	[tilespmem:v8+s31+$0x0] =	vst.idx.msk $0xffff, v7  }
0x54f: {  	v28 =	vor.u32 $0x40, v1;
	v7 =	vld.idx.msk [tilespmem:v4+s17+$0x0], $0xffff  }
0x550: {  	v5 =	vshll.u32 v6, $0x7;
	_ =	sdelay $0x3  }
0x551: {  	[tilespmem:v28+s31+$0x0] =	vst.idx.msk $0xffff, v7  }
0x552: {  	v29 =	vor.u32 $0x60, v1;
	v6 =	vld.idx.msk [tilespmem:v5+s18+$0x0], $0xffff  }
0x553: {  	v30 =	vor.u32 $0x1, v2;
	_ =	sdelay $0x3  }
0x554: {  	[tilespmem:v29+s31+$0x0] =	vst.idx.msk $0xffff, v6  }
0x555: {  	v31 =	vor.u32 $0x1, v1;
	v6 =	vld.idx.msk [tilespmem:v30+s25+$0x0], $0xffff  }
0x556: {  	v32 =	vor.u32 $0x1, v3;
	_ =	sdelay $0x3  }
0x557: {  	[tilespmem:v31+s31+$0x0] =	vst.idx.msk $0xffff, v6  }
0x558: {  	v33 =	vor.u32 $0x21, v1;
	v6 =	vld.idx.msk [tilespmem:v32+s28+$0x0], $0xffff  }
0x559: {  	v34 =	vor.u32 $0x1, v4;
	_ =	sdelay $0x3  }
0x55a: {  	[tilespmem:v33+s31+$0x0] =	vst.idx.msk $0xffff, v6  }
0x55b: {  	v35 =	vor.u32 $0x41, v1;
	v6 =	vld.idx.msk [tilespmem:v34+s17+$0x0], $0xffff  }
0x55c: {  	v36 =	vor.u32 $0x1, v5;
	_ =	sdelay $0x3  }
0x55d: {  	[tilespmem:v35+s31+$0x0] =	vst.idx.msk $0xffff, v6  }
0x55e: {  	v37 =	vor.u32 $0x61, v1;
	v6 =	vld.idx.msk [tilespmem:v36+s18+$0x0], $0xffff  }
0x55f: {  	v38 =	vor.u32 $0x2, v2;
	_ =	sdelay $0x3  }
0x560: {  	[tilespmem:v37+s31+$0x0] =	vst.idx.msk $0xffff, v6  }
0x561: {  	v39 =	vor.u32 $0x2, v1;
	v6 =	vld.idx.msk [tilespmem:v38+s25+$0x0], $0xffff  }
0x562: {  	v40 =	vor.u32 $0x2, v3;
	_ =	sdelay $0x3  }
0x563: {  	[tilespmem:v39+s31+$0x0] =	vst.idx.msk $0xffff, v6  }
0x564: {  	v41 =	vor.u32 $0x22, v1;
	v6 =	vld.idx.msk [tilespmem:v40+s28+$0x0], $0xffff  }
0x565: {  	v42 =	vor.u32 $0x2, v4;
	_ =	sdelay $0x3  }
0x566: {  	[tilespmem:v41+s31+$0x0] =	vst.idx.msk $0xffff, v6  }
0x567: {  	v43 =	vor.u32 $0x42, v1;
	v6 =	vld.idx.msk [tilespmem:v42+s17+$0x0], $0xffff  }
0x568: {  	v44 =	vor.u32 $0x2, v5;
	_ =	sdelay $0x3  }
0x569: {  	[tilespmem:v43+s31+$0x0] =	vst.idx.msk $0xffff, v6  }
0x56a: {  	v45 =	vor.u32 $0x62, v1;
	v6 =	vld.idx.msk [tilespmem:v44+s18+$0x0], $0xffff  }
0x56b: {  	v46 =	vor.u32 $0x3, v2;
	_ =	sdelay $0x3  }
0x56c: {  	[tilespmem:v45+s31+$0x0] =	vst.idx.msk $0xffff, v6  }
0x56d: {  	v47 =	vor.u32 $0x3, v1;
	v6 =	vld.idx.msk [tilespmem:v46+s25+$0x0], $0xffff  }
0x56e: {  	v48 =	vor.u32 $0x3, v3;
	_ =	sdelay $0x3  }
0x56f: {  	[tilespmem:v47+s31+$0x0] =	vst.idx.msk $0xffff, v6  }
0x570: {  	v49 =	vor.u32 $0x23, v1;
	v6 =	vld.idx.msk [tilespmem:v48+s28+$0x0], $0xffff  }
0x571: {  	v50 =	vor.u32 $0x3, v4;
	_ =	sdelay $0x3  }
0x572: {  	[tilespmem:v49+s31+$0x0] =	vst.idx.msk $0xffff, v6  }
0x573: {  	v51 =	vor.u32 $0x43, v1;
	v6 =	vld.idx.msk [tilespmem:v50+s17+$0x0], $0xffff  }
0x574: {  	v52 =	vor.u32 $0x3, v5;
	_ =	sdelay $0x3  }
0x575: {  	[tilespmem:v51+s31+$0x0] =	vst.idx.msk $0xffff, v6  }
0x576: {  	v53 =	vor.u32 $0x63, v1;
	v6 =	vld.idx.msk [tilespmem:v52+s18+$0x0], $0xffff  }
0x577: {  	v54 =	vor.u32 $0x4, v2;
	_ =	sdelay $0x3  }
0x578: {  	[tilespmem:v53+s31+$0x0] =	vst.idx.msk $0xffff, v6  }
0x579: {  	v55 =	vor.u32 $0x4, v1;
	v6 =	vld.idx.msk [tilespmem:v54+s25+$0x0], $0xffff  }
0x57a: {  	v56 =	vor.u32 $0x4, v3;
	_ =	sdelay $0x3  }
0x57b: {  	[tilespmem:v55+s31+$0x0] =	vst.idx.msk $0xffff, v6  }
0x57c: {  	v57 =	vor.u32 $0x24, v1;
	v6 =	vld.idx.msk [tilespmem:v56+s28+$0x0], $0xffff  }
0x57d: {  	v58 =	vor.u32 $0x4, v4;
	_ =	sdelay $0x3  }
0x57e: {  	[tilespmem:v57+s31+$0x0] =	vst.idx.msk $0xffff, v6  }
0x57f: {  	v59 =	vor.u32 $0x44, v1;
	v6 =	vld.idx.msk [tilespmem:v58+s17+$0x0], $0xffff  }
0x580: {  	v60 =	vor.u32 $0x4, v5;
	_ =	sdelay $0x3  }
0x581: {  	[tilespmem:v59+s31+$0x0] =	vst.idx.msk $0xffff, v6  }
0x582: {  	v61 =	vor.u32 $0x64, v1;
	v6 =	vld.idx.msk [tilespmem:v60+s18+$0x0], $0xffff  }
0x583: {  	v62 =	vor.u32 $0x5, v2;
	_ =	sdelay $0x3  }
0x584: {  	[tilespmem:v61+s31+$0x0] =	vst.idx.msk $0xffff, v6  }
0x585: {  	v63 =	vor.u32 $0x5, v1;
	v6 =	vld.idx.msk [tilespmem:v62+s25+$0x0], $0xffff  }
0x586: {  	v12 =	vor.u32 $0x5, v3;
	_ =	sdelay $0x3  }
0x587: {  	[tilespmem:v63+s31+$0x0] =	vst.idx.msk $0xffff, v6  }
0x588: {  	v13 =	vor.u32 $0x25, v1;
	v6 =	vld.idx.msk [tilespmem:v12+s28+$0x0], $0xffff  }
0x589: {  	v14 =	vor.u32 $0x5, v4;
	_ =	sdelay $0x3  }
0x58a: {  	[tilespmem:v13+s31+$0x0] =	vst.idx.msk $0xffff, v6  }
0x58b: {  	v15 =	vor.u32 $0x45, v1;
	v6 =	vld.idx.msk [tilespmem:v14+s17+$0x0], $0xffff  }
0x58c: {  	v16 =	vor.u32 $0x5, v5;
	_ =	sdelay $0x3  }
0x58d: {  	[tilespmem:v15+s31+$0x0] =	vst.idx.msk $0xffff, v6  }
0x58e: {  	v17 =	vor.u32 $0x65, v1;
	v6 =	vld.idx.msk [tilespmem:v16+s18+$0x0], $0xffff  }
0x58f: {  	v18 =	vor.u32 $0x6, v2;
	_ =	sdelay $0x3  }
0x590: {  	[tilespmem:v17+s31+$0x0] =	vst.idx.msk $0xffff, v6  }
0x591: {  	v19 =	vor.u32 $0x6, v1;
	v6 =	vld.idx.msk [tilespmem:v18+s25+$0x0], $0xffff  }
0x592: {  	v20 =	vor.u32 $0x6, v3;
	_ =	sdelay $0x3  }
0x593: {  	[tilespmem:v19+s31+$0x0] =	vst.idx.msk $0xffff, v6  }
0x594: {  	v21 =	vor.u32 $0x26, v1;
	v6 =	vld.idx.msk [tilespmem:v20+s28+$0x0], $0xffff  }
0x595: {  	v22 =	vor.u32 $0x6, v4;
	_ =	sdelay $0x3  }
0x596: {  	[tilespmem:v21+s31+$0x0] =	vst.idx.msk $0xffff, v6  }
0x597: {  	v23 =	vor.u32 $0x46, v1;
	v6 =	vld.idx.msk [tilespmem:v22+s17+$0x0], $0xffff  }
0x598: {  	v24 =	vor.u32 $0x6, v5;
	_ =	sdelay $0x3  }
0x599: {  	[tilespmem:v23+s31+$0x0] =	vst.idx.msk $0xffff, v6  }
0x59a: {  	v25 =	vor.u32 $0x66, v1;
	v6 =	vld.idx.msk [tilespmem:v24+s18+$0x0], $0xffff  }
0x59b: {  	v26 =	vor.u32 $0x7, v2;
	_ =	sdelay $0x3  }
0x59c: {  	[tilespmem:v25+s31+$0x0] =	vst.idx.msk $0xffff, v6  }
0x59d: {  	v27 =	vor.u32 $0x7, v1;
	v6 =	vld.idx.msk [tilespmem:v26+s25+$0x0], $0xffff  }
0x59e: {  	v28 =	vor.u32 $0x7, v3;
	_ =	sdelay $0x3  }
0x59f: {  	[tilespmem:v27+s31+$0x0] =	vst.idx.msk $0xffff, v6  }
0x5a0: {  	v29 =	vor.u32 $0x27, v1;
	v6 =	vld.idx.msk [tilespmem:v28+s28+$0x0], $0xffff  }
0x5a1: {  	v30 =	vor.u32 $0x7, v4;
	_ =	sdelay $0x3  }
0x5a2: {  	[tilespmem:v29+s31+$0x0] =	vst.idx.msk $0xffff, v6  }
0x5a3: {  	v31 =	vor.u32 $0x47, v1;
	v6 =	vld.idx.msk [tilespmem:v30+s17+$0x0], $0xffff  }
0x5a4: {  	v32 =	vor.u32 $0x7, v5;
	_ =	sdelay $0x3  }
0x5a5: {  	[tilespmem:v31+s31+$0x0] =	vst.idx.msk $0xffff, v6  }
0x5a6: {  	v33 =	vor.u32 $0x67, v1;
	v6 =	vld.idx.msk [tilespmem:v32+s18+$0x0], $0xffff  }
0x5a7: {  	v34 =	vor.u32 $0x8, v2;
	_ =	sdelay $0x3  }
0x5a8: {  	[tilespmem:v33+s31+$0x0] =	vst.idx.msk $0xffff, v6  }
0x5a9: {  	v35 =	vor.u32 $0x8, v1;
	v6 =	vld.idx.msk [tilespmem:v34+s25+$0x0], $0xffff  }
0x5aa: {  	v36 =	vor.u32 $0x8, v3;
	_ =	sdelay $0x3  }
0x5ab: {  	[tilespmem:v35+s31+$0x0] =	vst.idx.msk $0xffff, v6  }
0x5ac: {  	v37 =	vor.u32 $0x28, v1;
	v6 =	vld.idx.msk [tilespmem:v36+s28+$0x0], $0xffff  }
0x5ad: {  	v38 =	vor.u32 $0x8, v4;
	_ =	sdelay $0x3  }
0x5ae: {  	[tilespmem:v37+s31+$0x0] =	vst.idx.msk $0xffff, v6  }
0x5af: {  	v39 =	vor.u32 $0x48, v1;
	v6 =	vld.idx.msk [tilespmem:v38+s17+$0x0], $0xffff  }
0x5b0: {  	v40 =	vor.u32 $0x8, v5;
	_ =	sdelay $0x3  }
0x5b1: {  	[tilespmem:v39+s31+$0x0] =	vst.idx.msk $0xffff, v6  }
0x5b2: {  	v41 =	vor.u32 $0x68, v1;
	v6 =	vld.idx.msk [tilespmem:v40+s18+$0x0], $0xffff  }
0x5b3: {  	v42 =	vor.u32 $0x9, v2;
	_ =	sdelay $0x3  }
0x5b4: {  	[tilespmem:v41+s31+$0x0] =	vst.idx.msk $0xffff, v6  }
0x5b5: {  	v43 =	vor.u32 $0x9, v1;
	v6 =	vld.idx.msk [tilespmem:v42+s25+$0x0], $0xffff  }
0x5b6: {  	v44 =	vor.u32 $0x9, v3;
	_ =	sdelay $0x3  }
0x5b7: {  	[tilespmem:v43+s31+$0x0] =	vst.idx.msk $0xffff, v6  }
0x5b8: {  	v45 =	vor.u32 $0x29, v1;
	v6 =	vld.idx.msk [tilespmem:v44+s28+$0x0], $0xffff  }
0x5b9: {  	v46 =	vor.u32 $0x9, v4;
	_ =	sdelay $0x3  }
0x5ba: {  	[tilespmem:v45+s31+$0x0] =	vst.idx.msk $0xffff, v6  }
0x5bb: {  	v47 =	vor.u32 $0x49, v1;
	v6 =	vld.idx.msk [tilespmem:v46+s17+$0x0], $0xffff  }
0x5bc: {  	v48 =	vor.u32 $0x9, v5;
	_ =	sdelay $0x3  }
0x5bd: {  	[tilespmem:v47+s31+$0x0] =	vst.idx.msk $0xffff, v6  }
0x5be: {  	v49 =	vor.u32 $0x69, v1;
	v6 =	vld.idx.msk [tilespmem:v48+s18+$0x0], $0xffff  }
0x5bf: {  	v50 =	vor.u32 $0xA, v2;
	_ =	sdelay $0x3  }
0x5c0: {  	[tilespmem:v49+s31+$0x0] =	vst.idx.msk $0xffff, v6  }
0x5c1: {  	v51 =	vor.u32 $0xA, v1;
	v6 =	vld.idx.msk [tilespmem:v50+s25+$0x0], $0xffff  }
0x5c2: {  	v52 =	vor.u32 $0xA, v3;
	_ =	sdelay $0x3  }
0x5c3: {  	[tilespmem:v51+s31+$0x0] =	vst.idx.msk $0xffff, v6  }
0x5c4: {  	v53 =	vor.u32 $0x2A, v1;
	v6 =	vld.idx.msk [tilespmem:v52+s28+$0x0], $0xffff  }
0x5c5: {  	v54 =	vor.u32 $0xA, v4;
	_ =	sdelay $0x3  }
0x5c6: {  	[tilespmem:v53+s31+$0x0] =	vst.idx.msk $0xffff, v6  }
0x5c7: {  	v55 =	vor.u32 $0x4A, v1;
	v6 =	vld.idx.msk [tilespmem:v54+s17+$0x0], $0xffff  }
0x5c8: {  	v56 =	vor.u32 $0xA, v5;
	_ =	sdelay $0x3  }
0x5c9: {  	[tilespmem:v55+s31+$0x0] =	vst.idx.msk $0xffff, v6  }
0x5ca: {  	v57 =	vor.u32 $0x6A, v1;
	v6 =	vld.idx.msk [tilespmem:v56+s18+$0x0], $0xffff  }
0x5cb: {  	v58 =	vor.u32 $0xB, v2;
	_ =	sdelay $0x3  }
0x5cc: {  	[tilespmem:v57+s31+$0x0] =	vst.idx.msk $0xffff, v6  }
0x5cd: {  	v59 =	vor.u32 $0xB, v1;
	v6 =	vld.idx.msk [tilespmem:v58+s25+$0x0], $0xffff  }
0x5ce: {  	v60 =	vor.u32 $0xB, v3;
	_ =	sdelay $0x3  }
0x5cf: {  	[tilespmem:v59+s31+$0x0] =	vst.idx.msk $0xffff, v6  }
0x5d0: {  	v61 =	vor.u32 $0x2B, v1;
	v6 =	vld.idx.msk [tilespmem:v60+s28+$0x0], $0xffff  }
0x5d1: {  	v62 =	vor.u32 $0xB, v4;
	_ =	sdelay $0x3  }
0x5d2: {  	[tilespmem:v61+s31+$0x0] =	vst.idx.msk $0xffff, v6  }
0x5d3: {  	v63 =	vor.u32 $0x4B, v1;
	v6 =	vld.idx.msk [tilespmem:v62+s17+$0x0], $0xffff  }
0x5d4: {  	v12 =	vor.u32 $0xB, v5;
	_ =	sdelay $0x3  }
0x5d5: {  	[tilespmem:v63+s31+$0x0] =	vst.idx.msk $0xffff, v6  }
0x5d6: {  	v13 =	vor.u32 $0x6B, v1;
	v6 =	vld.idx.msk [tilespmem:v12+s18+$0x0], $0xffff  }
0x5d7: {  	v14 =	vor.u32 $0xC, v2;
	_ =	sdelay $0x3  }
0x5d8: {  	[tilespmem:v13+s31+$0x0] =	vst.idx.msk $0xffff, v6  }
0x5d9: {  	v15 =	vor.u32 $0xC, v1;
	v6 =	vld.idx.msk [tilespmem:v14+s25+$0x0], $0xffff  }
0x5da: {  	v16 =	vor.u32 $0xC, v3;
	_ =	sdelay $0x3  }
0x5db: {  	[tilespmem:v15+s31+$0x0] =	vst.idx.msk $0xffff, v6  }
0x5dc: {  	v17 =	vor.u32 $0x2C, v1;
	v6 =	vld.idx.msk [tilespmem:v16+s28+$0x0], $0xffff  }
0x5dd: {  	v18 =	vor.u32 $0xC, v4;
	_ =	sdelay $0x3  }
0x5de: {  	[tilespmem:v17+s31+$0x0] =	vst.idx.msk $0xffff, v6  }
0x5df: {  	v19 =	vor.u32 $0x4C, v1;
	v6 =	vld.idx.msk [tilespmem:v18+s17+$0x0], $0xffff  }
0x5e0: {  	v20 =	vor.u32 $0xC, v5;
	_ =	sdelay $0x3  }
0x5e1: {  	[tilespmem:v19+s31+$0x0] =	vst.idx.msk $0xffff, v6  }
0x5e2: {  	v21 =	vor.u32 $0x6C, v1;
	v6 =	vld.idx.msk [tilespmem:v20+s18+$0x0], $0xffff  }
0x5e3: {  	v22 =	vor.u32 $0xD, v2;
	_ =	sdelay $0x3  }
0x5e4: {  	[tilespmem:v21+s31+$0x0] =	vst.idx.msk $0xffff, v6  }
0x5e5: {  	v23 =	vor.u32 $0xD, v1;
	v6 =	vld.idx.msk [tilespmem:v22+s25+$0x0], $0xffff  }
0x5e6: {  	v24 =	vor.u32 $0xD, v3;
	_ =	sdelay $0x3  }
0x5e7: {  	[tilespmem:v23+s31+$0x0] =	vst.idx.msk $0xffff, v6  }
0x5e8: {  	v25 =	vor.u32 $0x2D, v1;
	v6 =	vld.idx.msk [tilespmem:v24+s28+$0x0], $0xffff  }
0x5e9: {  	v26 =	vor.u32 $0xD, v4;
	_ =	sdelay $0x3  }
0x5ea: {  	[tilespmem:v25+s31+$0x0] =	vst.idx.msk $0xffff, v6  }
0x5eb: {  	v27 =	vor.u32 $0x4D, v1;
	v6 =	vld.idx.msk [tilespmem:v26+s17+$0x0], $0xffff  }
0x5ec: {  	v28 =	vor.u32 $0xD, v5;
	_ =	sdelay $0x3  }
0x5ed: {  	[tilespmem:v27+s31+$0x0] =	vst.idx.msk $0xffff, v6  }
0x5ee: {  	v29 =	vor.u32 $0x6D, v1;
	v6 =	vld.idx.msk [tilespmem:v28+s18+$0x0], $0xffff  }
0x5ef: {  	v30 =	vor.u32 $0xE, v2;
	_ =	sdelay $0x3  }
0x5f0: {  	[tilespmem:v29+s31+$0x0] =	vst.idx.msk $0xffff, v6  }
0x5f1: {  	v31 =	vor.u32 $0xE, v1;
	v6 =	vld.idx.msk [tilespmem:v30+s25+$0x0], $0xffff  }
0x5f2: {  	v32 =	vor.u32 $0xE, v3;
	_ =	sdelay $0x3  }
0x5f3: {  	[tilespmem:v31+s31+$0x0] =	vst.idx.msk $0xffff, v6  }
0x5f4: {  	v33 =	vor.u32 $0x2E, v1;
	v6 =	vld.idx.msk [tilespmem:v32+s28+$0x0], $0xffff  }
0x5f5: {  	v34 =	vor.u32 $0xE, v4;
	_ =	sdelay $0x3  }
0x5f6: {  	[tilespmem:v33+s31+$0x0] =	vst.idx.msk $0xffff, v6  }
0x5f7: {  	v35 =	vor.u32 $0x4E, v1;
	v6 =	vld.idx.msk [tilespmem:v34+s17+$0x0], $0xffff  }
0x5f8: {  	v36 =	vor.u32 $0xE, v5;
	_ =	sdelay $0x3  }
0x5f9: {  	[tilespmem:v35+s31+$0x0] =	vst.idx.msk $0xffff, v6  }
0x5fa: {  	v37 =	vor.u32 $0x6E, v1;
	v6 =	vld.idx.msk [tilespmem:v36+s18+$0x0], $0xffff  }
0x5fb: {  	v38 =	vor.u32 $0xF, v2;
	_ =	sdelay $0x3  }
0x5fc: {  	[tilespmem:v37+s31+$0x0] =	vst.idx.msk $0xffff, v6  }
0x5fd: {  	v39 =	vor.u32 $0xF, v1;
	v6 =	vld.idx.msk [tilespmem:v38+s25+$0x0], $0xffff  }
0x5fe: {  	v40 =	vor.u32 $0xF, v3;
	_ =	sdelay $0x3  }
0x5ff: {  	[tilespmem:v39+s31+$0x0] =	vst.idx.msk $0xffff, v6  }
0x600: {  	v41 =	vor.u32 $0x2F, v1;
	v6 =	vld.idx.msk [tilespmem:v40+s28+$0x0], $0xffff  }
0x601: {  	v42 =	vor.u32 $0xF, v4;
	_ =	sdelay $0x3  }
0x602: {  	[tilespmem:v41+s31+$0x0] =	vst.idx.msk $0xffff, v6  }
0x603: {  	v43 =	vor.u32 $0x4F, v1;
	v6 =	vld.idx.msk [tilespmem:v42+s17+$0x0], $0xffff  }
0x604: {  	v44 =	vor.u32 $0xF, v5;
	_ =	sdelay $0x3  }
0x605: {  	[tilespmem:v43+s31+$0x0] =	vst.idx.msk $0xffff, v6  }
0x606: {  	v45 =	vor.u32 $0x6F, v1;
	v6 =	vld.idx.msk [tilespmem:v44+s18+$0x0], $0xffff  }
0x607: {  	v46 =	vor.u32 $0x10, v2;
	_ =	sdelay $0x3  }
0x608: {  	[tilespmem:v45+s31+$0x0] =	vst.idx.msk $0xffff, v6  }
0x609: {  	v47 =	vor.u32 $0x10, v1;
	v6 =	vld.idx.msk [tilespmem:v46+s25+$0x0], $0xffff  }
0x60a: {  	v48 =	vor.u32 $0x10, v3;
	_ =	sdelay $0x3  }
0x60b: {  	[tilespmem:v47+s31+$0x0] =	vst.idx.msk $0xffff, v6  }
0x60c: {  	v49 =	vor.u32 $0x30, v1;
	v6 =	vld.idx.msk [tilespmem:v48+s28+$0x0], $0xffff  }
0x60d: {  	v50 =	vor.u32 $0x10, v4;
	_ =	sdelay $0x3  }
0x60e: {  	[tilespmem:v49+s31+$0x0] =	vst.idx.msk $0xffff, v6  }
0x60f: {  	v51 =	vor.u32 $0x50, v1;
	v6 =	vld.idx.msk [tilespmem:v50+s17+$0x0], $0xffff  }
0x610: {  	v52 =	vor.u32 $0x10, v5;
	_ =	sdelay $0x3  }
0x611: {  	[tilespmem:v51+s31+$0x0] =	vst.idx.msk $0xffff, v6  }
0x612: {  	v53 =	vor.u32 $0x70, v1;
	v6 =	vld.idx.msk [tilespmem:v52+s18+$0x0], $0xffff  }
0x613: {  	v54 =	vor.u32 $0x11, v2;
	_ =	sdelay $0x3  }
0x614: {  	[tilespmem:v53+s31+$0x0] =	vst.idx.msk $0xffff, v6  }
0x615: {  	v55 =	vor.u32 $0x11, v1;
	v6 =	vld.idx.msk [tilespmem:v54+s25+$0x0], $0xffff  }
0x616: {  	v56 =	vor.u32 $0x11, v3;
	_ =	sdelay $0x3  }
0x617: {  	[tilespmem:v55+s31+$0x0] =	vst.idx.msk $0xffff, v6  }
0x618: {  	v57 =	vor.u32 $0x31, v1;
	v6 =	vld.idx.msk [tilespmem:v56+s28+$0x0], $0xffff  }
0x619: {  	v58 =	vor.u32 $0x11, v4;
	_ =	sdelay $0x3  }
0x61a: {  	[tilespmem:v57+s31+$0x0] =	vst.idx.msk $0xffff, v6  }
0x61b: {  	v59 =	vor.u32 $0x51, v1;
	v6 =	vld.idx.msk [tilespmem:v58+s17+$0x0], $0xffff  }
0x61c: {  	v60 =	vor.u32 $0x11, v5;
	_ =	sdelay $0x3  }
0x61d: {  	[tilespmem:v59+s31+$0x0] =	vst.idx.msk $0xffff, v6  }
0x61e: {  	v61 =	vor.u32 $0x71, v1;
	v6 =	vld.idx.msk [tilespmem:v60+s18+$0x0], $0xffff  }
0x61f: {  	v62 =	vor.u32 $0x12, v2;
	_ =	sdelay $0x3  }
0x620: {  	[tilespmem:v61+s31+$0x0] =	vst.idx.msk $0xffff, v6  }
0x621: {  	v63 =	vor.u32 $0x12, v1;
	v6 =	vld.idx.msk [tilespmem:v62+s25+$0x0], $0xffff  }
0x622: {  	v12 =	vor.u32 $0x12, v3;
	_ =	sdelay $0x3  }
0x623: {  	[tilespmem:v63+s31+$0x0] =	vst.idx.msk $0xffff, v6  }
0x624: {  	v13 =	vor.u32 $0x32, v1;
	v6 =	vld.idx.msk [tilespmem:v12+s28+$0x0], $0xffff  }
0x625: {  	v14 =	vor.u32 $0x12, v4;
	_ =	sdelay $0x3  }
0x626: {  	[tilespmem:v13+s31+$0x0] =	vst.idx.msk $0xffff, v6  }
0x627: {  	v15 =	vor.u32 $0x52, v1;
	v6 =	vld.idx.msk [tilespmem:v14+s17+$0x0], $0xffff  }
0x628: {  	v16 =	vor.u32 $0x12, v5;
	_ =	sdelay $0x3  }
0x629: {  	[tilespmem:v15+s31+$0x0] =	vst.idx.msk $0xffff, v6  }
0x62a: {  	v17 =	vor.u32 $0x72, v1;
	v6 =	vld.idx.msk [tilespmem:v16+s18+$0x0], $0xffff  }
0x62b: {  	v18 =	vor.u32 $0x13, v2;
	_ =	sdelay $0x3  }
0x62c: {  	[tilespmem:v17+s31+$0x0] =	vst.idx.msk $0xffff, v6  }
0x62d: {  	v19 =	vor.u32 $0x13, v1;
	v6 =	vld.idx.msk [tilespmem:v18+s25+$0x0], $0xffff  }
0x62e: {  	v20 =	vor.u32 $0x13, v3;
	_ =	sdelay $0x3  }
0x62f: {  	[tilespmem:v19+s31+$0x0] =	vst.idx.msk $0xffff, v6  }
0x630: {  	v21 =	vor.u32 $0x33, v1;
	v6 =	vld.idx.msk [tilespmem:v20+s28+$0x0], $0xffff  }
0x631: {  	v22 =	vor.u32 $0x13, v4;
	_ =	sdelay $0x3  }
0x632: {  	[tilespmem:v21+s31+$0x0] =	vst.idx.msk $0xffff, v6  }
0x633: {  	v23 =	vor.u32 $0x53, v1;
	v6 =	vld.idx.msk [tilespmem:v22+s17+$0x0], $0xffff  }
0x634: {  	v24 =	vor.u32 $0x13, v5;
	_ =	sdelay $0x3  }
0x635: {  	[tilespmem:v23+s31+$0x0] =	vst.idx.msk $0xffff, v6  }
0x636: {  	v25 =	vor.u32 $0x73, v1;
	v6 =	vld.idx.msk [tilespmem:v24+s18+$0x0], $0xffff  }
0x637: {  	v26 =	vor.u32 $0x14, v2;
	_ =	sdelay $0x3  }
0x638: {  	[tilespmem:v25+s31+$0x0] =	vst.idx.msk $0xffff, v6  }
0x639: {  	v27 =	vor.u32 $0x14, v1;
	v6 =	vld.idx.msk [tilespmem:v26+s25+$0x0], $0xffff  }
0x63a: {  	v28 =	vor.u32 $0x14, v3;
	_ =	sdelay $0x3  }
0x63b: {  	[tilespmem:v27+s31+$0x0] =	vst.idx.msk $0xffff, v6  }
0x63c: {  	v29 =	vor.u32 $0x34, v1;
	v6 =	vld.idx.msk [tilespmem:v28+s28+$0x0], $0xffff  }
0x63d: {  	v30 =	vor.u32 $0x14, v4;
	_ =	sdelay $0x3  }
0x63e: {  	[tilespmem:v29+s31+$0x0] =	vst.idx.msk $0xffff, v6  }
0x63f: {  	v31 =	vor.u32 $0x54, v1;
	v6 =	vld.idx.msk [tilespmem:v30+s17+$0x0], $0xffff  }
0x640: {  	v32 =	vor.u32 $0x14, v5;
	_ =	sdelay $0x3  }
0x641: {  	[tilespmem:v31+s31+$0x0] =	vst.idx.msk $0xffff, v6  }
0x642: {  	v33 =	vor.u32 $0x74, v1;
	v6 =	vld.idx.msk [tilespmem:v32+s18+$0x0], $0xffff  }
0x643: {  	v34 =	vor.u32 $0x15, v2;
	_ =	sdelay $0x3  }
0x644: {  	[tilespmem:v33+s31+$0x0] =	vst.idx.msk $0xffff, v6  }
0x645: {  	v35 =	vor.u32 $0x15, v1;
	v6 =	vld.idx.msk [tilespmem:v34+s25+$0x0], $0xffff  }
0x646: {  	v36 =	vor.u32 $0x15, v3;
	_ =	sdelay $0x3  }
0x647: {  	[tilespmem:v35+s31+$0x0] =	vst.idx.msk $0xffff, v6  }
0x648: {  	v37 =	vor.u32 $0x35, v1;
	v6 =	vld.idx.msk [tilespmem:v36+s28+$0x0], $0xffff  }
0x649: {  	v38 =	vor.u32 $0x15, v4;
	_ =	sdelay $0x3  }
0x64a: {  	[tilespmem:v37+s31+$0x0] =	vst.idx.msk $0xffff, v6  }
0x64b: {  	v39 =	vor.u32 $0x55, v1;
	v6 =	vld.idx.msk [tilespmem:v38+s17+$0x0], $0xffff  }
0x64c: {  	v40 =	vor.u32 $0x15, v5;
	_ =	sdelay $0x3  }
0x64d: {  	[tilespmem:v39+s31+$0x0] =	vst.idx.msk $0xffff, v6  }
0x64e: {  	v41 =	vor.u32 $0x75, v1;
	v6 =	vld.idx.msk [tilespmem:v40+s18+$0x0], $0xffff  }
0x64f: {  	v42 =	vor.u32 $0x16, v2;
	_ =	sdelay $0x3  }
0x650: {  	[tilespmem:v41+s31+$0x0] =	vst.idx.msk $0xffff, v6  }
0x651: {  	v43 =	vor.u32 $0x16, v1;
	v6 =	vld.idx.msk [tilespmem:v42+s25+$0x0], $0xffff  }
0x652: {  	v44 =	vor.u32 $0x16, v3;
	_ =	sdelay $0x3  }
0x653: {  	[tilespmem:v43+s31+$0x0] =	vst.idx.msk $0xffff, v6  }
0x654: {  	v45 =	vor.u32 $0x36, v1;
	v6 =	vld.idx.msk [tilespmem:v44+s28+$0x0], $0xffff  }
0x655: {  	v46 =	vor.u32 $0x16, v4;
	_ =	sdelay $0x3  }
0x656: {  	[tilespmem:v45+s31+$0x0] =	vst.idx.msk $0xffff, v6  }
0x657: {  	v47 =	vor.u32 $0x56, v1;
	v6 =	vld.idx.msk [tilespmem:v46+s17+$0x0], $0xffff  }
0x658: {  	v48 =	vor.u32 $0x16, v5;
	_ =	sdelay $0x3  }
0x659: {  	[tilespmem:v47+s31+$0x0] =	vst.idx.msk $0xffff, v6  }
0x65a: {  	v49 =	vor.u32 $0x76, v1;
	v6 =	vld.idx.msk [tilespmem:v48+s18+$0x0], $0xffff  }
0x65b: {  	v50 =	vor.u32 $0x17, v2;
	_ =	sdelay $0x3  }
0x65c: {  	[tilespmem:v49+s31+$0x0] =	vst.idx.msk $0xffff, v6  }
0x65d: {  	v51 =	vor.u32 $0x17, v1;
	v6 =	vld.idx.msk [tilespmem:v50+s25+$0x0], $0xffff  }
0x65e: {  	v52 =	vor.u32 $0x17, v3;
	_ =	sdelay $0x3  }
0x65f: {  	[tilespmem:v51+s31+$0x0] =	vst.idx.msk $0xffff, v6  }
0x660: {  	v53 =	vor.u32 $0x37, v1;
	v6 =	vld.idx.msk [tilespmem:v52+s28+$0x0], $0xffff  }
0x661: {  	v54 =	vor.u32 $0x17, v4;
	_ =	sdelay $0x3  }
0x662: {  	[tilespmem:v53+s31+$0x0] =	vst.idx.msk $0xffff, v6  }
0x663: {  	v55 =	vor.u32 $0x57, v1;
	v6 =	vld.idx.msk [tilespmem:v54+s17+$0x0], $0xffff  }
0x664: {  	v56 =	vor.u32 $0x17, v5;
	_ =	sdelay $0x3  }
0x665: {  	[tilespmem:v55+s31+$0x0] =	vst.idx.msk $0xffff, v6  }
0x666: {  	v57 =	vor.u32 $0x77, v1;
	v6 =	vld.idx.msk [tilespmem:v56+s18+$0x0], $0xffff  }
0x667: {  	v58 =	vor.u32 $0x18, v2;
	_ =	sdelay $0x3  }
0x668: {  	[tilespmem:v57+s31+$0x0] =	vst.idx.msk $0xffff, v6  }
0x669: {  	v59 =	vor.u32 $0x18, v1;
	v6 =	vld.idx.msk [tilespmem:v58+s25+$0x0], $0xffff  }
0x66a: {  	v60 =	vor.u32 $0x18, v3;
	_ =	sdelay $0x3  }
0x66b: {  	[tilespmem:v59+s31+$0x0] =	vst.idx.msk $0xffff, v6  }
0x66c: {  	v61 =	vor.u32 $0x38, v1;
	v6 =	vld.idx.msk [tilespmem:v60+s28+$0x0], $0xffff  }
0x66d: {  	v62 =	vor.u32 $0x18, v4;
	_ =	sdelay $0x3  }
0x66e: {  	[tilespmem:v61+s31+$0x0] =	vst.idx.msk $0xffff, v6  }
0x66f: {  	v63 =	vor.u32 $0x58, v1;
	v6 =	vld.idx.msk [tilespmem:v62+s17+$0x0], $0xffff  }
0x670: {  	v12 =	vor.u32 $0x18, v5;
	_ =	sdelay $0x3  }
0x671: {  	[tilespmem:v63+s31+$0x0] =	vst.idx.msk $0xffff, v6  }
0x672: {  	v13 =	vor.u32 $0x78, v1;
	v6 =	vld.idx.msk [tilespmem:v12+s18+$0x0], $0xffff  }
0x673: {  	v14 =	vor.u32 $0x19, v2;
	_ =	sdelay $0x3  }
0x674: {  	[tilespmem:v13+s31+$0x0] =	vst.idx.msk $0xffff, v6  }
0x675: {  	v15 =	vor.u32 $0x19, v1;
	v6 =	vld.idx.msk [tilespmem:v14+s25+$0x0], $0xffff  }
0x676: {  	v16 =	vor.u32 $0x19, v3;
	_ =	sdelay $0x3  }
0x677: {  	[tilespmem:v15+s31+$0x0] =	vst.idx.msk $0xffff, v6  }
0x678: {  	v17 =	vor.u32 $0x39, v1;
	v6 =	vld.idx.msk [tilespmem:v16+s28+$0x0], $0xffff  }
0x679: {  	v18 =	vor.u32 $0x19, v4;
	_ =	sdelay $0x3  }
0x67a: {  	[tilespmem:v17+s31+$0x0] =	vst.idx.msk $0xffff, v6  }
0x67b: {  	v19 =	vor.u32 $0x59, v1;
	v6 =	vld.idx.msk [tilespmem:v18+s17+$0x0], $0xffff  }
0x67c: {  	v20 =	vor.u32 $0x19, v5;
	_ =	sdelay $0x3  }
0x67d: {  	[tilespmem:v19+s31+$0x0] =	vst.idx.msk $0xffff, v6  }
0x67e: {  	v21 =	vor.u32 $0x79, v1;
	v6 =	vld.idx.msk [tilespmem:v20+s18+$0x0], $0xffff  }
0x67f: {  	v22 =	vor.u32 $0x1A, v2;
	_ =	sdelay $0x3  }
0x680: {  	[tilespmem:v21+s31+$0x0] =	vst.idx.msk $0xffff, v6  }
0x681: {  	v23 =	vor.u32 $0x1A, v1;
	v6 =	vld.idx.msk [tilespmem:v22+s25+$0x0], $0xffff  }
0x682: {  	v24 =	vor.u32 $0x1A, v3;
	_ =	sdelay $0x3  }
0x683: {  	[tilespmem:v23+s31+$0x0] =	vst.idx.msk $0xffff, v6  }
0x684: {  	v25 =	vor.u32 $0x3A, v1;
	v6 =	vld.idx.msk [tilespmem:v24+s28+$0x0], $0xffff  }
0x685: {  	v26 =	vor.u32 $0x1A, v4;
	_ =	sdelay $0x3  }
0x686: {  	[tilespmem:v25+s31+$0x0] =	vst.idx.msk $0xffff, v6  }
0x687: {  	v27 =	vor.u32 $0x5A, v1;
	v6 =	vld.idx.msk [tilespmem:v26+s17+$0x0], $0xffff  }
0x688: {  	v28 =	vor.u32 $0x1A, v5;
	_ =	sdelay $0x3  }
0x689: {  	[tilespmem:v27+s31+$0x0] =	vst.idx.msk $0xffff, v6  }
0x68a: {  	v29 =	vor.u32 $0x7A, v1;
	v6 =	vld.idx.msk [tilespmem:v28+s18+$0x0], $0xffff  }
0x68b: {  	v30 =	vor.u32 $0x1B, v2;
	_ =	sdelay $0x3  }
0x68c: {  	[tilespmem:v29+s31+$0x0] =	vst.idx.msk $0xffff, v6  }
0x68d: {  	v31 =	vor.u32 $0x1B, v1;
	v6 =	vld.idx.msk [tilespmem:v30+s25+$0x0], $0xffff  }
0x68e: {  	v32 =	vor.u32 $0x1B, v3;
	_ =	sdelay $0x3  }
0x68f: {  	[tilespmem:v31+s31+$0x0] =	vst.idx.msk $0xffff, v6  }
0x690: {  	v33 =	vor.u32 $0x3B, v1;
	v6 =	vld.idx.msk [tilespmem:v32+s28+$0x0], $0xffff  }
0x691: {  	v34 =	vor.u32 $0x1B, v4;
	_ =	sdelay $0x3  }
0x692: {  	[tilespmem:v33+s31+$0x0] =	vst.idx.msk $0xffff, v6  }
0x693: {  	v35 =	vor.u32 $0x5B, v1;
	v6 =	vld.idx.msk [tilespmem:v34+s17+$0x0], $0xffff  }
0x694: {  	v36 =	vor.u32 $0x1B, v5;
	_ =	sdelay $0x3  }
0x695: {  	[tilespmem:v35+s31+$0x0] =	vst.idx.msk $0xffff, v6  }
0x696: {  	v37 =	vor.u32 $0x7B, v1;
	v6 =	vld.idx.msk [tilespmem:v36+s18+$0x0], $0xffff  }
0x697: {  	v38 =	vor.u32 $0x1C, v2;
	_ =	sdelay $0x3  }
0x698: {  	[tilespmem:v37+s31+$0x0] =	vst.idx.msk $0xffff, v6  }
0x699: {  	v39 =	vor.u32 $0x1C, v1;
	v6 =	vld.idx.msk [tilespmem:v38+s25+$0x0], $0xffff  }
0x69a: {  	v40 =	vor.u32 $0x1C, v3;
	_ =	sdelay $0x3  }
0x69b: {  	[tilespmem:v39+s31+$0x0] =	vst.idx.msk $0xffff, v6  }
0x69c: {  	v41 =	vor.u32 $0x3C, v1;
	v6 =	vld.idx.msk [tilespmem:v40+s28+$0x0], $0xffff  }
0x69d: {  	v42 =	vor.u32 $0x1C, v4;
	_ =	sdelay $0x3  }
0x69e: {  	[tilespmem:v41+s31+$0x0] =	vst.idx.msk $0xffff, v6  }
0x69f: {  	v43 =	vor.u32 $0x5C, v1;
	v6 =	vld.idx.msk [tilespmem:v42+s17+$0x0], $0xffff  }
0x6a0: {  	v44 =	vor.u32 $0x1C, v5;
	_ =	sdelay $0x3  }
0x6a1: {  	[tilespmem:v43+s31+$0x0] =	vst.idx.msk $0xffff, v6  }
0x6a2: {  	v45 =	vor.u32 $0x7C, v1;
	v6 =	vld.idx.msk [tilespmem:v44+s18+$0x0], $0xffff  }
0x6a3: {  	v46 =	vor.u32 $0x1D, v2;
	_ =	sdelay $0x3  }
0x6a4: {  	[tilespmem:v45+s31+$0x0] =	vst.idx.msk $0xffff, v6  }
0x6a5: {  	v47 =	vor.u32 $0x1D, v1;
	v6 =	vld.idx.msk [tilespmem:v46+s25+$0x0], $0xffff  }
0x6a6: {  	v48 =	vor.u32 $0x1D, v3;
	_ =	sdelay $0x3  }
0x6a7: {  	[tilespmem:v47+s31+$0x0] =	vst.idx.msk $0xffff, v6  }
0x6a8: {  	v49 =	vor.u32 $0x3D, v1;
	v6 =	vld.idx.msk [tilespmem:v48+s28+$0x0], $0xffff  }
0x6a9: {  	v50 =	vor.u32 $0x1D, v4;
	_ =	sdelay $0x3  }
0x6aa: {  	[tilespmem:v49+s31+$0x0] =	vst.idx.msk $0xffff, v6  }
0x6ab: {  	v51 =	vor.u32 $0x5D, v1;
	v6 =	vld.idx.msk [tilespmem:v50+s17+$0x0], $0xffff  }
0x6ac: {  	v52 =	vor.u32 $0x1D, v5;
	_ =	sdelay $0x3  }
0x6ad: {  	[tilespmem:v51+s31+$0x0] =	vst.idx.msk $0xffff, v6  }
0x6ae: {  	v53 =	vor.u32 $0x7D, v1;
	v6 =	vld.idx.msk [tilespmem:v52+s18+$0x0], $0xffff  }
0x6af: {  	v54 =	vor.u32 $0x1E, v2;
	_ =	sdelay $0x3  }
0x6b0: {  	[tilespmem:v53+s31+$0x0] =	vst.idx.msk $0xffff, v6  }
0x6b1: {  	v55 =	vor.u32 $0x1E, v1;
	v6 =	vld.idx.msk [tilespmem:v54+s25+$0x0], $0xffff  }
0x6b2: {  	v56 =	vor.u32 $0x1E, v3;
	_ =	sdelay $0x3  }
0x6b3: {  	[tilespmem:v55+s31+$0x0] =	vst.idx.msk $0xffff, v6  }
0x6b4: {  	v57 =	vor.u32 $0x3E, v1;
	v6 =	vld.idx.msk [tilespmem:v56+s28+$0x0], $0xffff  }
0x6b5: {  	v58 =	vor.u32 $0x1E, v4;
	_ =	sdelay $0x3  }
0x6b6: {  	[tilespmem:v57+s31+$0x0] =	vst.idx.msk $0xffff, v6  }
0x6b7: {  	v59 =	vor.u32 $0x5E, v1;
	v6 =	vld.idx.msk [tilespmem:v58+s17+$0x0], $0xffff  }
0x6b8: {  	v60 =	vor.u32 $0x1E, v5;
	_ =	sdelay $0x3  }
0x6b9: {  	[tilespmem:v59+s31+$0x0] =	vst.idx.msk $0xffff, v6  }
0x6ba: {  	v61 =	vor.u32 $0x7E, v1;
	v6 =	vld.idx.msk [tilespmem:v60+s18+$0x0], $0xffff  }
0x6bb: {  	v2 =	vor.u32 $0x1F, v2;
	_ =	sdelay $0x3  }
0x6bc: {  	[tilespmem:v61+s31+$0x0] =	vst.idx.msk $0xffff, v6  }
0x6bd: {  	v62 =	vor.u32 $0x1F, v1;
	v2 =	vld.idx.msk [tilespmem:v2+s25+$0x0], $0xffff  }
0x6be: {  	v3 =	vor.u32 $0x1F, v3;
	_ =	sdelay $0x3  }
0x6bf: {  	[tilespmem:v62+s31+$0x0] =	vst.idx.msk $0xffff, v2  }
0x6c0: {  	v2 =	vld.idx.msk [tilespmem:v3+s28+$0x0], $0xffff;
	v3 =	vor.u32 $0x3F, v1  }
0x6c1: {  	v4 =	vor.u32 $0x1F, v4;
	_ =	sdelay $0x3  }
0x6c2: {  	[tilespmem:v3+s31+$0x0] =	vst.idx.msk $0xffff, v2  }
0x6c3: {  	v3 =	vor.u32 $0x5F, v1;
	v2 =	vld.idx.msk [tilespmem:v4+s17+$0x0], $0xffff  }
0x6c4: {  	v63 =	vor.u32 $0x1F, v5;
	_ =	sdelay $0x3  }
0x6c5: {  	[tilespmem:v3+s31+$0x0] =	vst.idx.msk $0xffff, v2  }
0x6c6: {  	p0 =	sne.s32 s0, $0x70;
	v1 =	vor.u32 $0x7F, v1;
	v2 =	vld.idx.msk [tilespmem:v63+s18+$0x0], $0xffff  }
.Ltmp3:
0x6c7: {  	_ = 	snop;
	(pc) =	sbr.rel @p0 .LBB2_8-.Ltmp3, $3  }
0x6c8: {  	_ =	sdelay $0x1  }
0x6c9: {  	s24 =	sadd.s32 $0x10, s24;
	s26 =	sadd.s32 $0x10, s26  }
0x6ca: {  	s3 =	sadd.s32 $0x10, s3;
	s1 =	sadd.s32 $0x10, s1;
	s0 =	sadd.s32 $0x10, s0;
	[tilespmem:v1+s31+$0x0] =	vst.idx.msk $0xffff, v2  }
0x6cb: {  	s22 =	sadd.s32 $0x1, s22  }
0x6cc: {  	p0 =	sne.s32 s22, s15  }
.Ltmp4:
0x6cd: {  	_ = 	snop;
	(pc) =	sbr.rel @p0 .LBB2_1-.Ltmp4, $4  }
0x6ce: {  	[hbm4b:s14+s2] =	stream.linear.scatter [tilespmem:s31], [sflag:$0x3], $0x4000, $0x38;
	[tilespmem:$0x1D400] =	vst v63  }
0x6cf: {  	_ =	swait.ge [sflag:s16], $0x4000  }
0x6d0: {  	[sflag:s16] =	ssyncset.done $0x0  }
0x6d1: {  	[sflag:s16] =	ssyncadd.s32 $0xFFFFC000  }
0x6d2: {  	_ =	sfence.sel $0x180000  }
0x6d3: {  	[bflag:$0x0] =	sbarrier.arrive $0xFFFF  }
0x6d4: {  	_ =	strace $0x90000047  }
0x6d5: {  	s0 =	stileid.u32;
	[bflag:$0x2] =	sbarrier.arrive $0xFFFF  }
0x6d6: {  	p0 =	sne.s32 s0, $0x0;
	s0 =	rddreg [dreg:$0x7]  }
0x6d7: {  	s0 =	sadd.s32 @!p0 $0x100000, s0  }
0x6d8: {  	[sflag:s0] =	ssyncadd.tile.s32 @!p0 $0x1;
	_ =	shalt  }
.Lfunc_end2:
_tile_overlayer_lowered:
.L_overlay_start_2:
0x6d9: {  	(tag) =	ssettag $0x2  }
0x6da: {  	s0 =	rddreg [dreg:$0x0];
	s2 =	stileid.u32  }
0x6db: {  	s1 =	rddreg [dreg:$0x1];
	p0 =	sne.s32 s2, $0x0  }
0x6dc: {  	s3 =	rddreg [dreg:$0x2];
	[bflag:$0x3] =	sbarrier.arrive $0xFFFF;
	s2 =	simm.s32 @!p0 $0x1C03  }
0x6dd: {  	[timem:s3], [sflag:s2] =	dma.local @!p0 [hbm:s0], s1  }
0x6de: {  	s0 =	simm.s32 @!p0 $0x3  }
0x6df: {  	_ =	swait.ge @!p0 [sflag:s0], s1  }
0x6e0: {  	s1 =	ssub.s32 @!p0 $0x0, s1;
	[sflag:s0] =	ssyncset.done @!p0 $0x0  }
0x6e1: {  	[sflag:s0] =	ssyncadd.s32 @!p0 s1  }
0x6e2: {  	[bflag:$0x3] =	sbarrier.arrive $0xFFFF  }
0x6e3: {  	_ =	shalt  }

</sc_bundles>
